<compile_context>
chip_gen: v7x
topology: tpu7x:2x2x1
jax: 0.10.2.dev20260603
libtpu: 0.0.44.dev20260713+nightly
codegen_flags: <defaults>
</compile_context>

<pallas_src>
import functools

import jax
import jax.numpy as jnp
from jax import lax
from jax.experimental import pallas as pl
from jax.experimental.pallas import tpu as pltpu
from jax.experimental.pallas import tpu_sc as plsc

V = 33
V2 = V * V
V3 = V * V * V
LUT_LEN = 3 * V3
LUT_PAD = LUT_LEN + 5
NC, NS, L = 2, 16, 16
NW = NC * NS
CHUNK = 1024


def _conv2(x, w, b, stride):
    y = lax.conv_general_dilated(x, w, (stride, stride), ((1, 1), (1, 1)),
                                 dimension_numbers=('HWCN', 'OIHW', 'HWCN'))
    return y + b[None, None, :, None]


def _inorm2(x, g, b, eps=1e-5):
    m = jnp.mean(x, axis=(0, 1), keepdims=True)
    v = jnp.var(x, axis=(0, 1), keepdims=True)
    return (x - m) / jnp.sqrt(v + eps) * g[None, None, :, None] + b[None, None, :, None]


def _lrelu2(x):
    return jnp.where(x >= 0, x, 0.2 * x)


_NSPLIT = 8


@functools.cache
def _build_interleave(B, H, W):
    HW = H * W
    rpc = CHUNK // W
    rows = H // _NSPLIT
    ckb = rows // rpc
    FB = 3 * rows * W

    def body(x_ref, o_ref, o2_ref):
        for c in range(3):
            for k in range(ckb):
                for r in range(rpc):
                    o_ref[pl.ds(k * 3 * CHUNK + c * CHUNK + r * W, W)] = (
                        x_ref[0, c, k * rpc + r, :])
        o2_ref[:, 0] = x_ref[0]

    return pl.pallas_call(
        body,
        grid=(B, _NSPLIT),
        in_specs=[pl.BlockSpec((1, 3, rows, W), lambda b, s: (b, 0, s, 0))],
        out_specs=[
            pl.BlockSpec((FB,), lambda b, s: (b * _NSPLIT + s,)),
            pl.BlockSpec((3, 1, rows, W), lambda b, s: (0, b, s, 0)),
        ],
        out_shape=[
            jax.ShapeDtypeStruct((B * 3 * HW,), jnp.float32),
            jax.ShapeDtypeStruct((3, B, H, W), jnp.float32),
        ],
    )


@functools.cache
def _build_deinterleave(B, H, W):
    HW = H * W
    rpc = CHUNK // W
    rows = H // _NSPLIT
    ckb = rows // rpc
    FB = 3 * rows * W

    def body(x_ref, o_ref):
        for c in range(3):
            for k in range(ckb):
                for r in range(rpc):
                    o_ref[0, c, k * rpc + r, :] = (
                        x_ref[pl.ds(k * 3 * CHUNK + c * CHUNK + r * W, W)])

    return pl.pallas_call(
        body,
        grid=(B, _NSPLIT),
        in_specs=[pl.BlockSpec((FB,), lambda b, s: (b * _NSPLIT + s,))],
        out_specs=pl.BlockSpec((1, 3, rows, W), lambda b, s: (b, 0, s, 0)),
        out_shape=jax.ShapeDtypeStruct((B, 3, H, W), jnp.float32),
    )


@functools.cache
def _build_transform(B, HW):
    half_px = HW // 2
    n_chunks = half_px // CHUNK
    n_chunks_s = HW // CHUNK
    CF = 3 * CHUNK
    mesh = plsc.VectorSubcoreMesh(core_axis_name="c", subcore_axis_name="s",
                                  num_cores=NC, num_subcores=NS)

    @functools.partial(
        pl.kernel,
        out_type=jax.ShapeDtypeStruct((B * 3 * HW,), jnp.float32),
        mesh=mesh,
        compiler_params=pltpu.CompilerParams(needs_layout_passes=False),
        scratch_types=[
            pltpu.VMEM((LUT_PAD,), jnp.float32),
            pltpu.VMEM((128,), jnp.float32),
            [pltpu.VMEM((CF,), jnp.float32) for _ in range(2)],
            [pltpu.VMEM((CF,), jnp.float32) for _ in range(2)],
            [pltpu.SemaphoreType.DMA for _ in range(2)],
            [pltpu.SemaphoreType.DMA for _ in range(2)],
        ],
    )
    def transform(imgs_hbm, luts_hbm, verts_hbm, out_hbm,
                  lut_v, verts_v, in_v, out_v, in_sem, out_sem):
        wid = lax.axis_index("s") * NC + lax.axis_index("c")
        b = wid // 2
        chunk0 = b * n_chunks_s + (wid % 2) * n_chunks
        pltpu.sync_copy(luts_hbm.at[pl.ds(b * LUT_PAD, LUT_PAD)], lut_v)
        pltpu.sync_copy(verts_hbm.at[pl.ds(b * 128, 128)], verts_v)

        def start_in(p, g):
            pltpu.async_copy(imgs_hbm.at[pl.ds((chunk0 + g) * CF, CF)],
                             in_v[p], in_sem[p])

        def wait_in(p):
            pltpu.make_async_copy(imgs_hbm.at[pl.ds(0, CF)], in_v[p],
                                  in_sem[p]).wait()

        def start_out(p, g):
            pltpu.async_copy(out_v[p], out_hbm.at[pl.ds((chunk0 + g) * CF, CF)],
                             out_sem[p])

        def wait_out(p):
            pltpu.make_async_copy(out_v[p], out_hbm.at[pl.ds(0, CF)],
                                  out_sem[p]).wait()

        def compute(p):
            def do_vec(i, carry2):
                off = i * L
                idxs = []
                fracs = []
                for c in range(3):
                    val = in_v[p][pl.ds(c * CHUNK + off, L)]
                    cbase = jnp.full((L,), c * V, jnp.int32)
                    lo = jnp.zeros((L,), jnp.int32)
                    for s in (16, 8, 4, 2, 1):
                        probe = lo + s
                        vv = plsc.load_gather(verts_v, [probe + cbase])
                        lo = jnp.where(vv <= val, probe, lo)
                    lov = plsc.load_gather(verts_v, [lo + cbase])
                    hiv = plsc.load_gather(verts_v, [lo + cbase + 1])
                    fr = jnp.clip((val - lov) / jnp.maximum(hiv - lov, 1e-10),
                                  0.0, 1.0)
                    idxs.append(lo)
                    fracs.append(fr)
                ir, ig, ib = idxs
                fr, fg, fb = fracs
                base = ib * V2 + ig * V + ir
                wr0 = 1.0 - fr
                wg0 = 1.0 - fg
                wb0 = 1.0 - fb
                wbg00 = wb0 * wg0
                wbg01 = wb0 * fg
                wbg10 = fb * wg0
                wbg11 = fb * fg
                ws = (wbg00 * wr0, wbg00 * fr, wbg01 * wr0, wbg01 * fr,
                      wbg10 * wr0, wbg10 * fr, wbg11 * wr0, wbg11 * fr)
                offs = (0, 1, V, V + 1, V2, V2 + 1, V2 + V, V2 + V + 1)
                for c in range(3):
                    basec = base + c * V3
                    acc = ws[0] * plsc.load_gather(lut_v, [basec])
                    for k in range(1, 8):
                        acc = acc + ws[k] * plsc.load_gather(lut_v,
                                                             [basec + offs[k]])
                    out_v[p][pl.ds(c * CHUNK + off, L)] = acc
                return carry2

            lax.fori_loop(0, CHUNK // L, do_vec, 0, unroll=2)

        start_in(0, 0)
        start_in(1, 1)

        def do_pair(gg, carry):
            for p in range(2):
                g = 2 * gg + p
                wait_in(p)

                @pl.when(gg > 0)
                def _():
                    wait_out(p)

                compute(p)
                start_out(p, g)

                @pl.when(g + 2 < n_chunks)
                def _():
                    start_in(p, g + 2)

            return carry

        lax.fori_loop(0, n_chunks // 2, do_pair, 0, unroll=False)
        wait_out(0)
        wait_out(1)

    return transform


def kernel(imgs, w1, b1, g1, be1, w2, b2, g2, be2, w3, b3, g3, be3,
           w4, b4, g4, be4, w5, b5, Wg, bg, Wb, Wa, ba):
    B, _, H, W = imgs.shape
    HW = H * W
    imgs_t, imgs_cb = _build_interleave(B, H, W)(imgs)
    Mh = jax.image.resize(jnp.eye(H, dtype=jnp.float32), (256, H),
                          method='bilinear')
    Mw = jax.image.resize(jnp.eye(W, dtype=jnp.float32), (256, W),
                          method='bilinear')
    x = jnp.einsum('pw,cbhw->pcbh', Mw, imgs_cb,
                   precision=lax.Precision.HIGHEST)
    x = jnp.einsum('oh,pcbh->opcb', Mh, x,
                   precision=lax.Precision.HIGHEST)
    x = _inorm2(_lrelu2(_conv2(x, w1, b1, 2)), g1, be1)
    x = _inorm2(_lrelu2(_conv2(x, w2, b2, 2)), g2, be2)
    x = _inorm2(_lrelu2(_conv2(x, w3, b3, 2)), g3, be3)
    x = _inorm2(_lrelu2(_conv2(x, w4, b4, 2)), g4, be4)
    x = _lrelu2(_conv2(x, w5, b5, 2))
    x = x.reshape(2, 4, 2, 4, 128, B).mean(axis=(1, 3))
    codes = x.transpose(3, 2, 0, 1).reshape(B, -1)
    weights = codes @ Wg.T + bg
    luts = weights @ Wb.T
    luts = jnp.pad(luts, ((0, 0), (0, LUT_PAD - LUT_LEN)))
    intervals = (codes @ Wa.T + ba).reshape(B, 3, V - 1)
    intervals = jax.nn.softmax(intervals, axis=-1)
    vertices = jnp.pad(jnp.cumsum(intervals, axis=-1), ((0, 0), (0, 0), (1, 0)))
    verts = jnp.pad(vertices.reshape(B, 3 * V), ((0, 0), (0, 128 - 3 * V)))

    out = _build_transform(B, HW)(imgs_t, luts.reshape(-1), verts.reshape(-1))
    return _build_deinterleave(B, H, W)(out)

# --- scband reference (transcript-rebuilt; emitter-appended) ---
"""Pipeline reference for scband-ai-lut-82755429859565 (READ-ONLY COPY).

The authoritative reference and input builder live on the scoring server;
editing this copy changes nothing except your own understanding.
"""

import jax, jax.numpy as jnp
import numpy as np

V = 33
B, H, W = 16, 512, 512


def _conv(x, w, b, stride):
    y = jax.lax.conv_general_dilated(x, w, (stride, stride), ((1, 1), (1, 1)),
                                     dimension_numbers=('NCHW', 'OIHW', 'NCHW'))
    return y + b[None, :, None, None]


def _inorm(x, g, b, eps=1e-5):
    m = jnp.mean(x, axis=(2, 3), keepdims=True)
    v = jnp.var(x, axis=(2, 3), keepdims=True)
    return (x - m) / jnp.sqrt(v + eps) * g[None, :, None, None] + b[None, :, None, None]


def _lrelu(x):
    return jnp.where(x >= 0, x, 0.2 * x)


def _forward(imgs, params):
    (w1, b1, g1, be1, w2, b2, g2, be2, w3, b3, g3, be3, w4, b4, g4, be4,
     w5, b5, Wg, bg, Wb, Wa, ba) = params
    # TPAMI backbone (eval mode; dropout is identity)
    x = jax.image.resize(imgs, (imgs.shape[0], 3, 256, 256), method='bilinear')
    x = _inorm(_lrelu(_conv(x, w1, b1, 2)), g1, be1)
    x = _inorm(_lrelu(_conv(x, w2, b2, 2)), g2, be2)
    x = _inorm(_lrelu(_conv(x, w3, b3, 2)), g3, be3)
    x = _inorm(_lrelu(_conv(x, w4, b4, 2)), g4, be4)
    x = _lrelu(_conv(x, w5, b5, 2))  # (B,128,8,8)
    x = x.reshape(x.shape[0], 128, 2, 4, 2, 4).mean(axis=(3, 5))  # AdaptiveAvgPool2d(2)
    codes = x.reshape(x.shape[0], -1)  # (B,512)
    # LUTGenerator
    weights = codes @ Wg.T + bg  # (B,3)
    luts = (weights @ Wb.T).reshape(-1, 3, V, V, V)
    # AdaInt
    intervals = (codes @ Wa.T + ba).reshape(-1, 3, V - 1)
    intervals = jax.nn.softmax(intervals, axis=-1)
    vertices = jnp.pad(jnp.cumsum(intervals, axis=-1), ((0, 0), (0, 0), (1, 0)))  # (B,3,V)
    # ailut_transform: adaptive-interval trilinear LUT lookup
    b_, _, h_, w_ = imgs.shape
    flat = imgs.reshape(b_, 3, h_ * w_)

    def lookup(vals, verts):
        idx = jnp.clip(jnp.searchsorted(verts, vals, side='right') - 1, 0, V - 2)
        lo = verts[idx]
        hi = verts[idx + 1]
        frac = jnp.clip((vals - lo) / jnp.maximum(hi - lo, 1e-10), 0.0, 1.0)
        return idx, frac

    idx, frac = jax.vmap(jax.vmap(lookup))(flat, vertices)  # (B,3,HW)
    ir, ig, ib = idx[:, 0], idx[:, 1], idx[:, 2]
    fr, fg, fb = frac[:, 0], frac[:, 1], frac[:, 2]

    def apply_one(lut, ir, ig, ib, fr, fg, fb):
        # LUT indexed as lut[c, b_bin, g_bin, r_bin] (HuiZeng / AiLUT convention)
        g = lambda dz, dy, dx: lut[:, ib + dz, ig + dy, ir + dx]
        return (g(0, 0, 0) * (1 - fb) * (1 - fg) * (1 - fr)
                + g(0, 0, 1) * (1 - fb) * (1 - fg) * fr
                + g(0, 1, 0) * (1 - fb) * fg * (1 - fr)
                + g(0, 1, 1) * (1 - fb) * fg * fr
                + g(1, 0, 0) * fb * (1 - fg) * (1 - fr)
                + g(1, 0, 1) * fb * (1 - fg) * fr
                + g(1, 1, 0) * fb * fg * (1 - fr)
                + g(1, 1, 1) * fb * fg * fr)

    out = jax.vmap(apply_one)(luts, ir, ig, ib, fr, fg, fb)
    return out.reshape(b_, 3, h_, w_)


def setup_inputs(seed: int = 0) -> dict:
    key = jax.random.key(seed)

    def n(i, shape, s=0.05):
        return jax.random.normal(jax.random.fold_in(key, i), shape, dtype=jnp.float32) * s

    d = {}
    d['imgs'] = jax.random.uniform(jax.random.fold_in(key, 0), (B, 3, H, W), dtype=jnp.float32)
    chans = [(3, 16), (16, 32), (32, 64), (64, 128), (128, 128)]
    for li, (ci, co) in enumerate(chans, 1):
        d['w%d' % li] = n(li, (co, ci, 3, 3))
        d['b%d' % li] = jnp.zeros((co,), jnp.float32)
        if li <= 4:
            d['g%d' % li] = jnp.ones((co,), jnp.float32)
            d['be%d' % li] = jnp.zeros((co,), jnp.float32)
    d['Wg'] = n(20, (3, 512))
    d['bg'] = jnp.ones((3,), jnp.float32)
    grid = jnp.stack(jnp.meshgrid(*[jnp.arange(V)] * 3, indexing='ij'), axis=0)[::-1].astype(jnp.float32) / (V - 1)
    ident = grid.reshape(1, -1)
    Wb = jnp.concatenate([ident, jnp.zeros((2, 3 * V ** 3), jnp.float32)], axis=0).T
    d['Wb'] = Wb + n(21, Wb.shape, 0.01)
    d['Wa'] = n(22, (3 * (V - 1), 512))
    d['ba'] = jnp.ones((3 * (V - 1),), jnp.float32)
    return d


def reference(imgs, w1, b1, g1, be1, w2, b2, g2, be2, w3, b3, g3, be3, w4, b4, g4, be4, w5, b5, Wg, bg, Wb, Wa, ba):
    return _forward(imgs, (w1, b1, g1, be1, w2, b2, g2, be2, w3, b3, g3, be3,
                           w4, b4, g4, be4, w5, b5, Wg, bg, Wb, Wa, ba))

if __name__ == "__main__":
    import jax
    _d = setup_inputs()
    print(jax.jit(kernel)(*tuple(_d.values())))

</pallas_src>

<mosaic_0001>
#map = affine_map<(d0, d1) -> (0)>
module attributes {stable_mosaic.version = 14 : i64} {
  func.func @transform(%arg0: i32, %arg1: i32, %arg2: memref<12582912xf32, #tpu.memory_space<hbm>>, %arg3: memref<1725056xf32, #tpu.memory_space<hbm>>, %arg4: memref<2048xf32, #tpu.memory_space<hbm>>, %arg5: memref<12582912xf32, #tpu.memory_space<hbm>>, %arg6: memref<107816xf32, #tpu.memory_space<vmem>>, %arg7: memref<128xf32, #tpu.memory_space<vmem>>, %arg8: memref<3072xf32, #tpu.memory_space<vmem>>, %arg9: memref<3072xf32, #tpu.memory_space<vmem>>, %arg10: memref<3072xf32, #tpu.memory_space<vmem>>, %arg11: memref<3072xf32, #tpu.memory_space<vmem>>, %arg12: memref<!tpu.dma_semaphore, #tpu.memory_space<semaphore_mem>>, %arg13: memref<!tpu.dma_semaphore, #tpu.memory_space<semaphore_mem>>, %arg14: memref<!tpu.dma_semaphore, #tpu.memory_space<semaphore_mem>>, %arg15: memref<!tpu.dma_semaphore, #tpu.memory_space<semaphore_mem>>) attributes {dimension_semantics = [#tpu.dimension_semantics<core_parallel>, #tpu.dimension_semantics<subcore_parallel>], iteration_bounds = array<i64: 2, 16>, scalar_prefetch = 0 : i64, scratch_operands = 10 : i64, tpu.core_type = #tpu.core_type<sc_vector_subcore>, window_params = [{transform_indices = #map}, {transform_indices = #map}, {transform_indices = #map}, {transform_indices = #map}]} {
    %mul3A = arith.constant 2 : i32
    %mul3A_0 = arith.muli %arg1, %mul3A : i32
    %add3A = arith.addi %mul3A_0, %arg0 : i32
    %jit3A = arith.constant 2 : i32
    %div3A = arith.divsi %add3A, %jit3A : i32
    %sign3A = arith.constant 0 : i32
    %sign3A_1 = arith.cmpi sgt, %add3A, %sign3A : i32
    %sign3A_2 = arith.extui %sign3A_1 : i1 to i32
    %sign3A_3 = arith.constant 0 : i32
    %sign3A_4 = arith.cmpi slt, %add3A, %sign3A_3 : i32
    %sign3A_5 = arith.extui %sign3A_4 : i1 to i32
    %sign3A_6 = arith.subi %sign3A_2, %sign3A_5 : i32
    %sign3A_7 = arith.constant 0 : i32
    %sign3A_8 = arith.cmpi sgt, %jit3A, %sign3A_7 : i32
    %sign3A_9 = arith.extui %sign3A_8 : i1 to i32
    %sign3A_10 = arith.constant 0 : i32
    %sign3A_11 = arith.cmpi slt, %jit3A, %sign3A_10 : i32
    %sign3A_12 = arith.extui %sign3A_11 : i1 to i32
    %sign3A_13 = arith.subi %sign3A_9, %sign3A_12 : i32
    %ne3A = arith.cmpi ne, %sign3A_6, %sign3A_13 : i32
    %rem3A = arith.remsi %add3A, %jit3A : i32
    %ne3A_14 = arith.constant 0 : i32
    %ne3A_15 = arith.cmpi ne, %rem3A, %ne3A_14 : i32
    %and3A = arith.andi %ne3A, %ne3A_15 : i1
    %sub3A = arith.constant 1 : i32
    %sub3A_16 = arith.subi %div3A, %sub3A : i32
    %select_n3A = arith.select %and3A, %sub3A_16, %div3A : i32
    %mul3A_17 = arith.constant 256 : i32
    %mul3A_18 = arith.muli %select_n3A, %mul3A_17 : i32
    %jit3A_19 = arith.constant 2 : i32
    %eq3A = arith.constant 0 : i32
    %eq3A_20 = arith.cmpi eq, %jit3A_19, %eq3A : i32
    %jit3A_21 = arith.constant 1 : i32
    %select_n3A_22 = arith.select %eq3A_20, %jit3A_21, %jit3A_19 : i32
    %rem3A_23 = arith.remsi %add3A, %select_n3A_22 : i32
    %ne3A_24 = arith.constant 0 : i32
    %ne3A_25 = arith.cmpi ne, %rem3A_23, %ne3A_24 : i32
    %lt3A = arith.constant 0 : i32
    %lt3A_26 = arith.cmpi slt, %rem3A_23, %lt3A : i32
    %lt3A_27 = arith.constant 0 : i32
    %lt3A_28 = arith.cmpi slt, %select_n3A_22, %lt3A_27 : i32
    %ne3A_29 = arith.xori %lt3A_26, %lt3A_28 : i1
    %and3A_30 = arith.andi %ne3A_29, %ne3A_25 : i1
    %add3A_31 = arith.addi %rem3A_23, %select_n3A_22 : i32
    %select_n3A_32 = arith.select %and3A_30, %add3A_31, %rem3A_23 : i32
    %mul3A_33 = arith.constant 128 : i32
    %mul3A_34 = arith.muli %select_n3A_32, %mul3A_33 : i32
    %add3A_35 = arith.addi %mul3A_18, %mul3A_34 : i32
    %mul3A_36 = arith.constant 107816 : i32
    %mul3A_37 = arith.muli %select_n3A, %mul3A_36 : i32
    "tpu.region"() ({
      %run_scoped3A = tpu.sem_alloc : memref<!tpu.dma_semaphore, #tpu.memory_space<semaphore_mem>>
      %dma_start3A_63 = tpu.memref_slice %arg3[%mul3A_37] : memref<1725056xf32, #tpu.memory_space<hbm>> -> memref<107816xf32, #tpu.memory_space<hbm>>
      %dma_start3A_64 = tpu.memref_slice %arg3[%mul3A_37] : memref<1725056xf32, #tpu.memory_space<hbm>> -> memref<107816xf32, #tpu.memory_space<hbm>>
      tpu.enqueue_dma source(%dma_start3A_64 : memref<107816xf32, #tpu.memory_space<hbm>>) target(%arg6 : memref<107816xf32, #tpu.memory_space<vmem>>) target_semaphore(%run_scoped3A : memref<!tpu.dma_semaphore, #tpu.memory_space<semaphore_mem>>)
      %dma_wait3A_65 = tpu.memref_slice %arg3[%mul3A_37] : memref<1725056xf32, #tpu.memory_space<hbm>> -> memref<107816xf32, #tpu.memory_space<hbm>>
      %dma_wait3A_66 = tpu.memref_slice %arg3[%mul3A_37] : memref<1725056xf32, #tpu.memory_space<hbm>> -> memref<107816xf32, #tpu.memory_space<hbm>>
      tpu.wait_dma2 semaphore(%run_scoped3A : memref<!tpu.dma_semaphore, #tpu.memory_space<semaphore_mem>>) src(%dma_wait3A_66 : memref<107816xf32, #tpu.memory_space<hbm>>) dst(%arg6 : memref<107816xf32, #tpu.memory_space<vmem>>)
      tpu.yield
    }) : () -> ()
    %mul3A_38 = arith.constant 128 : i32
    %mul3A_39 = arith.muli %select_n3A, %mul3A_38 : i32
    "tpu.region"() ({
      %run_scoped3A = tpu.sem_alloc : memref<!tpu.dma_semaphore, #tpu.memory_space<semaphore_mem>>
      %dma_start3A_63 = tpu.memref_slice %arg4[%mul3A_39] : memref<2048xf32, #tpu.memory_space<hbm>> -> memref<128xf32, #tpu.memory_space<hbm>>
      %dma_start3A_64 = tpu.memref_slice %arg4[%mul3A_39] : memref<2048xf32, #tpu.memory_space<hbm>> -> memref<128xf32, #tpu.memory_space<hbm>>
      tpu.enqueue_dma source(%dma_start3A_64 : memref<128xf32, #tpu.memory_space<hbm>>) target(%arg7 : memref<128xf32, #tpu.memory_space<vmem>>) target_semaphore(%run_scoped3A : memref<!tpu.dma_semaphore, #tpu.memory_space<semaphore_mem>>)
      %dma_wait3A_65 = tpu.memref_slice %arg4[%mul3A_39] : memref<2048xf32, #tpu.memory_space<hbm>> -> memref<128xf32, #tpu.memory_space<hbm>>
      %dma_wait3A_66 = tpu.memref_slice %arg4[%mul3A_39] : memref<2048xf32, #tpu.memory_space<hbm>> -> memref<128xf32, #tpu.memory_space<hbm>>
      tpu.wait_dma2 semaphore(%run_scoped3A : memref<!tpu.dma_semaphore, #tpu.memory_space<semaphore_mem>>) src(%dma_wait3A_66 : memref<128xf32, #tpu.memory_space<hbm>>) dst(%arg7 : memref<128xf32, #tpu.memory_space<vmem>>)
      tpu.yield
    }) : () -> ()
    %add3A_40 = arith.constant 0 : i32
    %add3A_41 = arith.addi %add3A_35, %add3A_40 : i32
    %mul3A_42 = arith.constant 3072 : i32
    %mul3A_43 = arith.muli %add3A_41, %mul3A_42 : i32
    %dma_start3A = tpu.memref_slice %arg2[%mul3A_43] : memref<12582912xf32, #tpu.memory_space<hbm>> -> memref<3072xf32, #tpu.memory_space<hbm>>
    %dma_start3A_44 = tpu.memref_slice %arg2[%mul3A_43] : memref<12582912xf32, #tpu.memory_space<hbm>> -> memref<3072xf32, #tpu.memory_space<hbm>>
    tpu.enqueue_dma source(%dma_start3A_44 : memref<3072xf32, #tpu.memory_space<hbm>>) target(%arg8 : memref<3072xf32, #tpu.memory_space<vmem>>) target_semaphore(%arg12 : memref<!tpu.dma_semaphore, #tpu.memory_space<semaphore_mem>>)
    %add3A_45 = arith.constant 1 : i32
    %add3A_46 = arith.addi %add3A_35, %add3A_45 : i32
    %mul3A_47 = arith.constant 3072 : i32
    %mul3A_48 = arith.muli %add3A_46, %mul3A_47 : i32
    %dma_start3A_49 = tpu.memref_slice %arg2[%mul3A_48] : memref<12582912xf32, #tpu.memory_space<hbm>> -> memref<3072xf32, #tpu.memory_space<hbm>>
    %dma_start3A_50 = tpu.memref_slice %arg2[%mul3A_48] : memref<12582912xf32, #tpu.memory_space<hbm>> -> memref<3072xf32, #tpu.memory_space<hbm>>
    tpu.enqueue_dma source(%dma_start3A_50 : memref<3072xf32, #tpu.memory_space<hbm>>) target(%arg9 : memref<3072xf32, #tpu.memory_space<vmem>>) target_semaphore(%arg13 : memref<!tpu.dma_semaphore, #tpu.memory_space<semaphore_mem>>)
    %scan3A = arith.constant 0 : i32
    %scan3A_51 = arith.constant 0 : i32
    %scan3A_52 = arith.constant 64 : i32
    %scan3A_53 = arith.addi %scan3A_51, %scan3A_52 : i32
    %scan3A_54 = arith.constant 1 : i32
    scf.for %scan3A_63 = %scan3A_51 to %scan3A_53 step %scan3A_54  : i32 {
      %mul3A_64 = arith.constant 2 : i32
      %mul3A_65 = arith.muli %mul3A_64, %scan3A_63 : i32
      %add3A_66 = arith.constant 0 : i32
      %add3A_67 = arith.addi %mul3A_65, %add3A_66 : i32
      %dma_wait3A_68 = arith.constant 0 : i32
      %dma_wait3A_69 = tpu.memref_slice %arg2[%dma_wait3A_68] : memref<12582912xf32, #tpu.memory_space<hbm>> -> memref<3072xf32, #tpu.memory_space<hbm>>
      %dma_wait3A_70 = arith.constant 0 : i32
      %dma_wait3A_71 = tpu.memref_slice %arg2[%dma_wait3A_70] : memref<12582912xf32, #tpu.memory_space<hbm>> -> memref<3072xf32, #tpu.memory_space<hbm>>
      tpu.wait_dma2 semaphore(%arg12 : memref<!tpu.dma_semaphore, #tpu.memory_space<semaphore_mem>>) src(%dma_wait3A_71 : memref<3072xf32, #tpu.memory_space<hbm>>) dst(%arg8 : memref<3072xf32, #tpu.memory_space<vmem>>)
      %gt3A = arith.constant 0 : i32
      %gt3A_72 = arith.cmpi sgt, %scan3A_63, %gt3A : i32
      %convert_element_type3A = arith.extui %gt3A_72 : i1 to i32
      %cond3A = arith.constant 0 : i32
      %cond3A_73 = arith.cmpi ne, %convert_element_type3A, %cond3A : i32
      scf.if %cond3A_73 {
        %dma_wait3A_123 = arith.constant 0 : i32
        %dma_wait3A_124 = tpu.memref_slice %arg5[%dma_wait3A_123] : memref<12582912xf32, #tpu.memory_space<hbm>> -> memref<3072xf32, #tpu.memory_space<hbm>>
        %dma_wait3A_125 = arith.constant 0 : i32
        %dma_wait3A_126 = tpu.memref_slice %arg5[%dma_wait3A_125] : memref<12582912xf32, #tpu.memory_space<hbm>> -> memref<3072xf32, #tpu.memory_space<hbm>>
        tpu.wait_dma2 semaphore(%arg14 : memref<!tpu.dma_semaphore, #tpu.memory_space<semaphore_mem>>) src(%arg10 : memref<3072xf32, #tpu.memory_space<vmem>>) dst(%dma_wait3A_126 : memref<3072xf32, #tpu.memory_space<hbm>>)
      } else {
      }
      %scan3A_74 = arith.constant 0 : i32
      %scan3A_75 = arith.constant 0 : i32
      %scan3A_76 = arith.constant 64 : i32
      %scan3A_77 = arith.addi %scan3A_75, %scan3A_76 : i32
      %scan3A_78 = arith.constant 2 : i32
      scf.for %scan3A_123 = %scan3A_75 to %scan3A_77 step %scan3A_78  : i32 {
        %mul3A_124 = arith.constant 16 : i32
        %mul3A_125 = arith.muli %scan3A_123, %mul3A_124 : i32
        %add3A_126 = arith.constant 0 : i32
        %add3A_127 = arith.addi %add3A_126, %mul3A_125 : i32
        %get3A = arith.index_cast %add3A_127 : i32 to index
        %get3A_128 = tpu.vector_load %arg8[%get3A] {strides = array<i32>} : memref<3072xf32, #tpu.memory_space<vmem>>, vector<16xf32>,
        %broadcast_in_dim3A = arith.constant 0 : i32
        %broadcast_in_dim3A_129 = vector.broadcast %broadcast_in_dim3A : i32 to vector<16xi32>
        %broadcast_in_dim3A_130 = arith.constant 0 : i32
        %broadcast_in_dim3A_131 = vector.broadcast %broadcast_in_dim3A_130 : i32 to vector<16xi32>
        %add3A_132 = arith.constant 16 : i32
        %add3A_133 = vector.broadcast %add3A_132 : i32 to vector<16xi32>
        %add3A_134 = arith.addi %broadcast_in_dim3A_131, %add3A_133 : vector<16xi32>
        %add3A_135 = arith.addi %add3A_134, %broadcast_in_dim3A_129 : vector<16xi32>
        %gather3A = tpu.vector_load_idx %arg7[%add3A_135] : memref<128xf32, #tpu.memory_space<vmem>>[vector<16xi32>], vector<16xf32>,
        %le3A = arith.cmpf ole, %gather3A, %get3A_128 : vector<16xf32>
        %select_n3A_136 = arith.select %le3A, %add3A_134, %broadcast_in_dim3A_131 : vector<16xi1>, vector<16xi32>
        %add3A_137 = arith.constant 8 : i32
        %add3A_138 = vector.broadcast %add3A_137 : i32 to vector<16xi32>
        %add3A_139 = arith.addi %select_n3A_136, %add3A_138 : vector<16xi32>
        %add3A_140 = arith.addi %add3A_139, %broadcast_in_dim3A_129 : vector<16xi32>
        %gather3A_141 = tpu.vector_load_idx %arg7[%add3A_140] : memref<128xf32, #tpu.memory_space<vmem>>[vector<16xi32>], vector<16xf32>,
        %le3A_142 = arith.cmpf ole, %gather3A_141, %get3A_128 : vector<16xf32>
        %select_n3A_143 = arith.select %le3A_142, %add3A_139, %select_n3A_136 : vector<16xi1>, vector<16xi32>
        %add3A_144 = arith.constant 4 : i32
        %add3A_145 = vector.broadcast %add3A_144 : i32 to vector<16xi32>
        %add3A_146 = arith.addi %select_n3A_143, %add3A_145 : vector<16xi32>
        %add3A_147 = arith.addi %add3A_146, %broadcast_in_dim3A_129 : vector<16xi32>
        %gather3A_148 = tpu.vector_load_idx %arg7[%add3A_147] : memref<128xf32, #tpu.memory_space<vmem>>[vector<16xi32>], vector<16xf32>,
        %le3A_149 = arith.cmpf ole, %gather3A_148, %get3A_128 : vector<16xf32>
        %select_n3A_150 = arith.select %le3A_149, %add3A_146, %select_n3A_143 : vector<16xi1>, vector<16xi32>
        %add3A_151 = arith.constant 2 : i32
        %add3A_152 = vector.broadcast %add3A_151 : i32 to vector<16xi32>
        %add3A_153 = arith.addi %select_n3A_150, %add3A_152 : vector<16xi32>
        %add3A_154 = arith.addi %add3A_153, %broadcast_in_dim3A_129 : vector<16xi32>
        %gather3A_155 = tpu.vector_load_idx %arg7[%add3A_154] : memref<128xf32, #tpu.memory_space<vmem>>[vector<16xi32>], vector<16xf32>,
        %le3A_156 = arith.cmpf ole, %gather3A_155, %get3A_128 : vector<16xf32>
        %select_n3A_157 = arith.select %le3A_156, %add3A_153, %select_n3A_150 : vector<16xi1>, vector<16xi32>
        %add3A_158 = arith.constant 1 : i32
        %add3A_159 = vector.broadcast %add3A_158 : i32 to vector<16xi32>
        %add3A_160 = arith.addi %select_n3A_157, %add3A_159 : vector<16xi32>
        %add3A_161 = arith.addi %add3A_160, %broadcast_in_dim3A_129 : vector<16xi32>
        %gather3A_162 = tpu.vector_load_idx %arg7[%add3A_161] : memref<128xf32, #tpu.memory_space<vmem>>[vector<16xi32>], vector<16xf32>,
        %le3A_163 = arith.cmpf ole, %gather3A_162, %get3A_128 : vector<16xf32>
        %select_n3A_164 = arith.select %le3A_163, %add3A_160, %select_n3A_157 : vector<16xi1>, vector<16xi32>
        %add3A_165 = arith.addi %select_n3A_164, %broadcast_in_dim3A_129 : vector<16xi32>
        %gather3A_166 = tpu.vector_load_idx %arg7[%add3A_165] : memref<128xf32, #tpu.memory_space<vmem>>[vector<16xi32>], vector<16xf32>,
        %add3A_167 = arith.addi %select_n3A_164, %broadcast_in_dim3A_129 : vector<16xi32>
        %add3A_168 = arith.constant 1 : i32
        %add3A_169 = vector.broadcast %add3A_168 : i32 to vector<16xi32>
        %add3A_170 = arith.addi %add3A_167, %add3A_169 : vector<16xi32>
        %gather3A_171 = tpu.vector_load_idx %arg7[%add3A_170] : memref<128xf32, #tpu.memory_space<vmem>>[vector<16xi32>], vector<16xf32>,
        %sub3A_172 = arith.subf %get3A_128, %gather3A_166 : vector<16xf32>
        %sub3A_173 = arith.subf %gather3A_171, %gather3A_166 : vector<16xf32>
        %max3A = arith.constant 1.000000e-10 : f32
        %max3A_174 = vector.broadcast %max3A : f32 to vector<16xf32>
        %max3A_175 = arith.maximumf %sub3A_173, %max3A_174 : vector<16xf32>
        %div3A_176 = arith.divf %sub3A_172, %max3A_175 : vector<16xf32>
        %jit3A_177 = arith.constant 0.000000e+00 : f32
        %jit3A_178 = arith.constant 1.000000e+00 : f32
        %max3A_179 = vector.broadcast %jit3A_177 : f32 to vector<16xf32>
        %max3A_180 = arith.maximumf %max3A_179, %div3A_176 : vector<16xf32>
        %min3A = vector.broadcast %jit3A_178 : f32 to vector<16xf32>
        %min3A_181 = arith.minimumf %min3A, %max3A_180 : vector<16xf32>
        %add3A_182 = arith.constant 1024 : i32
        %add3A_183 = arith.addi %add3A_182, %mul3A_125 : i32
        %get3A_184 = arith.index_cast %add3A_183 : i32 to index
        %get3A_185 = tpu.vector_load %arg8[%get3A_184] {strides = array<i32>} : memref<3072xf32, #tpu.memory_space<vmem>>, vector<16xf32>,
        %broadcast_in_dim3A_186 = arith.constant 33 : i32
        %broadcast_in_dim3A_187 = vector.broadcast %broadcast_in_dim3A_186 : i32 to vector<16xi32>
        %broadcast_in_dim3A_188 = arith.constant 0 : i32
        %broadcast_in_dim3A_189 = vector.broadcast %broadcast_in_dim3A_188 : i32 to vector<16xi32>
        %add3A_190 = arith.constant 16 : i32
        %add3A_191 = vector.broadcast %add3A_190 : i32 to vector<16xi32>
        %add3A_192 = arith.addi %broadcast_in_dim3A_189, %add3A_191 : vector<16xi32>
        %add3A_193 = arith.addi %add3A_192, %broadcast_in_dim3A_187 : vector<16xi32>
        %gather3A_194 = tpu.vector_load_idx %arg7[%add3A_193] : memref<128xf32, #tpu.memory_space<vmem>>[vector<16xi32>], vector<16xf32>,
        %le3A_195 = arith.cmpf ole, %gather3A_194, %get3A_185 : vector<16xf32>
        %select_n3A_196 = arith.select %le3A_195, %add3A_192, %broadcast_in_dim3A_189 : vector<16xi1>, vector<16xi32>
        %add3A_197 = arith.constant 8 : i32
        %add3A_198 = vector.broadcast %add3A_197 : i32 to vector<16xi32>
        %add3A_199 = arith.addi %select_n3A_196, %add3A_198 : vector<16xi32>
        %add3A_200 = arith.addi %add3A_199, %broadcast_in_dim3A_187 : vector<16xi32>
        %gather3A_201 = tpu.vector_load_idx %arg7[%add3A_200] : memref<128xf32, #tpu.memory_space<vmem>>[vector<16xi32>], vector<16xf32>,
        %le3A_202 = arith.cmpf ole, %gather3A_201, %get3A_185 : vector<16xf32>
        %select_n3A_203 = arith.select %le3A_202, %add3A_199, %select_n3A_196 : vector<16xi1>, vector<16xi32>
        %add3A_204 = arith.constant 4 : i32
        %add3A_205 = vector.broadcast %add3A_204 : i32 to vector<16xi32>
        %add3A_206 = arith.addi %select_n3A_203, %add3A_205 : vector<16xi32>
        %add3A_207 = arith.addi %add3A_206, %broadcast_in_dim3A_187 : vector<16xi32>
        %gather3A_208 = tpu.vector_load_idx %arg7[%add3A_207] : memref<128xf32, #tpu.memory_space<vmem>>[vector<16xi32>], vector<16xf32>,
        %le3A_209 = arith.cmpf ole, %gather3A_208, %get3A_185 : vector<16xf32>
        %select_n3A_210 = arith.select %le3A_209, %add3A_206, %select_n3A_203 : vector<16xi1>, vector<16xi32>
        %add3A_211 = arith.constant 2 : i32
        %add3A_212 = vector.broadcast %add3A_211 : i32 to vector<16xi32>
        %add3A_213 = arith.addi %select_n3A_210, %add3A_212 : vector<16xi32>
        %add3A_214 = arith.addi %add3A_213, %broadcast_in_dim3A_187 : vector<16xi32>
        %gather3A_215 = tpu.vector_load_idx %arg7[%add3A_214] : memref<128xf32, #tpu.memory_space<vmem>>[vector<16xi32>], vector<16xf32>,
        %le3A_216 = arith.cmpf ole, %gather3A_215, %get3A_185 : vector<16xf32>
        %select_n3A_217 = arith.select %le3A_216, %add3A_213, %select_n3A_210 : vector<16xi1>, vector<16xi32>
        %add3A_218 = arith.constant 1 : i32
        %add3A_219 = vector.broadcast %add3A_218 : i32 to vector<16xi32>
        %add3A_220 = arith.addi %select_n3A_217, %add3A_219 : vector<16xi32>
        %add3A_221 = arith.addi %add3A_220, %broadcast_in_dim3A_187 : vector<16xi32>
        %gather3A_222 = tpu.vector_load_idx %arg7[%add3A_221] : memref<128xf32, #tpu.memory_space<vmem>>[vector<16xi32>], vector<16xf32>,
        %le3A_223 = arith.cmpf ole, %gather3A_222, %get3A_185 : vector<16xf32>
        %select_n3A_224 = arith.select %le3A_223, %add3A_220, %select_n3A_217 : vector<16xi1>, vector<16xi32>
        %add3A_225 = arith.addi %select_n3A_224, %broadcast_in_dim3A_187 : vector<16xi32>
        %gather3A_226 = tpu.vector_load_idx %arg7[%add3A_225] : memref<128xf32, #tpu.memory_space<vmem>>[vector<16xi32>], vector<16xf32>,
        %add3A_227 = arith.addi %select_n3A_224, %broadcast_in_dim3A_187 : vector<16xi32>
        %add3A_228 = arith.constant 1 : i32
        %add3A_229 = vector.broadcast %add3A_228 : i32 to vector<16xi32>
        %add3A_230 = arith.addi %add3A_227, %add3A_229 : vector<16xi32>
        %gather3A_231 = tpu.vector_load_idx %arg7[%add3A_230] : memref<128xf32, #tpu.memory_space<vmem>>[vector<16xi32>], vector<16xf32>,
        %sub3A_232 = arith.subf %get3A_185, %gather3A_226 : vector<16xf32>
        %sub3A_233 = arith.subf %gather3A_231, %gather3A_226 : vector<16xf32>
        %max3A_234 = arith.constant 1.000000e-10 : f32
        %max3A_235 = vector.broadcast %max3A_234 : f32 to vector<16xf32>
        %max3A_236 = arith.maximumf %sub3A_233, %max3A_235 : vector<16xf32>
        %div3A_237 = arith.divf %sub3A_232, %max3A_236 : vector<16xf32>
        %jit3A_238 = arith.constant 0.000000e+00 : f32
        %jit3A_239 = arith.constant 1.000000e+00 : f32
        %max3A_240 = vector.broadcast %jit3A_238 : f32 to vector<16xf32>
        %max3A_241 = arith.maximumf %max3A_240, %div3A_237 : vector<16xf32>
        %min3A_242 = vector.broadcast %jit3A_239 : f32 to vector<16xf32>
        %min3A_243 = arith.minimumf %min3A_242, %max3A_241 : vector<16xf32>
        %add3A_244 = arith.constant 2048 : i32
        %add3A_245 = arith.addi %add3A_244, %mul3A_125 : i32
        %get3A_246 = arith.index_cast %add3A_245 : i32 to index
        %get3A_247 = tpu.vector_load %arg8[%get3A_246] {strides = array<i32>} : memref<3072xf32, #tpu.memory_space<vmem>>, vector<16xf32>,
        %broadcast_in_dim3A_248 = arith.constant 66 : i32
        %broadcast_in_dim3A_249 = vector.broadcast %broadcast_in_dim3A_248 : i32 to vector<16xi32>
        %broadcast_in_dim3A_250 = arith.constant 0 : i32
        %broadcast_in_dim3A_251 = vector.broadcast %broadcast_in_dim3A_250 : i32 to vector<16xi32>
        %add3A_252 = arith.constant 16 : i32
        %add3A_253 = vector.broadcast %add3A_252 : i32 to vector<16xi32>
        %add3A_254 = arith.addi %broadcast_in_dim3A_251, %add3A_253 : vector<16xi32>
        %add3A_255 = arith.addi %add3A_254, %broadcast_in_dim3A_249 : vector<16xi32>
        %gather3A_256 = tpu.vector_load_idx %arg7[%add3A_255] : memref<128xf32, #tpu.memory_space<vmem>>[vector<16xi32>], vector<16xf32>,
        %le3A_257 = arith.cmpf ole, %gather3A_256, %get3A_247 : vector<16xf32>
        %select_n3A_258 = arith.select %le3A_257, %add3A_254, %broadcast_in_dim3A_251 : vector<16xi1>, vector<16xi32>
        %add3A_259 = arith.constant 8 : i32
        %add3A_260 = vector.broadcast %add3A_259 : i32 to vector<16xi32>
        %add3A_261 = arith.addi %select_n3A_258, %add3A_260 : vector<16xi32>
        %add3A_262 = arith.addi %add3A_261, %broadcast_in_dim3A_249 : vector<16xi32>
        %gather3A_263 = tpu.vector_load_idx %arg7[%add3A_262] : memref<128xf32, #tpu.memory_space<vmem>>[vector<16xi32>], vector<16xf32>,
        %le3A_264 = arith.cmpf ole, %gather3A_263, %get3A_247 : vector<16xf32>
        %select_n3A_265 = arith.select %le3A_264, %add3A_261, %select_n3A_258 : vector<16xi1>, vector<16xi32>
        %add3A_266 = arith.constant 4 : i32
        %add3A_267 = vector.broadcast %add3A_266 : i32 to vector<16xi32>
        %add3A_268 = arith.addi %select_n3A_265, %add3A_267 : vector<16xi32>
        %add3A_269 = arith.addi %add3A_268, %broadcast_in_dim3A_249 : vector<16xi32>
        %gather3A_270 = tpu.vector_load_idx %arg7[%add3A_269] : memref<128xf32, #tpu.memory_space<vmem>>[vector<16xi32>], vector<16xf32>,
        %le3A_271 = arith.cmpf ole, %gather3A_270, %get3A_247 : vector<16xf32>
        %select_n3A_272 = arith.select %le3A_271, %add3A_268, %select_n3A_265 : vector<16xi1>, vector<16xi32>
        %add3A_273 = arith.constant 2 : i32
        %add3A_274 = vector.broadcast %add3A_273 : i32 to vector<16xi32>
        %add3A_275 = arith.addi %select_n3A_272, %add3A_274 : vector<16xi32>
        %add3A_276 = arith.addi %add3A_275, %broadcast_in_dim3A_249 : vector<16xi32>
        %gather3A_277 = tpu.vector_load_idx %arg7[%add3A_276] : memref<128xf32, #tpu.memory_space<vmem>>[vector<16xi32>], vector<16xf32>,
        %le3A_278 = arith.cmpf ole, %gather3A_277, %get3A_247 : vector<16xf32>
        %select_n3A_279 = arith.select %le3A_278, %add3A_275, %select_n3A_272 : vector<16xi1>, vector<16xi32>
        %add3A_280 = arith.constant 1 : i32
        %add3A_281 = vector.broadcast %add3A_280 : i32 to vector<16xi32>
        %add3A_282 = arith.addi %select_n3A_279, %add3A_281 : vector<16xi32>
        %add3A_283 = arith.addi %add3A_282, %broadcast_in_dim3A_249 : vector<16xi32>
        %gather3A_284 = tpu.vector_load_idx %arg7[%add3A_283] : memref<128xf32, #tpu.memory_space<vmem>>[vector<16xi32>], vector<16xf32>,
        %le3A_285 = arith.cmpf ole, %gather3A_284, %get3A_247 : vector<16xf32>
        %select_n3A_286 = arith.select %le3A_285, %add3A_282, %select_n3A_279 : vector<16xi1>, vector<16xi32>
        %add3A_287 = arith.addi %select_n3A_286, %broadcast_in_dim3A_249 : vector<16xi32>
        %gather3A_288 = tpu.vector_load_idx %arg7[%add3A_287] : memref<128xf32, #tpu.memory_space<vmem>>[vector<16xi32>], vector<16xf32>,
        %add3A_289 = arith.addi %select_n3A_286, %broadcast_in_dim3A_249 : vector<16xi32>
        %add3A_290 = arith.constant 1 : i32
        %add3A_291 = vector.broadcast %add3A_290 : i32 to vector<16xi32>
        %add3A_292 = arith.addi %add3A_289, %add3A_291 : vector<16xi32>
        %gather3A_293 = tpu.vector_load_idx %arg7[%add3A_292] : memref<128xf32, #tpu.memory_space<vmem>>[vector<16xi32>], vector<16xf32>,
        %sub3A_294 = arith.subf %get3A_247, %gather3A_288 : vector<16xf32>
        %sub3A_295 = arith.subf %gather3A_293, %gather3A_288 : vector<16xf32>
        %max3A_296 = arith.constant 1.000000e-10 : f32
        %max3A_297 = vector.broadcast %max3A_296 : f32 to vector<16xf32>
        %max3A_298 = arith.maximumf %sub3A_295, %max3A_297 : vector<16xf32>
        %div3A_299 = arith.divf %sub3A_294, %max3A_298 : vector<16xf32>
        %jit3A_300 = arith.constant 0.000000e+00 : f32
        %jit3A_301 = arith.constant 1.000000e+00 : f32
        %max3A_302 = vector.broadcast %jit3A_300 : f32 to vector<16xf32>
        %max3A_303 = arith.maximumf %max3A_302, %div3A_299 : vector<16xf32>
        %min3A_304 = vector.broadcast %jit3A_301 : f32 to vector<16xf32>
        %min3A_305 = arith.minimumf %min3A_304, %max3A_303 : vector<16xf32>
        %mul3A_306 = arith.constant 1089 : i32
        %mul3A_307 = vector.broadcast %mul3A_306 : i32 to vector<16xi32>
        %mul3A_308 = arith.muli %select_n3A_286, %mul3A_307 : vector<16xi32>
        %mul3A_309 = arith.constant 33 : i32
        %mul3A_310 = vector.broadcast %mul3A_309 : i32 to vector<16xi32>
        %mul3A_311 = arith.muli %select_n3A_224, %mul3A_310 : vector<16xi32>
        %add3A_312 = arith.addi %mul3A_308, %mul3A_311 : vector<16xi32>
        %add3A_313 = arith.addi %add3A_312, %select_n3A_164 : vector<16xi32>
        %sub3A_314 = arith.constant 1.000000e+00 : f32
        %sub3A_315 = vector.broadcast %sub3A_314 : f32 to vector<16xf32>
        %sub3A_316 = arith.subf %sub3A_315, %min3A_181 : vector<16xf32>
        %sub3A_317 = arith.constant 1.000000e+00 : f32
        %sub3A_318 = vector.broadcast %sub3A_317 : f32 to vector<16xf32>
        %sub3A_319 = arith.subf %sub3A_318, %min3A_243 : vector<16xf32>
        %sub3A_320 = arith.constant 1.000000e+00 : f32
        %sub3A_321 = vector.broadcast %sub3A_320 : f32 to vector<16xf32>
        %sub3A_322 = arith.subf %sub3A_321, %min3A_305 : vector<16xf32>
        %mul3A_323 = arith.mulf %sub3A_322, %sub3A_319 : vector<16xf32>
        %mul3A_324 = arith.mulf %sub3A_322, %min3A_243 : vector<16xf32>
        %mul3A_325 = arith.mulf %min3A_305, %sub3A_319 : vector<16xf32>
        %mul3A_326 = arith.mulf %min3A_305, %min3A_243 : vector<16xf32>
        %mul3A_327 = arith.mulf %mul3A_323, %sub3A_316 : vector<16xf32>
        %mul3A_328 = arith.mulf %mul3A_323, %min3A_181 : vector<16xf32>
        %mul3A_329 = arith.mulf %mul3A_324, %sub3A_316 : vector<16xf32>
        %mul3A_330 = arith.mulf %mul3A_324, %min3A_181 : vector<16xf32>
        %mul3A_331 = arith.mulf %mul3A_325, %sub3A_316 : vector<16xf32>
        %mul3A_332 = arith.mulf %mul3A_325, %min3A_181 : vector<16xf32>
        %mul3A_333 = arith.mulf %mul3A_326, %sub3A_316 : vector<16xf32>
        %mul3A_334 = arith.mulf %mul3A_326, %min3A_181 : vector<16xf32>
        %add3A_335 = arith.constant 0 : i32
        %add3A_336 = vector.broadcast %add3A_335 : i32 to vector<16xi32>
        %add3A_337 = arith.addi %add3A_313, %add3A_336 : vector<16xi32>
        %gather3A_338 = tpu.vector_load_idx %arg6[%add3A_337] : memref<107816xf32, #tpu.memory_space<vmem>>[vector<16xi32>], vector<16xf32>,
        %mul3A_339 = arith.mulf %mul3A_327, %gather3A_338 : vector<16xf32>
        %add3A_340 = arith.constant 1 : i32
        %add3A_341 = vector.broadcast %add3A_340 : i32 to vector<16xi32>
        %add3A_342 = arith.addi %add3A_337, %add3A_341 : vector<16xi32>
        %gather3A_343 = tpu.vector_load_idx %arg6[%add3A_342] : memref<107816xf32, #tpu.memory_space<vmem>>[vector<16xi32>], vector<16xf32>,
        %mul3A_344 = arith.mulf %mul3A_328, %gather3A_343 : vector<16xf32>
        %add3A_345 = arith.addf %mul3A_339, %mul3A_344 : vector<16xf32>
        %add3A_346 = arith.constant 33 : i32
        %add3A_347 = vector.broadcast %add3A_346 : i32 to vector<16xi32>
        %add3A_348 = arith.addi %add3A_337, %add3A_347 : vector<16xi32>
        %gather3A_349 = tpu.vector_load_idx %arg6[%add3A_348] : memref<107816xf32, #tpu.memory_space<vmem>>[vector<16xi32>], vector<16xf32>,
        %mul3A_350 = arith.mulf %mul3A_329, %gather3A_349 : vector<16xf32>
        %add3A_351 = arith.addf %add3A_345, %mul3A_350 : vector<16xf32>
        %add3A_352 = arith.constant 34 : i32
        %add3A_353 = vector.broadcast %add3A_352 : i32 to vector<16xi32>
        %add3A_354 = arith.addi %add3A_337, %add3A_353 : vector<16xi32>
        %gather3A_355 = tpu.vector_load_idx %arg6[%add3A_354] : memref<107816xf32, #tpu.memory_space<vmem>>[vector<16xi32>], vector<16xf32>,
        %mul3A_356 = arith.mulf %mul3A_330, %gather3A_355 : vector<16xf32>
        %add3A_357 = arith.addf %add3A_351, %mul3A_356 : vector<16xf32>
        %add3A_358 = arith.constant 1089 : i32
        %add3A_359 = vector.broadcast %add3A_358 : i32 to vector<16xi32>
        %add3A_360 = arith.addi %add3A_337, %add3A_359 : vector<16xi32>
        %gather3A_361 = tpu.vector_load_idx %arg6[%add3A_360] : memref<107816xf32, #tpu.memory_space<vmem>>[vector<16xi32>], vector<16xf32>,
        %mul3A_362 = arith.mulf %mul3A_331, %gather3A_361 : vector<16xf32>
        %add3A_363 = arith.addf %add3A_357, %mul3A_362 : vector<16xf32>
        %add3A_364 = arith.constant 1090 : i32
        %add3A_365 = vector.broadcast %add3A_364 : i32 to vector<16xi32>
        %add3A_366 = arith.addi %add3A_337, %add3A_365 : vector<16xi32>
        %gather3A_367 = tpu.vector_load_idx %arg6[%add3A_366] : memref<107816xf32, #tpu.memory_space<vmem>>[vector<16xi32>], vector<16xf32>,
        %mul3A_368 = arith.mulf %mul3A_332, %gather3A_367 : vector<16xf32>
        %add3A_369 = arith.addf %add3A_363, %mul3A_368 : vector<16xf32>
        %add3A_370 = arith.constant 1122 : i32
        %add3A_371 = vector.broadcast %add3A_370 : i32 to vector<16xi32>
        %add3A_372 = arith.addi %add3A_337, %add3A_371 : vector<16xi32>
        %gather3A_373 = tpu.vector_load_idx %arg6[%add3A_372] : memref<107816xf32, #tpu.memory_space<vmem>>[vector<16xi32>], vector<16xf32>,
        %mul3A_374 = arith.mulf %mul3A_333, %gather3A_373 : vector<16xf32>
        %add3A_375 = arith.addf %add3A_369, %mul3A_374 : vector<16xf32>
        %add3A_376 = arith.constant 1123 : i32
        %add3A_377 = vector.broadcast %add3A_376 : i32 to vector<16xi32>
        %add3A_378 = arith.addi %add3A_337, %add3A_377 : vector<16xi32>
        %gather3A_379 = tpu.vector_load_idx %arg6[%add3A_378] : memref<107816xf32, #tpu.memory_space<vmem>>[vector<16xi32>], vector<16xf32>,
        %mul3A_380 = arith.mulf %mul3A_334, %gather3A_379 : vector<16xf32>
        %add3A_381 = arith.addf %add3A_375, %mul3A_380 : vector<16xf32>
        %add3A_382 = arith.constant 0 : i32
        %add3A_383 = arith.addi %add3A_382, %mul3A_125 : i32
        %swap3A = arith.index_cast %add3A_383 : i32 to index
        %swap3A_384 = tpu.vector_load %arg10[%swap3A] {strides = array<i32>} : memref<3072xf32, #tpu.memory_space<vmem>>, vector<16xf32>,
        tpu.vector_store %arg10[%swap3A], %add3A_381 {strides = array<i32>} : memref<3072xf32, #tpu.memory_space<vmem>>, vector<16xf32>,
        %add3A_385 = arith.constant 35937 : i32
        %add3A_386 = vector.broadcast %add3A_385 : i32 to vector<16xi32>
        %add3A_387 = arith.addi %add3A_313, %add3A_386 : vector<16xi32>
        %gather3A_388 = tpu.vector_load_idx %arg6[%add3A_387] : memref<107816xf32, #tpu.memory_space<vmem>>[vector<16xi32>], vector<16xf32>,
        %mul3A_389 = arith.mulf %mul3A_327, %gather3A_388 : vector<16xf32>
        %add3A_390 = arith.constant 1 : i32
        %add3A_391 = vector.broadcast %add3A_390 : i32 to vector<16xi32>
        %add3A_392 = arith.addi %add3A_387, %add3A_391 : vector<16xi32>
        %gather3A_393 = tpu.vector_load_idx %arg6[%add3A_392] : memref<107816xf32, #tpu.memory_space<vmem>>[vector<16xi32>], vector<16xf32>,
        %mul3A_394 = arith.mulf %mul3A_328, %gather3A_393 : vector<16xf32>
        %add3A_395 = arith.addf %mul3A_389, %mul3A_394 : vector<16xf32>
        %add3A_396 = arith.constant 33 : i32
        %add3A_397 = vector.broadcast %add3A_396 : i32 to vector<16xi32>
        %add3A_398 = arith.addi %add3A_387, %add3A_397 : vector<16xi32>
        %gather3A_399 = tpu.vector_load_idx %arg6[%add3A_398] : memref<107816xf32, #tpu.memory_space<vmem>>[vector<16xi32>], vector<16xf32>,
        %mul3A_400 = arith.mulf %mul3A_329, %gather3A_399 : vector<16xf32>
        %add3A_401 = arith.addf %add3A_395, %mul3A_400 : vector<16xf32>
        %add3A_402 = arith.constant 34 : i32
        %add3A_403 = vector.broadcast %add3A_402 : i32 to vector<16xi32>
        %add3A_404 = arith.addi %add3A_387, %add3A_403 : vector<16xi32>
        %gather3A_405 = tpu.vector_load_idx %arg6[%add3A_404] : memref<107816xf32, #tpu.memory_space<vmem>>[vector<16xi32>], vector<16xf32>,
        %mul3A_406 = arith.mulf %mul3A_330, %gather3A_405 : vector<16xf32>
        %add3A_407 = arith.addf %add3A_401, %mul3A_406 : vector<16xf32>
        %add3A_408 = arith.constant 1089 : i32
        %add3A_409 = vector.broadcast %add3A_408 : i32 to vector<16xi32>
        %add3A_410 = arith.addi %add3A_387, %add3A_409 : vector<16xi32>
        %gather3A_411 = tpu.vector_load_idx %arg6[%add3A_410] : memref<107816xf32, #tpu.memory_space<vmem>>[vector<16xi32>], vector<16xf32>,
        %mul3A_412 = arith.mulf %mul3A_331, %gather3A_411 : vector<16xf32>
        %add3A_413 = arith.addf %add3A_407, %mul3A_412 : vector<16xf32>
        %add3A_414 = arith.constant 1090 : i32
        %add3A_415 = vector.broadcast %add3A_414 : i32 to vector<16xi32>
        %add3A_416 = arith.addi %add3A_387, %add3A_415 : vector<16xi32>
        %gather3A_417 = tpu.vector_load_idx %arg6[%add3A_416] : memref<107816xf32, #tpu.memory_space<vmem>>[vector<16xi32>], vector<16xf32>,
        %mul3A_418 = arith.mulf %mul3A_332, %gather3A_417 : vector<16xf32>
        %add3A_419 = arith.addf %add3A_413, %mul3A_418 : vector<16xf32>
        %add3A_420 = arith.constant 1122 : i32
        %add3A_421 = vector.broadcast %add3A_420 : i32 to vector<16xi32>
        %add3A_422 = arith.addi %add3A_387, %add3A_421 : vector<16xi32>
        %gather3A_423 = tpu.vector_load_idx %arg6[%add3A_422] : memref<107816xf32, #tpu.memory_space<vmem>>[vector<16xi32>], vector<16xf32>,
        %mul3A_424 = arith.mulf %mul3A_333, %gather3A_423 : vector<16xf32>
        %add3A_425 = arith.addf %add3A_419, %mul3A_424 : vector<16xf32>
        %add3A_426 = arith.constant 1123 : i32
        %add3A_427 = vector.broadcast %add3A_426 : i32 to vector<16xi32>
        %add3A_428 = arith.addi %add3A_387, %add3A_427 : vector<16xi32>
        %gather3A_429 = tpu.vector_load_idx %arg6[%add3A_428] : memref<107816xf32, #tpu.memory_space<vmem>>[vector<16xi32>], vector<16xf32>,
        %mul3A_430 = arith.mulf %mul3A_334, %gather3A_429 : vector<16xf32>
        %add3A_431 = arith.addf %add3A_425, %mul3A_430 : vector<16xf32>
        %add3A_432 = arith.constant 1024 : i32
        %add3A_433 = arith.addi %add3A_432, %mul3A_125 : i32
        %swap3A_434 = arith.index_cast %add3A_433 : i32 to index
        %swap3A_435 = tpu.vector_load %arg10[%swap3A_434] {strides = array<i32>} : memref<3072xf32, #tpu.memory_space<vmem>>, vector<16xf32>,
        tpu.vector_store %arg10[%swap3A_434], %add3A_431 {strides = array<i32>} : memref<3072xf32, #tpu.memory_space<vmem>>, vector<16xf32>,
        %add3A_436 = arith.constant 71874 : i32
        %add3A_437 = vector.broadcast %add3A_436 : i32 to vector<16xi32>
        %add3A_438 = arith.addi %add3A_313, %add3A_437 : vector<16xi32>
        %gather3A_439 = tpu.vector_load_idx %arg6[%add3A_438] : memref<107816xf32, #tpu.memory_space<vmem>>[vector<16xi32>], vector<16xf32>,
        %mul3A_440 = arith.mulf %mul3A_327, %gather3A_439 : vector<16xf32>
        %add3A_441 = arith.constant 1 : i32
        %add3A_442 = vector.broadcast %add3A_441 : i32 to vector<16xi32>
        %add3A_443 = arith.addi %add3A_438, %add3A_442 : vector<16xi32>
        %gather3A_444 = tpu.vector_load_idx %arg6[%add3A_443] : memref<107816xf32, #tpu.memory_space<vmem>>[vector<16xi32>], vector<16xf32>,
        %mul3A_445 = arith.mulf %mul3A_328, %gather3A_444 : vector<16xf32>
        %add3A_446 = arith.addf %mul3A_440, %mul3A_445 : vector<16xf32>
        %add3A_447 = arith.constant 33 : i32
        %add3A_448 = vector.broadcast %add3A_447 : i32 to vector<16xi32>
        %add3A_449 = arith.addi %add3A_438, %add3A_448 : vector<16xi32>
        %gather3A_450 = tpu.vector_load_idx %arg6[%add3A_449] : memref<107816xf32, #tpu.memory_space<vmem>>[vector<16xi32>], vector<16xf32>,
        %mul3A_451 = arith.mulf %mul3A_329, %gather3A_450 : vector<16xf32>
        %add3A_452 = arith.addf %add3A_446, %mul3A_451 : vector<16xf32>
        %add3A_453 = arith.constant 34 : i32
        %add3A_454 = vector.broadcast %add3A_453 : i32 to vector<16xi32>
        %add3A_455 = arith.addi %add3A_438, %add3A_454 : vector<16xi32>
        %gather3A_456 = tpu.vector_load_idx %arg6[%add3A_455] : memref<107816xf32, #tpu.memory_space<vmem>>[vector<16xi32>], vector<16xf32>,
        %mul3A_457 = arith.mulf %mul3A_330, %gather3A_456 : vector<16xf32>
        %add3A_458 = arith.addf %add3A_452, %mul3A_457 : vector<16xf32>
        %add3A_459 = arith.constant 1089 : i32
        %add3A_460 = vector.broadcast %add3A_459 : i32 to vector<16xi32>
        %add3A_461 = arith.addi %add3A_438, %add3A_460 : vector<16xi32>
        %gather3A_462 = tpu.vector_load_idx %arg6[%add3A_461] : memref<107816xf32, #tpu.memory_space<vmem>>[vector<16xi32>], vector<16xf32>,
        %mul3A_463 = arith.mulf %mul3A_331, %gather3A_462 : vector<16xf32>
        %add3A_464 = arith.addf %add3A_458, %mul3A_463 : vector<16xf32>
        %add3A_465 = arith.constant 1090 : i32
        %add3A_466 = vector.broadcast %add3A_465 : i32 to vector<16xi32>
        %add3A_467 = arith.addi %add3A_438, %add3A_466 : vector<16xi32>
        %gather3A_468 = tpu.vector_load_idx %arg6[%add3A_467] : memref<107816xf32, #tpu.memory_space<vmem>>[vector<16xi32>], vector<16xf32>,
        %mul3A_469 = arith.mulf %mul3A_332, %gather3A_468 : vector<16xf32>
        %add3A_470 = arith.addf %add3A_464, %mul3A_469 : vector<16xf32>
        %add3A_471 = arith.constant 1122 : i32
        %add3A_472 = vector.broadcast %add3A_471 : i32 to vector<16xi32>
        %add3A_473 = arith.addi %add3A_438, %add3A_472 : vector<16xi32>
        %gather3A_474 = tpu.vector_load_idx %arg6[%add3A_473] : memref<107816xf32, #tpu.memory_space<vmem>>[vector<16xi32>], vector<16xf32>,
        %mul3A_475 = arith.mulf %mul3A_333, %gather3A_474 : vector<16xf32>
        %add3A_476 = arith.addf %add3A_470, %mul3A_475 : vector<16xf32>
        %add3A_477 = arith.constant 1123 : i32
        %add3A_478 = vector.broadcast %add3A_477 : i32 to vector<16xi32>
        %add3A_479 = arith.addi %add3A_438, %add3A_478 : vector<16xi32>
        %gather3A_480 = tpu.vector_load_idx %arg6[%add3A_479] : memref<107816xf32, #tpu.memory_space<vmem>>[vector<16xi32>], vector<16xf32>,
        %mul3A_481 = arith.mulf %mul3A_334, %gather3A_480 : vector<16xf32>
        %add3A_482 = arith.addf %add3A_476, %mul3A_481 : vector<16xf32>
        %add3A_483 = arith.constant 2048 : i32
        %add3A_484 = arith.addi %add3A_483, %mul3A_125 : i32
        %swap3A_485 = arith.index_cast %add3A_484 : i32 to index
        %swap3A_486 = tpu.vector_load %arg10[%swap3A_485] {strides = array<i32>} : memref<3072xf32, #tpu.memory_space<vmem>>, vector<16xf32>,
        tpu.vector_store %arg10[%swap3A_485], %add3A_482 {strides = array<i32>} : memref<3072xf32, #tpu.memory_space<vmem>>, vector<16xf32>,
        %scan3A_487 = arith.constant 1 : i32
        %scan3A_488 = arith.addi %scan3A_123, %scan3A_487 : i32
        %mul3A_489 = arith.constant 16 : i32
        %mul3A_490 = arith.muli %scan3A_488, %mul3A_489 : i32
        %add3A_491 = arith.constant 0 : i32
        %add3A_492 = arith.addi %add3A_491, %mul3A_490 : i32
        %get3A_493 = arith.index_cast %add3A_492 : i32 to index
        %get3A_494 = tpu.vector_load %arg8[%get3A_493] {strides = array<i32>} : memref<3072xf32, #tpu.memory_space<vmem>>, vector<16xf32>,
        %broadcast_in_dim3A_495 = arith.constant 0 : i32
        %broadcast_in_dim3A_496 = vector.broadcast %broadcast_in_dim3A_495 : i32 to vector<16xi32>
        %broadcast_in_dim3A_497 = arith.constant 0 : i32
        %broadcast_in_dim3A_498 = vector.broadcast %broadcast_in_dim3A_497 : i32 to vector<16xi32>
        %add3A_499 = arith.constant 16 : i32
        %add3A_500 = vector.broadcast %add3A_499 : i32 to vector<16xi32>
        %add3A_501 = arith.addi %broadcast_in_dim3A_498, %add3A_500 : vector<16xi32>
        %add3A_502 = arith.addi %add3A_501, %broadcast_in_dim3A_496 : vector<16xi32>
        %gather3A_503 = tpu.vector_load_idx %arg7[%add3A_502] : memref<128xf32, #tpu.memory_space<vmem>>[vector<16xi32>], vector<16xf32>,
        %le3A_504 = arith.cmpf ole, %gather3A_503, %get3A_494 : vector<16xf32>
        %select_n3A_505 = arith.select %le3A_504, %add3A_501, %broadcast_in_dim3A_498 : vector<16xi1>, vector<16xi32>
        %add3A_506 = arith.constant 8 : i32
        %add3A_507 = vector.broadcast %add3A_506 : i32 to vector<16xi32>
        %add3A_508 = arith.addi %select_n3A_505, %add3A_507 : vector<16xi32>
        %add3A_509 = arith.addi %add3A_508, %broadcast_in_dim3A_496 : vector<16xi32>
        %gather3A_510 = tpu.vector_load_idx %arg7[%add3A_509] : memref<128xf32, #tpu.memory_space<vmem>>[vector<16xi32>], vector<16xf32>,
        %le3A_511 = arith.cmpf ole, %gather3A_510, %get3A_494 : vector<16xf32>
        %select_n3A_512 = arith.select %le3A_511, %add3A_508, %select_n3A_505 : vector<16xi1>, vector<16xi32>
        %add3A_513 = arith.constant 4 : i32
        %add3A_514 = vector.broadcast %add3A_513 : i32 to vector<16xi32>
        %add3A_515 = arith.addi %select_n3A_512, %add3A_514 : vector<16xi32>
        %add3A_516 = arith.addi %add3A_515, %broadcast_in_dim3A_496 : vector<16xi32>
        %gather3A_517 = tpu.vector_load_idx %arg7[%add3A_516] : memref<128xf32, #tpu.memory_space<vmem>>[vector<16xi32>], vector<16xf32>,
        %le3A_518 = arith.cmpf ole, %gather3A_517, %get3A_494 : vector<16xf32>
        %select_n3A_519 = arith.select %le3A_518, %add3A_515, %select_n3A_512 : vector<16xi1>, vector<16xi32>
        %add3A_520 = arith.constant 2 : i32
        %add3A_521 = vector.broadcast %add3A_520 : i32 to vector<16xi32>
        %add3A_522 = arith.addi %select_n3A_519, %add3A_521 : vector<16xi32>
        %add3A_523 = arith.addi %add3A_522, %broadcast_in_dim3A_496 : vector<16xi32>
        %gather3A_524 = tpu.vector_load_idx %arg7[%add3A_523] : memref<128xf32, #tpu.memory_space<vmem>>[vector<16xi32>], vector<16xf32>,
        %le3A_525 = arith.cmpf ole, %gather3A_524, %get3A_494 : vector<16xf32>
        %select_n3A_526 = arith.select %le3A_525, %add3A_522, %select_n3A_519 : vector<16xi1>, vector<16xi32>
        %add3A_527 = arith.constant 1 : i32
        %add3A_528 = vector.broadcast %add3A_527 : i32 to vector<16xi32>
        %add3A_529 = arith.addi %select_n3A_526, %add3A_528 : vector<16xi32>
        %add3A_530 = arith.addi %add3A_529, %broadcast_in_dim3A_496 : vector<16xi32>
        %gather3A_531 = tpu.vector_load_idx %arg7[%add3A_530] : memref<128xf32, #tpu.memory_space<vmem>>[vector<16xi32>], vector<16xf32>,
        %le3A_532 = arith.cmpf ole, %gather3A_531, %get3A_494 : vector<16xf32>
        %select_n3A_533 = arith.select %le3A_532, %add3A_529, %select_n3A_526 : vector<16xi1>, vector<16xi32>
        %add3A_534 = arith.addi %select_n3A_533, %broadcast_in_dim3A_496 : vector<16xi32>
        %gather3A_535 = tpu.vector_load_idx %arg7[%add3A_534] : memref<128xf32, #tpu.memory_space<vmem>>[vector<16xi32>], vector<16xf32>,
        %add3A_536 = arith.addi %select_n3A_533, %broadcast_in_dim3A_496 : vector<16xi32>
        %add3A_537 = arith.constant 1 : i32
        %add3A_538 = vector.broadcast %add3A_537 : i32 to vector<16xi32>
        %add3A_539 = arith.addi %add3A_536, %add3A_538 : vector<16xi32>
        %gather3A_540 = tpu.vector_load_idx %arg7[%add3A_539] : memref<128xf32, #tpu.memory_space<vmem>>[vector<16xi32>], vector<16xf32>,
        %sub3A_541 = arith.subf %get3A_494, %gather3A_535 : vector<16xf32>
        %sub3A_542 = arith.subf %gather3A_540, %gather3A_535 : vector<16xf32>
        %max3A_543 = arith.constant 1.000000e-10 : f32
        %max3A_544 = vector.broadcast %max3A_543 : f32 to vector<16xf32>
        %max3A_545 = arith.maximumf %sub3A_542, %max3A_544 : vector<16xf32>
        %div3A_546 = arith.divf %sub3A_541, %max3A_545 : vector<16xf32>
        %jit3A_547 = arith.constant 0.000000e+00 : f32
        %jit3A_548 = arith.constant 1.000000e+00 : f32
        %max3A_549 = vector.broadcast %jit3A_547 : f32 to vector<16xf32>
        %max3A_550 = arith.maximumf %max3A_549, %div3A_546 : vector<16xf32>
        %min3A_551 = vector.broadcast %jit3A_548 : f32 to vector<16xf32>
        %min3A_552 = arith.minimumf %min3A_551, %max3A_550 : vector<16xf32>
        %add3A_553 = arith.constant 1024 : i32
        %add3A_554 = arith.addi %add3A_553, %mul3A_490 : i32
        %get3A_555 = arith.index_cast %add3A_554 : i32 to index
        %get3A_556 = tpu.vector_load %arg8[%get3A_555] {strides = array<i32>} : memref<3072xf32, #tpu.memory_space<vmem>>, vector<16xf32>,
        %broadcast_in_dim3A_557 = arith.constant 33 : i32
        %broadcast_in_dim3A_558 = vector.broadcast %broadcast_in_dim3A_557 : i32 to vector<16xi32>
        %broadcast_in_dim3A_559 = arith.constant 0 : i32
        %broadcast_in_dim3A_560 = vector.broadcast %broadcast_in_dim3A_559 : i32 to vector<16xi32>
        %add3A_561 = arith.constant 16 : i32
        %add3A_562 = vector.broadcast %add3A_561 : i32 to vector<16xi32>
        %add3A_563 = arith.addi %broadcast_in_dim3A_560, %add3A_562 : vector<16xi32>
        %add3A_564 = arith.addi %add3A_563, %broadcast_in_dim3A_558 : vector<16xi32>
        %gather3A_565 = tpu.vector_load_idx %arg7[%add3A_564] : memref<128xf32, #tpu.memory_space<vmem>>[vector<16xi32>], vector<16xf32>,
        %le3A_566 = arith.cmpf ole, %gather3A_565, %get3A_556 : vector<16xf32>
        %select_n3A_567 = arith.select %le3A_566, %add3A_563, %broadcast_in_dim3A_560 : vector<16xi1>, vector<16xi32>
        %add3A_568 = arith.constant 8 : i32
        %add3A_569 = vector.broadcast %add3A_568 : i32 to vector<16xi32>
        %add3A_570 = arith.addi %select_n3A_567, %add3A_569 : vector<16xi32>
        %add3A_571 = arith.addi %add3A_570, %broadcast_in_dim3A_558 : vector<16xi32>
        %gather3A_572 = tpu.vector_load_idx %arg7[%add3A_571] : memref<128xf32, #tpu.memory_space<vmem>>[vector<16xi32>], vector<16xf32>,
        %le3A_573 = arith.cmpf ole, %gather3A_572, %get3A_556 : vector<16xf32>
        %select_n3A_574 = arith.select %le3A_573, %add3A_570, %select_n3A_567 : vector<16xi1>, vector<16xi32>
        %add3A_575 = arith.constant 4 : i32
        %add3A_576 = vector.broadcast %add3A_575 : i32 to vector<16xi32>
        %add3A_577 = arith.addi %select_n3A_574, %add3A_576 : vector<16xi32>
        %add3A_578 = arith.addi %add3A_577, %broadcast_in_dim3A_558 : vector<16xi32>
        %gather3A_579 = tpu.vector_load_idx %arg7[%add3A_578] : memref<128xf32, #tpu.memory_space<vmem>>[vector<16xi32>], vector<16xf32>,
        %le3A_580 = arith.cmpf ole, %gather3A_579, %get3A_556 : vector<16xf32>
        %select_n3A_581 = arith.select %le3A_580, %add3A_577, %select_n3A_574 : vector<16xi1>, vector<16xi32>
        %add3A_582 = arith.constant 2 : i32
        %add3A_583 = vector.broadcast %add3A_582 : i32 to vector<16xi32>
        %add3A_584 = arith.addi %select_n3A_581, %add3A_583 : vector<16xi32>
        %add3A_585 = arith.addi %add3A_584, %broadcast_in_dim3A_558 : vector<16xi32>
        %gather3A_586 = tpu.vector_load_idx %arg7[%add3A_585] : memref<128xf32, #tpu.memory_space<vmem>>[vector<16xi32>], vector<16xf32>,
        %le3A_587 = arith.cmpf ole, %gather3A_586, %get3A_556 : vector<16xf32>
        %select_n3A_588 = arith.select %le3A_587, %add3A_584, %select_n3A_581 : vector<16xi1>, vector<16xi32>
        %add3A_589 = arith.constant 1 : i32
        %add3A_590 = vector.broadcast %add3A_589 : i32 to vector<16xi32>
        %add3A_591 = arith.addi %select_n3A_588, %add3A_590 : vector<16xi32>
        %add3A_592 = arith.addi %add3A_591, %broadcast_in_dim3A_558 : vector<16xi32>
        %gather3A_593 = tpu.vector_load_idx %arg7[%add3A_592] : memref<128xf32, #tpu.memory_space<vmem>>[vector<16xi32>], vector<16xf32>,
        %le3A_594 = arith.cmpf ole, %gather3A_593, %get3A_556 : vector<16xf32>
        %select_n3A_595 = arith.select %le3A_594, %add3A_591, %select_n3A_588 : vector<16xi1>, vector<16xi32>
        %add3A_596 = arith.addi %select_n3A_595, %broadcast_in_dim3A_558 : vector<16xi32>
        %gather3A_597 = tpu.vector_load_idx %arg7[%add3A_596] : memref<128xf32, #tpu.memory_space<vmem>>[vector<16xi32>], vector<16xf32>,
        %add3A_598 = arith.addi %select_n3A_595, %broadcast_in_dim3A_558 : vector<16xi32>
        %add3A_599 = arith.constant 1 : i32
        %add3A_600 = vector.broadcast %add3A_599 : i32 to vector<16xi32>
        %add3A_601 = arith.addi %add3A_598, %add3A_600 : vector<16xi32>
        %gather3A_602 = tpu.vector_load_idx %arg7[%add3A_601] : memref<128xf32, #tpu.memory_space<vmem>>[vector<16xi32>], vector<16xf32>,
        %sub3A_603 = arith.subf %get3A_556, %gather3A_597 : vector<16xf32>
        %sub3A_604 = arith.subf %gather3A_602, %gather3A_597 : vector<16xf32>
        %max3A_605 = arith.constant 1.000000e-10 : f32
        %max3A_606 = vector.broadcast %max3A_605 : f32 to vector<16xf32>
        %max3A_607 = arith.maximumf %sub3A_604, %max3A_606 : vector<16xf32>
        %div3A_608 = arith.divf %sub3A_603, %max3A_607 : vector<16xf32>
        %jit3A_609 = arith.constant 0.000000e+00 : f32
        %jit3A_610 = arith.constant 1.000000e+00 : f32
        %max3A_611 = vector.broadcast %jit3A_609 : f32 to vector<16xf32>
        %max3A_612 = arith.maximumf %max3A_611, %div3A_608 : vector<16xf32>
        %min3A_613 = vector.broadcast %jit3A_610 : f32 to vector<16xf32>
        %min3A_614 = arith.minimumf %min3A_613, %max3A_612 : vector<16xf32>
        %add3A_615 = arith.constant 2048 : i32
        %add3A_616 = arith.addi %add3A_615, %mul3A_490 : i32
        %get3A_617 = arith.index_cast %add3A_616 : i32 to index
        %get3A_618 = tpu.vector_load %arg8[%get3A_617] {strides = array<i32>} : memref<3072xf32, #tpu.memory_space<vmem>>, vector<16xf32>,
        %broadcast_in_dim3A_619 = arith.constant 66 : i32
        %broadcast_in_dim3A_620 = vector.broadcast %broadcast_in_dim3A_619 : i32 to vector<16xi32>
        %broadcast_in_dim3A_621 = arith.constant 0 : i32
        %broadcast_in_dim3A_622 = vector.broadcast %broadcast_in_dim3A_621 : i32 to vector<16xi32>
        %add3A_623 = arith.constant 16 : i32
        %add3A_624 = vector.broadcast %add3A_623 : i32 to vector<16xi32>
        %add3A_625 = arith.addi %broadcast_in_dim3A_622, %add3A_624 : vector<16xi32>
        %add3A_626 = arith.addi %add3A_625, %broadcast_in_dim3A_620 : vector<16xi32>
        %gather3A_627 = tpu.vector_load_idx %arg7[%add3A_626] : memref<128xf32, #tpu.memory_space<vmem>>[vector<16xi32>], vector<16xf32>,
        %le3A_628 = arith.cmpf ole, %gather3A_627, %get3A_618 : vector<16xf32>
        %select_n3A_629 = arith.select %le3A_628, %add3A_625, %broadcast_in_dim3A_622 : vector<16xi1>, vector<16xi32>
        %add3A_630 = arith.constant 8 : i32
        %add3A_631 = vector.broadcast %add3A_630 : i32 to vector<16xi32>
        %add3A_632 = arith.addi %select_n3A_629, %add3A_631 : vector<16xi32>
        %add3A_633 = arith.addi %add3A_632, %broadcast_in_dim3A_620 : vector<16xi32>
        %gather3A_634 = tpu.vector_load_idx %arg7[%add3A_633] : memref<128xf32, #tpu.memory_space<vmem>>[vector<16xi32>], vector<16xf32>,
        %le3A_635 = arith.cmpf ole, %gather3A_634, %get3A_618 : vector<16xf32>
        %select_n3A_636 = arith.select %le3A_635, %add3A_632, %select_n3A_629 : vector<16xi1>, vector<16xi32>
        %add3A_637 = arith.constant 4 : i32
        %add3A_638 = vector.broadcast %add3A_637 : i32 to vector<16xi32>
        %add3A_639 = arith.addi %select_n3A_636, %add3A_638 : vector<16xi32>
        %add3A_640 = arith.addi %add3A_639, %broadcast_in_dim3A_620 : vector<16xi32>
        %gather3A_641 = tpu.vector_load_idx %arg7[%add3A_640] : memref<128xf32, #tpu.memory_space<vmem>>[vector<16xi32>], vector<16xf32>,
        %le3A_642 = arith.cmpf ole, %gather3A_641, %get3A_618 : vector<16xf32>
        %select_n3A_643 = arith.select %le3A_642, %add3A_639, %select_n3A_636 : vector<16xi1>, vector<16xi32>
        %add3A_644 = arith.constant 2 : i32
        %add3A_645 = vector.broadcast %add3A_644 : i32 to vector<16xi32>
        %add3A_646 = arith.addi %select_n3A_643, %add3A_645 : vector<16xi32>
        %add3A_647 = arith.addi %add3A_646, %broadcast_in_dim3A_620 : vector<16xi32>
        %gather3A_648 = tpu.vector_load_idx %arg7[%add3A_647] : memref<128xf32, #tpu.memory_space<vmem>>[vector<16xi32>], vector<16xf32>,
        %le3A_649 = arith.cmpf ole, %gather3A_648, %get3A_618 : vector<16xf32>
        %select_n3A_650 = arith.select %le3A_649, %add3A_646, %select_n3A_643 : vector<16xi1>, vector<16xi32>
        %add3A_651 = arith.constant 1 : i32
        %add3A_652 = vector.broadcast %add3A_651 : i32 to vector<16xi32>
        %add3A_653 = arith.addi %select_n3A_650, %add3A_652 : vector<16xi32>
        %add3A_654 = arith.addi %add3A_653, %broadcast_in_dim3A_620 : vector<16xi32>
        %gather3A_655 = tpu.vector_load_idx %arg7[%add3A_654] : memref<128xf32, #tpu.memory_space<vmem>>[vector<16xi32>], vector<16xf32>,
        %le3A_656 = arith.cmpf ole, %gather3A_655, %get3A_618 : vector<16xf32>
        %select_n3A_657 = arith.select %le3A_656, %add3A_653, %select_n3A_650 : vector<16xi1>, vector<16xi32>
        %add3A_658 = arith.addi %select_n3A_657, %broadcast_in_dim3A_620 : vector<16xi32>
        %gather3A_659 = tpu.vector_load_idx %arg7[%add3A_658] : memref<128xf32, #tpu.memory_space<vmem>>[vector<16xi32>], vector<16xf32>,
        %add3A_660 = arith.addi %select_n3A_657, %broadcast_in_dim3A_620 : vector<16xi32>
        %add3A_661 = arith.constant 1 : i32
        %add3A_662 = vector.broadcast %add3A_661 : i32 to vector<16xi32>
        %add3A_663 = arith.addi %add3A_660, %add3A_662 : vector<16xi32>
        %gather3A_664 = tpu.vector_load_idx %arg7[%add3A_663] : memref<128xf32, #tpu.memory_space<vmem>>[vector<16xi32>], vector<16xf32>,
        %sub3A_665 = arith.subf %get3A_618, %gather3A_659 : vector<16xf32>
        %sub3A_666 = arith.subf %gather3A_664, %gather3A_659 : vector<16xf32>
        %max3A_667 = arith.constant 1.000000e-10 : f32
        %max3A_668 = vector.broadcast %max3A_667 : f32 to vector<16xf32>
        %max3A_669 = arith.maximumf %sub3A_666, %max3A_668 : vector<16xf32>
        %div3A_670 = arith.divf %sub3A_665, %max3A_669 : vector<16xf32>
        %jit3A_671 = arith.constant 0.000000e+00 : f32
        %jit3A_672 = arith.constant 1.000000e+00 : f32
        %max3A_673 = vector.broadcast %jit3A_671 : f32 to vector<16xf32>
        %max3A_674 = arith.maximumf %max3A_673, %div3A_670 : vector<16xf32>
        %min3A_675 = vector.broadcast %jit3A_672 : f32 to vector<16xf32>
        %min3A_676 = arith.minimumf %min3A_675, %max3A_674 : vector<16xf32>
        %mul3A_677 = arith.constant 1089 : i32
        %mul3A_678 = vector.broadcast %mul3A_677 : i32 to vector<16xi32>
        %mul3A_679 = arith.muli %select_n3A_657, %mul3A_678 : vector<16xi32>
        %mul3A_680 = arith.constant 33 : i32
        %mul3A_681 = vector.broadcast %mul3A_680 : i32 to vector<16xi32>
        %mul3A_682 = arith.muli %select_n3A_595, %mul3A_681 : vector<16xi32>
        %add3A_683 = arith.addi %mul3A_679, %mul3A_682 : vector<16xi32>
        %add3A_684 = arith.addi %add3A_683, %select_n3A_533 : vector<16xi32>
        %sub3A_685 = arith.constant 1.000000e+00 : f32
        %sub3A_686 = vector.broadcast %sub3A_685 : f32 to vector<16xf32>
        %sub3A_687 = arith.subf %sub3A_686, %min3A_552 : vector<16xf32>
        %sub3A_688 = arith.constant 1.000000e+00 : f32
        %sub3A_689 = vector.broadcast %sub3A_688 : f32 to vector<16xf32>
        %sub3A_690 = arith.subf %sub3A_689, %min3A_614 : vector<16xf32>
        %sub3A_691 = arith.constant 1.000000e+00 : f32
        %sub3A_692 = vector.broadcast %sub3A_691 : f32 to vector<16xf32>
        %sub3A_693 = arith.subf %sub3A_692, %min3A_676 : vector<16xf32>
        %mul3A_694 = arith.mulf %sub3A_693, %sub3A_690 : vector<16xf32>
        %mul3A_695 = arith.mulf %sub3A_693, %min3A_614 : vector<16xf32>
        %mul3A_696 = arith.mulf %min3A_676, %sub3A_690 : vector<16xf32>
        %mul3A_697 = arith.mulf %min3A_676, %min3A_614 : vector<16xf32>
        %mul3A_698 = arith.mulf %mul3A_694, %sub3A_687 : vector<16xf32>
        %mul3A_699 = arith.mulf %mul3A_694, %min3A_552 : vector<16xf32>
        %mul3A_700 = arith.mulf %mul3A_695, %sub3A_687 : vector<16xf32>
        %mul3A_701 = arith.mulf %mul3A_695, %min3A_552 : vector<16xf32>
        %mul3A_702 = arith.mulf %mul3A_696, %sub3A_687 : vector<16xf32>
        %mul3A_703 = arith.mulf %mul3A_696, %min3A_552 : vector<16xf32>
        %mul3A_704 = arith.mulf %mul3A_697, %sub3A_687 : vector<16xf32>
        %mul3A_705 = arith.mulf %mul3A_697, %min3A_552 : vector<16xf32>
        %add3A_706 = arith.constant 0 : i32
        %add3A_707 = vector.broadcast %add3A_706 : i32 to vector<16xi32>
        %add3A_708 = arith.addi %add3A_684, %add3A_707 : vector<16xi32>
        %gather3A_709 = tpu.vector_load_idx %arg6[%add3A_708] : memref<107816xf32, #tpu.memory_space<vmem>>[vector<16xi32>], vector<16xf32>,
        %mul3A_710 = arith.mulf %mul3A_698, %gather3A_709 : vector<16xf32>
        %add3A_711 = arith.constant 1 : i32
        %add3A_712 = vector.broadcast %add3A_711 : i32 to vector<16xi32>
        %add3A_713 = arith.addi %add3A_708, %add3A_712 : vector<16xi32>
        %gather3A_714 = tpu.vector_load_idx %arg6[%add3A_713] : memref<107816xf32, #tpu.memory_space<vmem>>[vector<16xi32>], vector<16xf32>,
        %mul3A_715 = arith.mulf %mul3A_699, %gather3A_714 : vector<16xf32>
        %add3A_716 = arith.addf %mul3A_710, %mul3A_715 : vector<16xf32>
        %add3A_717 = arith.constant 33 : i32
        %add3A_718 = vector.broadcast %add3A_717 : i32 to vector<16xi32>
        %add3A_719 = arith.addi %add3A_708, %add3A_718 : vector<16xi32>
        %gather3A_720 = tpu.vector_load_idx %arg6[%add3A_719] : memref<107816xf32, #tpu.memory_space<vmem>>[vector<16xi32>], vector<16xf32>,
        %mul3A_721 = arith.mulf %mul3A_700, %gather3A_720 : vector<16xf32>
        %add3A_722 = arith.addf %add3A_716, %mul3A_721 : vector<16xf32>
        %add3A_723 = arith.constant 34 : i32
        %add3A_724 = vector.broadcast %add3A_723 : i32 to vector<16xi32>
        %add3A_725 = arith.addi %add3A_708, %add3A_724 : vector<16xi32>
        %gather3A_726 = tpu.vector_load_idx %arg6[%add3A_725] : memref<107816xf32, #tpu.memory_space<vmem>>[vector<16xi32>], vector<16xf32>,
        %mul3A_727 = arith.mulf %mul3A_701, %gather3A_726 : vector<16xf32>
        %add3A_728 = arith.addf %add3A_722, %mul3A_727 : vector<16xf32>
        %add3A_729 = arith.constant 1089 : i32
        %add3A_730 = vector.broadcast %add3A_729 : i32 to vector<16xi32>
        %add3A_731 = arith.addi %add3A_708, %add3A_730 : vector<16xi32>
        %gather3A_732 = tpu.vector_load_idx %arg6[%add3A_731] : memref<107816xf32, #tpu.memory_space<vmem>>[vector<16xi32>], vector<16xf32>,
        %mul3A_733 = arith.mulf %mul3A_702, %gather3A_732 : vector<16xf32>
        %add3A_734 = arith.addf %add3A_728, %mul3A_733 : vector<16xf32>
        %add3A_735 = arith.constant 1090 : i32
        %add3A_736 = vector.broadcast %add3A_735 : i32 to vector<16xi32>
        %add3A_737 = arith.addi %add3A_708, %add3A_736 : vector<16xi32>
        %gather3A_738 = tpu.vector_load_idx %arg6[%add3A_737] : memref<107816xf32, #tpu.memory_space<vmem>>[vector<16xi32>], vector<16xf32>,
        %mul3A_739 = arith.mulf %mul3A_703, %gather3A_738 : vector<16xf32>
        %add3A_740 = arith.addf %add3A_734, %mul3A_739 : vector<16xf32>
        %add3A_741 = arith.constant 1122 : i32
        %add3A_742 = vector.broadcast %add3A_741 : i32 to vector<16xi32>
        %add3A_743 = arith.addi %add3A_708, %add3A_742 : vector<16xi32>
        %gather3A_744 = tpu.vector_load_idx %arg6[%add3A_743] : memref<107816xf32, #tpu.memory_space<vmem>>[vector<16xi32>], vector<16xf32>,
        %mul3A_745 = arith.mulf %mul3A_704, %gather3A_744 : vector<16xf32>
        %add3A_746 = arith.addf %add3A_740, %mul3A_745 : vector<16xf32>
        %add3A_747 = arith.constant 1123 : i32
        %add3A_748 = vector.broadcast %add3A_747 : i32 to vector<16xi32>
        %add3A_749 = arith.addi %add3A_708, %add3A_748 : vector<16xi32>
        %gather3A_750 = tpu.vector_load_idx %arg6[%add3A_749] : memref<107816xf32, #tpu.memory_space<vmem>>[vector<16xi32>], vector<16xf32>,
        %mul3A_751 = arith.mulf %mul3A_705, %gather3A_750 : vector<16xf32>
        %add3A_752 = arith.addf %add3A_746, %mul3A_751 : vector<16xf32>
        %add3A_753 = arith.constant 0 : i32
        %add3A_754 = arith.addi %add3A_753, %mul3A_490 : i32
        %swap3A_755 = arith.index_cast %add3A_754 : i32 to index
        %swap3A_756 = tpu.vector_load %arg10[%swap3A_755] {strides = array<i32>} : memref<3072xf32, #tpu.memory_space<vmem>>, vector<16xf32>,
        tpu.vector_store %arg10[%swap3A_755], %add3A_752 {strides = array<i32>} : memref<3072xf32, #tpu.memory_space<vmem>>, vector<16xf32>,
        %add3A_757 = arith.constant 35937 : i32
        %add3A_758 = vector.broadcast %add3A_757 : i32 to vector<16xi32>
        %add3A_759 = arith.addi %add3A_684, %add3A_758 : vector<16xi32>
        %gather3A_760 = tpu.vector_load_idx %arg6[%add3A_759] : memref<107816xf32, #tpu.memory_space<vmem>>[vector<16xi32>], vector<16xf32>,
        %mul3A_761 = arith.mulf %mul3A_698, %gather3A_760 : vector<16xf32>
        %add3A_762 = arith.constant 1 : i32
        %add3A_763 = vector.broadcast %add3A_762 : i32 to vector<16xi32>
        %add3A_764 = arith.addi %add3A_759, %add3A_763 : vector<16xi32>
        %gather3A_765 = tpu.vector_load_idx %arg6[%add3A_764] : memref<107816xf32, #tpu.memory_space<vmem>>[vector<16xi32>], vector<16xf32>,
        %mul3A_766 = arith.mulf %mul3A_699, %gather3A_765 : vector<16xf32>
        %add3A_767 = arith.addf %mul3A_761, %mul3A_766 : vector<16xf32>
        %add3A_768 = arith.constant 33 : i32
        %add3A_769 = vector.broadcast %add3A_768 : i32 to vector<16xi32>
        %add3A_770 = arith.addi %add3A_759, %add3A_769 : vector<16xi32>
        %gather3A_771 = tpu.vector_load_idx %arg6[%add3A_770] : memref<107816xf32, #tpu.memory_space<vmem>>[vector<16xi32>], vector<16xf32>,
        %mul3A_772 = arith.mulf %mul3A_700, %gather3A_771 : vector<16xf32>
        %add3A_773 = arith.addf %add3A_767, %mul3A_772 : vector<16xf32>
        %add3A_774 = arith.constant 34 : i32
        %add3A_775 = vector.broadcast %add3A_774 : i32 to vector<16xi32>
        %add3A_776 = arith.addi %add3A_759, %add3A_775 : vector<16xi32>
        %gather3A_777 = tpu.vector_load_idx %arg6[%add3A_776] : memref<107816xf32, #tpu.memory_space<vmem>>[vector<16xi32>], vector<16xf32>,
        %mul3A_778 = arith.mulf %mul3A_701, %gather3A_777 : vector<16xf32>
        %add3A_779 = arith.addf %add3A_773, %mul3A_778 : vector<16xf32>
        %add3A_780 = arith.constant 1089 : i32
        %add3A_781 = vector.broadcast %add3A_780 : i32 to vector<16xi32>
        %add3A_782 = arith.addi %add3A_759, %add3A_781 : vector<16xi32>
        %gather3A_783 = tpu.vector_load_idx %arg6[%add3A_782] : memref<107816xf32, #tpu.memory_space<vmem>>[vector<16xi32>], vector<16xf32>,
        %mul3A_784 = arith.mulf %mul3A_702, %gather3A_783 : vector<16xf32>
        %add3A_785 = arith.addf %add3A_779, %mul3A_784 : vector<16xf32>
        %add3A_786 = arith.constant 1090 : i32
        %add3A_787 = vector.broadcast %add3A_786 : i32 to vector<16xi32>
        %add3A_788 = arith.addi %add3A_759, %add3A_787 : vector<16xi32>
        %gather3A_789 = tpu.vector_load_idx %arg6[%add3A_788] : memref<107816xf32, #tpu.memory_space<vmem>>[vector<16xi32>], vector<16xf32>,
        %mul3A_790 = arith.mulf %mul3A_703, %gather3A_789 : vector<16xf32>
        %add3A_791 = arith.addf %add3A_785, %mul3A_790 : vector<16xf32>
        %add3A_792 = arith.constant 1122 : i32
        %add3A_793 = vector.broadcast %add3A_792 : i32 to vector<16xi32>
        %add3A_794 = arith.addi %add3A_759, %add3A_793 : vector<16xi32>
        %gather3A_795 = tpu.vector_load_idx %arg6[%add3A_794] : memref<107816xf32, #tpu.memory_space<vmem>>[vector<16xi32>], vector<16xf32>,
        %mul3A_796 = arith.mulf %mul3A_704, %gather3A_795 : vector<16xf32>
        %add3A_797 = arith.addf %add3A_791, %mul3A_796 : vector<16xf32>
        %add3A_798 = arith.constant 1123 : i32
        %add3A_799 = vector.broadcast %add3A_798 : i32 to vector<16xi32>
        %add3A_800 = arith.addi %add3A_759, %add3A_799 : vector<16xi32>
        %gather3A_801 = tpu.vector_load_idx %arg6[%add3A_800] : memref<107816xf32, #tpu.memory_space<vmem>>[vector<16xi32>], vector<16xf32>,
        %mul3A_802 = arith.mulf %mul3A_705, %gather3A_801 : vector<16xf32>
        %add3A_803 = arith.addf %add3A_797, %mul3A_802 : vector<16xf32>
        %add3A_804 = arith.constant 1024 : i32
        %add3A_805 = arith.addi %add3A_804, %mul3A_490 : i32
        %swap3A_806 = arith.index_cast %add3A_805 : i32 to index
        %swap3A_807 = tpu.vector_load %arg10[%swap3A_806] {strides = array<i32>} : memref<3072xf32, #tpu.memory_space<vmem>>, vector<16xf32>,
        tpu.vector_store %arg10[%swap3A_806], %add3A_803 {strides = array<i32>} : memref<3072xf32, #tpu.memory_space<vmem>>, vector<16xf32>,
        %add3A_808 = arith.constant 71874 : i32
        %add3A_809 = vector.broadcast %add3A_808 : i32 to vector<16xi32>
        %add3A_810 = arith.addi %add3A_684, %add3A_809 : vector<16xi32>
        %gather3A_811 = tpu.vector_load_idx %arg6[%add3A_810] : memref<107816xf32, #tpu.memory_space<vmem>>[vector<16xi32>], vector<16xf32>,
        %mul3A_812 = arith.mulf %mul3A_698, %gather3A_811 : vector<16xf32>
        %add3A_813 = arith.constant 1 : i32
        %add3A_814 = vector.broadcast %add3A_813 : i32 to vector<16xi32>
        %add3A_815 = arith.addi %add3A_810, %add3A_814 : vector<16xi32>
        %gather3A_816 = tpu.vector_load_idx %arg6[%add3A_815] : memref<107816xf32, #tpu.memory_space<vmem>>[vector<16xi32>], vector<16xf32>,
        %mul3A_817 = arith.mulf %mul3A_699, %gather3A_816 : vector<16xf32>
        %add3A_818 = arith.addf %mul3A_812, %mul3A_817 : vector<16xf32>
        %add3A_819 = arith.constant 33 : i32
        %add3A_820 = vector.broadcast %add3A_819 : i32 to vector<16xi32>
        %add3A_821 = arith.addi %add3A_810, %add3A_820 : vector<16xi32>
        %gather3A_822 = tpu.vector_load_idx %arg6[%add3A_821] : memref<107816xf32, #tpu.memory_space<vmem>>[vector<16xi32>], vector<16xf32>,
        %mul3A_823 = arith.mulf %mul3A_700, %gather3A_822 : vector<16xf32>
        %add3A_824 = arith.addf %add3A_818, %mul3A_823 : vector<16xf32>
        %add3A_825 = arith.constant 34 : i32
        %add3A_826 = vector.broadcast %add3A_825 : i32 to vector<16xi32>
        %add3A_827 = arith.addi %add3A_810, %add3A_826 : vector<16xi32>
        %gather3A_828 = tpu.vector_load_idx %arg6[%add3A_827] : memref<107816xf32, #tpu.memory_space<vmem>>[vector<16xi32>], vector<16xf32>,
        %mul3A_829 = arith.mulf %mul3A_701, %gather3A_828 : vector<16xf32>
        %add3A_830 = arith.addf %add3A_824, %mul3A_829 : vector<16xf32>
        %add3A_831 = arith.constant 1089 : i32
        %add3A_832 = vector.broadcast %add3A_831 : i32 to vector<16xi32>
        %add3A_833 = arith.addi %add3A_810, %add3A_832 : vector<16xi32>
        %gather3A_834 = tpu.vector_load_idx %arg6[%add3A_833] : memref<107816xf32, #tpu.memory_space<vmem>>[vector<16xi32>], vector<16xf32>,
        %mul3A_835 = arith.mulf %mul3A_702, %gather3A_834 : vector<16xf32>
        %add3A_836 = arith.addf %add3A_830, %mul3A_835 : vector<16xf32>
        %add3A_837 = arith.constant 1090 : i32
        %add3A_838 = vector.broadcast %add3A_837 : i32 to vector<16xi32>
        %add3A_839 = arith.addi %add3A_810, %add3A_838 : vector<16xi32>
        %gather3A_840 = tpu.vector_load_idx %arg6[%add3A_839] : memref<107816xf32, #tpu.memory_space<vmem>>[vector<16xi32>], vector<16xf32>,
        %mul3A_841 = arith.mulf %mul3A_703, %gather3A_840 : vector<16xf32>
        %add3A_842 = arith.addf %add3A_836, %mul3A_841 : vector<16xf32>
        %add3A_843 = arith.constant 1122 : i32
        %add3A_844 = vector.broadcast %add3A_843 : i32 to vector<16xi32>
        %add3A_845 = arith.addi %add3A_810, %add3A_844 : vector<16xi32>
        %gather3A_846 = tpu.vector_load_idx %arg6[%add3A_845] : memref<107816xf32, #tpu.memory_space<vmem>>[vector<16xi32>], vector<16xf32>,
        %mul3A_847 = arith.mulf %mul3A_704, %gather3A_846 : vector<16xf32>
        %add3A_848 = arith.addf %add3A_842, %mul3A_847 : vector<16xf32>
        %add3A_849 = arith.constant 1123 : i32
        %add3A_850 = vector.broadcast %add3A_849 : i32 to vector<16xi32>
        %add3A_851 = arith.addi %add3A_810, %add3A_850 : vector<16xi32>
        %gather3A_852 = tpu.vector_load_idx %arg6[%add3A_851] : memref<107816xf32, #tpu.memory_space<vmem>>[vector<16xi32>], vector<16xf32>,
        %mul3A_853 = arith.mulf %mul3A_705, %gather3A_852 : vector<16xf32>
        %add3A_854 = arith.addf %add3A_848, %mul3A_853 : vector<16xf32>
        %add3A_855 = arith.constant 2048 : i32
        %add3A_856 = arith.addi %add3A_855, %mul3A_490 : i32
        %swap3A_857 = arith.index_cast %add3A_856 : i32 to index
        %swap3A_858 = tpu.vector_load %arg10[%swap3A_857] {strides = array<i32>} : memref<3072xf32, #tpu.memory_space<vmem>>, vector<16xf32>,
        tpu.vector_store %arg10[%swap3A_857], %add3A_854 {strides = array<i32>} : memref<3072xf32, #tpu.memory_space<vmem>>, vector<16xf32>,
      }
      %scan3A_79 = arith.constant 64 : i32
      %add3A_80 = arith.addi %add3A_35, %add3A_67 : i32
      %mul3A_81 = arith.constant 3072 : i32
      %mul3A_82 = arith.muli %add3A_80, %mul3A_81 : i32
      %dma_start3A_83 = tpu.memref_slice %arg5[%mul3A_82] : memref<12582912xf32, #tpu.memory_space<hbm>> -> memref<3072xf32, #tpu.memory_space<hbm>>
      %dma_start3A_84 = tpu.memref_slice %arg5[%mul3A_82] : memref<12582912xf32, #tpu.memory_space<hbm>> -> memref<3072xf32, #tpu.memory_space<hbm>>
      tpu.enqueue_dma source(%arg10 : memref<3072xf32, #tpu.memory_space<vmem>>) target(%dma_start3A_84 : memref<3072xf32, #tpu.memory_space<hbm>>) target_semaphore(%arg14 : memref<!tpu.dma_semaphore, #tpu.memory_space<semaphore_mem>>)
      %add3A_85 = arith.constant 2 : i32
      %add3A_86 = arith.addi %add3A_67, %add3A_85 : i32
      %lt3A_87 = arith.constant 128 : i32
      %lt3A_88 = arith.cmpi slt, %add3A_86, %lt3A_87 : i32
      %convert_element_type3A_89 = arith.extui %lt3A_88 : i1 to i32
      %cond3A_90 = arith.constant 0 : i32
      %cond3A_91 = arith.cmpi ne, %convert_element_type3A_89, %cond3A_90 : i32
      scf.if %cond3A_91 {
        %add3A_123 = arith.constant 2 : i32
        %add3A_124 = arith.addi %add3A_67, %add3A_123 : i32
        %add3A_125 = arith.addi %add3A_35, %add3A_124 : i32
        %mul3A_126 = arith.constant 3072 : i32
        %mul3A_127 = arith.muli %add3A_125, %mul3A_126 : i32
        %dma_start3A_128 = tpu.memref_slice %arg2[%mul3A_127] : memref<12582912xf32, #tpu.memory_space<hbm>> -> memref<3072xf32, #tpu.memory_space<hbm>>
        %dma_start3A_129 = tpu.memref_slice %arg2[%mul3A_127] : memref<12582912xf32, #tpu.memory_space<hbm>> -> memref<3072xf32, #tpu.memory_space<hbm>>
        tpu.enqueue_dma source(%dma_start3A_129 : memref<3072xf32, #tpu.memory_space<hbm>>) target(%arg8 : memref<3072xf32, #tpu.memory_space<vmem>>) target_semaphore(%arg12 : memref<!tpu.dma_semaphore, #tpu.memory_space<semaphore_mem>>)
      } else {
      }
      %mul3A_92 = arith.constant 2 : i32
      %mul3A_93 = arith.muli %mul3A_92, %scan3A_63 : i32
      %add3A_94 = arith.constant 1 : i32
      %add3A_95 = arith.addi %mul3A_93, %add3A_94 : i32
      %dma_wait3A_96 = arith.constant 0 : i32
      %dma_wait3A_97 = tpu.memref_slice %arg2[%dma_wait3A_96] : memref<12582912xf32, #tpu.memory_space<hbm>> -> memref<3072xf32, #tpu.memory_space<hbm>>
      %dma_wait3A_98 = arith.constant 0 : i32
      %dma_wait3A_99 = tpu.memref_slice %arg2[%dma_wait3A_98] : memref<12582912xf32, #tpu.memory_space<hbm>> -> memref<3072xf32, #tpu.memory_space<hbm>>
      tpu.wait_dma2 semaphore(%arg13 : memref<!tpu.dma_semaphore, #tpu.memory_space<semaphore_mem>>) src(%dma_wait3A_99 : memref<3072xf32, #tpu.memory_space<hbm>>) dst(%arg9 : memref<3072xf32, #tpu.memory_space<vmem>>)
      %gt3A_100 = arith.constant 0 : i32
      %gt3A_101 = arith.cmpi sgt, %scan3A_63, %gt3A_100 : i32
      %convert_element_type3A_102 = arith.extui %gt3A_101 : i1 to i32
      %cond3A_103 = arith.constant 0 : i32
      %cond3A_104 = arith.cmpi ne, %convert_element_type3A_102, %cond3A_103 : i32
      scf.if %cond3A_104 {
        %dma_wait3A_123 = arith.constant 0 : i32
        %dma_wait3A_124 = tpu.memref_slice %arg5[%dma_wait3A_123] : memref<12582912xf32, #tpu.memory_space<hbm>> -> memref<3072xf32, #tpu.memory_space<hbm>>
        %dma_wait3A_125 = arith.constant 0 : i32
        %dma_wait3A_126 = tpu.memref_slice %arg5[%dma_wait3A_125] : memref<12582912xf32, #tpu.memory_space<hbm>> -> memref<3072xf32, #tpu.memory_space<hbm>>
        tpu.wait_dma2 semaphore(%arg15 : memref<!tpu.dma_semaphore, #tpu.memory_space<semaphore_mem>>) src(%arg11 : memref<3072xf32, #tpu.memory_space<vmem>>) dst(%dma_wait3A_126 : memref<3072xf32, #tpu.memory_space<hbm>>)
      } else {
      }
      %scan3A_105 = arith.constant 0 : i32
      %scan3A_106 = arith.constant 0 : i32
      %scan3A_107 = arith.constant 64 : i32
      %scan3A_108 = arith.addi %scan3A_106, %scan3A_107 : i32
      %scan3A_109 = arith.constant 2 : i32
      scf.for %scan3A_123 = %scan3A_106 to %scan3A_108 step %scan3A_109  : i32 {
        %mul3A_124 = arith.constant 16 : i32
        %mul3A_125 = arith.muli %scan3A_123, %mul3A_124 : i32
        %add3A_126 = arith.constant 0 : i32
        %add3A_127 = arith.addi %add3A_126, %mul3A_125 : i32
        %get3A = arith.index_cast %add3A_127 : i32 to index
        %get3A_128 = tpu.vector_load %arg9[%get3A] {strides = array<i32>} : memref<3072xf32, #tpu.memory_space<vmem>>, vector<16xf32>,
        %broadcast_in_dim3A = arith.constant 0 : i32
        %broadcast_in_dim3A_129 = vector.broadcast %broadcast_in_dim3A : i32 to vector<16xi32>
        %broadcast_in_dim3A_130 = arith.constant 0 : i32
        %broadcast_in_dim3A_131 = vector.broadcast %broadcast_in_dim3A_130 : i32 to vector<16xi32>
        %add3A_132 = arith.constant 16 : i32
        %add3A_133 = vector.broadcast %add3A_132 : i32 to vector<16xi32>
        %add3A_134 = arith.addi %broadcast_in_dim3A_131, %add3A_133 : vector<16xi32>
        %add3A_135 = arith.addi %add3A_134, %broadcast_in_dim3A_129 : vector<16xi32>
        %gather3A = tpu.vector_load_idx %arg7[%add3A_135] : memref<128xf32, #tpu.memory_space<vmem>>[vector<16xi32>], vector<16xf32>,
        %le3A = arith.cmpf ole, %gather3A, %get3A_128 : vector<16xf32>
        %select_n3A_136 = arith.select %le3A, %add3A_134, %broadcast_in_dim3A_131 : vector<16xi1>, vector<16xi32>
        %add3A_137 = arith.constant 8 : i32
        %add3A_138 = vector.broadcast %add3A_137 : i32 to vector<16xi32>
        %add3A_139 = arith.addi %select_n3A_136, %add3A_138 : vector<16xi32>
        %add3A_140 = arith.addi %add3A_139, %broadcast_in_dim3A_129 : vector<16xi32>
        %gather3A_141 = tpu.vector_load_idx %arg7[%add3A_140] : memref<128xf32, #tpu.memory_space<vmem>>[vector<16xi32>], vector<16xf32>,
        %le3A_142 = arith.cmpf ole, %gather3A_141, %get3A_128 : vector<16xf32>
        %select_n3A_143 = arith.select %le3A_142, %add3A_139, %select_n3A_136 : vector<16xi1>, vector<16xi32>
        %add3A_144 = arith.constant 4 : i32
        %add3A_145 = vector.broadcast %add3A_144 : i32 to vector<16xi32>
        %add3A_146 = arith.addi %select_n3A_143, %add3A_145 : vector<16xi32>
        %add3A_147 = arith.addi %add3A_146, %broadcast_in_dim3A_129 : vector<16xi32>
        %gather3A_148 = tpu.vector_load_idx %arg7[%add3A_147] : memref<128xf32, #tpu.memory_space<vmem>>[vector<16xi32>], vector<16xf32>,
        %le3A_149 = arith.cmpf ole, %gather3A_148, %get3A_128 : vector<16xf32>
        %select_n3A_150 = arith.select %le3A_149, %add3A_146, %select_n3A_143 : vector<16xi1>, vector<16xi32>
        %add3A_151 = arith.constant 2 : i32
        %add3A_152 = vector.broadcast %add3A_151 : i32 to vector<16xi32>
        %add3A_153 = arith.addi %select_n3A_150, %add3A_152 : vector<16xi32>
        %add3A_154 = arith.addi %add3A_153, %broadcast_in_dim3A_129 : vector<16xi32>
        %gather3A_155 = tpu.vector_load_idx %arg7[%add3A_154] : memref<128xf32, #tpu.memory_space<vmem>>[vector<16xi32>], vector<16xf32>,
        %le3A_156 = arith.cmpf ole, %gather3A_155, %get3A_128 : vector<16xf32>
        %select_n3A_157 = arith.select %le3A_156, %add3A_153, %select_n3A_150 : vector<16xi1>, vector<16xi32>
        %add3A_158 = arith.constant 1 : i32
        %add3A_159 = vector.broadcast %add3A_158 : i32 to vector<16xi32>
        %add3A_160 = arith.addi %select_n3A_157, %add3A_159 : vector<16xi32>
        %add3A_161 = arith.addi %add3A_160, %broadcast_in_dim3A_129 : vector<16xi32>
        %gather3A_162 = tpu.vector_load_idx %arg7[%add3A_161] : memref<128xf32, #tpu.memory_space<vmem>>[vector<16xi32>], vector<16xf32>,
        %le3A_163 = arith.cmpf ole, %gather3A_162, %get3A_128 : vector<16xf32>
        %select_n3A_164 = arith.select %le3A_163, %add3A_160, %select_n3A_157 : vector<16xi1>, vector<16xi32>
        %add3A_165 = arith.addi %select_n3A_164, %broadcast_in_dim3A_129 : vector<16xi32>
        %gather3A_166 = tpu.vector_load_idx %arg7[%add3A_165] : memref<128xf32, #tpu.memory_space<vmem>>[vector<16xi32>], vector<16xf32>,
        %add3A_167 = arith.addi %select_n3A_164, %broadcast_in_dim3A_129 : vector<16xi32>
        %add3A_168 = arith.constant 1 : i32
        %add3A_169 = vector.broadcast %add3A_168 : i32 to vector<16xi32>
        %add3A_170 = arith.addi %add3A_167, %add3A_169 : vector<16xi32>
        %gather3A_171 = tpu.vector_load_idx %arg7[%add3A_170] : memref<128xf32, #tpu.memory_space<vmem>>[vector<16xi32>], vector<16xf32>,
        %sub3A_172 = arith.subf %get3A_128, %gather3A_166 : vector<16xf32>
        %sub3A_173 = arith.subf %gather3A_171, %gather3A_166 : vector<16xf32>
        %max3A = arith.constant 1.000000e-10 : f32
        %max3A_174 = vector.broadcast %max3A : f32 to vector<16xf32>
        %max3A_175 = arith.maximumf %sub3A_173, %max3A_174 : vector<16xf32>
        %div3A_176 = arith.divf %sub3A_172, %max3A_175 : vector<16xf32>
        %jit3A_177 = arith.constant 0.000000e+00 : f32
        %jit3A_178 = arith.constant 1.000000e+00 : f32
        %max3A_179 = vector.broadcast %jit3A_177 : f32 to vector<16xf32>
        %max3A_180 = arith.maximumf %max3A_179, %div3A_176 : vector<16xf32>
        %min3A = vector.broadcast %jit3A_178 : f32 to vector<16xf32>
        %min3A_181 = arith.minimumf %min3A, %max3A_180 : vector<16xf32>
        %add3A_182 = arith.constant 1024 : i32
        %add3A_183 = arith.addi %add3A_182, %mul3A_125 : i32
        %get3A_184 = arith.index_cast %add3A_183 : i32 to index
        %get3A_185 = tpu.vector_load %arg9[%get3A_184] {strides = array<i32>} : memref<3072xf32, #tpu.memory_space<vmem>>, vector<16xf32>,
        %broadcast_in_dim3A_186 = arith.constant 33 : i32
        %broadcast_in_dim3A_187 = vector.broadcast %broadcast_in_dim3A_186 : i32 to vector<16xi32>
        %broadcast_in_dim3A_188 = arith.constant 0 : i32
        %broadcast_in_dim3A_189 = vector.broadcast %broadcast_in_dim3A_188 : i32 to vector<16xi32>
        %add3A_190 = arith.constant 16 : i32
        %add3A_191 = vector.broadcast %add3A_190 : i32 to vector<16xi32>
        %add3A_192 = arith.addi %broadcast_in_dim3A_189, %add3A_191 : vector<16xi32>
        %add3A_193 = arith.addi %add3A_192, %broadcast_in_dim3A_187 : vector<16xi32>
        %gather3A_194 = tpu.vector_load_idx %arg7[%add3A_193] : memref<128xf32, #tpu.memory_space<vmem>>[vector<16xi32>], vector<16xf32>,
        %le3A_195 = arith.cmpf ole, %gather3A_194, %get3A_185 : vector<16xf32>
        %select_n3A_196 = arith.select %le3A_195, %add3A_192, %broadcast_in_dim3A_189 : vector<16xi1>, vector<16xi32>
        %add3A_197 = arith.constant 8 : i32
        %add3A_198 = vector.broadcast %add3A_197 : i32 to vector<16xi32>
        %add3A_199 = arith.addi %select_n3A_196, %add3A_198 : vector<16xi32>
        %add3A_200 = arith.addi %add3A_199, %broadcast_in_dim3A_187 : vector<16xi32>
        %gather3A_201 = tpu.vector_load_idx %arg7[%add3A_200] : memref<128xf32, #tpu.memory_space<vmem>>[vector<16xi32>], vector<16xf32>,
        %le3A_202 = arith.cmpf ole, %gather3A_201, %get3A_185 : vector<16xf32>
        %select_n3A_203 = arith.select %le3A_202, %add3A_199, %select_n3A_196 : vector<16xi1>, vector<16xi32>
        %add3A_204 = arith.constant 4 : i32
        %add3A_205 = vector.broadcast %add3A_204 : i32 to vector<16xi32>
        %add3A_206 = arith.addi %select_n3A_203, %add3A_205 : vector<16xi32>
        %add3A_207 = arith.addi %add3A_206, %broadcast_in_dim3A_187 : vector<16xi32>
        %gather3A_208 = tpu.vector_load_idx %arg7[%add3A_207] : memref<128xf32, #tpu.memory_space<vmem>>[vector<16xi32>], vector<16xf32>,
        %le3A_209 = arith.cmpf ole, %gather3A_208, %get3A_185 : vector<16xf32>
        %select_n3A_210 = arith.select %le3A_209, %add3A_206, %select_n3A_203 : vector<16xi1>, vector<16xi32>
        %add3A_211 = arith.constant 2 : i32
        %add3A_212 = vector.broadcast %add3A_211 : i32 to vector<16xi32>
        %add3A_213 = arith.addi %select_n3A_210, %add3A_212 : vector<16xi32>
        %add3A_214 = arith.addi %add3A_213, %broadcast_in_dim3A_187 : vector<16xi32>
        %gather3A_215 = tpu.vector_load_idx %arg7[%add3A_214] : memref<128xf32, #tpu.memory_space<vmem>>[vector<16xi32>], vector<16xf32>,
        %le3A_216 = arith.cmpf ole, %gather3A_215, %get3A_185 : vector<16xf32>
        %select_n3A_217 = arith.select %le3A_216, %add3A_213, %select_n3A_210 : vector<16xi1>, vector<16xi32>
        %add3A_218 = arith.constant 1 : i32
        %add3A_219 = vector.broadcast %add3A_218 : i32 to vector<16xi32>
        %add3A_220 = arith.addi %select_n3A_217, %add3A_219 : vector<16xi32>
        %add3A_221 = arith.addi %add3A_220, %broadcast_in_dim3A_187 : vector<16xi32>
        %gather3A_222 = tpu.vector_load_idx %arg7[%add3A_221] : memref<128xf32, #tpu.memory_space<vmem>>[vector<16xi32>], vector<16xf32>,
        %le3A_223 = arith.cmpf ole, %gather3A_222, %get3A_185 : vector<16xf32>
        %select_n3A_224 = arith.select %le3A_223, %add3A_220, %select_n3A_217 : vector<16xi1>, vector<16xi32>
        %add3A_225 = arith.addi %select_n3A_224, %broadcast_in_dim3A_187 : vector<16xi32>
        %gather3A_226 = tpu.vector_load_idx %arg7[%add3A_225] : memref<128xf32, #tpu.memory_space<vmem>>[vector<16xi32>], vector<16xf32>,
        %add3A_227 = arith.addi %select_n3A_224, %broadcast_in_dim3A_187 : vector<16xi32>
        %add3A_228 = arith.constant 1 : i32
        %add3A_229 = vector.broadcast %add3A_228 : i32 to vector<16xi32>
        %add3A_230 = arith.addi %add3A_227, %add3A_229 : vector<16xi32>
        %gather3A_231 = tpu.vector_load_idx %arg7[%add3A_230] : memref<128xf32, #tpu.memory_space<vmem>>[vector<16xi32>], vector<16xf32>,
        %sub3A_232 = arith.subf %get3A_185, %gather3A_226 : vector<16xf32>
        %sub3A_233 = arith.subf %gather3A_231, %gather3A_226 : vector<16xf32>
        %max3A_234 = arith.constant 1.000000e-10 : f32
        %max3A_235 = vector.broadcast %max3A_234 : f32 to vector<16xf32>
        %max3A_236 = arith.maximumf %sub3A_233, %max3A_235 : vector<16xf32>
        %div3A_237 = arith.divf %sub3A_232, %max3A_236 : vector<16xf32>
        %jit3A_238 = arith.constant 0.000000e+00 : f32
        %jit3A_239 = arith.constant 1.000000e+00 : f32
        %max3A_240 = vector.broadcast %jit3A_238 : f32 to vector<16xf32>
        %max3A_241 = arith.maximumf %max3A_240, %div3A_237 : vector<16xf32>
        %min3A_242 = vector.broadcast %jit3A_239 : f32 to vector<16xf32>
        %min3A_243 = arith.minimumf %min3A_242, %max3A_241 : vector<16xf32>
        %add3A_244 = arith.constant 2048 : i32
        %add3A_245 = arith.addi %add3A_244, %mul3A_125 : i32
        %get3A_246 = arith.index_cast %add3A_245 : i32 to index
        %get3A_247 = tpu.vector_load %arg9[%get3A_246] {strides = array<i32>} : memref<3072xf32, #tpu.memory_space<vmem>>, vector<16xf32>,
        %broadcast_in_dim3A_248 = arith.constant 66 : i32
        %broadcast_in_dim3A_249 = vector.broadcast %broadcast_in_dim3A_248 : i32 to vector<16xi32>
        %broadcast_in_dim3A_250 = arith.constant 0 : i32
        %broadcast_in_dim3A_251 = vector.broadcast %broadcast_in_dim3A_250 : i32 to vector<16xi32>
        %add3A_252 = arith.constant 16 : i32
        %add3A_253 = vector.broadcast %add3A_252 : i32 to vector<16xi32>
        %add3A_254 = arith.addi %broadcast_in_dim3A_251, %add3A_253 : vector<16xi32>
        %add3A_255 = arith.addi %add3A_254, %broadcast_in_dim3A_249 : vector<16xi32>
        %gather3A_256 = tpu.vector_load_idx %arg7[%add3A_255] : memref<128xf32, #tpu.memory_space<vmem>>[vector<16xi32>], vector<16xf32>,
        %le3A_257 = arith.cmpf ole, %gather3A_256, %get3A_247 : vector<16xf32>
        %select_n3A_258 = arith.select %le3A_257, %add3A_254, %broadcast_in_dim3A_251 : vector<16xi1>, vector<16xi32>
        %add3A_259 = arith.constant 8 : i32
        %add3A_260 = vector.broadcast %add3A_259 : i32 to vector<16xi32>
        %add3A_261 = arith.addi %select_n3A_258, %add3A_260 : vector<16xi32>
        %add3A_262 = arith.addi %add3A_261, %broadcast_in_dim3A_249 : vector<16xi32>
        %gather3A_263 = tpu.vector_load_idx %arg7[%add3A_262] : memref<128xf32, #tpu.memory_space<vmem>>[vector<16xi32>], vector<16xf32>,
        %le3A_264 = arith.cmpf ole, %gather3A_263, %get3A_247 : vector<16xf32>
        %select_n3A_265 = arith.select %le3A_264, %add3A_261, %select_n3A_258 : vector<16xi1>, vector<16xi32>
        %add3A_266 = arith.constant 4 : i32
        %add3A_267 = vector.broadcast %add3A_266 : i32 to vector<16xi32>
        %add3A_268 = arith.addi %select_n3A_265, %add3A_267 : vector<16xi32>
        %add3A_269 = arith.addi %add3A_268, %broadcast_in_dim3A_249 : vector<16xi32>
        %gather3A_270 = tpu.vector_load_idx %arg7[%add3A_269] : memref<128xf32, #tpu.memory_space<vmem>>[vector<16xi32>], vector<16xf32>,
        %le3A_271 = arith.cmpf ole, %gather3A_270, %get3A_247 : vector<16xf32>
        %select_n3A_272 = arith.select %le3A_271, %add3A_268, %select_n3A_265 : vector<16xi1>, vector<16xi32>
        %add3A_273 = arith.constant 2 : i32
        %add3A_274 = vector.broadcast %add3A_273 : i32 to vector<16xi32>
        %add3A_275 = arith.addi %select_n3A_272, %add3A_274 : vector<16xi32>
        %add3A_276 = arith.addi %add3A_275, %broadcast_in_dim3A_249 : vector<16xi32>
        %gather3A_277 = tpu.vector_load_idx %arg7[%add3A_276] : memref<128xf32, #tpu.memory_space<vmem>>[vector<16xi32>], vector<16xf32>,
        %le3A_278 = arith.cmpf ole, %gather3A_277, %get3A_247 : vector<16xf32>
        %select_n3A_279 = arith.select %le3A_278, %add3A_275, %select_n3A_272 : vector<16xi1>, vector<16xi32>
        %add3A_280 = arith.constant 1 : i32
        %add3A_281 = vector.broadcast %add3A_280 : i32 to vector<16xi32>
        %add3A_282 = arith.addi %select_n3A_279, %add3A_281 : vector<16xi32>
        %add3A_283 = arith.addi %add3A_282, %broadcast_in_dim3A_249 : vector<16xi32>
        %gather3A_284 = tpu.vector_load_idx %arg7[%add3A_283] : memref<128xf32, #tpu.memory_space<vmem>>[vector<16xi32>], vector<16xf32>,
        %le3A_285 = arith.cmpf ole, %gather3A_284, %get3A_247 : vector<16xf32>
        %select_n3A_286 = arith.select %le3A_285, %add3A_282, %select_n3A_279 : vector<16xi1>, vector<16xi32>
        %add3A_287 = arith.addi %select_n3A_286, %broadcast_in_dim3A_249 : vector<16xi32>
        %gather3A_288 = tpu.vector_load_idx %arg7[%add3A_287] : memref<128xf32, #tpu.memory_space<vmem>>[vector<16xi32>], vector<16xf32>,
        %add3A_289 = arith.addi %select_n3A_286, %broadcast_in_dim3A_249 : vector<16xi32>
        %add3A_290 = arith.constant 1 : i32
        %add3A_291 = vector.broadcast %add3A_290 : i32 to vector<16xi32>
        %add3A_292 = arith.addi %add3A_289, %add3A_291 : vector<16xi32>
        %gather3A_293 = tpu.vector_load_idx %arg7[%add3A_292] : memref<128xf32, #tpu.memory_space<vmem>>[vector<16xi32>], vector<16xf32>,
        %sub3A_294 = arith.subf %get3A_247, %gather3A_288 : vector<16xf32>
        %sub3A_295 = arith.subf %gather3A_293, %gather3A_288 : vector<16xf32>
        %max3A_296 = arith.constant 1.000000e-10 : f32
        %max3A_297 = vector.broadcast %max3A_296 : f32 to vector<16xf32>
        %max3A_298 = arith.maximumf %sub3A_295, %max3A_297 : vector<16xf32>
        %div3A_299 = arith.divf %sub3A_294, %max3A_298 : vector<16xf32>
        %jit3A_300 = arith.constant 0.000000e+00 : f32
        %jit3A_301 = arith.constant 1.000000e+00 : f32
        %max3A_302 = vector.broadcast %jit3A_300 : f32 to vector<16xf32>
        %max3A_303 = arith.maximumf %max3A_302, %div3A_299 : vector<16xf32>
        %min3A_304 = vector.broadcast %jit3A_301 : f32 to vector<16xf32>
        %min3A_305 = arith.minimumf %min3A_304, %max3A_303 : vector<16xf32>
        %mul3A_306 = arith.constant 1089 : i32
        %mul3A_307 = vector.broadcast %mul3A_306 : i32 to vector<16xi32>
        %mul3A_308 = arith.muli %select_n3A_286, %mul3A_307 : vector<16xi32>
        %mul3A_309 = arith.constant 33 : i32
        %mul3A_310 = vector.broadcast %mul3A_309 : i32 to vector<16xi32>
        %mul3A_311 = arith.muli %select_n3A_224, %mul3A_310 : vector<16xi32>
        %add3A_312 = arith.addi %mul3A_308, %mul3A_311 : vector<16xi32>
        %add3A_313 = arith.addi %add3A_312, %select_n3A_164 : vector<16xi32>
        %sub3A_314 = arith.constant 1.000000e+00 : f32
        %sub3A_315 = vector.broadcast %sub3A_314 : f32 to vector<16xf32>
        %sub3A_316 = arith.subf %sub3A_315, %min3A_181 : vector<16xf32>
        %sub3A_317 = arith.constant 1.000000e+00 : f32
        %sub3A_318 = vector.broadcast %sub3A_317 : f32 to vector<16xf32>
        %sub3A_319 = arith.subf %sub3A_318, %min3A_243 : vector<16xf32>
        %sub3A_320 = arith.constant 1.000000e+00 : f32
        %sub3A_321 = vector.broadcast %sub3A_320 : f32 to vector<16xf32>
        %sub3A_322 = arith.subf %sub3A_321, %min3A_305 : vector<16xf32>
        %mul3A_323 = arith.mulf %sub3A_322, %sub3A_319 : vector<16xf32>
        %mul3A_324 = arith.mulf %sub3A_322, %min3A_243 : vector<16xf32>
        %mul3A_325 = arith.mulf %min3A_305, %sub3A_319 : vector<16xf32>
        %mul3A_326 = arith.mulf %min3A_305, %min3A_243 : vector<16xf32>
        %mul3A_327 = arith.mulf %mul3A_323, %sub3A_316 : vector<16xf32>
        %mul3A_328 = arith.mulf %mul3A_323, %min3A_181 : vector<16xf32>
        %mul3A_329 = arith.mulf %mul3A_324, %sub3A_316 : vector<16xf32>
        %mul3A_330 = arith.mulf %mul3A_324, %min3A_181 : vector<16xf32>
        %mul3A_331 = arith.mulf %mul3A_325, %sub3A_316 : vector<16xf32>
        %mul3A_332 = arith.mulf %mul3A_325, %min3A_181 : vector<16xf32>
        %mul3A_333 = arith.mulf %mul3A_326, %sub3A_316 : vector<16xf32>
        %mul3A_334 = arith.mulf %mul3A_326, %min3A_181 : vector<16xf32>
        %add3A_335 = arith.constant 0 : i32
        %add3A_336 = vector.broadcast %add3A_335 : i32 to vector<16xi32>
        %add3A_337 = arith.addi %add3A_313, %add3A_336 : vector<16xi32>
        %gather3A_338 = tpu.vector_load_idx %arg6[%add3A_337] : memref<107816xf32, #tpu.memory_space<vmem>>[vector<16xi32>], vector<16xf32>,
        %mul3A_339 = arith.mulf %mul3A_327, %gather3A_338 : vector<16xf32>
        %add3A_340 = arith.constant 1 : i32
        %add3A_341 = vector.broadcast %add3A_340 : i32 to vector<16xi32>
        %add3A_342 = arith.addi %add3A_337, %add3A_341 : vector<16xi32>
        %gather3A_343 = tpu.vector_load_idx %arg6[%add3A_342] : memref<107816xf32, #tpu.memory_space<vmem>>[vector<16xi32>], vector<16xf32>,
        %mul3A_344 = arith.mulf %mul3A_328, %gather3A_343 : vector<16xf32>
        %add3A_345 = arith.addf %mul3A_339, %mul3A_344 : vector<16xf32>
        %add3A_346 = arith.constant 33 : i32
        %add3A_347 = vector.broadcast %add3A_346 : i32 to vector<16xi32>
        %add3A_348 = arith.addi %add3A_337, %add3A_347 : vector<16xi32>
        %gather3A_349 = tpu.vector_load_idx %arg6[%add3A_348] : memref<107816xf32, #tpu.memory_space<vmem>>[vector<16xi32>], vector<16xf32>,
        %mul3A_350 = arith.mulf %mul3A_329, %gather3A_349 : vector<16xf32>
        %add3A_351 = arith.addf %add3A_345, %mul3A_350 : vector<16xf32>
        %add3A_352 = arith.constant 34 : i32
        %add3A_353 = vector.broadcast %add3A_352 : i32 to vector<16xi32>
        %add3A_354 = arith.addi %add3A_337, %add3A_353 : vector<16xi32>
        %gather3A_355 = tpu.vector_load_idx %arg6[%add3A_354] : memref<107816xf32, #tpu.memory_space<vmem>>[vector<16xi32>], vector<16xf32>,
        %mul3A_356 = arith.mulf %mul3A_330, %gather3A_355 : vector<16xf32>
        %add3A_357 = arith.addf %add3A_351, %mul3A_356 : vector<16xf32>
        %add3A_358 = arith.constant 1089 : i32
        %add3A_359 = vector.broadcast %add3A_358 : i32 to vector<16xi32>
        %add3A_360 = arith.addi %add3A_337, %add3A_359 : vector<16xi32>
        %gather3A_361 = tpu.vector_load_idx %arg6[%add3A_360] : memref<107816xf32, #tpu.memory_space<vmem>>[vector<16xi32>], vector<16xf32>,
        %mul3A_362 = arith.mulf %mul3A_331, %gather3A_361 : vector<16xf32>
        %add3A_363 = arith.addf %add3A_357, %mul3A_362 : vector<16xf32>
        %add3A_364 = arith.constant 1090 : i32
        %add3A_365 = vector.broadcast %add3A_364 : i32 to vector<16xi32>
        %add3A_366 = arith.addi %add3A_337, %add3A_365 : vector<16xi32>
        %gather3A_367 = tpu.vector_load_idx %arg6[%add3A_366] : memref<107816xf32, #tpu.memory_space<vmem>>[vector<16xi32>], vector<16xf32>,
        %mul3A_368 = arith.mulf %mul3A_332, %gather3A_367 : vector<16xf32>
        %add3A_369 = arith.addf %add3A_363, %mul3A_368 : vector<16xf32>
        %add3A_370 = arith.constant 1122 : i32
        %add3A_371 = vector.broadcast %add3A_370 : i32 to vector<16xi32>
        %add3A_372 = arith.addi %add3A_337, %add3A_371 : vector<16xi32>
        %gather3A_373 = tpu.vector_load_idx %arg6[%add3A_372] : memref<107816xf32, #tpu.memory_space<vmem>>[vector<16xi32>], vector<16xf32>,
        %mul3A_374 = arith.mulf %mul3A_333, %gather3A_373 : vector<16xf32>
        %add3A_375 = arith.addf %add3A_369, %mul3A_374 : vector<16xf32>
        %add3A_376 = arith.constant 1123 : i32
        %add3A_377 = vector.broadcast %add3A_376 : i32 to vector<16xi32>
        %add3A_378 = arith.addi %add3A_337, %add3A_377 : vector<16xi32>
        %gather3A_379 = tpu.vector_load_idx %arg6[%add3A_378] : memref<107816xf32, #tpu.memory_space<vmem>>[vector<16xi32>], vector<16xf32>,
        %mul3A_380 = arith.mulf %mul3A_334, %gather3A_379 : vector<16xf32>
        %add3A_381 = arith.addf %add3A_375, %mul3A_380 : vector<16xf32>
        %add3A_382 = arith.constant 0 : i32
        %add3A_383 = arith.addi %add3A_382, %mul3A_125 : i32
        %swap3A = arith.index_cast %add3A_383 : i32 to index
        %swap3A_384 = tpu.vector_load %arg11[%swap3A] {strides = array<i32>} : memref<3072xf32, #tpu.memory_space<vmem>>, vector<16xf32>,
        tpu.vector_store %arg11[%swap3A], %add3A_381 {strides = array<i32>} : memref<3072xf32, #tpu.memory_space<vmem>>, vector<16xf32>,
        %add3A_385 = arith.constant 35937 : i32
        %add3A_386 = vector.broadcast %add3A_385 : i32 to vector<16xi32>
        %add3A_387 = arith.addi %add3A_313, %add3A_386 : vector<16xi32>
        %gather3A_388 = tpu.vector_load_idx %arg6[%add3A_387] : memref<107816xf32, #tpu.memory_space<vmem>>[vector<16xi32>], vector<16xf32>,
        %mul3A_389 = arith.mulf %mul3A_327, %gather3A_388 : vector<16xf32>
        %add3A_390 = arith.constant 1 : i32
        %add3A_391 = vector.broadcast %add3A_390 : i32 to vector<16xi32>
        %add3A_392 = arith.addi %add3A_387, %add3A_391 : vector<16xi32>
        %gather3A_393 = tpu.vector_load_idx %arg6[%add3A_392] : memref<107816xf32, #tpu.memory_space<vmem>>[vector<16xi32>], vector<16xf32>,
        %mul3A_394 = arith.mulf %mul3A_328, %gather3A_393 : vector<16xf32>
        %add3A_395 = arith.addf %mul3A_389, %mul3A_394 : vector<16xf32>
        %add3A_396 = arith.constant 33 : i32
        %add3A_397 = vector.broadcast %add3A_396 : i32 to vector<16xi32>
        %add3A_398 = arith.addi %add3A_387, %add3A_397 : vector<16xi32>
        %gather3A_399 = tpu.vector_load_idx %arg6[%add3A_398] : memref<107816xf32, #tpu.memory_space<vmem>>[vector<16xi32>], vector<16xf32>,
        %mul3A_400 = arith.mulf %mul3A_329, %gather3A_399 : vector<16xf32>
        %add3A_401 = arith.addf %add3A_395, %mul3A_400 : vector<16xf32>
        %add3A_402 = arith.constant 34 : i32
        %add3A_403 = vector.broadcast %add3A_402 : i32 to vector<16xi32>
        %add3A_404 = arith.addi %add3A_387, %add3A_403 : vector<16xi32>
        %gather3A_405 = tpu.vector_load_idx %arg6[%add3A_404] : memref<107816xf32, #tpu.memory_space<vmem>>[vector<16xi32>], vector<16xf32>,
        %mul3A_406 = arith.mulf %mul3A_330, %gather3A_405 : vector<16xf32>
        %add3A_407 = arith.addf %add3A_401, %mul3A_406 : vector<16xf32>
        %add3A_408 = arith.constant 1089 : i32
        %add3A_409 = vector.broadcast %add3A_408 : i32 to vector<16xi32>
        %add3A_410 = arith.addi %add3A_387, %add3A_409 : vector<16xi32>
        %gather3A_411 = tpu.vector_load_idx %arg6[%add3A_410] : memref<107816xf32, #tpu.memory_space<vmem>>[vector<16xi32>], vector<16xf32>,
        %mul3A_412 = arith.mulf %mul3A_331, %gather3A_411 : vector<16xf32>
        %add3A_413 = arith.addf %add3A_407, %mul3A_412 : vector<16xf32>
        %add3A_414 = arith.constant 1090 : i32
        %add3A_415 = vector.broadcast %add3A_414 : i32 to vector<16xi32>
        %add3A_416 = arith.addi %add3A_387, %add3A_415 : vector<16xi32>
        %gather3A_417 = tpu.vector_load_idx %arg6[%add3A_416] : memref<107816xf32, #tpu.memory_space<vmem>>[vector<16xi32>], vector<16xf32>,
        %mul3A_418 = arith.mulf %mul3A_332, %gather3A_417 : vector<16xf32>
        %add3A_419 = arith.addf %add3A_413, %mul3A_418 : vector<16xf32>
        %add3A_420 = arith.constant 1122 : i32
        %add3A_421 = vector.broadcast %add3A_420 : i32 to vector<16xi32>
        %add3A_422 = arith.addi %add3A_387, %add3A_421 : vector<16xi32>
        %gather3A_423 = tpu.vector_load_idx %arg6[%add3A_422] : memref<107816xf32, #tpu.memory_space<vmem>>[vector<16xi32>], vector<16xf32>,
        %mul3A_424 = arith.mulf %mul3A_333, %gather3A_423 : vector<16xf32>
        %add3A_425 = arith.addf %add3A_419, %mul3A_424 : vector<16xf32>
        %add3A_426 = arith.constant 1123 : i32
        %add3A_427 = vector.broadcast %add3A_426 : i32 to vector<16xi32>
        %add3A_428 = arith.addi %add3A_387, %add3A_427 : vector<16xi32>
        %gather3A_429 = tpu.vector_load_idx %arg6[%add3A_428] : memref<107816xf32, #tpu.memory_space<vmem>>[vector<16xi32>], vector<16xf32>,
        %mul3A_430 = arith.mulf %mul3A_334, %gather3A_429 : vector<16xf32>
        %add3A_431 = arith.addf %add3A_425, %mul3A_430 : vector<16xf32>
        %add3A_432 = arith.constant 1024 : i32
        %add3A_433 = arith.addi %add3A_432, %mul3A_125 : i32
        %swap3A_434 = arith.index_cast %add3A_433 : i32 to index
        %swap3A_435 = tpu.vector_load %arg11[%swap3A_434] {strides = array<i32>} : memref<3072xf32, #tpu.memory_space<vmem>>, vector<16xf32>,
        tpu.vector_store %arg11[%swap3A_434], %add3A_431 {strides = array<i32>} : memref<3072xf32, #tpu.memory_space<vmem>>, vector<16xf32>,
        %add3A_436 = arith.constant 71874 : i32
        %add3A_437 = vector.broadcast %add3A_436 : i32 to vector<16xi32>
        %add3A_438 = arith.addi %add3A_313, %add3A_437 : vector<16xi32>
        %gather3A_439 = tpu.vector_load_idx %arg6[%add3A_438] : memref<107816xf32, #tpu.memory_space<vmem>>[vector<16xi32>], vector<16xf32>,
        %mul3A_440 = arith.mulf %mul3A_327, %gather3A_439 : vector<16xf32>
        %add3A_441 = arith.constant 1 : i32
        %add3A_442 = vector.broadcast %add3A_441 : i32 to vector<16xi32>
        %add3A_443 = arith.addi %add3A_438, %add3A_442 : vector<16xi32>
        %gather3A_444 = tpu.vector_load_idx %arg6[%add3A_443] : memref<107816xf32, #tpu.memory_space<vmem>>[vector<16xi32>], vector<16xf32>,
        %mul3A_445 = arith.mulf %mul3A_328, %gather3A_444 : vector<16xf32>
        %add3A_446 = arith.addf %mul3A_440, %mul3A_445 : vector<16xf32>
        %add3A_447 = arith.constant 33 : i32
        %add3A_448 = vector.broadcast %add3A_447 : i32 to vector<16xi32>
        %add3A_449 = arith.addi %add3A_438, %add3A_448 : vector<16xi32>
        %gather3A_450 = tpu.vector_load_idx %arg6[%add3A_449] : memref<107816xf32, #tpu.memory_space<vmem>>[vector<16xi32>], vector<16xf32>,
        %mul3A_451 = arith.mulf %mul3A_329, %gather3A_450 : vector<16xf32>
        %add3A_452 = arith.addf %add3A_446, %mul3A_451 : vector<16xf32>
        %add3A_453 = arith.constant 34 : i32
        %add3A_454 = vector.broadcast %add3A_453 : i32 to vector<16xi32>
        %add3A_455 = arith.addi %add3A_438, %add3A_454 : vector<16xi32>
        %gather3A_456 = tpu.vector_load_idx %arg6[%add3A_455] : memref<107816xf32, #tpu.memory_space<vmem>>[vector<16xi32>], vector<16xf32>,
        %mul3A_457 = arith.mulf %mul3A_330, %gather3A_456 : vector<16xf32>
        %add3A_458 = arith.addf %add3A_452, %mul3A_457 : vector<16xf32>
        %add3A_459 = arith.constant 1089 : i32
        %add3A_460 = vector.broadcast %add3A_459 : i32 to vector<16xi32>
        %add3A_461 = arith.addi %add3A_438, %add3A_460 : vector<16xi32>
        %gather3A_462 = tpu.vector_load_idx %arg6[%add3A_461] : memref<107816xf32, #tpu.memory_space<vmem>>[vector<16xi32>], vector<16xf32>,
        %mul3A_463 = arith.mulf %mul3A_331, %gather3A_462 : vector<16xf32>
        %add3A_464 = arith.addf %add3A_458, %mul3A_463 : vector<16xf32>
        %add3A_465 = arith.constant 1090 : i32
        %add3A_466 = vector.broadcast %add3A_465 : i32 to vector<16xi32>
        %add3A_467 = arith.addi %add3A_438, %add3A_466 : vector<16xi32>
        %gather3A_468 = tpu.vector_load_idx %arg6[%add3A_467] : memref<107816xf32, #tpu.memory_space<vmem>>[vector<16xi32>], vector<16xf32>,
        %mul3A_469 = arith.mulf %mul3A_332, %gather3A_468 : vector<16xf32>
        %add3A_470 = arith.addf %add3A_464, %mul3A_469 : vector<16xf32>
        %add3A_471 = arith.constant 1122 : i32
        %add3A_472 = vector.broadcast %add3A_471 : i32 to vector<16xi32>
        %add3A_473 = arith.addi %add3A_438, %add3A_472 : vector<16xi32>
        %gather3A_474 = tpu.vector_load_idx %arg6[%add3A_473] : memref<107816xf32, #tpu.memory_space<vmem>>[vector<16xi32>], vector<16xf32>,
        %mul3A_475 = arith.mulf %mul3A_333, %gather3A_474 : vector<16xf32>
        %add3A_476 = arith.addf %add3A_470, %mul3A_475 : vector<16xf32>
        %add3A_477 = arith.constant 1123 : i32
        %add3A_478 = vector.broadcast %add3A_477 : i32 to vector<16xi32>
        %add3A_479 = arith.addi %add3A_438, %add3A_478 : vector<16xi32>
        %gather3A_480 = tpu.vector_load_idx %arg6[%add3A_479] : memref<107816xf32, #tpu.memory_space<vmem>>[vector<16xi32>], vector<16xf32>,
        %mul3A_481 = arith.mulf %mul3A_334, %gather3A_480 : vector<16xf32>
        %add3A_482 = arith.addf %add3A_476, %mul3A_481 : vector<16xf32>
        %add3A_483 = arith.constant 2048 : i32
        %add3A_484 = arith.addi %add3A_483, %mul3A_125 : i32
        %swap3A_485 = arith.index_cast %add3A_484 : i32 to index
        %swap3A_486 = tpu.vector_load %arg11[%swap3A_485] {strides = array<i32>} : memref<3072xf32, #tpu.memory_space<vmem>>, vector<16xf32>,
        tpu.vector_store %arg11[%swap3A_485], %add3A_482 {strides = array<i32>} : memref<3072xf32, #tpu.memory_space<vmem>>, vector<16xf32>,
        %scan3A_487 = arith.constant 1 : i32
        %scan3A_488 = arith.addi %scan3A_123, %scan3A_487 : i32
        %mul3A_489 = arith.constant 16 : i32
        %mul3A_490 = arith.muli %scan3A_488, %mul3A_489 : i32
        %add3A_491 = arith.constant 0 : i32
        %add3A_492 = arith.addi %add3A_491, %mul3A_490 : i32
        %get3A_493 = arith.index_cast %add3A_492 : i32 to index
        %get3A_494 = tpu.vector_load %arg9[%get3A_493] {strides = array<i32>} : memref<3072xf32, #tpu.memory_space<vmem>>, vector<16xf32>,
        %broadcast_in_dim3A_495 = arith.constant 0 : i32
        %broadcast_in_dim3A_496 = vector.broadcast %broadcast_in_dim3A_495 : i32 to vector<16xi32>
        %broadcast_in_dim3A_497 = arith.constant 0 : i32
        %broadcast_in_dim3A_498 = vector.broadcast %broadcast_in_dim3A_497 : i32 to vector<16xi32>
        %add3A_499 = arith.constant 16 : i32
        %add3A_500 = vector.broadcast %add3A_499 : i32 to vector<16xi32>
        %add3A_501 = arith.addi %broadcast_in_dim3A_498, %add3A_500 : vector<16xi32>
        %add3A_502 = arith.addi %add3A_501, %broadcast_in_dim3A_496 : vector<16xi32>
        %gather3A_503 = tpu.vector_load_idx %arg7[%add3A_502] : memref<128xf32, #tpu.memory_space<vmem>>[vector<16xi32>], vector<16xf32>,
        %le3A_504 = arith.cmpf ole, %gather3A_503, %get3A_494 : vector<16xf32>
        %select_n3A_505 = arith.select %le3A_504, %add3A_501, %broadcast_in_dim3A_498 : vector<16xi1>, vector<16xi32>
        %add3A_506 = arith.constant 8 : i32
        %add3A_507 = vector.broadcast %add3A_506 : i32 to vector<16xi32>
        %add3A_508 = arith.addi %select_n3A_505, %add3A_507 : vector<16xi32>
        %add3A_509 = arith.addi %add3A_508, %broadcast_in_dim3A_496 : vector<16xi32>
        %gather3A_510 = tpu.vector_load_idx %arg7[%add3A_509] : memref<128xf32, #tpu.memory_space<vmem>>[vector<16xi32>], vector<16xf32>,
        %le3A_511 = arith.cmpf ole, %gather3A_510, %get3A_494 : vector<16xf32>
        %select_n3A_512 = arith.select %le3A_511, %add3A_508, %select_n3A_505 : vector<16xi1>, vector<16xi32>
        %add3A_513 = arith.constant 4 : i32
        %add3A_514 = vector.broadcast %add3A_513 : i32 to vector<16xi32>
        %add3A_515 = arith.addi %select_n3A_512, %add3A_514 : vector<16xi32>
        %add3A_516 = arith.addi %add3A_515, %broadcast_in_dim3A_496 : vector<16xi32>
        %gather3A_517 = tpu.vector_load_idx %arg7[%add3A_516] : memref<128xf32, #tpu.memory_space<vmem>>[vector<16xi32>], vector<16xf32>,
        %le3A_518 = arith.cmpf ole, %gather3A_517, %get3A_494 : vector<16xf32>
        %select_n3A_519 = arith.select %le3A_518, %add3A_515, %select_n3A_512 : vector<16xi1>, vector<16xi32>
        %add3A_520 = arith.constant 2 : i32
        %add3A_521 = vector.broadcast %add3A_520 : i32 to vector<16xi32>
        %add3A_522 = arith.addi %select_n3A_519, %add3A_521 : vector<16xi32>
        %add3A_523 = arith.addi %add3A_522, %broadcast_in_dim3A_496 : vector<16xi32>
        %gather3A_524 = tpu.vector_load_idx %arg7[%add3A_523] : memref<128xf32, #tpu.memory_space<vmem>>[vector<16xi32>], vector<16xf32>,
        %le3A_525 = arith.cmpf ole, %gather3A_524, %get3A_494 : vector<16xf32>
        %select_n3A_526 = arith.select %le3A_525, %add3A_522, %select_n3A_519 : vector<16xi1>, vector<16xi32>
        %add3A_527 = arith.constant 1 : i32
        %add3A_528 = vector.broadcast %add3A_527 : i32 to vector<16xi32>
        %add3A_529 = arith.addi %select_n3A_526, %add3A_528 : vector<16xi32>
        %add3A_530 = arith.addi %add3A_529, %broadcast_in_dim3A_496 : vector<16xi32>
        %gather3A_531 = tpu.vector_load_idx %arg7[%add3A_530] : memref<128xf32, #tpu.memory_space<vmem>>[vector<16xi32>], vector<16xf32>,
        %le3A_532 = arith.cmpf ole, %gather3A_531, %get3A_494 : vector<16xf32>
        %select_n3A_533 = arith.select %le3A_532, %add3A_529, %select_n3A_526 : vector<16xi1>, vector<16xi32>
        %add3A_534 = arith.addi %select_n3A_533, %broadcast_in_dim3A_496 : vector<16xi32>
        %gather3A_535 = tpu.vector_load_idx %arg7[%add3A_534] : memref<128xf32, #tpu.memory_space<vmem>>[vector<16xi32>], vector<16xf32>,
        %add3A_536 = arith.addi %select_n3A_533, %broadcast_in_dim3A_496 : vector<16xi32>
        %add3A_537 = arith.constant 1 : i32
        %add3A_538 = vector.broadcast %add3A_537 : i32 to vector<16xi32>
        %add3A_539 = arith.addi %add3A_536, %add3A_538 : vector<16xi32>
        %gather3A_540 = tpu.vector_load_idx %arg7[%add3A_539] : memref<128xf32, #tpu.memory_space<vmem>>[vector<16xi32>], vector<16xf32>,
        %sub3A_541 = arith.subf %get3A_494, %gather3A_535 : vector<16xf32>
        %sub3A_542 = arith.subf %gather3A_540, %gather3A_535 : vector<16xf32>
        %max3A_543 = arith.constant 1.000000e-10 : f32
        %max3A_544 = vector.broadcast %max3A_543 : f32 to vector<16xf32>
        %max3A_545 = arith.maximumf %sub3A_542, %max3A_544 : vector<16xf32>
        %div3A_546 = arith.divf %sub3A_541, %max3A_545 : vector<16xf32>
        %jit3A_547 = arith.constant 0.000000e+00 : f32
        %jit3A_548 = arith.constant 1.000000e+00 : f32
        %max3A_549 = vector.broadcast %jit3A_547 : f32 to vector<16xf32>
        %max3A_550 = arith.maximumf %max3A_549, %div3A_546 : vector<16xf32>
        %min3A_551 = vector.broadcast %jit3A_548 : f32 to vector<16xf32>
        %min3A_552 = arith.minimumf %min3A_551, %max3A_550 : vector<16xf32>
        %add3A_553 = arith.constant 1024 : i32
        %add3A_554 = arith.addi %add3A_553, %mul3A_490 : i32
        %get3A_555 = arith.index_cast %add3A_554 : i32 to index
        %get3A_556 = tpu.vector_load %arg9[%get3A_555] {strides = array<i32>} : memref<3072xf32, #tpu.memory_space<vmem>>, vector<16xf32>,
        %broadcast_in_dim3A_557 = arith.constant 33 : i32
        %broadcast_in_dim3A_558 = vector.broadcast %broadcast_in_dim3A_557 : i32 to vector<16xi32>
        %broadcast_in_dim3A_559 = arith.constant 0 : i32
        %broadcast_in_dim3A_560 = vector.broadcast %broadcast_in_dim3A_559 : i32 to vector<16xi32>
        %add3A_561 = arith.constant 16 : i32
        %add3A_562 = vector.broadcast %add3A_561 : i32 to vector<16xi32>
        %add3A_563 = arith.addi %broadcast_in_dim3A_560, %add3A_562 : vector<16xi32>
        %add3A_564 = arith.addi %add3A_563, %broadcast_in_dim3A_558 : vector<16xi32>
        %gather3A_565 = tpu.vector_load_idx %arg7[%add3A_564] : memref<128xf32, #tpu.memory_space<vmem>>[vector<16xi32>], vector<16xf32>,
        %le3A_566 = arith.cmpf ole, %gather3A_565, %get3A_556 : vector<16xf32>
        %select_n3A_567 = arith.select %le3A_566, %add3A_563, %broadcast_in_dim3A_560 : vector<16xi1>, vector<16xi32>
        %add3A_568 = arith.constant 8 : i32
        %add3A_569 = vector.broadcast %add3A_568 : i32 to vector<16xi32>
        %add3A_570 = arith.addi %select_n3A_567, %add3A_569 : vector<16xi32>
        %add3A_571 = arith.addi %add3A_570, %broadcast_in_dim3A_558 : vector<16xi32>
        %gather3A_572 = tpu.vector_load_idx %arg7[%add3A_571] : memref<128xf32, #tpu.memory_space<vmem>>[vector<16xi32>], vector<16xf32>,
        %le3A_573 = arith.cmpf ole, %gather3A_572, %get3A_556 : vector<16xf32>
        %select_n3A_574 = arith.select %le3A_573, %add3A_570, %select_n3A_567 : vector<16xi1>, vector<16xi32>
        %add3A_575 = arith.constant 4 : i32
        %add3A_576 = vector.broadcast %add3A_575 : i32 to vector<16xi32>
        %add3A_577 = arith.addi %select_n3A_574, %add3A_576 : vector<16xi32>
        %add3A_578 = arith.addi %add3A_577, %broadcast_in_dim3A_558 : vector<16xi32>
        %gather3A_579 = tpu.vector_load_idx %arg7[%add3A_578] : memref<128xf32, #tpu.memory_space<vmem>>[vector<16xi32>], vector<16xf32>,
        %le3A_580 = arith.cmpf ole, %gather3A_579, %get3A_556 : vector<16xf32>
        %select_n3A_581 = arith.select %le3A_580, %add3A_577, %select_n3A_574 : vector<16xi1>, vector<16xi32>
        %add3A_582 = arith.constant 2 : i32
        %add3A_583 = vector.broadcast %add3A_582 : i32 to vector<16xi32>
        %add3A_584 = arith.addi %select_n3A_581, %add3A_583 : vector<16xi32>
        %add3A_585 = arith.addi %add3A_584, %broadcast_in_dim3A_558 : vector<16xi32>
        %gather3A_586 = tpu.vector_load_idx %arg7[%add3A_585] : memref<128xf32, #tpu.memory_space<vmem>>[vector<16xi32>], vector<16xf32>,
        %le3A_587 = arith.cmpf ole, %gather3A_586, %get3A_556 : vector<16xf32>
        %select_n3A_588 = arith.select %le3A_587, %add3A_584, %select_n3A_581 : vector<16xi1>, vector<16xi32>
        %add3A_589 = arith.constant 1 : i32
        %add3A_590 = vector.broadcast %add3A_589 : i32 to vector<16xi32>
        %add3A_591 = arith.addi %select_n3A_588, %add3A_590 : vector<16xi32>
        %add3A_592 = arith.addi %add3A_591, %broadcast_in_dim3A_558 : vector<16xi32>
        %gather3A_593 = tpu.vector_load_idx %arg7[%add3A_592] : memref<128xf32, #tpu.memory_space<vmem>>[vector<16xi32>], vector<16xf32>,
        %le3A_594 = arith.cmpf ole, %gather3A_593, %get3A_556 : vector<16xf32>
        %select_n3A_595 = arith.select %le3A_594, %add3A_591, %select_n3A_588 : vector<16xi1>, vector<16xi32>
        %add3A_596 = arith.addi %select_n3A_595, %broadcast_in_dim3A_558 : vector<16xi32>
        %gather3A_597 = tpu.vector_load_idx %arg7[%add3A_596] : memref<128xf32, #tpu.memory_space<vmem>>[vector<16xi32>], vector<16xf32>,
        %add3A_598 = arith.addi %select_n3A_595, %broadcast_in_dim3A_558 : vector<16xi32>
        %add3A_599 = arith.constant 1 : i32
        %add3A_600 = vector.broadcast %add3A_599 : i32 to vector<16xi32>
        %add3A_601 = arith.addi %add3A_598, %add3A_600 : vector<16xi32>
        %gather3A_602 = tpu.vector_load_idx %arg7[%add3A_601] : memref<128xf32, #tpu.memory_space<vmem>>[vector<16xi32>], vector<16xf32>,
        %sub3A_603 = arith.subf %get3A_556, %gather3A_597 : vector<16xf32>
        %sub3A_604 = arith.subf %gather3A_602, %gather3A_597 : vector<16xf32>
        %max3A_605 = arith.constant 1.000000e-10 : f32
        %max3A_606 = vector.broadcast %max3A_605 : f32 to vector<16xf32>
        %max3A_607 = arith.maximumf %sub3A_604, %max3A_606 : vector<16xf32>
        %div3A_608 = arith.divf %sub3A_603, %max3A_607 : vector<16xf32>
        %jit3A_609 = arith.constant 0.000000e+00 : f32
        %jit3A_610 = arith.constant 1.000000e+00 : f32
        %max3A_611 = vector.broadcast %jit3A_609 : f32 to vector<16xf32>
        %max3A_612 = arith.maximumf %max3A_611, %div3A_608 : vector<16xf32>
        %min3A_613 = vector.broadcast %jit3A_610 : f32 to vector<16xf32>
        %min3A_614 = arith.minimumf %min3A_613, %max3A_612 : vector<16xf32>
        %add3A_615 = arith.constant 2048 : i32
        %add3A_616 = arith.addi %add3A_615, %mul3A_490 : i32
        %get3A_617 = arith.index_cast %add3A_616 : i32 to index
        %get3A_618 = tpu.vector_load %arg9[%get3A_617] {strides = array<i32>} : memref<3072xf32, #tpu.memory_space<vmem>>, vector<16xf32>,
        %broadcast_in_dim3A_619 = arith.constant 66 : i32
        %broadcast_in_dim3A_620 = vector.broadcast %broadcast_in_dim3A_619 : i32 to vector<16xi32>
        %broadcast_in_dim3A_621 = arith.constant 0 : i32
        %broadcast_in_dim3A_622 = vector.broadcast %broadcast_in_dim3A_621 : i32 to vector<16xi32>
        %add3A_623 = arith.constant 16 : i32
        %add3A_624 = vector.broadcast %add3A_623 : i32 to vector<16xi32>
        %add3A_625 = arith.addi %broadcast_in_dim3A_622, %add3A_624 : vector<16xi32>
        %add3A_626 = arith.addi %add3A_625, %broadcast_in_dim3A_620 : vector<16xi32>
        %gather3A_627 = tpu.vector_load_idx %arg7[%add3A_626] : memref<128xf32, #tpu.memory_space<vmem>>[vector<16xi32>], vector<16xf32>,
        %le3A_628 = arith.cmpf ole, %gather3A_627, %get3A_618 : vector<16xf32>
        %select_n3A_629 = arith.select %le3A_628, %add3A_625, %broadcast_in_dim3A_622 : vector<16xi1>, vector<16xi32>
        %add3A_630 = arith.constant 8 : i32
        %add3A_631 = vector.broadcast %add3A_630 : i32 to vector<16xi32>
        %add3A_632 = arith.addi %select_n3A_629, %add3A_631 : vector<16xi32>
        %add3A_633 = arith.addi %add3A_632, %broadcast_in_dim3A_620 : vector<16xi32>
        %gather3A_634 = tpu.vector_load_idx %arg7[%add3A_633] : memref<128xf32, #tpu.memory_space<vmem>>[vector<16xi32>], vector<16xf32>,
        %le3A_635 = arith.cmpf ole, %gather3A_634, %get3A_618 : vector<16xf32>
        %select_n3A_636 = arith.select %le3A_635, %add3A_632, %select_n3A_629 : vector<16xi1>, vector<16xi32>
        %add3A_637 = arith.constant 4 : i32
        %add3A_638 = vector.broadcast %add3A_637 : i32 to vector<16xi32>
        %add3A_639 = arith.addi %select_n3A_636, %add3A_638 : vector<16xi32>
        %add3A_640 = arith.addi %add3A_639, %broadcast_in_dim3A_620 : vector<16xi32>
        %gather3A_641 = tpu.vector_load_idx %arg7[%add3A_640] : memref<128xf32, #tpu.memory_space<vmem>>[vector<16xi32>], vector<16xf32>,
        %le3A_642 = arith.cmpf ole, %gather3A_641, %get3A_618 : vector<16xf32>
        %select_n3A_643 = arith.select %le3A_642, %add3A_639, %select_n3A_636 : vector<16xi1>, vector<16xi32>
        %add3A_644 = arith.constant 2 : i32
        %add3A_645 = vector.broadcast %add3A_644 : i32 to vector<16xi32>
        %add3A_646 = arith.addi %select_n3A_643, %add3A_645 : vector<16xi32>
        %add3A_647 = arith.addi %add3A_646, %broadcast_in_dim3A_620 : vector<16xi32>
        %gather3A_648 = tpu.vector_load_idx %arg7[%add3A_647] : memref<128xf32, #tpu.memory_space<vmem>>[vector<16xi32>], vector<16xf32>,
        %le3A_649 = arith.cmpf ole, %gather3A_648, %get3A_618 : vector<16xf32>
        %select_n3A_650 = arith.select %le3A_649, %add3A_646, %select_n3A_643 : vector<16xi1>, vector<16xi32>
        %add3A_651 = arith.constant 1 : i32
        %add3A_652 = vector.broadcast %add3A_651 : i32 to vector<16xi32>
        %add3A_653 = arith.addi %select_n3A_650, %add3A_652 : vector<16xi32>
        %add3A_654 = arith.addi %add3A_653, %broadcast_in_dim3A_620 : vector<16xi32>
        %gather3A_655 = tpu.vector_load_idx %arg7[%add3A_654] : memref<128xf32, #tpu.memory_space<vmem>>[vector<16xi32>], vector<16xf32>,
        %le3A_656 = arith.cmpf ole, %gather3A_655, %get3A_618 : vector<16xf32>
        %select_n3A_657 = arith.select %le3A_656, %add3A_653, %select_n3A_650 : vector<16xi1>, vector<16xi32>
        %add3A_658 = arith.addi %select_n3A_657, %broadcast_in_dim3A_620 : vector<16xi32>
        %gather3A_659 = tpu.vector_load_idx %arg7[%add3A_658] : memref<128xf32, #tpu.memory_space<vmem>>[vector<16xi32>], vector<16xf32>,
        %add3A_660 = arith.addi %select_n3A_657, %broadcast_in_dim3A_620 : vector<16xi32>
        %add3A_661 = arith.constant 1 : i32
        %add3A_662 = vector.broadcast %add3A_661 : i32 to vector<16xi32>
        %add3A_663 = arith.addi %add3A_660, %add3A_662 : vector<16xi32>
        %gather3A_664 = tpu.vector_load_idx %arg7[%add3A_663] : memref<128xf32, #tpu.memory_space<vmem>>[vector<16xi32>], vector<16xf32>,
        %sub3A_665 = arith.subf %get3A_618, %gather3A_659 : vector<16xf32>
        %sub3A_666 = arith.subf %gather3A_664, %gather3A_659 : vector<16xf32>
        %max3A_667 = arith.constant 1.000000e-10 : f32
        %max3A_668 = vector.broadcast %max3A_667 : f32 to vector<16xf32>
        %max3A_669 = arith.maximumf %sub3A_666, %max3A_668 : vector<16xf32>
        %div3A_670 = arith.divf %sub3A_665, %max3A_669 : vector<16xf32>
        %jit3A_671 = arith.constant 0.000000e+00 : f32
        %jit3A_672 = arith.constant 1.000000e+00 : f32
        %max3A_673 = vector.broadcast %jit3A_671 : f32 to vector<16xf32>
        %max3A_674 = arith.maximumf %max3A_673, %div3A_670 : vector<16xf32>
        %min3A_675 = vector.broadcast %jit3A_672 : f32 to vector<16xf32>
        %min3A_676 = arith.minimumf %min3A_675, %max3A_674 : vector<16xf32>
        %mul3A_677 = arith.constant 1089 : i32
        %mul3A_678 = vector.broadcast %mul3A_677 : i32 to vector<16xi32>
        %mul3A_679 = arith.muli %select_n3A_657, %mul3A_678 : vector<16xi32>
        %mul3A_680 = arith.constant 33 : i32
        %mul3A_681 = vector.broadcast %mul3A_680 : i32 to vector<16xi32>
        %mul3A_682 = arith.muli %select_n3A_595, %mul3A_681 : vector<16xi32>
        %add3A_683 = arith.addi %mul3A_679, %mul3A_682 : vector<16xi32>
        %add3A_684 = arith.addi %add3A_683, %select_n3A_533 : vector<16xi32>
        %sub3A_685 = arith.constant 1.000000e+00 : f32
        %sub3A_686 = vector.broadcast %sub3A_685 : f32 to vector<16xf32>
        %sub3A_687 = arith.subf %sub3A_686, %min3A_552 : vector<16xf32>
        %sub3A_688 = arith.constant 1.000000e+00 : f32
        %sub3A_689 = vector.broadcast %sub3A_688 : f32 to vector<16xf32>
        %sub3A_690 = arith.subf %sub3A_689, %min3A_614 : vector<16xf32>
        %sub3A_691 = arith.constant 1.000000e+00 : f32
        %sub3A_692 = vector.broadcast %sub3A_691 : f32 to vector<16xf32>
        %sub3A_693 = arith.subf %sub3A_692, %min3A_676 : vector<16xf32>
        %mul3A_694 = arith.mulf %sub3A_693, %sub3A_690 : vector<16xf32>
        %mul3A_695 = arith.mulf %sub3A_693, %min3A_614 : vector<16xf32>
        %mul3A_696 = arith.mulf %min3A_676, %sub3A_690 : vector<16xf32>
        %mul3A_697 = arith.mulf %min3A_676, %min3A_614 : vector<16xf32>
        %mul3A_698 = arith.mulf %mul3A_694, %sub3A_687 : vector<16xf32>
        %mul3A_699 = arith.mulf %mul3A_694, %min3A_552 : vector<16xf32>
        %mul3A_700 = arith.mulf %mul3A_695, %sub3A_687 : vector<16xf32>
        %mul3A_701 = arith.mulf %mul3A_695, %min3A_552 : vector<16xf32>
        %mul3A_702 = arith.mulf %mul3A_696, %sub3A_687 : vector<16xf32>
        %mul3A_703 = arith.mulf %mul3A_696, %min3A_552 : vector<16xf32>
        %mul3A_704 = arith.mulf %mul3A_697, %sub3A_687 : vector<16xf32>
        %mul3A_705 = arith.mulf %mul3A_697, %min3A_552 : vector<16xf32>
        %add3A_706 = arith.constant 0 : i32
        %add3A_707 = vector.broadcast %add3A_706 : i32 to vector<16xi32>
        %add3A_708 = arith.addi %add3A_684, %add3A_707 : vector<16xi32>
        %gather3A_709 = tpu.vector_load_idx %arg6[%add3A_708] : memref<107816xf32, #tpu.memory_space<vmem>>[vector<16xi32>], vector<16xf32>,
        %mul3A_710 = arith.mulf %mul3A_698, %gather3A_709 : vector<16xf32>
        %add3A_711 = arith.constant 1 : i32
        %add3A_712 = vector.broadcast %add3A_711 : i32 to vector<16xi32>
        %add3A_713 = arith.addi %add3A_708, %add3A_712 : vector<16xi32>
        %gather3A_714 = tpu.vector_load_idx %arg6[%add3A_713] : memref<107816xf32, #tpu.memory_space<vmem>>[vector<16xi32>], vector<16xf32>,
        %mul3A_715 = arith.mulf %mul3A_699, %gather3A_714 : vector<16xf32>
        %add3A_716 = arith.addf %mul3A_710, %mul3A_715 : vector<16xf32>
        %add3A_717 = arith.constant 33 : i32
        %add3A_718 = vector.broadcast %add3A_717 : i32 to vector<16xi32>
        %add3A_719 = arith.addi %add3A_708, %add3A_718 : vector<16xi32>
        %gather3A_720 = tpu.vector_load_idx %arg6[%add3A_719] : memref<107816xf32, #tpu.memory_space<vmem>>[vector<16xi32>], vector<16xf32>,
        %mul3A_721 = arith.mulf %mul3A_700, %gather3A_720 : vector<16xf32>
        %add3A_722 = arith.addf %add3A_716, %mul3A_721 : vector<16xf32>
        %add3A_723 = arith.constant 34 : i32
        %add3A_724 = vector.broadcast %add3A_723 : i32 to vector<16xi32>
        %add3A_725 = arith.addi %add3A_708, %add3A_724 : vector<16xi32>
        %gather3A_726 = tpu.vector_load_idx %arg6[%add3A_725] : memref<107816xf32, #tpu.memory_space<vmem>>[vector<16xi32>], vector<16xf32>,
        %mul3A_727 = arith.mulf %mul3A_701, %gather3A_726 : vector<16xf32>
        %add3A_728 = arith.addf %add3A_722, %mul3A_727 : vector<16xf32>
        %add3A_729 = arith.constant 1089 : i32
        %add3A_730 = vector.broadcast %add3A_729 : i32 to vector<16xi32>
        %add3A_731 = arith.addi %add3A_708, %add3A_730 : vector<16xi32>
        %gather3A_732 = tpu.vector_load_idx %arg6[%add3A_731] : memref<107816xf32, #tpu.memory_space<vmem>>[vector<16xi32>], vector<16xf32>,
        %mul3A_733 = arith.mulf %mul3A_702, %gather3A_732 : vector<16xf32>
        %add3A_734 = arith.addf %add3A_728, %mul3A_733 : vector<16xf32>
        %add3A_735 = arith.constant 1090 : i32
        %add3A_736 = vector.broadcast %add3A_735 : i32 to vector<16xi32>
        %add3A_737 = arith.addi %add3A_708, %add3A_736 : vector<16xi32>
        %gather3A_738 = tpu.vector_load_idx %arg6[%add3A_737] : memref<107816xf32, #tpu.memory_space<vmem>>[vector<16xi32>], vector<16xf32>,
        %mul3A_739 = arith.mulf %mul3A_703, %gather3A_738 : vector<16xf32>
        %add3A_740 = arith.addf %add3A_734, %mul3A_739 : vector<16xf32>
        %add3A_741 = arith.constant 1122 : i32
        %add3A_742 = vector.broadcast %add3A_741 : i32 to vector<16xi32>
        %add3A_743 = arith.addi %add3A_708, %add3A_742 : vector<16xi32>
        %gather3A_744 = tpu.vector_load_idx %arg6[%add3A_743] : memref<107816xf32, #tpu.memory_space<vmem>>[vector<16xi32>], vector<16xf32>,
        %mul3A_745 = arith.mulf %mul3A_704, %gather3A_744 : vector<16xf32>
        %add3A_746 = arith.addf %add3A_740, %mul3A_745 : vector<16xf32>
        %add3A_747 = arith.constant 1123 : i32
        %add3A_748 = vector.broadcast %add3A_747 : i32 to vector<16xi32>
        %add3A_749 = arith.addi %add3A_708, %add3A_748 : vector<16xi32>
        %gather3A_750 = tpu.vector_load_idx %arg6[%add3A_749] : memref<107816xf32, #tpu.memory_space<vmem>>[vector<16xi32>], vector<16xf32>,
        %mul3A_751 = arith.mulf %mul3A_705, %gather3A_750 : vector<16xf32>
        %add3A_752 = arith.addf %add3A_746, %mul3A_751 : vector<16xf32>
        %add3A_753 = arith.constant 0 : i32
        %add3A_754 = arith.addi %add3A_753, %mul3A_490 : i32
        %swap3A_755 = arith.index_cast %add3A_754 : i32 to index
        %swap3A_756 = tpu.vector_load %arg11[%swap3A_755] {strides = array<i32>} : memref<3072xf32, #tpu.memory_space<vmem>>, vector<16xf32>,
        tpu.vector_store %arg11[%swap3A_755], %add3A_752 {strides = array<i32>} : memref<3072xf32, #tpu.memory_space<vmem>>, vector<16xf32>,
        %add3A_757 = arith.constant 35937 : i32
        %add3A_758 = vector.broadcast %add3A_757 : i32 to vector<16xi32>
        %add3A_759 = arith.addi %add3A_684, %add3A_758 : vector<16xi32>
        %gather3A_760 = tpu.vector_load_idx %arg6[%add3A_759] : memref<107816xf32, #tpu.memory_space<vmem>>[vector<16xi32>], vector<16xf32>,
        %mul3A_761 = arith.mulf %mul3A_698, %gather3A_760 : vector<16xf32>
        %add3A_762 = arith.constant 1 : i32
        %add3A_763 = vector.broadcast %add3A_762 : i32 to vector<16xi32>
        %add3A_764 = arith.addi %add3A_759, %add3A_763 : vector<16xi32>
        %gather3A_765 = tpu.vector_load_idx %arg6[%add3A_764] : memref<107816xf32, #tpu.memory_space<vmem>>[vector<16xi32>], vector<16xf32>,
        %mul3A_766 = arith.mulf %mul3A_699, %gather3A_765 : vector<16xf32>
        %add3A_767 = arith.addf %mul3A_761, %mul3A_766 : vector<16xf32>
        %add3A_768 = arith.constant 33 : i32
        %add3A_769 = vector.broadcast %add3A_768 : i32 to vector<16xi32>
        %add3A_770 = arith.addi %add3A_759, %add3A_769 : vector<16xi32>
        %gather3A_771 = tpu.vector_load_idx %arg6[%add3A_770] : memref<107816xf32, #tpu.memory_space<vmem>>[vector<16xi32>], vector<16xf32>,
        %mul3A_772 = arith.mulf %mul3A_700, %gather3A_771 : vector<16xf32>
        %add3A_773 = arith.addf %add3A_767, %mul3A_772 : vector<16xf32>
        %add3A_774 = arith.constant 34 : i32
        %add3A_775 = vector.broadcast %add3A_774 : i32 to vector<16xi32>
        %add3A_776 = arith.addi %add3A_759, %add3A_775 : vector<16xi32>
        %gather3A_777 = tpu.vector_load_idx %arg6[%add3A_776] : memref<107816xf32, #tpu.memory_space<vmem>>[vector<16xi32>], vector<16xf32>,
        %mul3A_778 = arith.mulf %mul3A_701, %gather3A_777 : vector<16xf32>
        %add3A_779 = arith.addf %add3A_773, %mul3A_778 : vector<16xf32>
        %add3A_780 = arith.constant 1089 : i32
        %add3A_781 = vector.broadcast %add3A_780 : i32 to vector<16xi32>
        %add3A_782 = arith.addi %add3A_759, %add3A_781 : vector<16xi32>
        %gather3A_783 = tpu.vector_load_idx %arg6[%add3A_782] : memref<107816xf32, #tpu.memory_space<vmem>>[vector<16xi32>], vector<16xf32>,
        %mul3A_784 = arith.mulf %mul3A_702, %gather3A_783 : vector<16xf32>
        %add3A_785 = arith.addf %add3A_779, %mul3A_784 : vector<16xf32>
        %add3A_786 = arith.constant 1090 : i32
        %add3A_787 = vector.broadcast %add3A_786 : i32 to vector<16xi32>
        %add3A_788 = arith.addi %add3A_759, %add3A_787 : vector<16xi32>
        %gather3A_789 = tpu.vector_load_idx %arg6[%add3A_788] : memref<107816xf32, #tpu.memory_space<vmem>>[vector<16xi32>], vector<16xf32>,
        %mul3A_790 = arith.mulf %mul3A_703, %gather3A_789 : vector<16xf32>
        %add3A_791 = arith.addf %add3A_785, %mul3A_790 : vector<16xf32>
        %add3A_792 = arith.constant 1122 : i32
        %add3A_793 = vector.broadcast %add3A_792 : i32 to vector<16xi32>
        %add3A_794 = arith.addi %add3A_759, %add3A_793 : vector<16xi32>
        %gather3A_795 = tpu.vector_load_idx %arg6[%add3A_794] : memref<107816xf32, #tpu.memory_space<vmem>>[vector<16xi32>], vector<16xf32>,
        %mul3A_796 = arith.mulf %mul3A_704, %gather3A_795 : vector<16xf32>
        %add3A_797 = arith.addf %add3A_791, %mul3A_796 : vector<16xf32>
        %add3A_798 = arith.constant 1123 : i32
        %add3A_799 = vector.broadcast %add3A_798 : i32 to vector<16xi32>
        %add3A_800 = arith.addi %add3A_759, %add3A_799 : vector<16xi32>
        %gather3A_801 = tpu.vector_load_idx %arg6[%add3A_800] : memref<107816xf32, #tpu.memory_space<vmem>>[vector<16xi32>], vector<16xf32>,
        %mul3A_802 = arith.mulf %mul3A_705, %gather3A_801 : vector<16xf32>
        %add3A_803 = arith.addf %add3A_797, %mul3A_802 : vector<16xf32>
        %add3A_804 = arith.constant 1024 : i32
        %add3A_805 = arith.addi %add3A_804, %mul3A_490 : i32
        %swap3A_806 = arith.index_cast %add3A_805 : i32 to index
        %swap3A_807 = tpu.vector_load %arg11[%swap3A_806] {strides = array<i32>} : memref<3072xf32, #tpu.memory_space<vmem>>, vector<16xf32>,
        tpu.vector_store %arg11[%swap3A_806], %add3A_803 {strides = array<i32>} : memref<3072xf32, #tpu.memory_space<vmem>>, vector<16xf32>,
        %add3A_808 = arith.constant 71874 : i32
        %add3A_809 = vector.broadcast %add3A_808 : i32 to vector<16xi32>
        %add3A_810 = arith.addi %add3A_684, %add3A_809 : vector<16xi32>
        %gather3A_811 = tpu.vector_load_idx %arg6[%add3A_810] : memref<107816xf32, #tpu.memory_space<vmem>>[vector<16xi32>], vector<16xf32>,
        %mul3A_812 = arith.mulf %mul3A_698, %gather3A_811 : vector<16xf32>
        %add3A_813 = arith.constant 1 : i32
        %add3A_814 = vector.broadcast %add3A_813 : i32 to vector<16xi32>
        %add3A_815 = arith.addi %add3A_810, %add3A_814 : vector<16xi32>
        %gather3A_816 = tpu.vector_load_idx %arg6[%add3A_815] : memref<107816xf32, #tpu.memory_space<vmem>>[vector<16xi32>], vector<16xf32>,
        %mul3A_817 = arith.mulf %mul3A_699, %gather3A_816 : vector<16xf32>
        %add3A_818 = arith.addf %mul3A_812, %mul3A_817 : vector<16xf32>
        %add3A_819 = arith.constant 33 : i32
        %add3A_820 = vector.broadcast %add3A_819 : i32 to vector<16xi32>
        %add3A_821 = arith.addi %add3A_810, %add3A_820 : vector<16xi32>
        %gather3A_822 = tpu.vector_load_idx %arg6[%add3A_821] : memref<107816xf32, #tpu.memory_space<vmem>>[vector<16xi32>], vector<16xf32>,
        %mul3A_823 = arith.mulf %mul3A_700, %gather3A_822 : vector<16xf32>
        %add3A_824 = arith.addf %add3A_818, %mul3A_823 : vector<16xf32>
        %add3A_825 = arith.constant 34 : i32
        %add3A_826 = vector.broadcast %add3A_825 : i32 to vector<16xi32>
        %add3A_827 = arith.addi %add3A_810, %add3A_826 : vector<16xi32>
        %gather3A_828 = tpu.vector_load_idx %arg6[%add3A_827] : memref<107816xf32, #tpu.memory_space<vmem>>[vector<16xi32>], vector<16xf32>,
        %mul3A_829 = arith.mulf %mul3A_701, %gather3A_828 : vector<16xf32>
        %add3A_830 = arith.addf %add3A_824, %mul3A_829 : vector<16xf32>
        %add3A_831 = arith.constant 1089 : i32
        %add3A_832 = vector.broadcast %add3A_831 : i32 to vector<16xi32>
        %add3A_833 = arith.addi %add3A_810, %add3A_832 : vector<16xi32>
        %gather3A_834 = tpu.vector_load_idx %arg6[%add3A_833] : memref<107816xf32, #tpu.memory_space<vmem>>[vector<16xi32>], vector<16xf32>,
        %mul3A_835 = arith.mulf %mul3A_702, %gather3A_834 : vector<16xf32>
        %add3A_836 = arith.addf %add3A_830, %mul3A_835 : vector<16xf32>
        %add3A_837 = arith.constant 1090 : i32
        %add3A_838 = vector.broadcast %add3A_837 : i32 to vector<16xi32>
        %add3A_839 = arith.addi %add3A_810, %add3A_838 : vector<16xi32>
        %gather3A_840 = tpu.vector_load_idx %arg6[%add3A_839] : memref<107816xf32, #tpu.memory_space<vmem>>[vector<16xi32>], vector<16xf32>,
        %mul3A_841 = arith.mulf %mul3A_703, %gather3A_840 : vector<16xf32>
        %add3A_842 = arith.addf %add3A_836, %mul3A_841 : vector<16xf32>
        %add3A_843 = arith.constant 1122 : i32
        %add3A_844 = vector.broadcast %add3A_843 : i32 to vector<16xi32>
        %add3A_845 = arith.addi %add3A_810, %add3A_844 : vector<16xi32>
        %gather3A_846 = tpu.vector_load_idx %arg6[%add3A_845] : memref<107816xf32, #tpu.memory_space<vmem>>[vector<16xi32>], vector<16xf32>,
        %mul3A_847 = arith.mulf %mul3A_704, %gather3A_846 : vector<16xf32>
        %add3A_848 = arith.addf %add3A_842, %mul3A_847 : vector<16xf32>
        %add3A_849 = arith.constant 1123 : i32
        %add3A_850 = vector.broadcast %add3A_849 : i32 to vector<16xi32>
        %add3A_851 = arith.addi %add3A_810, %add3A_850 : vector<16xi32>
        %gather3A_852 = tpu.vector_load_idx %arg6[%add3A_851] : memref<107816xf32, #tpu.memory_space<vmem>>[vector<16xi32>], vector<16xf32>,
        %mul3A_853 = arith.mulf %mul3A_705, %gather3A_852 : vector<16xf32>
        %add3A_854 = arith.addf %add3A_848, %mul3A_853 : vector<16xf32>
        %add3A_855 = arith.constant 2048 : i32
        %add3A_856 = arith.addi %add3A_855, %mul3A_490 : i32
        %swap3A_857 = arith.index_cast %add3A_856 : i32 to index
        %swap3A_858 = tpu.vector_load %arg11[%swap3A_857] {strides = array<i32>} : memref<3072xf32, #tpu.memory_space<vmem>>, vector<16xf32>,
        tpu.vector_store %arg11[%swap3A_857], %add3A_854 {strides = array<i32>} : memref<3072xf32, #tpu.memory_space<vmem>>, vector<16xf32>,
      }
      %scan3A_110 = arith.constant 64 : i32
      %add3A_111 = arith.addi %add3A_35, %add3A_95 : i32
      %mul3A_112 = arith.constant 3072 : i32
      %mul3A_113 = arith.muli %add3A_111, %mul3A_112 : i32
      %dma_start3A_114 = tpu.memref_slice %arg5[%mul3A_113] : memref<12582912xf32, #tpu.memory_space<hbm>> -> memref<3072xf32, #tpu.memory_space<hbm>>
      %dma_start3A_115 = tpu.memref_slice %arg5[%mul3A_113] : memref<12582912xf32, #tpu.memory_space<hbm>> -> memref<3072xf32, #tpu.memory_space<hbm>>
      tpu.enqueue_dma source(%arg11 : memref<3072xf32, #tpu.memory_space<vmem>>) target(%dma_start3A_115 : memref<3072xf32, #tpu.memory_space<hbm>>) target_semaphore(%arg15 : memref<!tpu.dma_semaphore, #tpu.memory_space<semaphore_mem>>)
      %add3A_116 = arith.constant 2 : i32
      %add3A_117 = arith.addi %add3A_95, %add3A_116 : i32
      %lt3A_118 = arith.constant 128 : i32
      %lt3A_119 = arith.cmpi slt, %add3A_117, %lt3A_118 : i32
      %convert_element_type3A_120 = arith.extui %lt3A_119 : i1 to i32
      %cond3A_121 = arith.constant 0 : i32
      %cond3A_122 = arith.cmpi ne, %convert_element_type3A_120, %cond3A_121 : i32
      scf.if %cond3A_122 {
        %add3A_123 = arith.constant 2 : i32
        %add3A_124 = arith.addi %add3A_95, %add3A_123 : i32
        %add3A_125 = arith.addi %add3A_35, %add3A_124 : i32
        %mul3A_126 = arith.constant 3072 : i32
        %mul3A_127 = arith.muli %add3A_125, %mul3A_126 : i32
        %dma_start3A_128 = tpu.memref_slice %arg2[%mul3A_127] : memref<12582912xf32, #tpu.memory_space<hbm>> -> memref<3072xf32, #tpu.memory_space<hbm>>
        %dma_start3A_129 = tpu.memref_slice %arg2[%mul3A_127] : memref<12582912xf32, #tpu.memory_space<hbm>> -> memref<3072xf32, #tpu.memory_space<hbm>>
        tpu.enqueue_dma source(%dma_start3A_129 : memref<3072xf32, #tpu.memory_space<hbm>>) target(%arg9 : memref<3072xf32, #tpu.memory_space<vmem>>) target_semaphore(%arg13 : memref<!tpu.dma_semaphore, #tpu.memory_space<semaphore_mem>>)
      } else {
      }
    }
    %scan3A_55 = arith.constant 64 : i32
    %dma_wait3A = arith.constant 0 : i32
    %dma_wait3A_56 = tpu.memref_slice %arg5[%dma_wait3A] : memref<12582912xf32, #tpu.memory_space<hbm>> -> memref<3072xf32, #tpu.memory_space<hbm>>
    %dma_wait3A_57 = arith.constant 0 : i32
    %dma_wait3A_58 = tpu.memref_slice %arg5[%dma_wait3A_57] : memref<12582912xf32, #tpu.memory_space<hbm>> -> memref<3072xf32, #tpu.memory_space<hbm>>
    tpu.wait_dma2 semaphore(%arg14 : memref<!tpu.dma_semaphore, #tpu.memory_space<semaphore_mem>>) src(%arg10 : memref<3072xf32, #tpu.memory_space<vmem>>) dst(%dma_wait3A_58 : memref<3072xf32, #tpu.memory_space<hbm>>)
    %dma_wait3A_59 = arith.constant 0 : i32
    %dma_wait3A_60 = tpu.memref_slice %arg5[%dma_wait3A_59] : memref<12582912xf32, #tpu.memory_space<hbm>> -> memref<3072xf32, #tpu.memory_space<hbm>>
    %dma_wait3A_61 = arith.constant 0 : i32
    %dma_wait3A_62 = tpu.memref_slice %arg5[%dma_wait3A_61] : memref<12582912xf32, #tpu.memory_space<hbm>> -> memref<3072xf32, #tpu.memory_space<hbm>>
    tpu.wait_dma2 semaphore(%arg15 : memref<!tpu.dma_semaphore, #tpu.memory_space<semaphore_mem>>) src(%arg11 : memref<3072xf32, #tpu.memory_space<vmem>>) dst(%dma_wait3A_62 : memref<3072xf32, #tpu.memory_space<hbm>>)
    return
  }
}

module attributes {stable_mosaic.version = 14 : i64} {
  func.func @body(%arg0: i32, %arg1: i32, %arg2: memref<1x3x64x512xf32, #tpu.memory_space<vmem>>, %arg3: memref<98304xf32, #tpu.memory_space<vmem>>, %arg4: memref<3x1x64x512xf32, #tpu.memory_space<vmem>>) attributes {dimension_semantics = [#tpu.dimension_semantics<arbitrary>, #tpu.dimension_semantics<arbitrary>], iteration_bounds = array<i64: 16, 8>, scalar_prefetch = 0 : i64, scratch_operands = 0 : i64, tpu.core_type = #tpu.core_type<tc>, window_params = [{transform_indices = @transform_0, window_bounds = array<i64: 1, 3, 64, 512>}, {transform_indices = @transform_1, window_bounds = array<i64: 98304>}, {transform_indices = @transform_2, window_bounds = array<i64: 3, 1, 64, 512>}]} {
    %get3A = arith.constant 0 : index
    %get3A_0 = arith.constant 0 : index
    %get3A_1 = arith.constant 0 : index
    %get3A_2 = arith.constant 0 : index
    %get3A_3 = vector.load %arg2[%get3A, %get3A_0, %get3A_1, %get3A_2] : memref<1x3x64x512xf32, #tpu.memory_space<vmem>>, vector<1x1x1x512xf32>
    %get3A_4 = vector.shape_cast %get3A_3 : vector<1x1x1x512xf32> to vector<512xf32>
    %swap3A = arith.constant 0 : index
    %swap3A_5 = vector.load %arg3[%swap3A] : memref<98304xf32, #tpu.memory_space<vmem>>, vector<512xf32>
    tpu.vector_store %arg3[%swap3A], %get3A_4 {strides = array<i32>} : memref<98304xf32, #tpu.memory_space<vmem>>, vector<512xf32>,
    %get3A_6 = arith.constant 0 : index
    %get3A_7 = arith.constant 0 : index
    %get3A_8 = arith.constant 1 : index
    %get3A_9 = arith.constant 0 : index
    %get3A_10 = vector.load %arg2[%get3A_6, %get3A_7, %get3A_8, %get3A_9] : memref<1x3x64x512xf32, #tpu.memory_space<vmem>>, vector<1x1x1x512xf32>
    %get3A_11 = vector.shape_cast %get3A_10 : vector<1x1x1x512xf32> to vector<512xf32>
    %swap3A_12 = arith.constant 512 : index
    %swap3A_13 = vector.load %arg3[%swap3A_12] : memref<98304xf32, #tpu.memory_space<vmem>>, vector<512xf32>
    tpu.vector_store %arg3[%swap3A_12], %get3A_11 {strides = array<i32>} : memref<98304xf32, #tpu.memory_space<vmem>>, vector<512xf32>,
    %get3A_14 = arith.constant 0 : index
    %get3A_15 = arith.constant 0 : index
    %get3A_16 = arith.constant 2 : index
    %get3A_17 = arith.constant 0 : index
    %get3A_18 = vector.load %arg2[%get3A_14, %get3A_15, %get3A_16, %get3A_17] : memref<1x3x64x512xf32, #tpu.memory_space<vmem>>, vector<1x1x1x512xf32>
    %get3A_19 = vector.shape_cast %get3A_18 : vector<1x1x1x512xf32> to vector<512xf32>
    %swap3A_20 = arith.constant 3072 : index
    %swap3A_21 = vector.load %arg3[%swap3A_20] : memref<98304xf32, #tpu.memory_space<vmem>>, vector<512xf32>
    tpu.vector_store %arg3[%swap3A_20], %get3A_19 {strides = array<i32>} : memref<98304xf32, #tpu.memory_space<vmem>>, vector<512xf32>,
    %get3A_22 = arith.constant 0 : index
    %get3A_23 = arith.constant 0 : index
    %get3A_24 = arith.constant 3 : index
    %get3A_25 = arith.constant 0 : index
    %get3A_26 = vector.load %arg2[%get3A_22, %get3A_23, %get3A_24, %get3A_25] : memref<1x3x64x512xf32, #tpu.memory_space<vmem>>, vector<1x1x1x512xf32>
    %get3A_27 = vector.shape_cast %get3A_26 : vector<1x1x1x512xf32> to vector<512xf32>
    %swap3A_28 = arith.constant 3584 : index
    %swap3A_29 = vector.load %arg3[%swap3A_28] : memref<98304xf32, #tpu.memory_space<vmem>>, vector<512xf32>
    tpu.vector_store %arg3[%swap3A_28], %get3A_27 {strides = array<i32>} : memref<98304xf32, #tpu.memory_space<vmem>>, vector<512xf32>,
    %get3A_30 = arith.constant 0 : index
    %get3A_31 = arith.constant 0 : index
    %get3A_32 = arith.constant 4 : index
    %get3A_33 = arith.constant 0 : index
    %get3A_34 = vector.load %arg2[%get3A_30, %get3A_31, %get3A_32, %get3A_33] : memref<1x3x64x512xf32, #tpu.memory_space<vmem>>, vector<1x1x1x512xf32>
    %get3A_35 = vector.shape_cast %get3A_34 : vector<1x1x1x512xf32> to vector<512xf32>
    %swap3A_36 = arith.constant 6144 : index
    %swap3A_37 = vector.load %arg3[%swap3A_36] : memref<98304xf32, #tpu.memory_space<vmem>>, vector<512xf32>
    tpu.vector_store %arg3[%swap3A_36], %get3A_35 {strides = array<i32>} : memref<98304xf32, #tpu.memory_space<vmem>>, vector<512xf32>,
    %get3A_38 = arith.constant 0 : index
    %get3A_39 = arith.constant 0 : index
    %get3A_40 = arith.constant 5 : index
    %get3A_41 = arith.constant 0 : index
    %get3A_42 = vector.load %arg2[%get3A_38, %get3A_39, %get3A_40, %get3A_41] : memref<1x3x64x512xf32, #tpu.memory_space<vmem>>, vector<1x1x1x512xf32>
    %get3A_43 = vector.shape_cast %get3A_42 : vector<1x1x1x512xf32> to vector<512xf32>
    %swap3A_44 = arith.constant 6656 : index
    %swap3A_45 = vector.load %arg3[%swap3A_44] : memref<98304xf32, #tpu.memory_space<vmem>>, vector<512xf32>
    tpu.vector_store %arg3[%swap3A_44], %get3A_43 {strides = array<i32>} : memref<98304xf32, #tpu.memory_space<vmem>>, vector<512xf32>,
    %get3A_46 = arith.constant 0 : index
    %get3A_47 = arith.constant 0 : index
    %get3A_48 = arith.constant 6 : index
    %get3A_49 = arith.constant 0 : index
    %get3A_50 = vector.load %arg2[%get3A_46, %get3A_47, %get3A_48, %get3A_49] : memref<1x3x64x512xf32, #tpu.memory_space<vmem>>, vector<1x1x1x512xf32>
    %get3A_51 = vector.shape_cast %get3A_50 : vector<1x1x1x512xf32> to vector<512xf32>
    %swap3A_52 = arith.constant 9216 : index
    %swap3A_53 = vector.load %arg3[%swap3A_52] : memref<98304xf32, #tpu.memory_space<vmem>>, vector<512xf32>
    tpu.vector_store %arg3[%swap3A_52], %get3A_51 {strides = array<i32>} : memref<98304xf32, #tpu.memory_space<vmem>>, vector<512xf32>,
    %get3A_54 = arith.constant 0 : index
    %get3A_55 = arith.constant 0 : index
    %get3A_56 = arith.constant 7 : index
    %get3A_57 = arith.constant 0 : index
    %get3A_58 = vector.load %arg2[%get3A_54, %get3A_55, %get3A_56, %get3A_57] : memref<1x3x64x512xf32, #tpu.memory_space<vmem>>, vector<1x1x1x512xf32>
    %get3A_59 = vector.shape_cast %get3A_58 : vector<1x1x1x512xf32> to vector<512xf32>
    %swap3A_60 = arith.constant 9728 : index
    %swap3A_61 = vector.load %arg3[%swap3A_60] : memref<98304xf32, #tpu.memory_space<vmem>>, vector<512xf32>
    tpu.vector_store %arg3[%swap3A_60], %get3A_59 {strides = array<i32>} : memref<98304xf32, #tpu.memory_space<vmem>>, vector<512xf32>,
    %get3A_62 = arith.constant 0 : index
    %get3A_63 = arith.constant 0 : index
    %get3A_64 = arith.constant 8 : index
    %get3A_65 = arith.constant 0 : index
    %get3A_66 = vector.load %arg2[%get3A_62, %get3A_63, %get3A_64, %get3A_65] : memref<1x3x64x512xf32, #tpu.memory_space<vmem>>, vector<1x1x1x512xf32>
    %get3A_67 = vector.shape_cast %get3A_66 : vector<1x1x1x512xf32> to vector<512xf32>
    %swap3A_68 = arith.constant 12288 : index
    %swap3A_69 = vector.load %arg3[%swap3A_68] : memref<98304xf32, #tpu.memory_space<vmem>>, vector<512xf32>
    tpu.vector_store %arg3[%swap3A_68], %get3A_67 {strides = array<i32>} : memref<98304xf32, #tpu.memory_space<vmem>>, vector<512xf32>,
    %get3A_70 = arith.constant 0 : index
    %get3A_71 = arith.constant 0 : index
    %get3A_72 = arith.constant 9 : index
    %get3A_73 = arith.constant 0 : index
    %get3A_74 = vector.load %arg2[%get3A_70, %get3A_71, %get3A_72, %get3A_73] : memref<1x3x64x512xf32, #tpu.memory_space<vmem>>, vector<1x1x1x512xf32>
    %get3A_75 = vector.shape_cast %get3A_74 : vector<1x1x1x512xf32> to vector<512xf32>
    %swap3A_76 = arith.constant 12800 : index
    %swap3A_77 = vector.load %arg3[%swap3A_76] : memref<98304xf32, #tpu.memory_space<vmem>>, vector<512xf32>
    tpu.vector_store %arg3[%swap3A_76], %get3A_75 {strides = array<i32>} : memref<98304xf32, #tpu.memory_space<vmem>>, vector<512xf32>,
    %get3A_78 = arith.constant 0 : index
    %get3A_79 = arith.constant 0 : index
    %get3A_80 = arith.constant 10 : index
    %get3A_81 = arith.constant 0 : index
    %get3A_82 = vector.load %arg2[%get3A_78, %get3A_79, %get3A_80, %get3A_81] : memref<1x3x64x512xf32, #tpu.memory_space<vmem>>, vector<1x1x1x512xf32>
    %get3A_83 = vector.shape_cast %get3A_82 : vector<1x1x1x512xf32> to vector<512xf32>
    %swap3A_84 = arith.constant 15360 : index
    %swap3A_85 = vector.load %arg3[%swap3A_84] : memref<98304xf32, #tpu.memory_space<vmem>>, vector<512xf32>
    tpu.vector_store %arg3[%swap3A_84], %get3A_83 {strides = array<i32>} : memref<98304xf32, #tpu.memory_space<vmem>>, vector<512xf32>,
    %get3A_86 = arith.constant 0 : index
    %get3A_87 = arith.constant 0 : index
    %get3A_88 = arith.constant 11 : index
    %get3A_89 = arith.constant 0 : index
    %get3A_90 = vector.load %arg2[%get3A_86, %get3A_87, %get3A_88, %get3A_89] : memref<1x3x64x512xf32, #tpu.memory_space<vmem>>, vector<1x1x1x512xf32>
    %get3A_91 = vector.shape_cast %get3A_90 : vector<1x1x1x512xf32> to vector<512xf32>
    %swap3A_92 = arith.constant 15872 : index
    %swap3A_93 = vector.load %arg3[%swap3A_92] : memref<98304xf32, #tpu.memory_space<vmem>>, vector<512xf32>
    tpu.vector_store %arg3[%swap3A_92], %get3A_91 {strides = array<i32>} : memref<98304xf32, #tpu.memory_space<vmem>>, vector<512xf32>,
    %get3A_94 = arith.constant 0 : index
    %get3A_95 = arith.constant 0 : index
    %get3A_96 = arith.constant 12 : index
    %get3A_97 = arith.constant 0 : index
    %get3A_98 = vector.load %arg2[%get3A_94, %get3A_95, %get3A_96, %get3A_97] : memref<1x3x64x512xf32, #tpu.memory_space<vmem>>, vector<1x1x1x512xf32>
    %get3A_99 = vector.shape_cast %get3A_98 : vector<1x1x1x512xf32> to vector<512xf32>
    %swap3A_100 = arith.constant 18432 : index
    %swap3A_101 = vector.load %arg3[%swap3A_100] : memref<98304xf32, #tpu.memory_space<vmem>>, vector<512xf32>
    tpu.vector_store %arg3[%swap3A_100], %get3A_99 {strides = array<i32>} : memref<98304xf32, #tpu.memory_space<vmem>>, vector<512xf32>,
    %get3A_102 = arith.constant 0 : index
    %get3A_103 = arith.constant 0 : index
    %get3A_104 = arith.constant 13 : index
    %get3A_105 = arith.constant 0 : index
    %get3A_106 = vector.load %arg2[%get3A_102, %get3A_103, %get3A_104, %get3A_105] : memref<1x3x64x512xf32, #tpu.memory_space<vmem>>, vector<1x1x1x512xf32>
    %get3A_107 = vector.shape_cast %get3A_106 : vector<1x1x1x512xf32> to vector<512xf32>
    %swap3A_108 = arith.constant 18944 : index
    %swap3A_109 = vector.load %arg3[%swap3A_108] : memref<98304xf32, #tpu.memory_space<vmem>>, vector<512xf32>
    tpu.vector_store %arg3[%swap3A_108], %get3A_107 {strides = array<i32>} : memref<98304xf32, #tpu.memory_space<vmem>>, vector<512xf32>,
    %get3A_110 = arith.constant 0 : index
    %get3A_111 = arith.constant 0 : index
    %get3A_112 = arith.constant 14 : index
    %get3A_113 = arith.constant 0 : index
    %get3A_114 = vector.load %arg2[%get3A_110, %get3A_111, %get3A_112, %get3A_113] : memref<1x3x64x512xf32, #tpu.memory_space<vmem>>, vector<1x1x1x512xf32>
    %get3A_115 = vector.shape_cast %get3A_114 : vector<1x1x1x512xf32> to vector<512xf32>
    %swap3A_116 = arith.constant 21504 : index
    %swap3A_117 = vector.load %arg3[%swap3A_116] : memref<98304xf32, #tpu.memory_space<vmem>>, vector<512xf32>
    tpu.vector_store %arg3[%swap3A_116], %get3A_115 {strides = array<i32>} : memref<98304xf32, #tpu.memory_space<vmem>>, vector<512xf32>,
    %get3A_118 = arith.constant 0 : index
    %get3A_119 = arith.constant 0 : index
    %get3A_120 = arith.constant 15 : index
    %get3A_121 = arith.constant 0 : index
    %get3A_122 = vector.load %arg2[%get3A_118, %get3A_119, %get3A_120, %get3A_121] : memref<1x3x64x512xf32, #tpu.memory_space<vmem>>, vector<1x1x1x512xf32>
    %get3A_123 = vector.shape_cast %get3A_122 : vector<1x1x1x512xf32> to vector<512xf32>
    %swap3A_124 = arith.constant 22016 : index
    %swap3A_125 = vector.load %arg3[%swap3A_124] : memref<98304xf32, #tpu.memory_space<vmem>>, vector<512xf32>
    tpu.vector_store %arg3[%swap3A_124], %get3A_123 {strides = array<i32>} : memref<98304xf32, #tpu.memory_space<vmem>>, vector<512xf32>,
    %get3A_126 = arith.constant 0 : index
    %get3A_127 = arith.constant 0 : index
    %get3A_128 = arith.constant 16 : index
    %get3A_129 = arith.constant 0 : index
    %get3A_130 = vector.load %arg2[%get3A_126, %get3A_127, %get3A_128, %get3A_129] : memref<1x3x64x512xf32, #tpu.memory_space<vmem>>, vector<1x1x1x512xf32>
    %get3A_131 = vector.shape_cast %get3A_130 : vector<1x1x1x512xf32> to vector<512xf32>
    %swap3A_132 = arith.constant 24576 : index
    %swap3A_133 = vector.load %arg3[%swap3A_132] : memref<98304xf32, #tpu.memory_space<vmem>>, vector<512xf32>
    tpu.vector_store %arg3[%swap3A_132], %get3A_131 {strides = array<i32>} : memref<98304xf32, #tpu.memory_space<vmem>>, vector<512xf32>,
    %get3A_134 = arith.constant 0 : index
    %get3A_135 = arith.constant 0 : index
    %get3A_136 = arith.constant 17 : index
    %get3A_137 = arith.constant 0 : index
    %get3A_138 = vector.load %arg2[%get3A_134, %get3A_135, %get3A_136, %get3A_137] : memref<1x3x64x512xf32, #tpu.memory_space<vmem>>, vector<1x1x1x512xf32>
    %get3A_139 = vector.shape_cast %get3A_138 : vector<1x1x1x512xf32> to vector<512xf32>
    %swap3A_140 = arith.constant 25088 : index
    %swap3A_141 = vector.load %arg3[%swap3A_140] : memref<98304xf32, #tpu.memory_space<vmem>>, vector<512xf32>
    tpu.vector_store %arg3[%swap3A_140], %get3A_139 {strides = array<i32>} : memref<98304xf32, #tpu.memory_space<vmem>>, vector<512xf32>,
    %get3A_142 = arith.constant 0 : index
    %get3A_143 = arith.constant 0 : index
    %get3A_144 = arith.constant 18 : index
    %get3A_145 = arith.constant 0 : index
    %get3A_146 = vector.load %arg2[%get3A_142, %get3A_143, %get3A_144, %get3A_145] : memref<1x3x64x512xf32, #tpu.memory_space<vmem>>, vector<1x1x1x512xf32>
    %get3A_147 = vector.shape_cast %get3A_146 : vector<1x1x1x512xf32> to vector<512xf32>
    %swap3A_148 = arith.constant 27648 : index
    %swap3A_149 = vector.load %arg3[%swap3A_148] : memref<98304xf32, #tpu.memory_space<vmem>>, vector<512xf32>
    tpu.vector_store %arg3[%swap3A_148], %get3A_147 {strides = array<i32>} : memref<98304xf32, #tpu.memory_space<vmem>>, vector<512xf32>,
    %get3A_150 = arith.constant 0 : index
    %get3A_151 = arith.constant 0 : index
    %get3A_152 = arith.constant 19 : index
    %get3A_153 = arith.constant 0 : index
    %get3A_154 = vector.load %arg2[%get3A_150, %get3A_151, %get3A_152, %get3A_153] : memref<1x3x64x512xf32, #tpu.memory_space<vmem>>, vector<1x1x1x512xf32>
    %get3A_155 = vector.shape_cast %get3A_154 : vector<1x1x1x512xf32> to vector<512xf32>
    %swap3A_156 = arith.constant 28160 : index
    %swap3A_157 = vector.load %arg3[%swap3A_156] : memref<98304xf32, #tpu.memory_space<vmem>>, vector<512xf32>
    tpu.vector_store %arg3[%swap3A_156], %get3A_155 {strides = array<i32>} : memref<98304xf32, #tpu.memory_space<vmem>>, vector<512xf32>,
    %get3A_158 = arith.constant 0 : index
    %get3A_159 = arith.constant 0 : index
    %get3A_160 = arith.constant 20 : index
    %get3A_161 = arith.constant 0 : index
    %get3A_162 = vector.load %arg2[%get3A_158, %get3A_159, %get3A_160, %get3A_161] : memref<1x3x64x512xf32, #tpu.memory_space<vmem>>, vector<1x1x1x512xf32>
    %get3A_163 = vector.shape_cast %get3A_162 : vector<1x1x1x512xf32> to vector<512xf32>
    %swap3A_164 = arith.constant 30720 : index
    %swap3A_165 = vector.load %arg3[%swap3A_164] : memref<98304xf32, #tpu.memory_space<vmem>>, vector<512xf32>
    tpu.vector_store %arg3[%swap3A_164], %get3A_163 {strides = array<i32>} : memref<98304xf32, #tpu.memory_space<vmem>>, vector<512xf32>,
    %get3A_166 = arith.constant 0 : index
    %get3A_167 = arith.constant 0 : index
    %get3A_168 = arith.constant 21 : index
    %get3A_169 = arith.constant 0 : index
    %get3A_170 = vector.load %arg2[%get3A_166, %get3A_167, %get3A_168, %get3A_169] : memref<1x3x64x512xf32, #tpu.memory_space<vmem>>, vector<1x1x1x512xf32>
    %get3A_171 = vector.shape_cast %get3A_170 : vector<1x1x1x512xf32> to vector<512xf32>
    %swap3A_172 = arith.constant 31232 : index
    %swap3A_173 = vector.load %arg3[%swap3A_172] : memref<98304xf32, #tpu.memory_space<vmem>>, vector<512xf32>
    tpu.vector_store %arg3[%swap3A_172], %get3A_171 {strides = array<i32>} : memref<98304xf32, #tpu.memory_space<vmem>>, vector<512xf32>,
    %get3A_174 = arith.constant 0 : index
    %get3A_175 = arith.constant 0 : index
    %get3A_176 = arith.constant 22 : index
    %get3A_177 = arith.constant 0 : index
    %get3A_178 = vector.load %arg2[%get3A_174, %get3A_175, %get3A_176, %get3A_177] : memref<1x3x64x512xf32, #tpu.memory_space<vmem>>, vector<1x1x1x512xf32>
    %get3A_179 = vector.shape_cast %get3A_178 : vector<1x1x1x512xf32> to vector<512xf32>
    %swap3A_180 = arith.constant 33792 : index
    %swap3A_181 = vector.load %arg3[%swap3A_180] : memref<98304xf32, #tpu.memory_space<vmem>>, vector<512xf32>
    tpu.vector_store %arg3[%swap3A_180], %get3A_179 {strides = array<i32>} : memref<98304xf32, #tpu.memory_space<vmem>>, vector<512xf32>,
    %get3A_182 = arith.constant 0 : index
    %get3A_183 = arith.constant 0 : index
    %get3A_184 = arith.constant 23 : index
    %get3A_185 = arith.constant 0 : index
    %get3A_186 = vector.load %arg2[%get3A_182, %get3A_183, %get3A_184, %get3A_185] : memref<1x3x64x512xf32, #tpu.memory_space<vmem>>, vector<1x1x1x512xf32>
    %get3A_187 = vector.shape_cast %get3A_186 : vector<1x1x1x512xf32> to vector<512xf32>
    %swap3A_188 = arith.constant 34304 : index
    %swap3A_189 = vector.load %arg3[%swap3A_188] : memref<98304xf32, #tpu.memory_space<vmem>>, vector<512xf32>
    tpu.vector_store %arg3[%swap3A_188], %get3A_187 {strides = array<i32>} : memref<98304xf32, #tpu.memory_space<vmem>>, vector<512xf32>,
    %get3A_190 = arith.constant 0 : index
    %get3A_191 = arith.constant 0 : index
    %get3A_192 = arith.constant 24 : index
    %get3A_193 = arith.constant 0 : index
    %get3A_194 = vector.load %arg2[%get3A_190, %get3A_191, %get3A_192, %get3A_193] : memref<1x3x64x512xf32, #tpu.memory_space<vmem>>, vector<1x1x1x512xf32>
    %get3A_195 = vector.shape_cast %get3A_194 : vector<1x1x1x512xf32> to vector<512xf32>
    %swap3A_196 = arith.constant 36864 : index
    %swap3A_197 = vector.load %arg3[%swap3A_196] : memref<98304xf32, #tpu.memory_space<vmem>>, vector<512xf32>
    tpu.vector_store %arg3[%swap3A_196], %get3A_195 {strides = array<i32>} : memref<98304xf32, #tpu.memory_space<vmem>>, vector<512xf32>,
    %get3A_198 = arith.constant 0 : index
    %get3A_199 = arith.constant 0 : index
    %get3A_200 = arith.constant 25 : index
    %get3A_201 = arith.constant 0 : index
    %get3A_202 = vector.load %arg2[%get3A_198, %get3A_199, %get3A_200, %get3A_201] : memref<1x3x64x512xf32, #tpu.memory_space<vmem>>, vector<1x1x1x512xf32>
    %get3A_203 = vector.shape_cast %get3A_202 : vector<1x1x1x512xf32> to vector<512xf32>
    %swap3A_204 = arith.constant 37376 : index
    %swap3A_205 = vector.load %arg3[%swap3A_204] : memref<98304xf32, #tpu.memory_space<vmem>>, vector<512xf32>
    tpu.vector_store %arg3[%swap3A_204], %get3A_203 {strides = array<i32>} : memref<98304xf32, #tpu.memory_space<vmem>>, vector<512xf32>,
    %get3A_206 = arith.constant 0 : index
    %get3A_207 = arith.constant 0 : index
    %get3A_208 = arith.constant 26 : index
    %get3A_209 = arith.constant 0 : index
    %get3A_210 = vector.load %arg2[%get3A_206, %get3A_207, %get3A_208, %get3A_209] : memref<1x3x64x512xf32, #tpu.memory_space<vmem>>, vector<1x1x1x512xf32>
    %get3A_211 = vector.shape_cast %get3A_210 : vector<1x1x1x512xf32> to vector<512xf32>
    %swap3A_212 = arith.constant 39936 : index
    %swap3A_213 = vector.load %arg3[%swap3A_212] : memref<98304xf32, #tpu.memory_space<vmem>>, vector<512xf32>
    tpu.vector_store %arg3[%swap3A_212], %get3A_211 {strides = array<i32>} : memref<98304xf32, #tpu.memory_space<vmem>>, vector<512xf32>,
    %get3A_214 = arith.constant 0 : index
    %get3A_215 = arith.constant 0 : index
    %get3A_216 = arith.constant 27 : index
    %get3A_217 = arith.constant 0 : index
    %get3A_218 = vector.load %arg2[%get3A_214, %get3A_215, %get3A_216, %get3A_217] : memref<1x3x64x512xf32, #tpu.memory_space<vmem>>, vector<1x1x1x512xf32>
    %get3A_219 = vector.shape_cast %get3A_218 : vector<1x1x1x512xf32> to vector<512xf32>
    %swap3A_220 = arith.constant 40448 : index
    %swap3A_221 = vector.load %arg3[%swap3A_220] : memref<98304xf32, #tpu.memory_space<vmem>>, vector<512xf32>
    tpu.vector_store %arg3[%swap3A_220], %get3A_219 {strides = array<i32>} : memref<98304xf32, #tpu.memory_space<vmem>>, vector<512xf32>,
    %get3A_222 = arith.constant 0 : index
    %get3A_223 = arith.constant 0 : index
    %get3A_224 = arith.constant 28 : index
    %get3A_225 = arith.constant 0 : index
    %get3A_226 = vector.load %arg2[%get3A_222, %get3A_223, %get3A_224, %get3A_225] : memref<1x3x64x512xf32, #tpu.memory_space<vmem>>, vector<1x1x1x512xf32>
    %get3A_227 = vector.shape_cast %get3A_226 : vector<1x1x1x512xf32> to vector<512xf32>
    %swap3A_228 = arith.constant 43008 : index
    %swap3A_229 = vector.load %arg3[%swap3A_228] : memref<98304xf32, #tpu.memory_space<vmem>>, vector<512xf32>
    tpu.vector_store %arg3[%swap3A_228], %get3A_227 {strides = array<i32>} : memref<98304xf32, #tpu.memory_space<vmem>>, vector<512xf32>,
    %get3A_230 = arith.constant 0 : index
    %get3A_231 = arith.constant 0 : index
    %get3A_232 = arith.constant 29 : index
    %get3A_233 = arith.constant 0 : index
    %get3A_234 = vector.load %arg2[%get3A_230, %get3A_231, %get3A_232, %get3A_233] : memref<1x3x64x512xf32, #tpu.memory_space<vmem>>, vector<1x1x1x512xf32>
    %get3A_235 = vector.shape_cast %get3A_234 : vector<1x1x1x512xf32> to vector<512xf32>
    %swap3A_236 = arith.constant 43520 : index
    %swap3A_237 = vector.load %arg3[%swap3A_236] : memref<98304xf32, #tpu.memory_space<vmem>>, vector<512xf32>
    tpu.vector_store %arg3[%swap3A_236], %get3A_235 {strides = array<i32>} : memref<98304xf32, #tpu.memory_space<vmem>>, vector<512xf32>,
    %get3A_238 = arith.constant 0 : index
    %get3A_239 = arith.constant 0 : index
    %get3A_240 = arith.constant 30 : index
    %get3A_241 = arith.constant 0 : index
    %get3A_242 = vector.load %arg2[%get3A_238, %get3A_239, %get3A_240, %get3A_241] : memref<1x3x64x512xf32, #tpu.memory_space<vmem>>, vector<1x1x1x512xf32>
    %get3A_243 = vector.shape_cast %get3A_242 : vector<1x1x1x512xf32> to vector<512xf32>
    %swap3A_244 = arith.constant 46080 : index
    %swap3A_245 = vector.load %arg3[%swap3A_244] : memref<98304xf32, #tpu.memory_space<vmem>>, vector<512xf32>
    tpu.vector_store %arg3[%swap3A_244], %get3A_243 {strides = array<i32>} : memref<98304xf32, #tpu.memory_space<vmem>>, vector<512xf32>,
    %get3A_246 = arith.constant 0 : index
    %get3A_247 = arith.constant 0 : index
    %get3A_248 = arith.constant 31 : index
    %get3A_249 = arith.constant 0 : index
    %get3A_250 = vector.load %arg2[%get3A_246, %get3A_247, %get3A_248, %get3A_249] : memref<1x3x64x512xf32, #tpu.memory_space<vmem>>, vector<1x1x1x512xf32>
    %get3A_251 = vector.shape_cast %get3A_250 : vector<1x1x1x512xf32> to vector<512xf32>
    %swap3A_252 = arith.constant 46592 : index
    %swap3A_253 = vector.load %arg3[%swap3A_252] : memref<98304xf32, #tpu.memory_space<vmem>>, vector<512xf32>
    tpu.vector_store %arg3[%swap3A_252], %get3A_251 {strides = array<i32>} : memref<98304xf32, #tpu.memory_space<vmem>>, vector<512xf32>,
    %get3A_254 = arith.constant 0 : index
    %get3A_255 = arith.constant 0 : index
    %get3A_256 = arith.constant 32 : index
    %get3A_257 = arith.constant 0 : index
    %get3A_258 = vector.load %arg2[%get3A_254, %get3A_255, %get3A_256, %get3A_257] : memref<1x3x64x512xf32, #tpu.memory_space<vmem>>, vector<1x1x1x512xf32>
    %get3A_259 = vector.shape_cast %get3A_258 : vector<1x1x1x512xf32> to vector<512xf32>
    %swap3A_260 = arith.constant 49152 : index
    %swap3A_261 = vector.load %arg3[%swap3A_260] : memref<98304xf32, #tpu.memory_space<vmem>>, vector<512xf32>
    tpu.vector_store %arg3[%swap3A_260], %get3A_259 {strides = array<i32>} : memref<98304xf32, #tpu.memory_space<vmem>>, vector<512xf32>,
    %get3A_262 = arith.constant 0 : index
    %get3A_263 = arith.constant 0 : index
    %get3A_264 = arith.constant 33 : index
    %get3A_265 = arith.constant 0 : index
    %get3A_266 = vector.load %arg2[%get3A_262, %get3A_263, %get3A_264, %get3A_265] : memref<1x3x64x512xf32, #tpu.memory_space<vmem>>, vector<1x1x1x512xf32>
    %get3A_267 = vector.shape_cast %get3A_266 : vector<1x1x1x512xf32> to vector<512xf32>
    %swap3A_268 = arith.constant 49664 : index
    %swap3A_269 = vector.load %arg3[%swap3A_268] : memref<98304xf32, #tpu.memory_space<vmem>>, vector<512xf32>
    tpu.vector_store %arg3[%swap3A_268], %get3A_267 {strides = array<i32>} : memref<98304xf32, #tpu.memory_space<vmem>>, vector<512xf32>,
    %get3A_270 = arith.constant 0 : index
    %get3A_271 = arith.constant 0 : index
    %get3A_272 = arith.constant 34 : index
    %get3A_273 = arith.constant 0 : index
    %get3A_274 = vector.load %arg2[%get3A_270, %get3A_271, %get3A_272, %get3A_273] : memref<1x3x64x512xf32, #tpu.memory_space<vmem>>, vector<1x1x1x512xf32>
    %get3A_275 = vector.shape_cast %get3A_274 : vector<1x1x1x512xf32> to vector<512xf32>
    %swap3A_276 = arith.constant 52224 : index
    %swap3A_277 = vector.load %arg3[%swap3A_276] : memref<98304xf32, #tpu.memory_space<vmem>>, vector<512xf32>
    tpu.vector_store %arg3[%swap3A_276], %get3A_275 {strides = array<i32>} : memref<98304xf32, #tpu.memory_space<vmem>>, vector<512xf32>,
    %get3A_278 = arith.constant 0 : index
    %get3A_279 = arith.constant 0 : index
    %get3A_280 = arith.constant 35 : index
    %get3A_281 = arith.constant 0 : index
    %get3A_282 = vector.load %arg2[%get3A_278, %get3A_279, %get3A_280, %get3A_281] : memref<1x3x64x512xf32, #tpu.memory_space<vmem>>, vector<1x1x1x512xf32>
    %get3A_283 = vector.shape_cast %get3A_282 : vector<1x1x1x512xf32> to vector<512xf32>
    %swap3A_284 = arith.constant 52736 : index
    %swap3A_285 = vector.load %arg3[%swap3A_284] : memref<98304xf32, #tpu.memory_space<vmem>>, vector<512xf32>
    tpu.vector_store %arg3[%swap3A_284], %get3A_283 {strides = array<i32>} : memref<98304xf32, #tpu.memory_space<vmem>>, vector<512xf32>,
    %get3A_286 = arith.constant 0 : index
    %get3A_287 = arith.constant 0 : index
    %get3A_288 = arith.constant 36 : index
    %get3A_289 = arith.constant 0 : index
    %get3A_290 = vector.load %arg2[%get3A_286, %get3A_287, %get3A_288, %get3A_289] : memref<1x3x64x512xf32, #tpu.memory_space<vmem>>, vector<1x1x1x512xf32>
    %get3A_291 = vector.shape_cast %get3A_290 : vector<1x1x1x512xf32> to vector<512xf32>
    %swap3A_292 = arith.constant 55296 : index
    %swap3A_293 = vector.load %arg3[%swap3A_292] : memref<98304xf32, #tpu.memory_space<vmem>>, vector<512xf32>
    tpu.vector_store %arg3[%swap3A_292], %get3A_291 {strides = array<i32>} : memref<98304xf32, #tpu.memory_space<vmem>>, vector<512xf32>,
    %get3A_294 = arith.constant 0 : index
    %get3A_295 = arith.constant 0 : index
    %get3A_296 = arith.constant 37 : index
    %get3A_297 = arith.constant 0 : index
    %get3A_298 = vector.load %arg2[%get3A_294, %get3A_295, %get3A_296, %get3A_297] : memref<1x3x64x512xf32, #tpu.memory_space<vmem>>, vector<1x1x1x512xf32>
    %get3A_299 = vector.shape_cast %get3A_298 : vector<1x1x1x512xf32> to vector<512xf32>
    %swap3A_300 = arith.constant 55808 : index
    %swap3A_301 = vector.load %arg3[%swap3A_300] : memref<98304xf32, #tpu.memory_space<vmem>>, vector<512xf32>
    tpu.vector_store %arg3[%swap3A_300], %get3A_299 {strides = array<i32>} : memref<98304xf32, #tpu.memory_space<vmem>>, vector<512xf32>,
    %get3A_302 = arith.constant 0 : index
    %get3A_303 = arith.constant 0 : index
    %get3A_304 = arith.constant 38 : index
    %get3A_305 = arith.constant 0 : index
    %get3A_306 = vector.load %arg2[%get3A_302, %get3A_303, %get3A_304, %get3A_305] : memref<1x3x64x512xf32, #tpu.memory_space<vmem>>, vector<1x1x1x512xf32>
    %get3A_307 = vector.shape_cast %get3A_306 : vector<1x1x1x512xf32> to vector<512xf32>
    %swap3A_308 = arith.constant 58368 : index
    %swap3A_309 = vector.load %arg3[%swap3A_308] : memref<98304xf32, #tpu.memory_space<vmem>>, vector<512xf32>
    tpu.vector_store %arg3[%swap3A_308], %get3A_307 {strides = array<i32>} : memref<98304xf32, #tpu.memory_space<vmem>>, vector<512xf32>,
    %get3A_310 = arith.constant 0 : index
    %get3A_311 = arith.constant 0 : index
    %get3A_312 = arith.constant 39 : index
    %get3A_313 = arith.constant 0 : index
    %get3A_314 = vector.load %arg2[%get3A_310, %get3A_311, %get3A_312, %get3A_313] : memref<1x3x64x512xf32, #tpu.memory_space<vmem>>, vector<1x1x1x512xf32>
    %get3A_315 = vector.shape_cast %get3A_314 : vector<1x1x1x512xf32> to vector<512xf32>
    %swap3A_316 = arith.constant 58880 : index
    %swap3A_317 = vector.load %arg3[%swap3A_316] : memref<98304xf32, #tpu.memory_space<vmem>>, vector<512xf32>
    tpu.vector_store %arg3[%swap3A_316], %get3A_315 {strides = array<i32>} : memref<98304xf32, #tpu.memory_space<vmem>>, vector<512xf32>,
    %get3A_318 = arith.constant 0 : index
    %get3A_319 = arith.constant 0 : index
    %get3A_320 = arith.constant 40 : index
    %get3A_321 = arith.constant 0 : index
    %get3A_322 = vector.load %arg2[%get3A_318, %get3A_319, %get3A_320, %get3A_321] : memref<1x3x64x512xf32, #tpu.memory_space<vmem>>, vector<1x1x1x512xf32>
    %get3A_323 = vector.shape_cast %get3A_322 : vector<1x1x1x512xf32> to vector<512xf32>
    %swap3A_324 = arith.constant 61440 : index
    %swap3A_325 = vector.load %arg3[%swap3A_324] : memref<98304xf32, #tpu.memory_space<vmem>>, vector<512xf32>
    tpu.vector_store %arg3[%swap3A_324], %get3A_323 {strides = array<i32>} : memref<98304xf32, #tpu.memory_space<vmem>>, vector<512xf32>,
    %get3A_326 = arith.constant 0 : index
    %get3A_327 = arith.constant 0 : index
    %get3A_328 = arith.constant 41 : index
    %get3A_329 = arith.constant 0 : index
    %get3A_330 = vector.load %arg2[%get3A_326, %get3A_327, %get3A_328, %get3A_329] : memref<1x3x64x512xf32, #tpu.memory_space<vmem>>, vector<1x1x1x512xf32>
    %get3A_331 = vector.shape_cast %get3A_330 : vector<1x1x1x512xf32> to vector<512xf32>
    %swap3A_332 = arith.constant 61952 : index
    %swap3A_333 = vector.load %arg3[%swap3A_332] : memref<98304xf32, #tpu.memory_space<vmem>>, vector<512xf32>
    tpu.vector_store %arg3[%swap3A_332], %get3A_331 {strides = array<i32>} : memref<98304xf32, #tpu.memory_space<vmem>>, vector<512xf32>,
    %get3A_334 = arith.constant 0 : index
    %get3A_335 = arith.constant 0 : index
    %get3A_336 = arith.constant 42 : index
    %get3A_337 = arith.constant 0 : index
    %get3A_338 = vector.load %arg2[%get3A_334, %get3A_335, %get3A_336, %get3A_337] : memref<1x3x64x512xf32, #tpu.memory_space<vmem>>, vector<1x1x1x512xf32>
    %get3A_339 = vector.shape_cast %get3A_338 : vector<1x1x1x512xf32> to vector<512xf32>
    %swap3A_340 = arith.constant 64512 : index
    %swap3A_341 = vector.load %arg3[%swap3A_340] : memref<98304xf32, #tpu.memory_space<vmem>>, vector<512xf32>
    tpu.vector_store %arg3[%swap3A_340], %get3A_339 {strides = array<i32>} : memref<98304xf32, #tpu.memory_space<vmem>>, vector<512xf32>,
    %get3A_342 = arith.constant 0 : index
    %get3A_343 = arith.constant 0 : index
    %get3A_344 = arith.constant 43 : index
    %get3A_345 = arith.constant 0 : index
    %get3A_346 = vector.load %arg2[%get3A_342, %get3A_343, %get3A_344, %get3A_345] : memref<1x3x64x512xf32, #tpu.memory_space<vmem>>, vector<1x1x1x512xf32>
    %get3A_347 = vector.shape_cast %get3A_346 : vector<1x1x1x512xf32> to vector<512xf32>
    %swap3A_348 = arith.constant 65024 : index
    %swap3A_349 = vector.load %arg3[%swap3A_348] : memref<98304xf32, #tpu.memory_space<vmem>>, vector<512xf32>
    tpu.vector_store %arg3[%swap3A_348], %get3A_347 {strides = array<i32>} : memref<98304xf32, #tpu.memory_space<vmem>>, vector<512xf32>,
    %get3A_350 = arith.constant 0 : index
    %get3A_351 = arith.constant 0 : index
    %get3A_352 = arith.constant 44 : index
    %get3A_353 = arith.constant 0 : index
    %get3A_354 = vector.load %arg2[%get3A_350, %get3A_351, %get3A_352, %get3A_353] : memref<1x3x64x512xf32, #tpu.memory_space<vmem>>, vector<1x1x1x512xf32>
    %get3A_355 = vector.shape_cast %get3A_354 : vector<1x1x1x512xf32> to vector<512xf32>
    %swap3A_356 = arith.constant 67584 : index
    %swap3A_357 = vector.load %arg3[%swap3A_356] : memref<98304xf32, #tpu.memory_space<vmem>>, vector<512xf32>
    tpu.vector_store %arg3[%swap3A_356], %get3A_355 {strides = array<i32>} : memref<98304xf32, #tpu.memory_space<vmem>>, vector<512xf32>,
    %get3A_358 = arith.constant 0 : index
    %get3A_359 = arith.constant 0 : index
    %get3A_360 = arith.constant 45 : index
    %get3A_361 = arith.constant 0 : index
    %get3A_362 = vector.load %arg2[%get3A_358, %get3A_359, %get3A_360, %get3A_361] : memref<1x3x64x512xf32, #tpu.memory_space<vmem>>, vector<1x1x1x512xf32>
    %get3A_363 = vector.shape_cast %get3A_362 : vector<1x1x1x512xf32> to vector<512xf32>
    %swap3A_364 = arith.constant 68096 : index
    %swap3A_365 = vector.load %arg3[%swap3A_364] : memref<98304xf32, #tpu.memory_space<vmem>>, vector<512xf32>
    tpu.vector_store %arg3[%swap3A_364], %get3A_363 {strides = array<i32>} : memref<98304xf32, #tpu.memory_space<vmem>>, vector<512xf32>,
    %get3A_366 = arith.constant 0 : index
    %get3A_367 = arith.constant 0 : index
    %get3A_368 = arith.constant 46 : index
    %get3A_369 = arith.constant 0 : index
    %get3A_370 = vector.load %arg2[%get3A_366, %get3A_367, %get3A_368, %get3A_369] : memref<1x3x64x512xf32, #tpu.memory_space<vmem>>, vector<1x1x1x512xf32>
    %get3A_371 = vector.shape_cast %get3A_370 : vector<1x1x1x512xf32> to vector<512xf32>
    %swap3A_372 = arith.constant 70656 : index
    %swap3A_373 = vector.load %arg3[%swap3A_372] : memref<98304xf32, #tpu.memory_space<vmem>>, vector<512xf32>
    tpu.vector_store %arg3[%swap3A_372], %get3A_371 {strides = array<i32>} : memref<98304xf32, #tpu.memory_space<vmem>>, vector<512xf32>,
    %get3A_374 = arith.constant 0 : index
    %get3A_375 = arith.constant 0 : index
    %get3A_376 = arith.constant 47 : index
    %get3A_377 = arith.constant 0 : index
    %get3A_378 = vector.load %arg2[%get3A_374, %get3A_375, %get3A_376, %get3A_377] : memref<1x3x64x512xf32, #tpu.memory_space<vmem>>, vector<1x1x1x512xf32>
    %get3A_379 = vector.shape_cast %get3A_378 : vector<1x1x1x512xf32> to vector<512xf32>
    %swap3A_380 = arith.constant 71168 : index
    %swap3A_381 = vector.load %arg3[%swap3A_380] : memref<98304xf32, #tpu.memory_space<vmem>>, vector<512xf32>
    tpu.vector_store %arg3[%swap3A_380], %get3A_379 {strides = array<i32>} : memref<98304xf32, #tpu.memory_space<vmem>>, vector<512xf32>,
    %get3A_382 = arith.constant 0 : index
    %get3A_383 = arith.constant 0 : index
    %get3A_384 = arith.constant 48 : index
    %get3A_385 = arith.constant 0 : index
    %get3A_386 = vector.load %arg2[%get3A_382, %get3A_383, %get3A_384, %get3A_385] : memref<1x3x64x512xf32, #tpu.memory_space<vmem>>, vector<1x1x1x512xf32>
    %get3A_387 = vector.shape_cast %get3A_386 : vector<1x1x1x512xf32> to vector<512xf32>
    %swap3A_388 = arith.constant 73728 : index
    %swap3A_389 = vector.load %arg3[%swap3A_388] : memref<98304xf32, #tpu.memory_space<vmem>>, vector<512xf32>
    tpu.vector_store %arg3[%swap3A_388], %get3A_387 {strides = array<i32>} : memref<98304xf32, #tpu.memory_space<vmem>>, vector<512xf32>,
    %get3A_390 = arith.constant 0 : index
    %get3A_391 = arith.constant 0 : index
    %get3A_392 = arith.constant 49 : index
    %get3A_393 = arith.constant 0 : index
    %get3A_394 = vector.load %arg2[%get3A_390, %get3A_391, %get3A_392, %get3A_393] : memref<1x3x64x512xf32, #tpu.memory_space<vmem>>, vector<1x1x1x512xf32>
    %get3A_395 = vector.shape_cast %get3A_394 : vector<1x1x1x512xf32> to vector<512xf32>
    %swap3A_396 = arith.constant 74240 : index
    %swap3A_397 = vector.load %arg3[%swap3A_396] : memref<98304xf32, #tpu.memory_space<vmem>>, vector<512xf32>
    tpu.vector_store %arg3[%swap3A_396], %get3A_395 {strides = array<i32>} : memref<98304xf32, #tpu.memory_space<vmem>>, vector<512xf32>,
    %get3A_398 = arith.constant 0 : index
    %get3A_399 = arith.constant 0 : index
    %get3A_400 = arith.constant 50 : index
    %get3A_401 = arith.constant 0 : index
    %get3A_402 = vector.load %arg2[%get3A_398, %get3A_399, %get3A_400, %get3A_401] : memref<1x3x64x512xf32, #tpu.memory_space<vmem>>, vector<1x1x1x512xf32>
    %get3A_403 = vector.shape_cast %get3A_402 : vector<1x1x1x512xf32> to vector<512xf32>
    %swap3A_404 = arith.constant 76800 : index
    %swap3A_405 = vector.load %arg3[%swap3A_404] : memref<98304xf32, #tpu.memory_space<vmem>>, vector<512xf32>
    tpu.vector_store %arg3[%swap3A_404], %get3A_403 {strides = array<i32>} : memref<98304xf32, #tpu.memory_space<vmem>>, vector<512xf32>,
    %get3A_406 = arith.constant 0 : index
    %get3A_407 = arith.constant 0 : index
    %get3A_408 = arith.constant 51 : index
    %get3A_409 = arith.constant 0 : index
    %get3A_410 = vector.load %arg2[%get3A_406, %get3A_407, %get3A_408, %get3A_409] : memref<1x3x64x512xf32, #tpu.memory_space<vmem>>, vector<1x1x1x512xf32>
    %get3A_411 = vector.shape_cast %get3A_410 : vector<1x1x1x512xf32> to vector<512xf32>
    %swap3A_412 = arith.constant 77312 : index
    %swap3A_413 = vector.load %arg3[%swap3A_412] : memref<98304xf32, #tpu.memory_space<vmem>>, vector<512xf32>
    tpu.vector_store %arg3[%swap3A_412], %get3A_411 {strides = array<i32>} : memref<98304xf32, #tpu.memory_space<vmem>>, vector<512xf32>,
    %get3A_414 = arith.constant 0 : index
    %get3A_415 = arith.constant 0 : index
    %get3A_416 = arith.constant 52 : index
    %get3A_417 = arith.constant 0 : index
    %get3A_418 = vector.load %arg2[%get3A_414, %get3A_415, %get3A_416, %get3A_417] : memref<1x3x64x512xf32, #tpu.memory_space<vmem>>, vector<1x1x1x512xf32>
    %get3A_419 = vector.shape_cast %get3A_418 : vector<1x1x1x512xf32> to vector<512xf32>
    %swap3A_420 = arith.constant 79872 : index
    %swap3A_421 = vector.load %arg3[%swap3A_420] : memref<98304xf32, #tpu.memory_space<vmem>>, vector<512xf32>
    tpu.vector_store %arg3[%swap3A_420], %get3A_419 {strides = array<i32>} : memref<98304xf32, #tpu.memory_space<vmem>>, vector<512xf32>,
    %get3A_422 = arith.constant 0 : index
    %get3A_423 = arith.constant 0 : index
    %get3A_424 = arith.constant 53 : index
    %get3A_425 = arith.constant 0 : index
    %get3A_426 = vector.load %arg2[%get3A_422, %get3A_423, %get3A_424, %get3A_425] : memref<1x3x64x512xf32, #tpu.memory_space<vmem>>, vector<1x1x1x512xf32>
    %get3A_427 = vector.shape_cast %get3A_426 : vector<1x1x1x512xf32> to vector<512xf32>
    %swap3A_428 = arith.constant 80384 : index
    %swap3A_429 = vector.load %arg3[%swap3A_428] : memref<98304xf32, #tpu.memory_space<vmem>>, vector<512xf32>
    tpu.vector_store %arg3[%swap3A_428], %get3A_427 {strides = array<i32>} : memref<98304xf32, #tpu.memory_space<vmem>>, vector<512xf32>,
    %get3A_430 = arith.constant 0 : index
    %get3A_431 = arith.constant 0 : index
    %get3A_432 = arith.constant 54 : index
    %get3A_433 = arith.constant 0 : index
    %get3A_434 = vector.load %arg2[%get3A_430, %get3A_431, %get3A_432, %get3A_433] : memref<1x3x64x512xf32, #tpu.memory_space<vmem>>, vector<1x1x1x512xf32>
    %get3A_435 = vector.shape_cast %get3A_434 : vector<1x1x1x512xf32> to vector<512xf32>
    %swap3A_436 = arith.constant 82944 : index
    %swap3A_437 = vector.load %arg3[%swap3A_436] : memref<98304xf32, #tpu.memory_space<vmem>>, vector<512xf32>
    tpu.vector_store %arg3[%swap3A_436], %get3A_435 {strides = array<i32>} : memref<98304xf32, #tpu.memory_space<vmem>>, vector<512xf32>,
    %get3A_438 = arith.constant 0 : index
    %get3A_439 = arith.constant 0 : index
    %get3A_440 = arith.constant 55 : index
    %get3A_441 = arith.constant 0 : index
    %get3A_442 = vector.load %arg2[%get3A_438, %get3A_439, %get3A_440, %get3A_441] : memref<1x3x64x512xf32, #tpu.memory_space<vmem>>, vector<1x1x1x512xf32>
    %get3A_443 = vector.shape_cast %get3A_442 : vector<1x1x1x512xf32> to vector<512xf32>
    %swap3A_444 = arith.constant 83456 : index
    %swap3A_445 = vector.load %arg3[%swap3A_444] : memref<98304xf32, #tpu.memory_space<vmem>>, vector<512xf32>
    tpu.vector_store %arg3[%swap3A_444], %get3A_443 {strides = array<i32>} : memref<98304xf32, #tpu.memory_space<vmem>>, vector<512xf32>,
    %get3A_446 = arith.constant 0 : index
    %get3A_447 = arith.constant 0 : index
    %get3A_448 = arith.constant 56 : index
    %get3A_449 = arith.constant 0 : index
    %get3A_450 = vector.load %arg2[%get3A_446, %get3A_447, %get3A_448, %get3A_449] : memref<1x3x64x512xf32, #tpu.memory_space<vmem>>, vector<1x1x1x512xf32>
    %get3A_451 = vector.shape_cast %get3A_450 : vector<1x1x1x512xf32> to vector<512xf32>
    %swap3A_452 = arith.constant 86016 : index
    %swap3A_453 = vector.load %arg3[%swap3A_452] : memref<98304xf32, #tpu.memory_space<vmem>>, vector<512xf32>
    tpu.vector_store %arg3[%swap3A_452], %get3A_451 {strides = array<i32>} : memref<98304xf32, #tpu.memory_space<vmem>>, vector<512xf32>,
    %get3A_454 = arith.constant 0 : index
    %get3A_455 = arith.constant 0 : index
    %get3A_456 = arith.constant 57 : index
    %get3A_457 = arith.constant 0 : index
    %get3A_458 = vector.load %arg2[%get3A_454, %get3A_455, %get3A_456, %get3A_457] : memref<1x3x64x512xf32, #tpu.memory_space<vmem>>, vector<1x1x1x512xf32>
    %get3A_459 = vector.shape_cast %get3A_458 : vector<1x1x1x512xf32> to vector<512xf32>
    %swap3A_460 = arith.constant 86528 : index
    %swap3A_461 = vector.load %arg3[%swap3A_460] : memref<98304xf32, #tpu.memory_space<vmem>>, vector<512xf32>
    tpu.vector_store %arg3[%swap3A_460], %get3A_459 {strides = array<i32>} : memref<98304xf32, #tpu.memory_space<vmem>>, vector<512xf32>,
    %get3A_462 = arith.constant 0 : index
    %get3A_463 = arith.constant 0 : index
    %get3A_464 = arith.constant 58 : index
    %get3A_465 = arith.constant 0 : index
    %get3A_466 = vector.load %arg2[%get3A_462, %get3A_463, %get3A_464, %get3A_465] : memref<1x3x64x512xf32, #tpu.memory_space<vmem>>, vector<1x1x1x512xf32>
    %get3A_467 = vector.shape_cast %get3A_466 : vector<1x1x1x512xf32> to vector<512xf32>
    %swap3A_468 = arith.constant 89088 : index
    %swap3A_469 = vector.load %arg3[%swap3A_468] : memref<98304xf32, #tpu.memory_space<vmem>>, vector<512xf32>
    tpu.vector_store %arg3[%swap3A_468], %get3A_467 {strides = array<i32>} : memref<98304xf32, #tpu.memory_space<vmem>>, vector<512xf32>,
    %get3A_470 = arith.constant 0 : index
    %get3A_471 = arith.constant 0 : index
    %get3A_472 = arith.constant 59 : index
    %get3A_473 = arith.constant 0 : index
    %get3A_474 = vector.load %arg2[%get3A_470, %get3A_471, %get3A_472, %get3A_473] : memref<1x3x64x512xf32, #tpu.memory_space<vmem>>, vector<1x1x1x512xf32>
    %get3A_475 = vector.shape_cast %get3A_474 : vector<1x1x1x512xf32> to vector<512xf32>
    %swap3A_476 = arith.constant 89600 : index
    %swap3A_477 = vector.load %arg3[%swap3A_476] : memref<98304xf32, #tpu.memory_space<vmem>>, vector<512xf32>
    tpu.vector_store %arg3[%swap3A_476], %get3A_475 {strides = array<i32>} : memref<98304xf32, #tpu.memory_space<vmem>>, vector<512xf32>,
    %get3A_478 = arith.constant 0 : index
    %get3A_479 = arith.constant 0 : index
    %get3A_480 = arith.constant 60 : index
    %get3A_481 = arith.constant 0 : index
    %get3A_482 = vector.load %arg2[%get3A_478, %get3A_479, %get3A_480, %get3A_481] : memref<1x3x64x512xf32, #tpu.memory_space<vmem>>, vector<1x1x1x512xf32>
    %get3A_483 = vector.shape_cast %get3A_482 : vector<1x1x1x512xf32> to vector<512xf32>
    %swap3A_484 = arith.constant 92160 : index
    %swap3A_485 = vector.load %arg3[%swap3A_484] : memref<98304xf32, #tpu.memory_space<vmem>>, vector<512xf32>
    tpu.vector_store %arg3[%swap3A_484], %get3A_483 {strides = array<i32>} : memref<98304xf32, #tpu.memory_space<vmem>>, vector<512xf32>,
    %get3A_486 = arith.constant 0 : index
    %get3A_487 = arith.constant 0 : index
    %get3A_488 = arith.constant 61 : index
    %get3A_489 = arith.constant 0 : index
    %get3A_490 = vector.load %arg2[%get3A_486, %get3A_487, %get3A_488, %get3A_489] : memref<1x3x64x512xf32, #tpu.memory_space<vmem>>, vector<1x1x1x512xf32>
    %get3A_491 = vector.shape_cast %get3A_490 : vector<1x1x1x512xf32> to vector<512xf32>
    %swap3A_492 = arith.constant 92672 : index
    %swap3A_493 = vector.load %arg3[%swap3A_492] : memref<98304xf32, #tpu.memory_space<vmem>>, vector<512xf32>
    tpu.vector_store %arg3[%swap3A_492], %get3A_491 {strides = array<i32>} : memref<98304xf32, #tpu.memory_space<vmem>>, vector<512xf32>,
    %get3A_494 = arith.constant 0 : index
    %get3A_495 = arith.constant 0 : index
    %get3A_496 = arith.constant 62 : index
    %get3A_497 = arith.constant 0 : index
    %get3A_498 = vector.load %arg2[%get3A_494, %get3A_495, %get3A_496, %get3A_497] : memref<1x3x64x512xf32, #tpu.memory_space<vmem>>, vector<1x1x1x512xf32>
    %get3A_499 = vector.shape_cast %get3A_498 : vector<1x1x1x512xf32> to vector<512xf32>
    %swap3A_500 = arith.constant 95232 : index
    %swap3A_501 = vector.load %arg3[%swap3A_500] : memref<98304xf32, #tpu.memory_space<vmem>>, vector<512xf32>
    tpu.vector_store %arg3[%swap3A_500], %get3A_499 {strides = array<i32>} : memref<98304xf32, #tpu.memory_space<vmem>>, vector<512xf32>,
    %get3A_502 = arith.constant 0 : index
    %get3A_503 = arith.constant 0 : index
    %get3A_504 = arith.constant 63 : index
    %get3A_505 = arith.constant 0 : index
    %get3A_506 = vector.load %arg2[%get3A_502, %get3A_503, %get3A_504, %get3A_505] : memref<1x3x64x512xf32, #tpu.memory_space<vmem>>, vector<1x1x1x512xf32>
    %get3A_507 = vector.shape_cast %get3A_506 : vector<1x1x1x512xf32> to vector<512xf32>
    %swap3A_508 = arith.constant 95744 : index
    %swap3A_509 = vector.load %arg3[%swap3A_508] : memref<98304xf32, #tpu.memory_space<vmem>>, vector<512xf32>
    tpu.vector_store %arg3[%swap3A_508], %get3A_507 {strides = array<i32>} : memref<98304xf32, #tpu.memory_space<vmem>>, vector<512xf32>,
    %get3A_510 = arith.constant 0 : index
    %get3A_511 = arith.constant 1 : index
    %get3A_512 = arith.constant 0 : index
    %get3A_513 = arith.constant 0 : index
    %get3A_514 = vector.load %arg2[%get3A_510, %get3A_511, %get3A_512, %get3A_513] : memref<1x3x64x512xf32, #tpu.memory_space<vmem>>, vector<1x1x1x512xf32>
    %get3A_515 = vector.shape_cast %get3A_514 : vector<1x1x1x512xf32> to vector<512xf32>
    %swap3A_516 = arith.constant 1024 : index
    %swap3A_517 = vector.load %arg3[%swap3A_516] : memref<98304xf32, #tpu.memory_space<vmem>>, vector<512xf32>
    tpu.vector_store %arg3[%swap3A_516], %get3A_515 {strides = array<i32>} : memref<98304xf32, #tpu.memory_space<vmem>>, vector<512xf32>,
    %get3A_518 = arith.constant 0 : index
    %get3A_519 = arith.constant 1 : index
    %get3A_520 = arith.constant 1 : index
    %get3A_521 = arith.constant 0 : index
    %get3A_522 = vector.load %arg2[%get3A_518, %get3A_519, %get3A_520, %get3A_521] : memref<1x3x64x512xf32, #tpu.memory_space<vmem>>, vector<1x1x1x512xf32>
    %get3A_523 = vector.shape_cast %get3A_522 : vector<1x1x1x512xf32> to vector<512xf32>
    %swap3A_524 = arith.constant 1536 : index
    %swap3A_525 = vector.load %arg3[%swap3A_524] : memref<98304xf32, #tpu.memory_space<vmem>>, vector<512xf32>
    tpu.vector_store %arg3[%swap3A_524], %get3A_523 {strides = array<i32>} : memref<98304xf32, #tpu.memory_space<vmem>>, vector<512xf32>,
    %get3A_526 = arith.constant 0 : index
    %get3A_527 = arith.constant 1 : index
    %get3A_528 = arith.constant 2 : index
    %get3A_529 = arith.constant 0 : index
    %get3A_530 = vector.load %arg2[%get3A_526, %get3A_527, %get3A_528, %get3A_529] : memref<1x3x64x512xf32, #tpu.memory_space<vmem>>, vector<1x1x1x512xf32>
    %get3A_531 = vector.shape_cast %get3A_530 : vector<1x1x1x512xf32> to vector<512xf32>
    %swap3A_532 = arith.constant 4096 : index
    %swap3A_533 = vector.load %arg3[%swap3A_532] : memref<98304xf32, #tpu.memory_space<vmem>>, vector<512xf32>
    tpu.vector_store %arg3[%swap3A_532], %get3A_531 {strides = array<i32>} : memref<98304xf32, #tpu.memory_space<vmem>>, vector<512xf32>,
    %get3A_534 = arith.constant 0 : index
    %get3A_535 = arith.constant 1 : index
    %get3A_536 = arith.constant 3 : index
    %get3A_537 = arith.constant 0 : index
    %get3A_538 = vector.load %arg2[%get3A_534, %get3A_535, %get3A_536, %get3A_537] : memref<1x3x64x512xf32, #tpu.memory_space<vmem>>, vector<1x1x1x512xf32>
    %get3A_539 = vector.shape_cast %get3A_538 : vector<1x1x1x512xf32> to vector<512xf32>
    %swap3A_540 = arith.constant 4608 : index
    %swap3A_541 = vector.load %arg3[%swap3A_540] : memref<98304xf32, #tpu.memory_space<vmem>>, vector<512xf32>
    tpu.vector_store %arg3[%swap3A_540], %get3A_539 {strides = array<i32>} : memref<98304xf32, #tpu.memory_space<vmem>>, vector<512xf32>,
    %get3A_542 = arith.constant 0 : index
    %get3A_543 = arith.constant 1 : index
    %get3A_544 = arith.constant 4 : index
    %get3A_545 = arith.constant 0 : index
    %get3A_546 = vector.load %arg2[%get3A_542, %get3A_543, %get3A_544, %get3A_545] : memref<1x3x64x512xf32, #tpu.memory_space<vmem>>, vector<1x1x1x512xf32>
    %get3A_547 = vector.shape_cast %get3A_546 : vector<1x1x1x512xf32> to vector<512xf32>
    %swap3A_548 = arith.constant 7168 : index
    %swap3A_549 = vector.load %arg3[%swap3A_548] : memref<98304xf32, #tpu.memory_space<vmem>>, vector<512xf32>
    tpu.vector_store %arg3[%swap3A_548], %get3A_547 {strides = array<i32>} : memref<98304xf32, #tpu.memory_space<vmem>>, vector<512xf32>,
    %get3A_550 = arith.constant 0 : index
    %get3A_551 = arith.constant 1 : index
    %get3A_552 = arith.constant 5 : index
    %get3A_553 = arith.constant 0 : index
    %get3A_554 = vector.load %arg2[%get3A_550, %get3A_551, %get3A_552, %get3A_553] : memref<1x3x64x512xf32, #tpu.memory_space<vmem>>, vector<1x1x1x512xf32>
    %get3A_555 = vector.shape_cast %get3A_554 : vector<1x1x1x512xf32> to vector<512xf32>
    %swap3A_556 = arith.constant 7680 : index
    %swap3A_557 = vector.load %arg3[%swap3A_556] : memref<98304xf32, #tpu.memory_space<vmem>>, vector<512xf32>
    tpu.vector_store %arg3[%swap3A_556], %get3A_555 {strides = array<i32>} : memref<98304xf32, #tpu.memory_space<vmem>>, vector<512xf32>,
    %get3A_558 = arith.constant 0 : index
    %get3A_559 = arith.constant 1 : index
    %get3A_560 = arith.constant 6 : index
    %get3A_561 = arith.constant 0 : index
    %get3A_562 = vector.load %arg2[%get3A_558, %get3A_559, %get3A_560, %get3A_561] : memref<1x3x64x512xf32, #tpu.memory_space<vmem>>, vector<1x1x1x512xf32>
    %get3A_563 = vector.shape_cast %get3A_562 : vector<1x1x1x512xf32> to vector<512xf32>
    %swap3A_564 = arith.constant 10240 : index
    %swap3A_565 = vector.load %arg3[%swap3A_564] : memref<98304xf32, #tpu.memory_space<vmem>>, vector<512xf32>
    tpu.vector_store %arg3[%swap3A_564], %get3A_563 {strides = array<i32>} : memref<98304xf32, #tpu.memory_space<vmem>>, vector<512xf32>,
    %get3A_566 = arith.constant 0 : index
    %get3A_567 = arith.constant 1 : index
    %get3A_568 = arith.constant 7 : index
    %get3A_569 = arith.constant 0 : index
    %get3A_570 = vector.load %arg2[%get3A_566, %get3A_567, %get3A_568, %get3A_569] : memref<1x3x64x512xf32, #tpu.memory_space<vmem>>, vector<1x1x1x512xf32>
    %get3A_571 = vector.shape_cast %get3A_570 : vector<1x1x1x512xf32> to vector<512xf32>
    %swap3A_572 = arith.constant 10752 : index
    %swap3A_573 = vector.load %arg3[%swap3A_572] : memref<98304xf32, #tpu.memory_space<vmem>>, vector<512xf32>
    tpu.vector_store %arg3[%swap3A_572], %get3A_571 {strides = array<i32>} : memref<98304xf32, #tpu.memory_space<vmem>>, vector<512xf32>,
    %get3A_574 = arith.constant 0 : index
    %get3A_575 = arith.constant 1 : index
    %get3A_576 = arith.constant 8 : index
    %get3A_577 = arith.constant 0 : index
    %get3A_578 = vector.load %arg2[%get3A_574, %get3A_575, %get3A_576, %get3A_577] : memref<1x3x64x512xf32, #tpu.memory_space<vmem>>, vector<1x1x1x512xf32>
    %get3A_579 = vector.shape_cast %get3A_578 : vector<1x1x1x512xf32> to vector<512xf32>
    %swap3A_580 = arith.constant 13312 : index
    %swap3A_581 = vector.load %arg3[%swap3A_580] : memref<98304xf32, #tpu.memory_space<vmem>>, vector<512xf32>
    tpu.vector_store %arg3[%swap3A_580], %get3A_579 {strides = array<i32>} : memref<98304xf32, #tpu.memory_space<vmem>>, vector<512xf32>,
    %get3A_582 = arith.constant 0 : index
    %get3A_583 = arith.constant 1 : index
    %get3A_584 = arith.constant 9 : index
    %get3A_585 = arith.constant 0 : index
    %get3A_586 = vector.load %arg2[%get3A_582, %get3A_583, %get3A_584, %get3A_585] : memref<1x3x64x512xf32, #tpu.memory_space<vmem>>, vector<1x1x1x512xf32>
    %get3A_587 = vector.shape_cast %get3A_586 : vector<1x1x1x512xf32> to vector<512xf32>
    %swap3A_588 = arith.constant 13824 : index
    %swap3A_589 = vector.load %arg3[%swap3A_588] : memref<98304xf32, #tpu.memory_space<vmem>>, vector<512xf32>
    tpu.vector_store %arg3[%swap3A_588], %get3A_587 {strides = array<i32>} : memref<98304xf32, #tpu.memory_space<vmem>>, vector<512xf32>,
    %get3A_590 = arith.constant 0 : index
    %get3A_591 = arith.constant 1 : index
    %get3A_592 = arith.constant 10 : index
    %get3A_593 = arith.constant 0 : index
    %get3A_594 = vector.load %arg2[%get3A_590, %get3A_591, %get3A_592, %get3A_593] : memref<1x3x64x512xf32, #tpu.memory_space<vmem>>, vector<1x1x1x512xf32>
    %get3A_595 = vector.shape_cast %get3A_594 : vector<1x1x1x512xf32> to vector<512xf32>
    %swap3A_596 = arith.constant 16384 : index
    %swap3A_597 = vector.load %arg3[%swap3A_596] : memref<98304xf32, #tpu.memory_space<vmem>>, vector<512xf32>
    tpu.vector_store %arg3[%swap3A_596], %get3A_595 {strides = array<i32>} : memref<98304xf32, #tpu.memory_space<vmem>>, vector<512xf32>,
    %get3A_598 = arith.constant 0 : index
    %get3A_599 = arith.constant 1 : index
    %get3A_600 = arith.constant 11 : index
    %get3A_601 = arith.constant 0 : index
    %get3A_602 = vector.load %arg2[%get3A_598, %get3A_599, %get3A_600, %get3A_601] : memref<1x3x64x512xf32, #tpu.memory_space<vmem>>, vector<1x1x1x512xf32>
    %get3A_603 = vector.shape_cast %get3A_602 : vector<1x1x1x512xf32> to vector<512xf32>
    %swap3A_604 = arith.constant 16896 : index
    %swap3A_605 = vector.load %arg3[%swap3A_604] : memref<98304xf32, #tpu.memory_space<vmem>>, vector<512xf32>
    tpu.vector_store %arg3[%swap3A_604], %get3A_603 {strides = array<i32>} : memref<98304xf32, #tpu.memory_space<vmem>>, vector<512xf32>,
    %get3A_606 = arith.constant 0 : index
    %get3A_607 = arith.constant 1 : index
    %get3A_608 = arith.constant 12 : index
    %get3A_609 = arith.constant 0 : index
    %get3A_610 = vector.load %arg2[%get3A_606, %get3A_607, %get3A_608, %get3A_609] : memref<1x3x64x512xf32, #tpu.memory_space<vmem>>, vector<1x1x1x512xf32>
    %get3A_611 = vector.shape_cast %get3A_610 : vector<1x1x1x512xf32> to vector<512xf32>
    %swap3A_612 = arith.constant 19456 : index
    %swap3A_613 = vector.load %arg3[%swap3A_612] : memref<98304xf32, #tpu.memory_space<vmem>>, vector<512xf32>
    tpu.vector_store %arg3[%swap3A_612], %get3A_611 {strides = array<i32>} : memref<98304xf32, #tpu.memory_space<vmem>>, vector<512xf32>,
    %get3A_614 = arith.constant 0 : index
    %get3A_615 = arith.constant 1 : index
    %get3A_616 = arith.constant 13 : index
    %get3A_617 = arith.constant 0 : index
    %get3A_618 = vector.load %arg2[%get3A_614, %get3A_615, %get3A_616, %get3A_617] : memref<1x3x64x512xf32, #tpu.memory_space<vmem>>, vector<1x1x1x512xf32>
    %get3A_619 = vector.shape_cast %get3A_618 : vector<1x1x1x512xf32> to vector<512xf32>
    %swap3A_620 = arith.constant 19968 : index
    %swap3A_621 = vector.load %arg3[%swap3A_620] : memref<98304xf32, #tpu.memory_space<vmem>>, vector<512xf32>
    tpu.vector_store %arg3[%swap3A_620], %get3A_619 {strides = array<i32>} : memref<98304xf32, #tpu.memory_space<vmem>>, vector<512xf32>,
    %get3A_622 = arith.constant 0 : index
    %get3A_623 = arith.constant 1 : index
    %get3A_624 = arith.constant 14 : index
    %get3A_625 = arith.constant 0 : index
    %get3A_626 = vector.load %arg2[%get3A_622, %get3A_623, %get3A_624, %get3A_625] : memref<1x3x64x512xf32, #tpu.memory_space<vmem>>, vector<1x1x1x512xf32>
    %get3A_627 = vector.shape_cast %get3A_626 : vector<1x1x1x512xf32> to vector<512xf32>
    %swap3A_628 = arith.constant 22528 : index
    %swap3A_629 = vector.load %arg3[%swap3A_628] : memref<98304xf32, #tpu.memory_space<vmem>>, vector<512xf32>
    tpu.vector_store %arg3[%swap3A_628], %get3A_627 {strides = array<i32>} : memref<98304xf32, #tpu.memory_space<vmem>>, vector<512xf32>,
    %get3A_630 = arith.constant 0 : index
    %get3A_631 = arith.constant 1 : index
    %get3A_632 = arith.constant 15 : index
    %get3A_633 = arith.constant 0 : index
    %get3A_634 = vector.load %arg2[%get3A_630, %get3A_631, %get3A_632, %get3A_633] : memref<1x3x64x512xf32, #tpu.memory_space<vmem>>, vector<1x1x1x512xf32>
    %get3A_635 = vector.shape_cast %get3A_634 : vector<1x1x1x512xf32> to vector<512xf32>
    %swap3A_636 = arith.constant 23040 : index
    %swap3A_637 = vector.load %arg3[%swap3A_636] : memref<98304xf32, #tpu.memory_space<vmem>>, vector<512xf32>
    tpu.vector_store %arg3[%swap3A_636], %get3A_635 {strides = array<i32>} : memref<98304xf32, #tpu.memory_space<vmem>>, vector<512xf32>,
    %get3A_638 = arith.constant 0 : index
    %get3A_639 = arith.constant 1 : index
    %get3A_640 = arith.constant 16 : index
    %get3A_641 = arith.constant 0 : index
    %get3A_642 = vector.load %arg2[%get3A_638, %get3A_639, %get3A_640, %get3A_641] : memref<1x3x64x512xf32, #tpu.memory_space<vmem>>, vector<1x1x1x512xf32>
    %get3A_643 = vector.shape_cast %get3A_642 : vector<1x1x1x512xf32> to vector<512xf32>
    %swap3A_644 = arith.constant 25600 : index
    %swap3A_645 = vector.load %arg3[%swap3A_644] : memref<98304xf32, #tpu.memory_space<vmem>>, vector<512xf32>
    tpu.vector_store %arg3[%swap3A_644], %get3A_643 {strides = array<i32>} : memref<98304xf32, #tpu.memory_space<vmem>>, vector<512xf32>,
    %get3A_646 = arith.constant 0 : index
    %get3A_647 = arith.constant 1 : index
    %get3A_648 = arith.constant 17 : index
    %get3A_649 = arith.constant 0 : index
    %get3A_650 = vector.load %arg2[%get3A_646, %get3A_647, %get3A_648, %get3A_649] : memref<1x3x64x512xf32, #tpu.memory_space<vmem>>, vector<1x1x1x512xf32>
    %get3A_651 = vector.shape_cast %get3A_650 : vector<1x1x1x512xf32> to vector<512xf32>
    %swap3A_652 = arith.constant 26112 : index
    %swap3A_653 = vector.load %arg3[%swap3A_652] : memref<98304xf32, #tpu.memory_space<vmem>>, vector<512xf32>
    tpu.vector_store %arg3[%swap3A_652], %get3A_651 {strides = array<i32>} : memref<98304xf32, #tpu.memory_space<vmem>>, vector<512xf32>,
    %get3A_654 = arith.constant 0 : index
    %get3A_655 = arith.constant 1 : index
    %get3A_656 = arith.constant 18 : index
    %get3A_657 = arith.constant 0 : index
    %get3A_658 = vector.load %arg2[%get3A_654, %get3A_655, %get3A_656, %get3A_657] : memref<1x3x64x512xf32, #tpu.memory_space<vmem>>, vector<1x1x1x512xf32>
    %get3A_659 = vector.shape_cast %get3A_658 : vector<1x1x1x512xf32> to vector<512xf32>
    %swap3A_660 = arith.constant 28672 : index
    %swap3A_661 = vector.load %arg3[%swap3A_660] : memref<98304xf32, #tpu.memory_space<vmem>>, vector<512xf32>
    tpu.vector_store %arg3[%swap3A_660], %get3A_659 {strides = array<i32>} : memref<98304xf32, #tpu.memory_space<vmem>>, vector<512xf32>,
    %get3A_662 = arith.constant 0 : index
    %get3A_663 = arith.constant 1 : index
    %get3A_664 = arith.constant 19 : index
    %get3A_665 = arith.constant 0 : index
    %get3A_666 = vector.load %arg2[%get3A_662, %get3A_663, %get3A_664, %get3A_665] : memref<1x3x64x512xf32, #tpu.memory_space<vmem>>, vector<1x1x1x512xf32>
    %get3A_667 = vector.shape_cast %get3A_666 : vector<1x1x1x512xf32> to vector<512xf32>
    %swap3A_668 = arith.constant 29184 : index
    %swap3A_669 = vector.load %arg3[%swap3A_668] : memref<98304xf32, #tpu.memory_space<vmem>>, vector<512xf32>
    tpu.vector_store %arg3[%swap3A_668], %get3A_667 {strides = array<i32>} : memref<98304xf32, #tpu.memory_space<vmem>>, vector<512xf32>,
    %get3A_670 = arith.constant 0 : index
    %get3A_671 = arith.constant 1 : index
    %get3A_672 = arith.constant 20 : index
    %get3A_673 = arith.constant 0 : index
    %get3A_674 = vector.load %arg2[%get3A_670, %get3A_671, %get3A_672, %get3A_673] : memref<1x3x64x512xf32, #tpu.memory_space<vmem>>, vector<1x1x1x512xf32>
    %get3A_675 = vector.shape_cast %get3A_674 : vector<1x1x1x512xf32> to vector<512xf32>
    %swap3A_676 = arith.constant 31744 : index
    %swap3A_677 = vector.load %arg3[%swap3A_676] : memref<98304xf32, #tpu.memory_space<vmem>>, vector<512xf32>
    tpu.vector_store %arg3[%swap3A_676], %get3A_675 {strides = array<i32>} : memref<98304xf32, #tpu.memory_space<vmem>>, vector<512xf32>,
    %get3A_678 = arith.constant 0 : index
    %get3A_679 = arith.constant 1 : index
    %get3A_680 = arith.constant 21 : index
    %get3A_681 = arith.constant 0 : index
    %get3A_682 = vector.load %arg2[%get3A_678, %get3A_679, %get3A_680, %get3A_681] : memref<1x3x64x512xf32, #tpu.memory_space<vmem>>, vector<1x1x1x512xf32>
    %get3A_683 = vector.shape_cast %get3A_682 : vector<1x1x1x512xf32> to vector<512xf32>
    %swap3A_684 = arith.constant 32256 : index
    %swap3A_685 = vector.load %arg3[%swap3A_684] : memref<98304xf32, #tpu.memory_space<vmem>>, vector<512xf32>
    tpu.vector_store %arg3[%swap3A_684], %get3A_683 {strides = array<i32>} : memref<98304xf32, #tpu.memory_space<vmem>>, vector<512xf32>,
    %get3A_686 = arith.constant 0 : index
    %get3A_687 = arith.constant 1 : index
    %get3A_688 = arith.constant 22 : index
    %get3A_689 = arith.constant 0 : index
    %get3A_690 = vector.load %arg2[%get3A_686, %get3A_687, %get3A_688, %get3A_689] : memref<1x3x64x512xf32, #tpu.memory_space<vmem>>, vector<1x1x1x512xf32>
    %get3A_691 = vector.shape_cast %get3A_690 : vector<1x1x1x512xf32> to vector<512xf32>
    %swap3A_692 = arith.constant 34816 : index
    %swap3A_693 = vector.load %arg3[%swap3A_692] : memref<98304xf32, #tpu.memory_space<vmem>>, vector<512xf32>
    tpu.vector_store %arg3[%swap3A_692], %get3A_691 {strides = array<i32>} : memref<98304xf32, #tpu.memory_space<vmem>>, vector<512xf32>,
    %get3A_694 = arith.constant 0 : index
    %get3A_695 = arith.constant 1 : index
    %get3A_696 = arith.constant 23 : index
    %get3A_697 = arith.constant 0 : index
    %get3A_698 = vector.load %arg2[%get3A_694, %get3A_695, %get3A_696, %get3A_697] : memref<1x3x64x512xf32, #tpu.memory_space<vmem>>, vector<1x1x1x512xf32>
    %get3A_699 = vector.shape_cast %get3A_698 : vector<1x1x1x512xf32> to vector<512xf32>
    %swap3A_700 = arith.constant 35328 : index
    %swap3A_701 = vector.load %arg3[%swap3A_700] : memref<98304xf32, #tpu.memory_space<vmem>>, vector<512xf32>
    tpu.vector_store %arg3[%swap3A_700], %get3A_699 {strides = array<i32>} : memref<98304xf32, #tpu.memory_space<vmem>>, vector<512xf32>,
    %get3A_702 = arith.constant 0 : index
    %get3A_703 = arith.constant 1 : index
    %get3A_704 = arith.constant 24 : index
    %get3A_705 = arith.constant 0 : index
    %get3A_706 = vector.load %arg2[%get3A_702, %get3A_703, %get3A_704, %get3A_705] : memref<1x3x64x512xf32, #tpu.memory_space<vmem>>, vector<1x1x1x512xf32>
    %get3A_707 = vector.shape_cast %get3A_706 : vector<1x1x1x512xf32> to vector<512xf32>
    %swap3A_708 = arith.constant 37888 : index
    %swap3A_709 = vector.load %arg3[%swap3A_708] : memref<98304xf32, #tpu.memory_space<vmem>>, vector<512xf32>
    tpu.vector_store %arg3[%swap3A_708], %get3A_707 {strides = array<i32>} : memref<98304xf32, #tpu.memory_space<vmem>>, vector<512xf32>,
    %get3A_710 = arith.constant 0 : index
    %get3A_711 = arith.constant 1 : index
    %get3A_712 = arith.constant 25 : index
    %get3A_713 = arith.constant 0 : index
    %get3A_714 = vector.load %arg2[%get3A_710, %get3A_711, %get3A_712, %get3A_713] : memref<1x3x64x512xf32, #tpu.memory_space<vmem>>, vector<1x1x1x512xf32>
    %get3A_715 = vector.shape_cast %get3A_714 : vector<1x1x1x512xf32> to vector<512xf32>
    %swap3A_716 = arith.constant 38400 : index
    %swap3A_717 = vector.load %arg3[%swap3A_716] : memref<98304xf32, #tpu.memory_space<vmem>>, vector<512xf32>
    tpu.vector_store %arg3[%swap3A_716], %get3A_715 {strides = array<i32>} : memref<98304xf32, #tpu.memory_space<vmem>>, vector<512xf32>,
    %get3A_718 = arith.constant 0 : index
    %get3A_719 = arith.constant 1 : index
    %get3A_720 = arith.constant 26 : index
    %get3A_721 = arith.constant 0 : index
    %get3A_722 = vector.load %arg2[%get3A_718, %get3A_719, %get3A_720, %get3A_721] : memref<1x3x64x512xf32, #tpu.memory_space<vmem>>, vector<1x1x1x512xf32>
    %get3A_723 = vector.shape_cast %get3A_722 : vector<1x1x1x512xf32> to vector<512xf32>
    %swap3A_724 = arith.constant 40960 : index
    %swap3A_725 = vector.load %arg3[%swap3A_724] : memref<98304xf32, #tpu.memory_space<vmem>>, vector<512xf32>
    tpu.vector_store %arg3[%swap3A_724], %get3A_723 {strides = array<i32>} : memref<98304xf32, #tpu.memory_space<vmem>>, vector<512xf32>,
    %get3A_726 = arith.constant 0 : index
    %get3A_727 = arith.constant 1 : index
    %get3A_728 = arith.constant 27 : index
    %get3A_729 = arith.constant 0 : index
    %get3A_730 = vector.load %arg2[%get3A_726, %get3A_727, %get3A_728, %get3A_729] : memref<1x3x64x512xf32, #tpu.memory_space<vmem>>, vector<1x1x1x512xf32>
    %get3A_731 = vector.shape_cast %get3A_730 : vector<1x1x1x512xf32> to vector<512xf32>
    %swap3A_732 = arith.constant 41472 : index
    %swap3A_733 = vector.load %arg3[%swap3A_732] : memref<98304xf32, #tpu.memory_space<vmem>>, vector<512xf32>
    tpu.vector_store %arg3[%swap3A_732], %get3A_731 {strides = array<i32>} : memref<98304xf32, #tpu.memory_space<vmem>>, vector<512xf32>,
    %get3A_734 = arith.constant 0 : index
    %get3A_735 = arith.constant 1 : index
    %get3A_736 = arith.constant 28 : index
    %get3A_737 = arith.constant 0 : index
    %get3A_738 = vector.load %arg2[%get3A_734, %get3A_735, %get3A_736, %get3A_737] : memref<1x3x64x512xf32, #tpu.memory_space<vmem>>, vector<1x1x1x512xf32>
    %get3A_739 = vector.shape_cast %get3A_738 : vector<1x1x1x512xf32> to vector<512xf32>
    %swap3A_740 = arith.constant 44032 : index
    %swap3A_741 = vector.load %arg3[%swap3A_740] : memref<98304xf32, #tpu.memory_space<vmem>>, vector<512xf32>
    tpu.vector_store %arg3[%swap3A_740], %get3A_739 {strides = array<i32>} : memref<98304xf32, #tpu.memory_space<vmem>>, vector<512xf32>,
    %get3A_742 = arith.constant 0 : index
    %get3A_743 = arith.constant 1 : index
    %get3A_744 = arith.constant 29 : index
    %get3A_745 = arith.constant 0 : index
    %get3A_746 = vector.load %arg2[%get3A_742, %get3A_743, %get3A_744, %get3A_745] : memref<1x3x64x512xf32, #tpu.memory_space<vmem>>, vector<1x1x1x512xf32>
    %get3A_747 = vector.shape_cast %get3A_746 : vector<1x1x1x512xf32> to vector<512xf32>
    %swap3A_748 = arith.constant 44544 : index
    %swap3A_749 = vector.load %arg3[%swap3A_748] : memref<98304xf32, #tpu.memory_space<vmem>>, vector<512xf32>
    tpu.vector_store %arg3[%swap3A_748], %get3A_747 {strides = array<i32>} : memref<98304xf32, #tpu.memory_space<vmem>>, vector<512xf32>,
    %get3A_750 = arith.constant 0 : index
    %get3A_751 = arith.constant 1 : index
    %get3A_752 = arith.constant 30 : index
    %get3A_753 = arith.constant 0 : index
    %get3A_754 = vector.load %arg2[%get3A_750, %get3A_751, %get3A_752, %get3A_753] : memref<1x3x64x512xf32, #tpu.memory_space<vmem>>, vector<1x1x1x512xf32>
    %get3A_755 = vector.shape_cast %get3A_754 : vector<1x1x1x512xf32> to vector<512xf32>
    %swap3A_756 = arith.constant 47104 : index
    %swap3A_757 = vector.load %arg3[%swap3A_756] : memref<98304xf32, #tpu.memory_space<vmem>>, vector<512xf32>
    tpu.vector_store %arg3[%swap3A_756], %get3A_755 {strides = array<i32>} : memref<98304xf32, #tpu.memory_space<vmem>>, vector<512xf32>,
    %get3A_758 = arith.constant 0 : index
    %get3A_759 = arith.constant 1 : index
    %get3A_760 = arith.constant 31 : index
    %get3A_761 = arith.constant 0 : index
    %get3A_762 = vector.load %arg2[%get3A_758, %get3A_759, %get3A_760, %get3A_761] : memref<1x3x64x512xf32, #tpu.memory_space<vmem>>, vector<1x1x1x512xf32>
    %get3A_763 = vector.shape_cast %get3A_762 : vector<1x1x1x512xf32> to vector<512xf32>
    %swap3A_764 = arith.constant 47616 : index
    %swap3A_765 = vector.load %arg3[%swap3A_764] : memref<98304xf32, #tpu.memory_space<vmem>>, vector<512xf32>
    tpu.vector_store %arg3[%swap3A_764], %get3A_763 {strides = array<i32>} : memref<98304xf32, #tpu.memory_space<vmem>>, vector<512xf32>,
    %get3A_766 = arith.constant 0 : index
    %get3A_767 = arith.constant 1 : index
    %get3A_768 = arith.constant 32 : index
    %get3A_769 = arith.constant 0 : index
    %get3A_770 = vector.load %arg2[%get3A_766, %get3A_767, %get3A_768, %get3A_769] : memref<1x3x64x512xf32, #tpu.memory_space<vmem>>, vector<1x1x1x512xf32>
    %get3A_771 = vector.shape_cast %get3A_770 : vector<1x1x1x512xf32> to vector<512xf32>
    %swap3A_772 = arith.constant 50176 : index
    %swap3A_773 = vector.load %arg3[%swap3A_772] : memref<98304xf32, #tpu.memory_space<vmem>>, vector<512xf32>
    tpu.vector_store %arg3[%swap3A_772], %get3A_771 {strides = array<i32>} : memref<98304xf32, #tpu.memory_space<vmem>>, vector<512xf32>,
    %get3A_774 = arith.constant 0 : index
    %get3A_775 = arith.constant 1 : index
    %get3A_776 = arith.constant 33 : index
    %get3A_777 = arith.constant 0 : index
    %get3A_778 = vector.load %arg2[%get3A_774, %get3A_775, %get3A_776, %get3A_777] : memref<1x3x64x512xf32, #tpu.memory_space<vmem>>, vector<1x1x1x512xf32>
    %get3A_779 = vector.shape_cast %get3A_778 : vector<1x1x1x512xf32> to vector<512xf32>
    %swap3A_780 = arith.constant 50688 : index
    %swap3A_781 = vector.load %arg3[%swap3A_780] : memref<98304xf32, #tpu.memory_space<vmem>>, vector<512xf32>
    tpu.vector_store %arg3[%swap3A_780], %get3A_779 {strides = array<i32>} : memref<98304xf32, #tpu.memory_space<vmem>>, vector<512xf32>,
    %get3A_782 = arith.constant 0 : index
    %get3A_783 = arith.constant 1 : index
    %get3A_784 = arith.constant 34 : index
    %get3A_785 = arith.constant 0 : index
    %get3A_786 = vector.load %arg2[%get3A_782, %get3A_783, %get3A_784, %get3A_785] : memref<1x3x64x512xf32, #tpu.memory_space<vmem>>, vector<1x1x1x512xf32>
    %get3A_787 = vector.shape_cast %get3A_786 : vector<1x1x1x512xf32> to vector<512xf32>
    %swap3A_788 = arith.constant 53248 : index
    %swap3A_789 = vector.load %arg3[%swap3A_788] : memref<98304xf32, #tpu.memory_space<vmem>>, vector<512xf32>
    tpu.vector_store %arg3[%swap3A_788], %get3A_787 {strides = array<i32>} : memref<98304xf32, #tpu.memory_space<vmem>>, vector<512xf32>,
    %get3A_790 = arith.constant 0 : index
    %get3A_791 = arith.constant 1 : index
    %get3A_792 = arith.constant 35 : index
    %get3A_793 = arith.constant 0 : index
    %get3A_794 = vector.load %arg2[%get3A_790, %get3A_791, %get3A_792, %get3A_793] : memref<1x3x64x512xf32, #tpu.memory_space<vmem>>, vector<1x1x1x512xf32>
    %get3A_795 = vector.shape_cast %get3A_794 : vector<1x1x1x512xf32> to vector<512xf32>
    %swap3A_796 = arith.constant 53760 : index
    %swap3A_797 = vector.load %arg3[%swap3A_796] : memref<98304xf32, #tpu.memory_space<vmem>>, vector<512xf32>
    tpu.vector_store %arg3[%swap3A_796], %get3A_795 {strides = array<i32>} : memref<98304xf32, #tpu.memory_space<vmem>>, vector<512xf32>,
    %get3A_798 = arith.constant 0 : index
    %get3A_799 = arith.constant 1 : index
    %get3A_800 = arith.constant 36 : index
    %get3A_801 = arith.constant 0 : index
    %get3A_802 = vector.load %arg2[%get3A_798, %get3A_799, %get3A_800, %get3A_801] : memref<1x3x64x512xf32, #tpu.memory_space<vmem>>, vector<1x1x1x512xf32>
    %get3A_803 = vector.shape_cast %get3A_802 : vector<1x1x1x512xf32> to vector<512xf32>
    %swap3A_804 = arith.constant 56320 : index
    %swap3A_805 = vector.load %arg3[%swap3A_804] : memref<98304xf32, #tpu.memory_space<vmem>>, vector<512xf32>
    tpu.vector_store %arg3[%swap3A_804], %get3A_803 {strides = array<i32>} : memref<98304xf32, #tpu.memory_space<vmem>>, vector<512xf32>,
    %get3A_806 = arith.constant 0 : index
    %get3A_807 = arith.constant 1 : index
    %get3A_808 = arith.constant 37 : index
    %get3A_809 = arith.constant 0 : index
    %get3A_810 = vector.load %arg2[%get3A_806, %get3A_807, %get3A_808, %get3A_809] : memref<1x3x64x512xf32, #tpu.memory_space<vmem>>, vector<1x1x1x512xf32>
    %get3A_811 = vector.shape_cast %get3A_810 : vector<1x1x1x512xf32> to vector<512xf32>
    %swap3A_812 = arith.constant 56832 : index
    %swap3A_813 = vector.load %arg3[%swap3A_812] : memref<98304xf32, #tpu.memory_space<vmem>>, vector<512xf32>
    tpu.vector_store %arg3[%swap3A_812], %get3A_811 {strides = array<i32>} : memref<98304xf32, #tpu.memory_space<vmem>>, vector<512xf32>,
    %get3A_814 = arith.constant 0 : index
    %get3A_815 = arith.constant 1 : index
    %get3A_816 = arith.constant 38 : index
    %get3A_817 = arith.constant 0 : index
    %get3A_818 = vector.load %arg2[%get3A_814, %get3A_815, %get3A_816, %get3A_817] : memref<1x3x64x512xf32, #tpu.memory_space<vmem>>, vector<1x1x1x512xf32>
    %get3A_819 = vector.shape_cast %get3A_818 : vector<1x1x1x512xf32> to vector<512xf32>
    %swap3A_820 = arith.constant 59392 : index
    %swap3A_821 = vector.load %arg3[%swap3A_820] : memref<98304xf32, #tpu.memory_space<vmem>>, vector<512xf32>
    tpu.vector_store %arg3[%swap3A_820], %get3A_819 {strides = array<i32>} : memref<98304xf32, #tpu.memory_space<vmem>>, vector<512xf32>,
    %get3A_822 = arith.constant 0 : index
    %get3A_823 = arith.constant 1 : index
    %get3A_824 = arith.constant 39 : index
    %get3A_825 = arith.constant 0 : index
    %get3A_826 = vector.load %arg2[%get3A_822, %get3A_823, %get3A_824, %get3A_825] : memref<1x3x64x512xf32, #tpu.memory_space<vmem>>, vector<1x1x1x512xf32>
    %get3A_827 = vector.shape_cast %get3A_826 : vector<1x1x1x512xf32> to vector<512xf32>
    %swap3A_828 = arith.constant 59904 : index
    %swap3A_829 = vector.load %arg3[%swap3A_828] : memref<98304xf32, #tpu.memory_space<vmem>>, vector<512xf32>
    tpu.vector_store %arg3[%swap3A_828], %get3A_827 {strides = array<i32>} : memref<98304xf32, #tpu.memory_space<vmem>>, vector<512xf32>,
    %get3A_830 = arith.constant 0 : index
    %get3A_831 = arith.constant 1 : index
    %get3A_832 = arith.constant 40 : index
    %get3A_833 = arith.constant 0 : index
    %get3A_834 = vector.load %arg2[%get3A_830, %get3A_831, %get3A_832, %get3A_833] : memref<1x3x64x512xf32, #tpu.memory_space<vmem>>, vector<1x1x1x512xf32>
    %get3A_835 = vector.shape_cast %get3A_834 : vector<1x1x1x512xf32> to vector<512xf32>
    %swap3A_836 = arith.constant 62464 : index
    %swap3A_837 = vector.load %arg3[%swap3A_836] : memref<98304xf32, #tpu.memory_space<vmem>>, vector<512xf32>
    tpu.vector_store %arg3[%swap3A_836], %get3A_835 {strides = array<i32>} : memref<98304xf32, #tpu.memory_space<vmem>>, vector<512xf32>,
    %get3A_838 = arith.constant 0 : index
    %get3A_839 = arith.constant 1 : index
    %get3A_840 = arith.constant 41 : index
    %get3A_841 = arith.constant 0 : index
    %get3A_842 = vector.load %arg2[%get3A_838, %get3A_839, %get3A_840, %get3A_841] : memref<1x3x64x512xf32, #tpu.memory_space<vmem>>, vector<1x1x1x512xf32>
    %get3A_843 = vector.shape_cast %get3A_842 : vector<1x1x1x512xf32> to vector<512xf32>
    %swap3A_844 = arith.constant 62976 : index
    %swap3A_845 = vector.load %arg3[%swap3A_844] : memref<98304xf32, #tpu.memory_space<vmem>>, vector<512xf32>
    tpu.vector_store %arg3[%swap3A_844], %get3A_843 {strides = array<i32>} : memref<98304xf32, #tpu.memory_space<vmem>>, vector<512xf32>,
    %get3A_846 = arith.constant 0 : index
    %get3A_847 = arith.constant 1 : index
    %get3A_848 = arith.constant 42 : index
    %get3A_849 = arith.constant 0 : index
    %get3A_850 = vector.load %arg2[%get3A_846, %get3A_847, %get3A_848, %get3A_849] : memref<1x3x64x512xf32, #tpu.memory_space<vmem>>, vector<1x1x1x512xf32>
    %get3A_851 = vector.shape_cast %get3A_850 : vector<1x1x1x512xf32> to vector<512xf32>
    %swap3A_852 = arith.constant 65536 : index
    %swap3A_853 = vector.load %arg3[%swap3A_852] : memref<98304xf32, #tpu.memory_space<vmem>>, vector<512xf32>
    tpu.vector_store %arg3[%swap3A_852], %get3A_851 {strides = array<i32>} : memref<98304xf32, #tpu.memory_space<vmem>>, vector<512xf32>,
    %get3A_854 = arith.constant 0 : index
    %get3A_855 = arith.constant 1 : index
    %get3A_856 = arith.constant 43 : index
    %get3A_857 = arith.constant 0 : index
    %get3A_858 = vector.load %arg2[%get3A_854, %get3A_855, %get3A_856, %get3A_857] : memref<1x3x64x512xf32, #tpu.memory_space<vmem>>, vector<1x1x1x512xf32>
    %get3A_859 = vector.shape_cast %get3A_858 : vector<1x1x1x512xf32> to vector<512xf32>
    %swap3A_860 = arith.constant 66048 : index
    %swap3A_861 = vector.load %arg3[%swap3A_860] : memref<98304xf32, #tpu.memory_space<vmem>>, vector<512xf32>
    tpu.vector_store %arg3[%swap3A_860], %get3A_859 {strides = array<i32>} : memref<98304xf32, #tpu.memory_space<vmem>>, vector<512xf32>,
    %get3A_862 = arith.constant 0 : index
    %get3A_863 = arith.constant 1 : index
    %get3A_864 = arith.constant 44 : index
    %get3A_865 = arith.constant 0 : index
    %get3A_866 = vector.load %arg2[%get3A_862, %get3A_863, %get3A_864, %get3A_865] : memref<1x3x64x512xf32, #tpu.memory_space<vmem>>, vector<1x1x1x512xf32>
    %get3A_867 = vector.shape_cast %get3A_866 : vector<1x1x1x512xf32> to vector<512xf32>
    %swap3A_868 = arith.constant 68608 : index
    %swap3A_869 = vector.load %arg3[%swap3A_868] : memref<98304xf32, #tpu.memory_space<vmem>>, vector<512xf32>
    tpu.vector_store %arg3[%swap3A_868], %get3A_867 {strides = array<i32>} : memref<98304xf32, #tpu.memory_space<vmem>>, vector<512xf32>,
    %get3A_870 = arith.constant 0 : index
    %get3A_871 = arith.constant 1 : index
    %get3A_872 = arith.constant 45 : index
    %get3A_873 = arith.constant 0 : index
    %get3A_874 = vector.load %arg2[%get3A_870, %get3A_871, %get3A_872, %get3A_873] : memref<1x3x64x512xf32, #tpu.memory_space<vmem>>, vector<1x1x1x512xf32>
    %get3A_875 = vector.shape_cast %get3A_874 : vector<1x1x1x512xf32> to vector<512xf32>
    %swap3A_876 = arith.constant 69120 : index
    %swap3A_877 = vector.load %arg3[%swap3A_876] : memref<98304xf32, #tpu.memory_space<vmem>>, vector<512xf32>
    tpu.vector_store %arg3[%swap3A_876], %get3A_875 {strides = array<i32>} : memref<98304xf32, #tpu.memory_space<vmem>>, vector<512xf32>,
    %get3A_878 = arith.constant 0 : index
    %get3A_879 = arith.constant 1 : index
    %get3A_880 = arith.constant 46 : index
    %get3A_881 = arith.constant 0 : index
    %get3A_882 = vector.load %arg2[%get3A_878, %get3A_879, %get3A_880, %get3A_881] : memref<1x3x64x512xf32, #tpu.memory_space<vmem>>, vector<1x1x1x512xf32>
    %get3A_883 = vector.shape_cast %get3A_882 : vector<1x1x1x512xf32> to vector<512xf32>
    %swap3A_884 = arith.constant 71680 : index
    %swap3A_885 = vector.load %arg3[%swap3A_884] : memref<98304xf32, #tpu.memory_space<vmem>>, vector<512xf32>
    tpu.vector_store %arg3[%swap3A_884], %get3A_883 {strides = array<i32>} : memref<98304xf32, #tpu.memory_space<vmem>>, vector<512xf32>,
    %get3A_886 = arith.constant 0 : index
    %get3A_887 = arith.constant 1 : index
    %get3A_888 = arith.constant 47 : index
    %get3A_889 = arith.constant 0 : index
    %get3A_890 = vector.load %arg2[%get3A_886, %get3A_887, %get3A_888, %get3A_889] : memref<1x3x64x512xf32, #tpu.memory_space<vmem>>, vector<1x1x1x512xf32>
    %get3A_891 = vector.shape_cast %get3A_890 : vector<1x1x1x512xf32> to vector<512xf32>
    %swap3A_892 = arith.constant 72192 : index
    %swap3A_893 = vector.load %arg3[%swap3A_892] : memref<98304xf32, #tpu.memory_space<vmem>>, vector<512xf32>
    tpu.vector_store %arg3[%swap3A_892], %get3A_891 {strides = array<i32>} : memref<98304xf32, #tpu.memory_space<vmem>>, vector<512xf32>,
    %get3A_894 = arith.constant 0 : index
    %get3A_895 = arith.constant 1 : index
    %get3A_896 = arith.constant 48 : index
    %get3A_897 = arith.constant 0 : index
    %get3A_898 = vector.load %arg2[%get3A_894, %get3A_895, %get3A_896, %get3A_897] : memref<1x3x64x512xf32, #tpu.memory_space<vmem>>, vector<1x1x1x512xf32>
    %get3A_899 = vector.shape_cast %get3A_898 : vector<1x1x1x512xf32> to vector<512xf32>
    %swap3A_900 = arith.constant 74752 : index
    %swap3A_901 = vector.load %arg3[%swap3A_900] : memref<98304xf32, #tpu.memory_space<vmem>>, vector<512xf32>
    tpu.vector_store %arg3[%swap3A_900], %get3A_899 {strides = array<i32>} : memref<98304xf32, #tpu.memory_space<vmem>>, vector<512xf32>,
    %get3A_902 = arith.constant 0 : index
    %get3A_903 = arith.constant 1 : index
    %get3A_904 = arith.constant 49 : index
    %get3A_905 = arith.constant 0 : index
    %get3A_906 = vector.load %arg2[%get3A_902, %get3A_903, %get3A_904, %get3A_905] : memref<1x3x64x512xf32, #tpu.memory_space<vmem>>, vector<1x1x1x512xf32>
    %get3A_907 = vector.shape_cast %get3A_906 : vector<1x1x1x512xf32> to vector<512xf32>
    %swap3A_908 = arith.constant 75264 : index
    %swap3A_909 = vector.load %arg3[%swap3A_908] : memref<98304xf32, #tpu.memory_space<vmem>>, vector<512xf32>
    tpu.vector_store %arg3[%swap3A_908], %get3A_907 {strides = array<i32>} : memref<98304xf32, #tpu.memory_space<vmem>>, vector<512xf32>,
    %get3A_910 = arith.constant 0 : index
    %get3A_911 = arith.constant 1 : index
    %get3A_912 = arith.constant 50 : index
    %get3A_913 = arith.constant 0 : index
    %get3A_914 = vector.load %arg2[%get3A_910, %get3A_911, %get3A_912, %get3A_913] : memref<1x3x64x512xf32, #tpu.memory_space<vmem>>, vector<1x1x1x512xf32>
    %get3A_915 = vector.shape_cast %get3A_914 : vector<1x1x1x512xf32> to vector<512xf32>
    %swap3A_916 = arith.constant 77824 : index
    %swap3A_917 = vector.load %arg3[%swap3A_916] : memref<98304xf32, #tpu.memory_space<vmem>>, vector<512xf32>
    tpu.vector_store %arg3[%swap3A_916], %get3A_915 {strides = array<i32>} : memref<98304xf32, #tpu.memory_space<vmem>>, vector<512xf32>,
    %get3A_918 = arith.constant 0 : index
    %get3A_919 = arith.constant 1 : index
    %get3A_920 = arith.constant 51 : index
    %get3A_921 = arith.constant 0 : index
    %get3A_922 = vector.load %arg2[%get3A_918, %get3A_919, %get3A_920, %get3A_921] : memref<1x3x64x512xf32, #tpu.memory_space<vmem>>, vector<1x1x1x512xf32>
    %get3A_923 = vector.shape_cast %get3A_922 : vector<1x1x1x512xf32> to vector<512xf32>
    %swap3A_924 = arith.constant 78336 : index
    %swap3A_925 = vector.load %arg3[%swap3A_924] : memref<98304xf32, #tpu.memory_space<vmem>>, vector<512xf32>
    tpu.vector_store %arg3[%swap3A_924], %get3A_923 {strides = array<i32>} : memref<98304xf32, #tpu.memory_space<vmem>>, vector<512xf32>,
    %get3A_926 = arith.constant 0 : index
    %get3A_927 = arith.constant 1 : index
    %get3A_928 = arith.constant 52 : index
    %get3A_929 = arith.constant 0 : index
    %get3A_930 = vector.load %arg2[%get3A_926, %get3A_927, %get3A_928, %get3A_929] : memref<1x3x64x512xf32, #tpu.memory_space<vmem>>, vector<1x1x1x512xf32>
    %get3A_931 = vector.shape_cast %get3A_930 : vector<1x1x1x512xf32> to vector<512xf32>
    %swap3A_932 = arith.constant 80896 : index
    %swap3A_933 = vector.load %arg3[%swap3A_932] : memref<98304xf32, #tpu.memory_space<vmem>>, vector<512xf32>
    tpu.vector_store %arg3[%swap3A_932], %get3A_931 {strides = array<i32>} : memref<98304xf32, #tpu.memory_space<vmem>>, vector<512xf32>,
    %get3A_934 = arith.constant 0 : index
    %get3A_935 = arith.constant 1 : index
    %get3A_936 = arith.constant 53 : index
    %get3A_937 = arith.constant 0 : index
    %get3A_938 = vector.load %arg2[%get3A_934, %get3A_935, %get3A_936, %get3A_937] : memref<1x3x64x512xf32, #tpu.memory_space<vmem>>, vector<1x1x1x512xf32>
    %get3A_939 = vector.shape_cast %get3A_938 : vector<1x1x1x512xf32> to vector<512xf32>
    %swap3A_940 = arith.constant 81408 : index
    %swap3A_941 = vector.load %arg3[%swap3A_940] : memref<98304xf32, #tpu.memory_space<vmem>>, vector<512xf32>
    tpu.vector_store %arg3[%swap3A_940], %get3A_939 {strides = array<i32>} : memref<98304xf32, #tpu.memory_space<vmem>>, vector<512xf32>,
    %get3A_942 = arith.constant 0 : index
    %get3A_943 = arith.constant 1 : index
    %get3A_944 = arith.constant 54 : index
    %get3A_945 = arith.constant 0 : index
    %get3A_946 = vector.load %arg2[%get3A_942, %get3A_943, %get3A_944, %get3A_945] : memref<1x3x64x512xf32, #tpu.memory_space<vmem>>, vector<1x1x1x512xf32>
    %get3A_947 = vector.shape_cast %get3A_946 : vector<1x1x1x512xf32> to vector<512xf32>
    %swap3A_948 = arith.constant 83968 : index
    %swap3A_949 = vector.load %arg3[%swap3A_948] : memref<98304xf32, #tpu.memory_space<vmem>>, vector<512xf32>
    tpu.vector_store %arg3[%swap3A_948], %get3A_947 {strides = array<i32>} : memref<98304xf32, #tpu.memory_space<vmem>>, vector<512xf32>,
    %get3A_950 = arith.constant 0 : index
    %get3A_951 = arith.constant 1 : index
    %get3A_952 = arith.constant 55 : index
    %get3A_953 = arith.constant 0 : index
    %get3A_954 = vector.load %arg2[%get3A_950, %get3A_951, %get3A_952, %get3A_953] : memref<1x3x64x512xf32, #tpu.memory_space<vmem>>, vector<1x1x1x512xf32>
    %get3A_955 = vector.shape_cast %get3A_954 : vector<1x1x1x512xf32> to vector<512xf32>
    %swap3A_956 = arith.constant 84480 : index
    %swap3A_957 = vector.load %arg3[%swap3A_956] : memref<98304xf32, #tpu.memory_space<vmem>>, vector<512xf32>
    tpu.vector_store %arg3[%swap3A_956], %get3A_955 {strides = array<i32>} : memref<98304xf32, #tpu.memory_space<vmem>>, vector<512xf32>,
    %get3A_958 = arith.constant 0 : index
    %get3A_959 = arith.constant 1 : index
    %get3A_960 = arith.constant 56 : index
    %get3A_961 = arith.constant 0 : index
    %get3A_962 = vector.load %arg2[%get3A_958, %get3A_959, %get3A_960, %get3A_961] : memref<1x3x64x512xf32, #tpu.memory_space<vmem>>, vector<1x1x1x512xf32>
    %get3A_963 = vector.shape_cast %get3A_962 : vector<1x1x1x512xf32> to vector<512xf32>
    %swap3A_964 = arith.constant 87040 : index
    %swap3A_965 = vector.load %arg3[%swap3A_964] : memref<98304xf32, #tpu.memory_space<vmem>>, vector<512xf32>
    tpu.vector_store %arg3[%swap3A_964], %get3A_963 {strides = array<i32>} : memref<98304xf32, #tpu.memory_space<vmem>>, vector<512xf32>,
    %get3A_966 = arith.constant 0 : index
    %get3A_967 = arith.constant 1 : index
    %get3A_968 = arith.constant 57 : index
    %get3A_969 = arith.constant 0 : index
    %get3A_970 = vector.load %arg2[%get3A_966, %get3A_967, %get3A_968, %get3A_969] : memref<1x3x64x512xf32, #tpu.memory_space<vmem>>, vector<1x1x1x512xf32>
    %get3A_971 = vector.shape_cast %get3A_970 : vector<1x1x1x512xf32> to vector<512xf32>
    %swap3A_972 = arith.constant 87552 : index
    %swap3A_973 = vector.load %arg3[%swap3A_972] : memref<98304xf32, #tpu.memory_space<vmem>>, vector<512xf32>
    tpu.vector_store %arg3[%swap3A_972], %get3A_971 {strides = array<i32>} : memref<98304xf32, #tpu.memory_space<vmem>>, vector<512xf32>,
    %get3A_974 = arith.constant 0 : index
    %get3A_975 = arith.constant 1 : index
    %get3A_976 = arith.constant 58 : index
    %get3A_977 = arith.constant 0 : index
    %get3A_978 = vector.load %arg2[%get3A_974, %get3A_975, %get3A_976, %get3A_977] : memref<1x3x64x512xf32, #tpu.memory_space<vmem>>, vector<1x1x1x512xf32>
    %get3A_979 = vector.shape_cast %get3A_978 : vector<1x1x1x512xf32> to vector<512xf32>
    %swap3A_980 = arith.constant 90112 : index
    %swap3A_981 = vector.load %arg3[%swap3A_980] : memref<98304xf32, #tpu.memory_space<vmem>>, vector<512xf32>
    tpu.vector_store %arg3[%swap3A_980], %get3A_979 {strides = array<i32>} : memref<98304xf32, #tpu.memory_space<vmem>>, vector<512xf32>,
    %get3A_982 = arith.constant 0 : index
    %get3A_983 = arith.constant 1 : index
    %get3A_984 = arith.constant 59 : index
    %get3A_985 = arith.constant 0 : index
    %get3A_986 = vector.load %arg2[%get3A_982, %get3A_983, %get3A_984, %get3A_985] : memref<1x3x64x512xf32, #tpu.memory_space<vmem>>, vector<1x1x1x512xf32>
    %get3A_987 = vector.shape_cast %get3A_986 : vector<1x1x1x512xf32> to vector<512xf32>
    %swap3A_988 = arith.constant 90624 : index
    %swap3A_989 = vector.load %arg3[%swap3A_988] : memref<98304xf32, #tpu.memory_space<vmem>>, vector<512xf32>
    tpu.vector_store %arg3[%swap3A_988], %get3A_987 {strides = array<i32>} : memref<98304xf32, #tpu.memory_space<vmem>>, vector<512xf32>,
    %get3A_990 = arith.constant 0 : index
    %get3A_991 = arith.constant 1 : index
    %get3A_992 = arith.constant 60 : index
    %get3A_993 = arith.constant 0 : index
    %get3A_994 = vector.load %arg2[%get3A_990, %get3A_991, %get3A_992, %get3A_993] : memref<1x3x64x512xf32, #tpu.memory_space<vmem>>, vector<1x1x1x512xf32>
    %get3A_995 = vector.shape_cast %get3A_994 : vector<1x1x1x512xf32> to vector<512xf32>
    %swap3A_996 = arith.constant 93184 : index
    %swap3A_997 = vector.load %arg3[%swap3A_996] : memref<98304xf32, #tpu.memory_space<vmem>>, vector<512xf32>
    tpu.vector_store %arg3[%swap3A_996], %get3A_995 {strides = array<i32>} : memref<98304xf32, #tpu.memory_space<vmem>>, vector<512xf32>,
    %get3A_998 = arith.constant 0 : index
    %get3A_999 = arith.constant 1 : index
    %get3A_1000 = arith.constant 61 : index
    %get3A_1001 = arith.constant 0 : index
    %get3A_1002 = vector.load %arg2[%get3A_998, %get3A_999, %get3A_1000, %get3A_1001] : memref<1x3x64x512xf32, #tpu.memory_space<vmem>>, vector<1x1x1x512xf32>
    %get3A_1003 = vector.shape_cast %get3A_1002 : vector<1x1x1x512xf32> to vector<512xf32>
    %swap3A_1004 = arith.constant 93696 : index
    %swap3A_1005 = vector.load %arg3[%swap3A_1004] : memref<98304xf32, #tpu.memory_space<vmem>>, vector<512xf32>
    tpu.vector_store %arg3[%swap3A_1004], %get3A_1003 {strides = array<i32>} : memref<98304xf32, #tpu.memory_space<vmem>>, vector<512xf32>,
    %get3A_1006 = arith.constant 0 : index
    %get3A_1007 = arith.constant 1 : index
    %get3A_1008 = arith.constant 62 : index
    %get3A_1009 = arith.constant 0 : index
    %get3A_1010 = vector.load %arg2[%get3A_1006, %get3A_1007, %get3A_1008, %get3A_1009] : memref<1x3x64x512xf32, #tpu.memory_space<vmem>>, vector<1x1x1x512xf32>
    %get3A_1011 = vector.shape_cast %get3A_1010 : vector<1x1x1x512xf32> to vector<512xf32>
    %swap3A_1012 = arith.constant 96256 : index
    %swap3A_1013 = vector.load %arg3[%swap3A_1012] : memref<98304xf32, #tpu.memory_space<vmem>>, vector<512xf32>
    tpu.vector_store %arg3[%swap3A_1012], %get3A_1011 {strides = array<i32>} : memref<98304xf32, #tpu.memory_space<vmem>>, vector<512xf32>,
    %get3A_1014 = arith.constant 0 : index
    %get3A_1015 = arith.constant 1 : index
    %get3A_1016 = arith.constant 63 : index
    %get3A_1017 = arith.constant 0 : index
    %get3A_1018 = vector.load %arg2[%get3A_1014, %get3A_1015, %get3A_1016, %get3A_1017] : memref<1x3x64x512xf32, #tpu.memory_space<vmem>>, vector<1x1x1x512xf32>
    %get3A_1019 = vector.shape_cast %get3A_1018 : vector<1x1x1x512xf32> to vector<512xf32>
    %swap3A_1020 = arith.constant 96768 : index
    %swap3A_1021 = vector.load %arg3[%swap3A_1020] : memref<98304xf32, #tpu.memory_space<vmem>>, vector<512xf32>
    tpu.vector_store %arg3[%swap3A_1020], %get3A_1019 {strides = array<i32>} : memref<98304xf32, #tpu.memory_space<vmem>>, vector<512xf32>,
    %get3A_1022 = arith.constant 0 : index
    %get3A_1023 = arith.constant 2 : index
    %get3A_1024 = arith.constant 0 : index
    %get3A_1025 = arith.constant 0 : index
    %get3A_1026 = vector.load %arg2[%get3A_1022, %get3A_1023, %get3A_1024, %get3A_1025] : memref<1x3x64x512xf32, #tpu.memory_space<vmem>>, vector<1x1x1x512xf32>
    %get3A_1027 = vector.shape_cast %get3A_1026 : vector<1x1x1x512xf32> to vector<512xf32>
    %swap3A_1028 = arith.constant 2048 : index
    %swap3A_1029 = vector.load %arg3[%swap3A_1028] : memref<98304xf32, #tpu.memory_space<vmem>>, vector<512xf32>
    tpu.vector_store %arg3[%swap3A_1028], %get3A_1027 {strides = array<i32>} : memref<98304xf32, #tpu.memory_space<vmem>>, vector<512xf32>,
    %get3A_1030 = arith.constant 0 : index
    %get3A_1031 = arith.constant 2 : index
    %get3A_1032 = arith.constant 1 : index
    %get3A_1033 = arith.constant 0 : index
    %get3A_1034 = vector.load %arg2[%get3A_1030, %get3A_1031, %get3A_1032, %get3A_1033] : memref<1x3x64x512xf32, #tpu.memory_space<vmem>>, vector<1x1x1x512xf32>
    %get3A_1035 = vector.shape_cast %get3A_1034 : vector<1x1x1x512xf32> to vector<512xf32>
    %swap3A_1036 = arith.constant 2560 : index
    %swap3A_1037 = vector.load %arg3[%swap3A_1036] : memref<98304xf32, #tpu.memory_space<vmem>>, vector<512xf32>
    tpu.vector_store %arg3[%swap3A_1036], %get3A_1035 {strides = array<i32>} : memref<98304xf32, #tpu.memory_space<vmem>>, vector<512xf32>,
    %get3A_1038 = arith.constant 0 : index
    %get3A_1039 = arith.constant 2 : index
    %get3A_1040 = arith.constant 2 : index
    %get3A_1041 = arith.constant 0 : index
    %get3A_1042 = vector.load %arg2[%get3A_1038, %get3A_1039, %get3A_1040, %get3A_1041] : memref<1x3x64x512xf32, #tpu.memory_space<vmem>>, vector<1x1x1x512xf32>
    %get3A_1043 = vector.shape_cast %get3A_1042 : vector<1x1x1x512xf32> to vector<512xf32>
    %swap3A_1044 = arith.constant 5120 : index
    %swap3A_1045 = vector.load %arg3[%swap3A_1044] : memref<98304xf32, #tpu.memory_space<vmem>>, vector<512xf32>
    tpu.vector_store %arg3[%swap3A_1044], %get3A_1043 {strides = array<i32>} : memref<98304xf32, #tpu.memory_space<vmem>>, vector<512xf32>,
    %get3A_1046 = arith.constant 0 : index
    %get3A_1047 = arith.constant 2 : index
    %get3A_1048 = arith.constant 3 : index
    %get3A_1049 = arith.constant 0 : index
    %get3A_1050 = vector.load %arg2[%get3A_1046, %get3A_1047, %get3A_1048, %get3A_1049] : memref<1x3x64x512xf32, #tpu.memory_space<vmem>>, vector<1x1x1x512xf32>
    %get3A_1051 = vector.shape_cast %get3A_1050 : vector<1x1x1x512xf32> to vector<512xf32>
    %swap3A_1052 = arith.constant 5632 : index
    %swap3A_1053 = vector.load %arg3[%swap3A_1052] : memref<98304xf32, #tpu.memory_space<vmem>>, vector<512xf32>
    tpu.vector_store %arg3[%swap3A_1052], %get3A_1051 {strides = array<i32>} : memref<98304xf32, #tpu.memory_space<vmem>>, vector<512xf32>,
    %get3A_1054 = arith.constant 0 : index
    %get3A_1055 = arith.constant 2 : index
    %get3A_1056 = arith.constant 4 : index
    %get3A_1057 = arith.constant 0 : index
    %get3A_1058 = vector.load %arg2[%get3A_1054, %get3A_1055, %get3A_1056, %get3A_1057] : memref<1x3x64x512xf32, #tpu.memory_space<vmem>>, vector<1x1x1x512xf32>
    %get3A_1059 = vector.shape_cast %get3A_1058 : vector<1x1x1x512xf32> to vector<512xf32>
    %swap3A_1060 = arith.constant 8192 : index
    %swap3A_1061 = vector.load %arg3[%swap3A_1060] : memref<98304xf32, #tpu.memory_space<vmem>>, vector<512xf32>
    tpu.vector_store %arg3[%swap3A_1060], %get3A_1059 {strides = array<i32>} : memref<98304xf32, #tpu.memory_space<vmem>>, vector<512xf32>,
    %get3A_1062 = arith.constant 0 : index
    %get3A_1063 = arith.constant 2 : index
    %get3A_1064 = arith.constant 5 : index
    %get3A_1065 = arith.constant 0 : index
    %get3A_1066 = vector.load %arg2[%get3A_1062, %get3A_1063, %get3A_1064, %get3A_1065] : memref<1x3x64x512xf32, #tpu.memory_space<vmem>>, vector<1x1x1x512xf32>
    %get3A_1067 = vector.shape_cast %get3A_1066 : vector<1x1x1x512xf32> to vector<512xf32>
    %swap3A_1068 = arith.constant 8704 : index
    %swap3A_1069 = vector.load %arg3[%swap3A_1068] : memref<98304xf32, #tpu.memory_space<vmem>>, vector<512xf32>
    tpu.vector_store %arg3[%swap3A_1068], %get3A_1067 {strides = array<i32>} : memref<98304xf32, #tpu.memory_space<vmem>>, vector<512xf32>,
    %get3A_1070 = arith.constant 0 : index
    %get3A_1071 = arith.constant 2 : index
    %get3A_1072 = arith.constant 6 : index
    %get3A_1073 = arith.constant 0 : index
    %get3A_1074 = vector.load %arg2[%get3A_1070, %get3A_1071, %get3A_1072, %get3A_1073] : memref<1x3x64x512xf32, #tpu.memory_space<vmem>>, vector<1x1x1x512xf32>
    %get3A_1075 = vector.shape_cast %get3A_1074 : vector<1x1x1x512xf32> to vector<512xf32>
    %swap3A_1076 = arith.constant 11264 : index
    %swap3A_1077 = vector.load %arg3[%swap3A_1076] : memref<98304xf32, #tpu.memory_space<vmem>>, vector<512xf32>
    tpu.vector_store %arg3[%swap3A_1076], %get3A_1075 {strides = array<i32>} : memref<98304xf32, #tpu.memory_space<vmem>>, vector<512xf32>,
    %get3A_1078 = arith.constant 0 : index
    %get3A_1079 = arith.constant 2 : index
    %get3A_1080 = arith.constant 7 : index
    %get3A_1081 = arith.constant 0 : index
    %get3A_1082 = vector.load %arg2[%get3A_1078, %get3A_1079, %get3A_1080, %get3A_1081] : memref<1x3x64x512xf32, #tpu.memory_space<vmem>>, vector<1x1x1x512xf32>
    %get3A_1083 = vector.shape_cast %get3A_1082 : vector<1x1x1x512xf32> to vector<512xf32>
    %swap3A_1084 = arith.constant 11776 : index
    %swap3A_1085 = vector.load %arg3[%swap3A_1084] : memref<98304xf32, #tpu.memory_space<vmem>>, vector<512xf32>
    tpu.vector_store %arg3[%swap3A_1084], %get3A_1083 {strides = array<i32>} : memref<98304xf32, #tpu.memory_space<vmem>>, vector<512xf32>,
    %get3A_1086 = arith.constant 0 : index
    %get3A_1087 = arith.constant 2 : index
    %get3A_1088 = arith.constant 8 : index
    %get3A_1089 = arith.constant 0 : index
    %get3A_1090 = vector.load %arg2[%get3A_1086, %get3A_1087, %get3A_1088, %get3A_1089] : memref<1x3x64x512xf32, #tpu.memory_space<vmem>>, vector<1x1x1x512xf32>
    %get3A_1091 = vector.shape_cast %get3A_1090 : vector<1x1x1x512xf32> to vector<512xf32>
    %swap3A_1092 = arith.constant 14336 : index
    %swap3A_1093 = vector.load %arg3[%swap3A_1092] : memref<98304xf32, #tpu.memory_space<vmem>>, vector<512xf32>
    tpu.vector_store %arg3[%swap3A_1092], %get3A_1091 {strides = array<i32>} : memref<98304xf32, #tpu.memory_space<vmem>>, vector<512xf32>,
    %get3A_1094 = arith.constant 0 : index
    %get3A_1095 = arith.constant 2 : index
    %get3A_1096 = arith.constant 9 : index
    %get3A_1097 = arith.constant 0 : index
    %get3A_1098 = vector.load %arg2[%get3A_1094, %get3A_1095, %get3A_1096, %get3A_1097] : memref<1x3x64x512xf32, #tpu.memory_space<vmem>>, vector<1x1x1x512xf32>
    %get3A_1099 = vector.shape_cast %get3A_1098 : vector<1x1x1x512xf32> to vector<512xf32>
    %swap3A_1100 = arith.constant 14848 : index
    %swap3A_1101 = vector.load %arg3[%swap3A_1100] : memref<98304xf32, #tpu.memory_space<vmem>>, vector<512xf32>
    tpu.vector_store %arg3[%swap3A_1100], %get3A_1099 {strides = array<i32>} : memref<98304xf32, #tpu.memory_space<vmem>>, vector<512xf32>,
    %get3A_1102 = arith.constant 0 : index
    %get3A_1103 = arith.constant 2 : index
    %get3A_1104 = arith.constant 10 : index
    %get3A_1105 = arith.constant 0 : index
    %get3A_1106 = vector.load %arg2[%get3A_1102, %get3A_1103, %get3A_1104, %get3A_1105] : memref<1x3x64x512xf32, #tpu.memory_space<vmem>>, vector<1x1x1x512xf32>
    %get3A_1107 = vector.shape_cast %get3A_1106 : vector<1x1x1x512xf32> to vector<512xf32>
    %swap3A_1108 = arith.constant 17408 : index
    %swap3A_1109 = vector.load %arg3[%swap3A_1108] : memref<98304xf32, #tpu.memory_space<vmem>>, vector<512xf32>
    tpu.vector_store %arg3[%swap3A_1108], %get3A_1107 {strides = array<i32>} : memref<98304xf32, #tpu.memory_space<vmem>>, vector<512xf32>,
    %get3A_1110 = arith.constant 0 : index
    %get3A_1111 = arith.constant 2 : index
    %get3A_1112 = arith.constant 11 : index
    %get3A_1113 = arith.constant 0 : index
    %get3A_1114 = vector.load %arg2[%get3A_1110, %get3A_1111, %get3A_1112, %get3A_1113] : memref<1x3x64x512xf32, #tpu.memory_space<vmem>>, vector<1x1x1x512xf32>
    %get3A_1115 = vector.shape_cast %get3A_1114 : vector<1x1x1x512xf32> to vector<512xf32>
    %swap3A_1116 = arith.constant 17920 : index
    %swap3A_1117 = vector.load %arg3[%swap3A_1116] : memref<98304xf32, #tpu.memory_space<vmem>>, vector<512xf32>
    tpu.vector_store %arg3[%swap3A_1116], %get3A_1115 {strides = array<i32>} : memref<98304xf32, #tpu.memory_space<vmem>>, vector<512xf32>,
    %get3A_1118 = arith.constant 0 : index
    %get3A_1119 = arith.constant 2 : index
    %get3A_1120 = arith.constant 12 : index
    %get3A_1121 = arith.constant 0 : index
    %get3A_1122 = vector.load %arg2[%get3A_1118, %get3A_1119, %get3A_1120, %get3A_1121] : memref<1x3x64x512xf32, #tpu.memory_space<vmem>>, vector<1x1x1x512xf32>
    %get3A_1123 = vector.shape_cast %get3A_1122 : vector<1x1x1x512xf32> to vector<512xf32>
    %swap3A_1124 = arith.constant 20480 : index
    %swap3A_1125 = vector.load %arg3[%swap3A_1124] : memref<98304xf32, #tpu.memory_space<vmem>>, vector<512xf32>
    tpu.vector_store %arg3[%swap3A_1124], %get3A_1123 {strides = array<i32>} : memref<98304xf32, #tpu.memory_space<vmem>>, vector<512xf32>,
    %get3A_1126 = arith.constant 0 : index
    %get3A_1127 = arith.constant 2 : index
    %get3A_1128 = arith.constant 13 : index
    %get3A_1129 = arith.constant 0 : index
    %get3A_1130 = vector.load %arg2[%get3A_1126, %get3A_1127, %get3A_1128, %get3A_1129] : memref<1x3x64x512xf32, #tpu.memory_space<vmem>>, vector<1x1x1x512xf32>
    %get3A_1131 = vector.shape_cast %get3A_1130 : vector<1x1x1x512xf32> to vector<512xf32>
    %swap3A_1132 = arith.constant 20992 : index
    %swap3A_1133 = vector.load %arg3[%swap3A_1132] : memref<98304xf32, #tpu.memory_space<vmem>>, vector<512xf32>
    tpu.vector_store %arg3[%swap3A_1132], %get3A_1131 {strides = array<i32>} : memref<98304xf32, #tpu.memory_space<vmem>>, vector<512xf32>,
    %get3A_1134 = arith.constant 0 : index
    %get3A_1135 = arith.constant 2 : index
    %get3A_1136 = arith.constant 14 : index
    %get3A_1137 = arith.constant 0 : index
    %get3A_1138 = vector.load %arg2[%get3A_1134, %get3A_1135, %get3A_1136, %get3A_1137] : memref<1x3x64x512xf32, #tpu.memory_space<vmem>>, vector<1x1x1x512xf32>
    %get3A_1139 = vector.shape_cast %get3A_1138 : vector<1x1x1x512xf32> to vector<512xf32>
    %swap3A_1140 = arith.constant 23552 : index
    %swap3A_1141 = vector.load %arg3[%swap3A_1140] : memref<98304xf32, #tpu.memory_space<vmem>>, vector<512xf32>
    tpu.vector_store %arg3[%swap3A_1140], %get3A_1139 {strides = array<i32>} : memref<98304xf32, #tpu.memory_space<vmem>>, vector<512xf32>,
    %get3A_1142 = arith.constant 0 : index
    %get3A_1143 = arith.constant 2 : index
    %get3A_1144 = arith.constant 15 : index
    %get3A_1145 = arith.constant 0 : index
    %get3A_1146 = vector.load %arg2[%get3A_1142, %get3A_1143, %get3A_1144, %get3A_1145] : memref<1x3x64x512xf32, #tpu.memory_space<vmem>>, vector<1x1x1x512xf32>
    %get3A_1147 = vector.shape_cast %get3A_1146 : vector<1x1x1x512xf32> to vector<512xf32>
    %swap3A_1148 = arith.constant 24064 : index
    %swap3A_1149 = vector.load %arg3[%swap3A_1148] : memref<98304xf32, #tpu.memory_space<vmem>>, vector<512xf32>
    tpu.vector_store %arg3[%swap3A_1148], %get3A_1147 {strides = array<i32>} : memref<98304xf32, #tpu.memory_space<vmem>>, vector<512xf32>,
    %get3A_1150 = arith.constant 0 : index
    %get3A_1151 = arith.constant 2 : index
    %get3A_1152 = arith.constant 16 : index
    %get3A_1153 = arith.constant 0 : index
    %get3A_1154 = vector.load %arg2[%get3A_1150, %get3A_1151, %get3A_1152, %get3A_1153] : memref<1x3x64x512xf32, #tpu.memory_space<vmem>>, vector<1x1x1x512xf32>
    %get3A_1155 = vector.shape_cast %get3A_1154 : vector<1x1x1x512xf32> to vector<512xf32>
    %swap3A_1156 = arith.constant 26624 : index
    %swap3A_1157 = vector.load %arg3[%swap3A_1156] : memref<98304xf32, #tpu.memory_space<vmem>>, vector<512xf32>
    tpu.vector_store %arg3[%swap3A_1156], %get3A_1155 {strides = array<i32>} : memref<98304xf32, #tpu.memory_space<vmem>>, vector<512xf32>,
    %get3A_1158 = arith.constant 0 : index
    %get3A_1159 = arith.constant 2 : index
    %get3A_1160 = arith.constant 17 : index
    %get3A_1161 = arith.constant 0 : index
    %get3A_1162 = vector.load %arg2[%get3A_1158, %get3A_1159, %get3A_1160, %get3A_1161] : memref<1x3x64x512xf32, #tpu.memory_space<vmem>>, vector<1x1x1x512xf32>
    %get3A_1163 = vector.shape_cast %get3A_1162 : vector<1x1x1x512xf32> to vector<512xf32>
    %swap3A_1164 = arith.constant 27136 : index
    %swap3A_1165 = vector.load %arg3[%swap3A_1164] : memref<98304xf32, #tpu.memory_space<vmem>>, vector<512xf32>
    tpu.vector_store %arg3[%swap3A_1164], %get3A_1163 {strides = array<i32>} : memref<98304xf32, #tpu.memory_space<vmem>>, vector<512xf32>,
    %get3A_1166 = arith.constant 0 : index
    %get3A_1167 = arith.constant 2 : index
    %get3A_1168 = arith.constant 18 : index
    %get3A_1169 = arith.constant 0 : index
    %get3A_1170 = vector.load %arg2[%get3A_1166, %get3A_1167, %get3A_1168, %get3A_1169] : memref<1x3x64x512xf32, #tpu.memory_space<vmem>>, vector<1x1x1x512xf32>
    %get3A_1171 = vector.shape_cast %get3A_1170 : vector<1x1x1x512xf32> to vector<512xf32>
    %swap3A_1172 = arith.constant 29696 : index
    %swap3A_1173 = vector.load %arg3[%swap3A_1172] : memref<98304xf32, #tpu.memory_space<vmem>>, vector<512xf32>
    tpu.vector_store %arg3[%swap3A_1172], %get3A_1171 {strides = array<i32>} : memref<98304xf32, #tpu.memory_space<vmem>>, vector<512xf32>,
    %get3A_1174 = arith.constant 0 : index
    %get3A_1175 = arith.constant 2 : index
    %get3A_1176 = arith.constant 19 : index
    %get3A_1177 = arith.constant 0 : index
    %get3A_1178 = vector.load %arg2[%get3A_1174, %get3A_1175, %get3A_1176, %get3A_1177] : memref<1x3x64x512xf32, #tpu.memory_space<vmem>>, vector<1x1x1x512xf32>
    %get3A_1179 = vector.shape_cast %get3A_1178 : vector<1x1x1x512xf32> to vector<512xf32>
    %swap3A_1180 = arith.constant 30208 : index
    %swap3A_1181 = vector.load %arg3[%swap3A_1180] : memref<98304xf32, #tpu.memory_space<vmem>>, vector<512xf32>
    tpu.vector_store %arg3[%swap3A_1180], %get3A_1179 {strides = array<i32>} : memref<98304xf32, #tpu.memory_space<vmem>>, vector<512xf32>,
    %get3A_1182 = arith.constant 0 : index
    %get3A_1183 = arith.constant 2 : index
    %get3A_1184 = arith.constant 20 : index
    %get3A_1185 = arith.constant 0 : index
    %get3A_1186 = vector.load %arg2[%get3A_1182, %get3A_1183, %get3A_1184, %get3A_1185] : memref<1x3x64x512xf32, #tpu.memory_space<vmem>>, vector<1x1x1x512xf32>
    %get3A_1187 = vector.shape_cast %get3A_1186 : vector<1x1x1x512xf32> to vector<512xf32>
    %swap3A_1188 = arith.constant 32768 : index
    %swap3A_1189 = vector.load %arg3[%swap3A_1188] : memref<98304xf32, #tpu.memory_space<vmem>>, vector<512xf32>
    tpu.vector_store %arg3[%swap3A_1188], %get3A_1187 {strides = array<i32>} : memref<98304xf32, #tpu.memory_space<vmem>>, vector<512xf32>,
    %get3A_1190 = arith.constant 0 : index
    %get3A_1191 = arith.constant 2 : index
    %get3A_1192 = arith.constant 21 : index
    %get3A_1193 = arith.constant 0 : index
    %get3A_1194 = vector.load %arg2[%get3A_1190, %get3A_1191, %get3A_1192, %get3A_1193] : memref<1x3x64x512xf32, #tpu.memory_space<vmem>>, vector<1x1x1x512xf32>
    %get3A_1195 = vector.shape_cast %get3A_1194 : vector<1x1x1x512xf32> to vector<512xf32>
    %swap3A_1196 = arith.constant 33280 : index
    %swap3A_1197 = vector.load %arg3[%swap3A_1196] : memref<98304xf32, #tpu.memory_space<vmem>>, vector<512xf32>
    tpu.vector_store %arg3[%swap3A_1196], %get3A_1195 {strides = array<i32>} : memref<98304xf32, #tpu.memory_space<vmem>>, vector<512xf32>,
    %get3A_1198 = arith.constant 0 : index
    %get3A_1199 = arith.constant 2 : index
    %get3A_1200 = arith.constant 22 : index
    %get3A_1201 = arith.constant 0 : index
    %get3A_1202 = vector.load %arg2[%get3A_1198, %get3A_1199, %get3A_1200, %get3A_1201] : memref<1x3x64x512xf32, #tpu.memory_space<vmem>>, vector<1x1x1x512xf32>
    %get3A_1203 = vector.shape_cast %get3A_1202 : vector<1x1x1x512xf32> to vector<512xf32>
    %swap3A_1204 = arith.constant 35840 : index
    %swap3A_1205 = vector.load %arg3[%swap3A_1204] : memref<98304xf32, #tpu.memory_space<vmem>>, vector<512xf32>
    tpu.vector_store %arg3[%swap3A_1204], %get3A_1203 {strides = array<i32>} : memref<98304xf32, #tpu.memory_space<vmem>>, vector<512xf32>,
    %get3A_1206 = arith.constant 0 : index
    %get3A_1207 = arith.constant 2 : index
    %get3A_1208 = arith.constant 23 : index
    %get3A_1209 = arith.constant 0 : index
    %get3A_1210 = vector.load %arg2[%get3A_1206, %get3A_1207, %get3A_1208, %get3A_1209] : memref<1x3x64x512xf32, #tpu.memory_space<vmem>>, vector<1x1x1x512xf32>
    %get3A_1211 = vector.shape_cast %get3A_1210 : vector<1x1x1x512xf32> to vector<512xf32>
    %swap3A_1212 = arith.constant 36352 : index
    %swap3A_1213 = vector.load %arg3[%swap3A_1212] : memref<98304xf32, #tpu.memory_space<vmem>>, vector<512xf32>
    tpu.vector_store %arg3[%swap3A_1212], %get3A_1211 {strides = array<i32>} : memref<98304xf32, #tpu.memory_space<vmem>>, vector<512xf32>,
    %get3A_1214 = arith.constant 0 : index
    %get3A_1215 = arith.constant 2 : index
    %get3A_1216 = arith.constant 24 : index
    %get3A_1217 = arith.constant 0 : index
    %get3A_1218 = vector.load %arg2[%get3A_1214, %get3A_1215, %get3A_1216, %get3A_1217] : memref<1x3x64x512xf32, #tpu.memory_space<vmem>>, vector<1x1x1x512xf32>
    %get3A_1219 = vector.shape_cast %get3A_1218 : vector<1x1x1x512xf32> to vector<512xf32>
    %swap3A_1220 = arith.constant 38912 : index
    %swap3A_1221 = vector.load %arg3[%swap3A_1220] : memref<98304xf32, #tpu.memory_space<vmem>>, vector<512xf32>
    tpu.vector_store %arg3[%swap3A_1220], %get3A_1219 {strides = array<i32>} : memref<98304xf32, #tpu.memory_space<vmem>>, vector<512xf32>,
    %get3A_1222 = arith.constant 0 : index
    %get3A_1223 = arith.constant 2 : index
    %get3A_1224 = arith.constant 25 : index
    %get3A_1225 = arith.constant 0 : index
    %get3A_1226 = vector.load %arg2[%get3A_1222, %get3A_1223, %get3A_1224, %get3A_1225] : memref<1x3x64x512xf32, #tpu.memory_space<vmem>>, vector<1x1x1x512xf32>
    %get3A_1227 = vector.shape_cast %get3A_1226 : vector<1x1x1x512xf32> to vector<512xf32>
    %swap3A_1228 = arith.constant 39424 : index
    %swap3A_1229 = vector.load %arg3[%swap3A_1228] : memref<98304xf32, #tpu.memory_space<vmem>>, vector<512xf32>
    tpu.vector_store %arg3[%swap3A_1228], %get3A_1227 {strides = array<i32>} : memref<98304xf32, #tpu.memory_space<vmem>>, vector<512xf32>,
    %get3A_1230 = arith.constant 0 : index
    %get3A_1231 = arith.constant 2 : index
    %get3A_1232 = arith.constant 26 : index
    %get3A_1233 = arith.constant 0 : index
    %get3A_1234 = vector.load %arg2[%get3A_1230, %get3A_1231, %get3A_1232, %get3A_1233] : memref<1x3x64x512xf32, #tpu.memory_space<vmem>>, vector<1x1x1x512xf32>
    %get3A_1235 = vector.shape_cast %get3A_1234 : vector<1x1x1x512xf32> to vector<512xf32>
    %swap3A_1236 = arith.constant 41984 : index
    %swap3A_1237 = vector.load %arg3[%swap3A_1236] : memref<98304xf32, #tpu.memory_space<vmem>>, vector<512xf32>
    tpu.vector_store %arg3[%swap3A_1236], %get3A_1235 {strides = array<i32>} : memref<98304xf32, #tpu.memory_space<vmem>>, vector<512xf32>,
    %get3A_1238 = arith.constant 0 : index
    %get3A_1239 = arith.constant 2 : index
    %get3A_1240 = arith.constant 27 : index
    %get3A_1241 = arith.constant 0 : index
    %get3A_1242 = vector.load %arg2[%get3A_1238, %get3A_1239, %get3A_1240, %get3A_1241] : memref<1x3x64x512xf32, #tpu.memory_space<vmem>>, vector<1x1x1x512xf32>
    %get3A_1243 = vector.shape_cast %get3A_1242 : vector<1x1x1x512xf32> to vector<512xf32>
    %swap3A_1244 = arith.constant 42496 : index
    %swap3A_1245 = vector.load %arg3[%swap3A_1244] : memref<98304xf32, #tpu.memory_space<vmem>>, vector<512xf32>
    tpu.vector_store %arg3[%swap3A_1244], %get3A_1243 {strides = array<i32>} : memref<98304xf32, #tpu.memory_space<vmem>>, vector<512xf32>,
    %get3A_1246 = arith.constant 0 : index
    %get3A_1247 = arith.constant 2 : index
    %get3A_1248 = arith.constant 28 : index
    %get3A_1249 = arith.constant 0 : index
    %get3A_1250 = vector.load %arg2[%get3A_1246, %get3A_1247, %get3A_1248, %get3A_1249] : memref<1x3x64x512xf32, #tpu.memory_space<vmem>>, vector<1x1x1x512xf32>
    %get3A_1251 = vector.shape_cast %get3A_1250 : vector<1x1x1x512xf32> to vector<512xf32>
    %swap3A_1252 = arith.constant 45056 : index
    %swap3A_1253 = vector.load %arg3[%swap3A_1252] : memref<98304xf32, #tpu.memory_space<vmem>>, vector<512xf32>
    tpu.vector_store %arg3[%swap3A_1252], %get3A_1251 {strides = array<i32>} : memref<98304xf32, #tpu.memory_space<vmem>>, vector<512xf32>,
    %get3A_1254 = arith.constant 0 : index
    %get3A_1255 = arith.constant 2 : index
    %get3A_1256 = arith.constant 29 : index
    %get3A_1257 = arith.constant 0 : index
    %get3A_1258 = vector.load %arg2[%get3A_1254, %get3A_1255, %get3A_1256, %get3A_1257] : memref<1x3x64x512xf32, #tpu.memory_space<vmem>>, vector<1x1x1x512xf32>
    %get3A_1259 = vector.shape_cast %get3A_1258 : vector<1x1x1x512xf32> to vector<512xf32>
    %swap3A_1260 = arith.constant 45568 : index
    %swap3A_1261 = vector.load %arg3[%swap3A_1260] : memref<98304xf32, #tpu.memory_space<vmem>>, vector<512xf32>
    tpu.vector_store %arg3[%swap3A_1260], %get3A_1259 {strides = array<i32>} : memref<98304xf32, #tpu.memory_space<vmem>>, vector<512xf32>,
    %get3A_1262 = arith.constant 0 : index
    %get3A_1263 = arith.constant 2 : index
    %get3A_1264 = arith.constant 30 : index
    %get3A_1265 = arith.constant 0 : index
    %get3A_1266 = vector.load %arg2[%get3A_1262, %get3A_1263, %get3A_1264, %get3A_1265] : memref<1x3x64x512xf32, #tpu.memory_space<vmem>>, vector<1x1x1x512xf32>
    %get3A_1267 = vector.shape_cast %get3A_1266 : vector<1x1x1x512xf32> to vector<512xf32>
    %swap3A_1268 = arith.constant 48128 : index
    %swap3A_1269 = vector.load %arg3[%swap3A_1268] : memref<98304xf32, #tpu.memory_space<vmem>>, vector<512xf32>
    tpu.vector_store %arg3[%swap3A_1268], %get3A_1267 {strides = array<i32>} : memref<98304xf32, #tpu.memory_space<vmem>>, vector<512xf32>,
    %get3A_1270 = arith.constant 0 : index
    %get3A_1271 = arith.constant 2 : index
    %get3A_1272 = arith.constant 31 : index
    %get3A_1273 = arith.constant 0 : index
    %get3A_1274 = vector.load %arg2[%get3A_1270, %get3A_1271, %get3A_1272, %get3A_1273] : memref<1x3x64x512xf32, #tpu.memory_space<vmem>>, vector<1x1x1x512xf32>
    %get3A_1275 = vector.shape_cast %get3A_1274 : vector<1x1x1x512xf32> to vector<512xf32>
    %swap3A_1276 = arith.constant 48640 : index
    %swap3A_1277 = vector.load %arg3[%swap3A_1276] : memref<98304xf32, #tpu.memory_space<vmem>>, vector<512xf32>
    tpu.vector_store %arg3[%swap3A_1276], %get3A_1275 {strides = array<i32>} : memref<98304xf32, #tpu.memory_space<vmem>>, vector<512xf32>,
    %get3A_1278 = arith.constant 0 : index
    %get3A_1279 = arith.constant 2 : index
    %get3A_1280 = arith.constant 32 : index
    %get3A_1281 = arith.constant 0 : index
    %get3A_1282 = vector.load %arg2[%get3A_1278, %get3A_1279, %get3A_1280, %get3A_1281] : memref<1x3x64x512xf32, #tpu.memory_space<vmem>>, vector<1x1x1x512xf32>
    %get3A_1283 = vector.shape_cast %get3A_1282 : vector<1x1x1x512xf32> to vector<512xf32>
    %swap3A_1284 = arith.constant 51200 : index
    %swap3A_1285 = vector.load %arg3[%swap3A_1284] : memref<98304xf32, #tpu.memory_space<vmem>>, vector<512xf32>
    tpu.vector_store %arg3[%swap3A_1284], %get3A_1283 {strides = array<i32>} : memref<98304xf32, #tpu.memory_space<vmem>>, vector<512xf32>,
    %get3A_1286 = arith.constant 0 : index
    %get3A_1287 = arith.constant 2 : index
    %get3A_1288 = arith.constant 33 : index
    %get3A_1289 = arith.constant 0 : index
    %get3A_1290 = vector.load %arg2[%get3A_1286, %get3A_1287, %get3A_1288, %get3A_1289] : memref<1x3x64x512xf32, #tpu.memory_space<vmem>>, vector<1x1x1x512xf32>
    %get3A_1291 = vector.shape_cast %get3A_1290 : vector<1x1x1x512xf32> to vector<512xf32>
    %swap3A_1292 = arith.constant 51712 : index
    %swap3A_1293 = vector.load %arg3[%swap3A_1292] : memref<98304xf32, #tpu.memory_space<vmem>>, vector<512xf32>
    tpu.vector_store %arg3[%swap3A_1292], %get3A_1291 {strides = array<i32>} : memref<98304xf32, #tpu.memory_space<vmem>>, vector<512xf32>,
    %get3A_1294 = arith.constant 0 : index
    %get3A_1295 = arith.constant 2 : index
    %get3A_1296 = arith.constant 34 : index
    %get3A_1297 = arith.constant 0 : index
    %get3A_1298 = vector.load %arg2[%get3A_1294, %get3A_1295, %get3A_1296, %get3A_1297] : memref<1x3x64x512xf32, #tpu.memory_space<vmem>>, vector<1x1x1x512xf32>
    %get3A_1299 = vector.shape_cast %get3A_1298 : vector<1x1x1x512xf32> to vector<512xf32>
    %swap3A_1300 = arith.constant 54272 : index
    %swap3A_1301 = vector.load %arg3[%swap3A_1300] : memref<98304xf32, #tpu.memory_space<vmem>>, vector<512xf32>
    tpu.vector_store %arg3[%swap3A_1300], %get3A_1299 {strides = array<i32>} : memref<98304xf32, #tpu.memory_space<vmem>>, vector<512xf32>,
    %get3A_1302 = arith.constant 0 : index
    %get3A_1303 = arith.constant 2 : index
    %get3A_1304 = arith.constant 35 : index
    %get3A_1305 = arith.constant 0 : index
    %get3A_1306 = vector.load %arg2[%get3A_1302, %get3A_1303, %get3A_1304, %get3A_1305] : memref<1x3x64x512xf32, #tpu.memory_space<vmem>>, vector<1x1x1x512xf32>
    %get3A_1307 = vector.shape_cast %get3A_1306 : vector<1x1x1x512xf32> to vector<512xf32>
    %swap3A_1308 = arith.constant 54784 : index
    %swap3A_1309 = vector.load %arg3[%swap3A_1308] : memref<98304xf32, #tpu.memory_space<vmem>>, vector<512xf32>
    tpu.vector_store %arg3[%swap3A_1308], %get3A_1307 {strides = array<i32>} : memref<98304xf32, #tpu.memory_space<vmem>>, vector<512xf32>,
    %get3A_1310 = arith.constant 0 : index
    %get3A_1311 = arith.constant 2 : index
    %get3A_1312 = arith.constant 36 : index
    %get3A_1313 = arith.constant 0 : index
    %get3A_1314 = vector.load %arg2[%get3A_1310, %get3A_1311, %get3A_1312, %get3A_1313] : memref<1x3x64x512xf32, #tpu.memory_space<vmem>>, vector<1x1x1x512xf32>
    %get3A_1315 = vector.shape_cast %get3A_1314 : vector<1x1x1x512xf32> to vector<512xf32>
    %swap3A_1316 = arith.constant 57344 : index
    %swap3A_1317 = vector.load %arg3[%swap3A_1316] : memref<98304xf32, #tpu.memory_space<vmem>>, vector<512xf32>
    tpu.vector_store %arg3[%swap3A_1316], %get3A_1315 {strides = array<i32>} : memref<98304xf32, #tpu.memory_space<vmem>>, vector<512xf32>,
    %get3A_1318 = arith.constant 0 : index
    %get3A_1319 = arith.constant 2 : index
    %get3A_1320 = arith.constant 37 : index
    %get3A_1321 = arith.constant 0 : index
    %get3A_1322 = vector.load %arg2[%get3A_1318, %get3A_1319, %get3A_1320, %get3A_1321] : memref<1x3x64x512xf32, #tpu.memory_space<vmem>>, vector<1x1x1x512xf32>
    %get3A_1323 = vector.shape_cast %get3A_1322 : vector<1x1x1x512xf32> to vector<512xf32>
    %swap3A_1324 = arith.constant 57856 : index
    %swap3A_1325 = vector.load %arg3[%swap3A_1324] : memref<98304xf32, #tpu.memory_space<vmem>>, vector<512xf32>
    tpu.vector_store %arg3[%swap3A_1324], %get3A_1323 {strides = array<i32>} : memref<98304xf32, #tpu.memory_space<vmem>>, vector<512xf32>,
    %get3A_1326 = arith.constant 0 : index
    %get3A_1327 = arith.constant 2 : index
    %get3A_1328 = arith.constant 38 : index
    %get3A_1329 = arith.constant 0 : index
    %get3A_1330 = vector.load %arg2[%get3A_1326, %get3A_1327, %get3A_1328, %get3A_1329] : memref<1x3x64x512xf32, #tpu.memory_space<vmem>>, vector<1x1x1x512xf32>
    %get3A_1331 = vector.shape_cast %get3A_1330 : vector<1x1x1x512xf32> to vector<512xf32>
    %swap3A_1332 = arith.constant 60416 : index
    %swap3A_1333 = vector.load %arg3[%swap3A_1332] : memref<98304xf32, #tpu.memory_space<vmem>>, vector<512xf32>
    tpu.vector_store %arg3[%swap3A_1332], %get3A_1331 {strides = array<i32>} : memref<98304xf32, #tpu.memory_space<vmem>>, vector<512xf32>,
    %get3A_1334 = arith.constant 0 : index
    %get3A_1335 = arith.constant 2 : index
    %get3A_1336 = arith.constant 39 : index
    %get3A_1337 = arith.constant 0 : index
    %get3A_1338 = vector.load %arg2[%get3A_1334, %get3A_1335, %get3A_1336, %get3A_1337] : memref<1x3x64x512xf32, #tpu.memory_space<vmem>>, vector<1x1x1x512xf32>
    %get3A_1339 = vector.shape_cast %get3A_1338 : vector<1x1x1x512xf32> to vector<512xf32>
    %swap3A_1340 = arith.constant 60928 : index
    %swap3A_1341 = vector.load %arg3[%swap3A_1340] : memref<98304xf32, #tpu.memory_space<vmem>>, vector<512xf32>
    tpu.vector_store %arg3[%swap3A_1340], %get3A_1339 {strides = array<i32>} : memref<98304xf32, #tpu.memory_space<vmem>>, vector<512xf32>,
    %get3A_1342 = arith.constant 0 : index
    %get3A_1343 = arith.constant 2 : index
    %get3A_1344 = arith.constant 40 : index
    %get3A_1345 = arith.constant 0 : index
    %get3A_1346 = vector.load %arg2[%get3A_1342, %get3A_1343, %get3A_1344, %get3A_1345] : memref<1x3x64x512xf32, #tpu.memory_space<vmem>>, vector<1x1x1x512xf32>
    %get3A_1347 = vector.shape_cast %get3A_1346 : vector<1x1x1x512xf32> to vector<512xf32>
    %swap3A_1348 = arith.constant 63488 : index
    %swap3A_1349 = vector.load %arg3[%swap3A_1348] : memref<98304xf32, #tpu.memory_space<vmem>>, vector<512xf32>
    tpu.vector_store %arg3[%swap3A_1348], %get3A_1347 {strides = array<i32>} : memref<98304xf32, #tpu.memory_space<vmem>>, vector<512xf32>,
    %get3A_1350 = arith.constant 0 : index
    %get3A_1351 = arith.constant 2 : index
    %get3A_1352 = arith.constant 41 : index
    %get3A_1353 = arith.constant 0 : index
    %get3A_1354 = vector.load %arg2[%get3A_1350, %get3A_1351, %get3A_1352, %get3A_1353] : memref<1x3x64x512xf32, #tpu.memory_space<vmem>>, vector<1x1x1x512xf32>
    %get3A_1355 = vector.shape_cast %get3A_1354 : vector<1x1x1x512xf32> to vector<512xf32>
    %swap3A_1356 = arith.constant 64000 : index
    %swap3A_1357 = vector.load %arg3[%swap3A_1356] : memref<98304xf32, #tpu.memory_space<vmem>>, vector<512xf32>
    tpu.vector_store %arg3[%swap3A_1356], %get3A_1355 {strides = array<i32>} : memref<98304xf32, #tpu.memory_space<vmem>>, vector<512xf32>,
    %get3A_1358 = arith.constant 0 : index
    %get3A_1359 = arith.constant 2 : index
    %get3A_1360 = arith.constant 42 : index
    %get3A_1361 = arith.constant 0 : index
    %get3A_1362 = vector.load %arg2[%get3A_1358, %get3A_1359, %get3A_1360, %get3A_1361] : memref<1x3x64x512xf32, #tpu.memory_space<vmem>>, vector<1x1x1x512xf32>
    %get3A_1363 = vector.shape_cast %get3A_1362 : vector<1x1x1x512xf32> to vector<512xf32>
    %swap3A_1364 = arith.constant 66560 : index
    %swap3A_1365 = vector.load %arg3[%swap3A_1364] : memref<98304xf32, #tpu.memory_space<vmem>>, vector<512xf32>
    tpu.vector_store %arg3[%swap3A_1364], %get3A_1363 {strides = array<i32>} : memref<98304xf32, #tpu.memory_space<vmem>>, vector<512xf32>,
    %get3A_1366 = arith.constant 0 : index
    %get3A_1367 = arith.constant 2 : index
    %get3A_1368 = arith.constant 43 : index
    %get3A_1369 = arith.constant 0 : index
    %get3A_1370 = vector.load %arg2[%get3A_1366, %get3A_1367, %get3A_1368, %get3A_1369] : memref<1x3x64x512xf32, #tpu.memory_space<vmem>>, vector<1x1x1x512xf32>
    %get3A_1371 = vector.shape_cast %get3A_1370 : vector<1x1x1x512xf32> to vector<512xf32>
    %swap3A_1372 = arith.constant 67072 : index
    %swap3A_1373 = vector.load %arg3[%swap3A_1372] : memref<98304xf32, #tpu.memory_space<vmem>>, vector<512xf32>
    tpu.vector_store %arg3[%swap3A_1372], %get3A_1371 {strides = array<i32>} : memref<98304xf32, #tpu.memory_space<vmem>>, vector<512xf32>,
    %get3A_1374 = arith.constant 0 : index
    %get3A_1375 = arith.constant 2 : index
    %get3A_1376 = arith.constant 44 : index
    %get3A_1377 = arith.constant 0 : index
    %get3A_1378 = vector.load %arg2[%get3A_1374, %get3A_1375, %get3A_1376, %get3A_1377] : memref<1x3x64x512xf32, #tpu.memory_space<vmem>>, vector<1x1x1x512xf32>
    %get3A_1379 = vector.shape_cast %get3A_1378 : vector<1x1x1x512xf32> to vector<512xf32>
    %swap3A_1380 = arith.constant 69632 : index
    %swap3A_1381 = vector.load %arg3[%swap3A_1380] : memref<98304xf32, #tpu.memory_space<vmem>>, vector<512xf32>
    tpu.vector_store %arg3[%swap3A_1380], %get3A_1379 {strides = array<i32>} : memref<98304xf32, #tpu.memory_space<vmem>>, vector<512xf32>,
    %get3A_1382 = arith.constant 0 : index
    %get3A_1383 = arith.constant 2 : index
    %get3A_1384 = arith.constant 45 : index
    %get3A_1385 = arith.constant 0 : index
    %get3A_1386 = vector.load %arg2[%get3A_1382, %get3A_1383, %get3A_1384, %get3A_1385] : memref<1x3x64x512xf32, #tpu.memory_space<vmem>>, vector<1x1x1x512xf32>
    %get3A_1387 = vector.shape_cast %get3A_1386 : vector<1x1x1x512xf32> to vector<512xf32>
    %swap3A_1388 = arith.constant 70144 : index
    %swap3A_1389 = vector.load %arg3[%swap3A_1388] : memref<98304xf32, #tpu.memory_space<vmem>>, vector<512xf32>
    tpu.vector_store %arg3[%swap3A_1388], %get3A_1387 {strides = array<i32>} : memref<98304xf32, #tpu.memory_space<vmem>>, vector<512xf32>,
    %get3A_1390 = arith.constant 0 : index
    %get3A_1391 = arith.constant 2 : index
    %get3A_1392 = arith.constant 46 : index
    %get3A_1393 = arith.constant 0 : index
    %get3A_1394 = vector.load %arg2[%get3A_1390, %get3A_1391, %get3A_1392, %get3A_1393] : memref<1x3x64x512xf32, #tpu.memory_space<vmem>>, vector<1x1x1x512xf32>
    %get3A_1395 = vector.shape_cast %get3A_1394 : vector<1x1x1x512xf32> to vector<512xf32>
    %swap3A_1396 = arith.constant 72704 : index
    %swap3A_1397 = vector.load %arg3[%swap3A_1396] : memref<98304xf32, #tpu.memory_space<vmem>>, vector<512xf32>
    tpu.vector_store %arg3[%swap3A_1396], %get3A_1395 {strides = array<i32>} : memref<98304xf32, #tpu.memory_space<vmem>>, vector<512xf32>,
    %get3A_1398 = arith.constant 0 : index
    %get3A_1399 = arith.constant 2 : index
    %get3A_1400 = arith.constant 47 : index
    %get3A_1401 = arith.constant 0 : index
    %get3A_1402 = vector.load %arg2[%get3A_1398, %get3A_1399, %get3A_1400, %get3A_1401] : memref<1x3x64x512xf32, #tpu.memory_space<vmem>>, vector<1x1x1x512xf32>
    %get3A_1403 = vector.shape_cast %get3A_1402 : vector<1x1x1x512xf32> to vector<512xf32>
    %swap3A_1404 = arith.constant 73216 : index
    %swap3A_1405 = vector.load %arg3[%swap3A_1404] : memref<98304xf32, #tpu.memory_space<vmem>>, vector<512xf32>
    tpu.vector_store %arg3[%swap3A_1404], %get3A_1403 {strides = array<i32>} : memref<98304xf32, #tpu.memory_space<vmem>>, vector<512xf32>,
    %get3A_1406 = arith.constant 0 : index
    %get3A_1407 = arith.constant 2 : index
    %get3A_1408 = arith.constant 48 : index
    %get3A_1409 = arith.constant 0 : index
    %get3A_1410 = vector.load %arg2[%get3A_1406, %get3A_1407, %get3A_1408, %get3A_1409] : memref<1x3x64x512xf32, #tpu.memory_space<vmem>>, vector<1x1x1x512xf32>
    %get3A_1411 = vector.shape_cast %get3A_1410 : vector<1x1x1x512xf32> to vector<512xf32>
    %swap3A_1412 = arith.constant 75776 : index
    %swap3A_1413 = vector.load %arg3[%swap3A_1412] : memref<98304xf32, #tpu.memory_space<vmem>>, vector<512xf32>
    tpu.vector_store %arg3[%swap3A_1412], %get3A_1411 {strides = array<i32>} : memref<98304xf32, #tpu.memory_space<vmem>>, vector<512xf32>,
    %get3A_1414 = arith.constant 0 : index
    %get3A_1415 = arith.constant 2 : index
    %get3A_1416 = arith.constant 49 : index
    %get3A_1417 = arith.constant 0 : index
    %get3A_1418 = vector.load %arg2[%get3A_1414, %get3A_1415, %get3A_1416, %get3A_1417] : memref<1x3x64x512xf32, #tpu.memory_space<vmem>>, vector<1x1x1x512xf32>
    %get3A_1419 = vector.shape_cast %get3A_1418 : vector<1x1x1x512xf32> to vector<512xf32>
    %swap3A_1420 = arith.constant 76288 : index
    %swap3A_1421 = vector.load %arg3[%swap3A_1420] : memref<98304xf32, #tpu.memory_space<vmem>>, vector<512xf32>
    tpu.vector_store %arg3[%swap3A_1420], %get3A_1419 {strides = array<i32>} : memref<98304xf32, #tpu.memory_space<vmem>>, vector<512xf32>,
    %get3A_1422 = arith.constant 0 : index
    %get3A_1423 = arith.constant 2 : index
    %get3A_1424 = arith.constant 50 : index
    %get3A_1425 = arith.constant 0 : index
    %get3A_1426 = vector.load %arg2[%get3A_1422, %get3A_1423, %get3A_1424, %get3A_1425] : memref<1x3x64x512xf32, #tpu.memory_space<vmem>>, vector<1x1x1x512xf32>
    %get3A_1427 = vector.shape_cast %get3A_1426 : vector<1x1x1x512xf32> to vector<512xf32>
    %swap3A_1428 = arith.constant 78848 : index
    %swap3A_1429 = vector.load %arg3[%swap3A_1428] : memref<98304xf32, #tpu.memory_space<vmem>>, vector<512xf32>
    tpu.vector_store %arg3[%swap3A_1428], %get3A_1427 {strides = array<i32>} : memref<98304xf32, #tpu.memory_space<vmem>>, vector<512xf32>,
    %get3A_1430 = arith.constant 0 : index
    %get3A_1431 = arith.constant 2 : index
    %get3A_1432 = arith.constant 51 : index
    %get3A_1433 = arith.constant 0 : index
    %get3A_1434 = vector.load %arg2[%get3A_1430, %get3A_1431, %get3A_1432, %get3A_1433] : memref<1x3x64x512xf32, #tpu.memory_space<vmem>>, vector<1x1x1x512xf32>
    %get3A_1435 = vector.shape_cast %get3A_1434 : vector<1x1x1x512xf32> to vector<512xf32>
    %swap3A_1436 = arith.constant 79360 : index
    %swap3A_1437 = vector.load %arg3[%swap3A_1436] : memref<98304xf32, #tpu.memory_space<vmem>>, vector<512xf32>
    tpu.vector_store %arg3[%swap3A_1436], %get3A_1435 {strides = array<i32>} : memref<98304xf32, #tpu.memory_space<vmem>>, vector<512xf32>,
    %get3A_1438 = arith.constant 0 : index
    %get3A_1439 = arith.constant 2 : index
    %get3A_1440 = arith.constant 52 : index
    %get3A_1441 = arith.constant 0 : index
    %get3A_1442 = vector.load %arg2[%get3A_1438, %get3A_1439, %get3A_1440, %get3A_1441] : memref<1x3x64x512xf32, #tpu.memory_space<vmem>>, vector<1x1x1x512xf32>
    %get3A_1443 = vector.shape_cast %get3A_1442 : vector<1x1x1x512xf32> to vector<512xf32>
    %swap3A_1444 = arith.constant 81920 : index
    %swap3A_1445 = vector.load %arg3[%swap3A_1444] : memref<98304xf32, #tpu.memory_space<vmem>>, vector<512xf32>
    tpu.vector_store %arg3[%swap3A_1444], %get3A_1443 {strides = array<i32>} : memref<98304xf32, #tpu.memory_space<vmem>>, vector<512xf32>,
    %get3A_1446 = arith.constant 0 : index
    %get3A_1447 = arith.constant 2 : index
    %get3A_1448 = arith.constant 53 : index
    %get3A_1449 = arith.constant 0 : index
    %get3A_1450 = vector.load %arg2[%get3A_1446, %get3A_1447, %get3A_1448, %get3A_1449] : memref<1x3x64x512xf32, #tpu.memory_space<vmem>>, vector<1x1x1x512xf32>
    %get3A_1451 = vector.shape_cast %get3A_1450 : vector<1x1x1x512xf32> to vector<512xf32>
    %swap3A_1452 = arith.constant 82432 : index
    %swap3A_1453 = vector.load %arg3[%swap3A_1452] : memref<98304xf32, #tpu.memory_space<vmem>>, vector<512xf32>
    tpu.vector_store %arg3[%swap3A_1452], %get3A_1451 {strides = array<i32>} : memref<98304xf32, #tpu.memory_space<vmem>>, vector<512xf32>,
    %get3A_1454 = arith.constant 0 : index
    %get3A_1455 = arith.constant 2 : index
    %get3A_1456 = arith.constant 54 : index
    %get3A_1457 = arith.constant 0 : index
    %get3A_1458 = vector.load %arg2[%get3A_1454, %get3A_1455, %get3A_1456, %get3A_1457] : memref<1x3x64x512xf32, #tpu.memory_space<vmem>>, vector<1x1x1x512xf32>
    %get3A_1459 = vector.shape_cast %get3A_1458 : vector<1x1x1x512xf32> to vector<512xf32>
    %swap3A_1460 = arith.constant 84992 : index
    %swap3A_1461 = vector.load %arg3[%swap3A_1460] : memref<98304xf32, #tpu.memory_space<vmem>>, vector<512xf32>
    tpu.vector_store %arg3[%swap3A_1460], %get3A_1459 {strides = array<i32>} : memref<98304xf32, #tpu.memory_space<vmem>>, vector<512xf32>,
    %get3A_1462 = arith.constant 0 : index
    %get3A_1463 = arith.constant 2 : index
    %get3A_1464 = arith.constant 55 : index
    %get3A_1465 = arith.constant 0 : index
    %get3A_1466 = vector.load %arg2[%get3A_1462, %get3A_1463, %get3A_1464, %get3A_1465] : memref<1x3x64x512xf32, #tpu.memory_space<vmem>>, vector<1x1x1x512xf32>
    %get3A_1467 = vector.shape_cast %get3A_1466 : vector<1x1x1x512xf32> to vector<512xf32>
    %swap3A_1468 = arith.constant 85504 : index
    %swap3A_1469 = vector.load %arg3[%swap3A_1468] : memref<98304xf32, #tpu.memory_space<vmem>>, vector<512xf32>
    tpu.vector_store %arg3[%swap3A_1468], %get3A_1467 {strides = array<i32>} : memref<98304xf32, #tpu.memory_space<vmem>>, vector<512xf32>,
    %get3A_1470 = arith.constant 0 : index
    %get3A_1471 = arith.constant 2 : index
    %get3A_1472 = arith.constant 56 : index
    %get3A_1473 = arith.constant 0 : index
    %get3A_1474 = vector.load %arg2[%get3A_1470, %get3A_1471, %get3A_1472, %get3A_1473] : memref<1x3x64x512xf32, #tpu.memory_space<vmem>>, vector<1x1x1x512xf32>
    %get3A_1475 = vector.shape_cast %get3A_1474 : vector<1x1x1x512xf32> to vector<512xf32>
    %swap3A_1476 = arith.constant 88064 : index
    %swap3A_1477 = vector.load %arg3[%swap3A_1476] : memref<98304xf32, #tpu.memory_space<vmem>>, vector<512xf32>
    tpu.vector_store %arg3[%swap3A_1476], %get3A_1475 {strides = array<i32>} : memref<98304xf32, #tpu.memory_space<vmem>>, vector<512xf32>,
    %get3A_1478 = arith.constant 0 : index
    %get3A_1479 = arith.constant 2 : index
    %get3A_1480 = arith.constant 57 : index
    %get3A_1481 = arith.constant 0 : index
    %get3A_1482 = vector.load %arg2[%get3A_1478, %get3A_1479, %get3A_1480, %get3A_1481] : memref<1x3x64x512xf32, #tpu.memory_space<vmem>>, vector<1x1x1x512xf32>
    %get3A_1483 = vector.shape_cast %get3A_1482 : vector<1x1x1x512xf32> to vector<512xf32>
    %swap3A_1484 = arith.constant 88576 : index
    %swap3A_1485 = vector.load %arg3[%swap3A_1484] : memref<98304xf32, #tpu.memory_space<vmem>>, vector<512xf32>
    tpu.vector_store %arg3[%swap3A_1484], %get3A_1483 {strides = array<i32>} : memref<98304xf32, #tpu.memory_space<vmem>>, vector<512xf32>,
    %get3A_1486 = arith.constant 0 : index
    %get3A_1487 = arith.constant 2 : index
    %get3A_1488 = arith.constant 58 : index
    %get3A_1489 = arith.constant 0 : index
    %get3A_1490 = vector.load %arg2[%get3A_1486, %get3A_1487, %get3A_1488, %get3A_1489] : memref<1x3x64x512xf32, #tpu.memory_space<vmem>>, vector<1x1x1x512xf32>
    %get3A_1491 = vector.shape_cast %get3A_1490 : vector<1x1x1x512xf32> to vector<512xf32>
    %swap3A_1492 = arith.constant 91136 : index
    %swap3A_1493 = vector.load %arg3[%swap3A_1492] : memref<98304xf32, #tpu.memory_space<vmem>>, vector<512xf32>
    tpu.vector_store %arg3[%swap3A_1492], %get3A_1491 {strides = array<i32>} : memref<98304xf32, #tpu.memory_space<vmem>>, vector<512xf32>,
    %get3A_1494 = arith.constant 0 : index
    %get3A_1495 = arith.constant 2 : index
    %get3A_1496 = arith.constant 59 : index
    %get3A_1497 = arith.constant 0 : index
    %get3A_1498 = vector.load %arg2[%get3A_1494, %get3A_1495, %get3A_1496, %get3A_1497] : memref<1x3x64x512xf32, #tpu.memory_space<vmem>>, vector<1x1x1x512xf32>
    %get3A_1499 = vector.shape_cast %get3A_1498 : vector<1x1x1x512xf32> to vector<512xf32>
    %swap3A_1500 = arith.constant 91648 : index
    %swap3A_1501 = vector.load %arg3[%swap3A_1500] : memref<98304xf32, #tpu.memory_space<vmem>>, vector<512xf32>
    tpu.vector_store %arg3[%swap3A_1500], %get3A_1499 {strides = array<i32>} : memref<98304xf32, #tpu.memory_space<vmem>>, vector<512xf32>,
    %get3A_1502 = arith.constant 0 : index
    %get3A_1503 = arith.constant 2 : index
    %get3A_1504 = arith.constant 60 : index
    %get3A_1505 = arith.constant 0 : index
    %get3A_1506 = vector.load %arg2[%get3A_1502, %get3A_1503, %get3A_1504, %get3A_1505] : memref<1x3x64x512xf32, #tpu.memory_space<vmem>>, vector<1x1x1x512xf32>
    %get3A_1507 = vector.shape_cast %get3A_1506 : vector<1x1x1x512xf32> to vector<512xf32>
    %swap3A_1508 = arith.constant 94208 : index
    %swap3A_1509 = vector.load %arg3[%swap3A_1508] : memref<98304xf32, #tpu.memory_space<vmem>>, vector<512xf32>
    tpu.vector_store %arg3[%swap3A_1508], %get3A_1507 {strides = array<i32>} : memref<98304xf32, #tpu.memory_space<vmem>>, vector<512xf32>,
    %get3A_1510 = arith.constant 0 : index
    %get3A_1511 = arith.constant 2 : index
    %get3A_1512 = arith.constant 61 : index
    %get3A_1513 = arith.constant 0 : index
    %get3A_1514 = vector.load %arg2[%get3A_1510, %get3A_1511, %get3A_1512, %get3A_1513] : memref<1x3x64x512xf32, #tpu.memory_space<vmem>>, vector<1x1x1x512xf32>
    %get3A_1515 = vector.shape_cast %get3A_1514 : vector<1x1x1x512xf32> to vector<512xf32>
    %swap3A_1516 = arith.constant 94720 : index
    %swap3A_1517 = vector.load %arg3[%swap3A_1516] : memref<98304xf32, #tpu.memory_space<vmem>>, vector<512xf32>
    tpu.vector_store %arg3[%swap3A_1516], %get3A_1515 {strides = array<i32>} : memref<98304xf32, #tpu.memory_space<vmem>>, vector<512xf32>,
    %get3A_1518 = arith.constant 0 : index
    %get3A_1519 = arith.constant 2 : index
    %get3A_1520 = arith.constant 62 : index
    %get3A_1521 = arith.constant 0 : index
    %get3A_1522 = vector.load %arg2[%get3A_1518, %get3A_1519, %get3A_1520, %get3A_1521] : memref<1x3x64x512xf32, #tpu.memory_space<vmem>>, vector<1x1x1x512xf32>
    %get3A_1523 = vector.shape_cast %get3A_1522 : vector<1x1x1x512xf32> to vector<512xf32>
    %swap3A_1524 = arith.constant 97280 : index
    %swap3A_1525 = vector.load %arg3[%swap3A_1524] : memref<98304xf32, #tpu.memory_space<vmem>>, vector<512xf32>
    tpu.vector_store %arg3[%swap3A_1524], %get3A_1523 {strides = array<i32>} : memref<98304xf32, #tpu.memory_space<vmem>>, vector<512xf32>,
    %get3A_1526 = arith.constant 0 : index
    %get3A_1527 = arith.constant 2 : index
    %get3A_1528 = arith.constant 63 : index
    %get3A_1529 = arith.constant 0 : index
    %get3A_1530 = vector.load %arg2[%get3A_1526, %get3A_1527, %get3A_1528, %get3A_1529] : memref<1x3x64x512xf32, #tpu.memory_space<vmem>>, vector<1x1x1x512xf32>
    %get3A_1531 = vector.shape_cast %get3A_1530 : vector<1x1x1x512xf32> to vector<512xf32>
    %swap3A_1532 = arith.constant 97792 : index
    %swap3A_1533 = vector.load %arg3[%swap3A_1532] : memref<98304xf32, #tpu.memory_space<vmem>>, vector<512xf32>
    tpu.vector_store %arg3[%swap3A_1532], %get3A_1531 {strides = array<i32>} : memref<98304xf32, #tpu.memory_space<vmem>>, vector<512xf32>,
    %get3A_1534 = arith.constant 0 : index
    %get3A_1535 = arith.constant 0 : index
    %get3A_1536 = arith.constant 0 : index
    %get3A_1537 = arith.constant 0 : index
    %get3A_1538 = vector.load %arg2[%get3A_1534, %get3A_1535, %get3A_1536, %get3A_1537] : memref<1x3x64x512xf32, #tpu.memory_space<vmem>>, vector<1x3x64x512xf32>
    %get3A_1539 = vector.shape_cast %get3A_1538 : vector<1x3x64x512xf32> to vector<3x64x512xf32>
    %swap3A_1540 = arith.constant 0 : index
    %swap3A_1541 = arith.constant 0 : index
    %swap3A_1542 = arith.constant 0 : index
    %swap3A_1543 = arith.constant 0 : index
    %swap3A_1544 = vector.load %arg4[%swap3A_1540, %swap3A_1541, %swap3A_1542, %swap3A_1543] : memref<3x1x64x512xf32, #tpu.memory_space<vmem>>, vector<3x1x64x512xf32>
    %swap3A_1545 = vector.shape_cast %swap3A_1544 : vector<3x1x64x512xf32> to vector<3x64x512xf32>
    %swap3A_1546 = vector.shape_cast %get3A_1539 : vector<3x64x512xf32> to vector<3x1x64x512xf32>
    tpu.vector_store %arg4[%swap3A_1540, %swap3A_1541, %swap3A_1542, %swap3A_1543], %swap3A_1546 {strides = array<i32>} : memref<3x1x64x512xf32, #tpu.memory_space<vmem>>, vector<3x1x64x512xf32>,
    return
  }
  func.func @transform_0(%arg0: i32, %arg1: i32) -> (i32, i32, i32, i32) {
    %c0_i32 = arith.constant 0 : i32
    %c0_i32_0 = arith.constant 0 : i32
    %c0_i32_1 = arith.constant 0 : i32
    return %arg0, %c0_i32, %arg1, %c0_i32_0 : i32, i32, i32, i32
  }
  func.func @transform_1(%arg0: i32, %arg1: i32) -> i32 {
    %mul3A = arith.constant 8 : i32
    %mul3A_0 = arith.muli %arg0, %mul3A : i32
    %add3A = arith.addi %mul3A_0, %arg1 : i32
    %c0_i32 = arith.constant 0 : i32
    return %add3A : i32
  }
  func.func @transform_2(%arg0: i32, %arg1: i32) -> (i32, i32, i32, i32) {
    %c0_i32 = arith.constant 0 : i32
    %c0_i32_0 = arith.constant 0 : i32
    %c0_i32_1 = arith.constant 0 : i32
    return %c0_i32, %arg0, %arg1, %c0_i32_0 : i32, i32, i32, i32
  }
}

module attributes {stable_mosaic.version = 14 : i64} {
  func.func @body(%arg0: i32, %arg1: i32, %arg2: memref<98304xf32, #tpu.memory_space<vmem>>, %arg3: memref<1x3x64x512xf32, #tpu.memory_space<vmem>>) attributes {dimension_semantics = [#tpu.dimension_semantics<arbitrary>, #tpu.dimension_semantics<arbitrary>], iteration_bounds = array<i64: 16, 8>, scalar_prefetch = 0 : i64, scratch_operands = 0 : i64, tpu.core_type = #tpu.core_type<tc>, window_params = [{transform_indices = @transform_0, window_bounds = array<i64: 98304>}, {transform_indices = @transform_1, window_bounds = array<i64: 1, 3, 64, 512>}]} {
    %get3A = arith.constant 0 : index
    %get3A_0 = vector.load %arg2[%get3A] : memref<98304xf32, #tpu.memory_space<vmem>>, vector<512xf32>
    %swap3A = arith.constant 0 : index
    %swap3A_1 = arith.constant 0 : index
    %swap3A_2 = arith.constant 0 : index
    %swap3A_3 = arith.constant 0 : index
    %swap3A_4 = vector.load %arg3[%swap3A, %swap3A_1, %swap3A_2, %swap3A_3] : memref<1x3x64x512xf32, #tpu.memory_space<vmem>>, vector<1x1x1x512xf32>
    %swap3A_5 = vector.shape_cast %swap3A_4 : vector<1x1x1x512xf32> to vector<512xf32>
    %swap3A_6 = vector.shape_cast %get3A_0 : vector<512xf32> to vector<1x1x1x512xf32>
    tpu.vector_store %arg3[%swap3A, %swap3A_1, %swap3A_2, %swap3A_3], %swap3A_6 {strides = array<i32>} : memref<1x3x64x512xf32, #tpu.memory_space<vmem>>, vector<1x1x1x512xf32>,
    %get3A_7 = arith.constant 512 : index
    %get3A_8 = vector.load %arg2[%get3A_7] : memref<98304xf32, #tpu.memory_space<vmem>>, vector<512xf32>
    %swap3A_9 = arith.constant 0 : index
    %swap3A_10 = arith.constant 0 : index
    %swap3A_11 = arith.constant 1 : index
    %swap3A_12 = arith.constant 0 : index
    %swap3A_13 = vector.load %arg3[%swap3A_9, %swap3A_10, %swap3A_11, %swap3A_12] : memref<1x3x64x512xf32, #tpu.memory_space<vmem>>, vector<1x1x1x512xf32>
    %swap3A_14 = vector.shape_cast %swap3A_13 : vector<1x1x1x512xf32> to vector<512xf32>
    %swap3A_15 = vector.shape_cast %get3A_8 : vector<512xf32> to vector<1x1x1x512xf32>
    tpu.vector_store %arg3[%swap3A_9, %swap3A_10, %swap3A_11, %swap3A_12], %swap3A_15 {strides = array<i32>} : memref<1x3x64x512xf32, #tpu.memory_space<vmem>>, vector<1x1x1x512xf32>,
    %get3A_16 = arith.constant 3072 : index
    %get3A_17 = vector.load %arg2[%get3A_16] : memref<98304xf32, #tpu.memory_space<vmem>>, vector<512xf32>
    %swap3A_18 = arith.constant 0 : index
    %swap3A_19 = arith.constant 0 : index
    %swap3A_20 = arith.constant 2 : index
    %swap3A_21 = arith.constant 0 : index
    %swap3A_22 = vector.load %arg3[%swap3A_18, %swap3A_19, %swap3A_20, %swap3A_21] : memref<1x3x64x512xf32, #tpu.memory_space<vmem>>, vector<1x1x1x512xf32>
    %swap3A_23 = vector.shape_cast %swap3A_22 : vector<1x1x1x512xf32> to vector<512xf32>
    %swap3A_24 = vector.shape_cast %get3A_17 : vector<512xf32> to vector<1x1x1x512xf32>
    tpu.vector_store %arg3[%swap3A_18, %swap3A_19, %swap3A_20, %swap3A_21], %swap3A_24 {strides = array<i32>} : memref<1x3x64x512xf32, #tpu.memory_space<vmem>>, vector<1x1x1x512xf32>,
    %get3A_25 = arith.constant 3584 : index
    %get3A_26 = vector.load %arg2[%get3A_25] : memref<98304xf32, #tpu.memory_space<vmem>>, vector<512xf32>
    %swap3A_27 = arith.constant 0 : index
    %swap3A_28 = arith.constant 0 : index
    %swap3A_29 = arith.constant 3 : index
    %swap3A_30 = arith.constant 0 : index
    %swap3A_31 = vector.load %arg3[%swap3A_27, %swap3A_28, %swap3A_29, %swap3A_30] : memref<1x3x64x512xf32, #tpu.memory_space<vmem>>, vector<1x1x1x512xf32>
    %swap3A_32 = vector.shape_cast %swap3A_31 : vector<1x1x1x512xf32> to vector<512xf32>
    %swap3A_33 = vector.shape_cast %get3A_26 : vector<512xf32> to vector<1x1x1x512xf32>
    tpu.vector_store %arg3[%swap3A_27, %swap3A_28, %swap3A_29, %swap3A_30], %swap3A_33 {strides = array<i32>} : memref<1x3x64x512xf32, #tpu.memory_space<vmem>>, vector<1x1x1x512xf32>,
    %get3A_34 = arith.constant 6144 : index
    %get3A_35 = vector.load %arg2[%get3A_34] : memref<98304xf32, #tpu.memory_space<vmem>>, vector<512xf32>
    %swap3A_36 = arith.constant 0 : index
    %swap3A_37 = arith.constant 0 : index
    %swap3A_38 = arith.constant 4 : index
    %swap3A_39 = arith.constant 0 : index
    %swap3A_40 = vector.load %arg3[%swap3A_36, %swap3A_37, %swap3A_38, %swap3A_39] : memref<1x3x64x512xf32, #tpu.memory_space<vmem>>, vector<1x1x1x512xf32>
    %swap3A_41 = vector.shape_cast %swap3A_40 : vector<1x1x1x512xf32> to vector<512xf32>
    %swap3A_42 = vector.shape_cast %get3A_35 : vector<512xf32> to vector<1x1x1x512xf32>
    tpu.vector_store %arg3[%swap3A_36, %swap3A_37, %swap3A_38, %swap3A_39], %swap3A_42 {strides = array<i32>} : memref<1x3x64x512xf32, #tpu.memory_space<vmem>>, vector<1x1x1x512xf32>,
    %get3A_43 = arith.constant 6656 : index
    %get3A_44 = vector.load %arg2[%get3A_43] : memref<98304xf32, #tpu.memory_space<vmem>>, vector<512xf32>
    %swap3A_45 = arith.constant 0 : index
    %swap3A_46 = arith.constant 0 : index
    %swap3A_47 = arith.constant 5 : index
    %swap3A_48 = arith.constant 0 : index
    %swap3A_49 = vector.load %arg3[%swap3A_45, %swap3A_46, %swap3A_47, %swap3A_48] : memref<1x3x64x512xf32, #tpu.memory_space<vmem>>, vector<1x1x1x512xf32>
    %swap3A_50 = vector.shape_cast %swap3A_49 : vector<1x1x1x512xf32> to vector<512xf32>
    %swap3A_51 = vector.shape_cast %get3A_44 : vector<512xf32> to vector<1x1x1x512xf32>
    tpu.vector_store %arg3[%swap3A_45, %swap3A_46, %swap3A_47, %swap3A_48], %swap3A_51 {strides = array<i32>} : memref<1x3x64x512xf32, #tpu.memory_space<vmem>>, vector<1x1x1x512xf32>,
    %get3A_52 = arith.constant 9216 : index
    %get3A_53 = vector.load %arg2[%get3A_52] : memref<98304xf32, #tpu.memory_space<vmem>>, vector<512xf32>
    %swap3A_54 = arith.constant 0 : index
    %swap3A_55 = arith.constant 0 : index
    %swap3A_56 = arith.constant 6 : index
    %swap3A_57 = arith.constant 0 : index
    %swap3A_58 = vector.load %arg3[%swap3A_54, %swap3A_55, %swap3A_56, %swap3A_57] : memref<1x3x64x512xf32, #tpu.memory_space<vmem>>, vector<1x1x1x512xf32>
    %swap3A_59 = vector.shape_cast %swap3A_58 : vector<1x1x1x512xf32> to vector<512xf32>
    %swap3A_60 = vector.shape_cast %get3A_53 : vector<512xf32> to vector<1x1x1x512xf32>
    tpu.vector_store %arg3[%swap3A_54, %swap3A_55, %swap3A_56, %swap3A_57], %swap3A_60 {strides = array<i32>} : memref<1x3x64x512xf32, #tpu.memory_space<vmem>>, vector<1x1x1x512xf32>,
    %get3A_61 = arith.constant 9728 : index
    %get3A_62 = vector.load %arg2[%get3A_61] : memref<98304xf32, #tpu.memory_space<vmem>>, vector<512xf32>
    %swap3A_63 = arith.constant 0 : index
    %swap3A_64 = arith.constant 0 : index
    %swap3A_65 = arith.constant 7 : index
    %swap3A_66 = arith.constant 0 : index
    %swap3A_67 = vector.load %arg3[%swap3A_63, %swap3A_64, %swap3A_65, %swap3A_66] : memref<1x3x64x512xf32, #tpu.memory_space<vmem>>, vector<1x1x1x512xf32>
    %swap3A_68 = vector.shape_cast %swap3A_67 : vector<1x1x1x512xf32> to vector<512xf32>
    %swap3A_69 = vector.shape_cast %get3A_62 : vector<512xf32> to vector<1x1x1x512xf32>
    tpu.vector_store %arg3[%swap3A_63, %swap3A_64, %swap3A_65, %swap3A_66], %swap3A_69 {strides = array<i32>} : memref<1x3x64x512xf32, #tpu.memory_space<vmem>>, vector<1x1x1x512xf32>,
    %get3A_70 = arith.constant 12288 : index
    %get3A_71 = vector.load %arg2[%get3A_70] : memref<98304xf32, #tpu.memory_space<vmem>>, vector<512xf32>
    %swap3A_72 = arith.constant 0 : index
    %swap3A_73 = arith.constant 0 : index
    %swap3A_74 = arith.constant 8 : index
    %swap3A_75 = arith.constant 0 : index
    %swap3A_76 = vector.load %arg3[%swap3A_72, %swap3A_73, %swap3A_74, %swap3A_75] : memref<1x3x64x512xf32, #tpu.memory_space<vmem>>, vector<1x1x1x512xf32>
    %swap3A_77 = vector.shape_cast %swap3A_76 : vector<1x1x1x512xf32> to vector<512xf32>
    %swap3A_78 = vector.shape_cast %get3A_71 : vector<512xf32> to vector<1x1x1x512xf32>
    tpu.vector_store %arg3[%swap3A_72, %swap3A_73, %swap3A_74, %swap3A_75], %swap3A_78 {strides = array<i32>} : memref<1x3x64x512xf32, #tpu.memory_space<vmem>>, vector<1x1x1x512xf32>,
    %get3A_79 = arith.constant 12800 : index
    %get3A_80 = vector.load %arg2[%get3A_79] : memref<98304xf32, #tpu.memory_space<vmem>>, vector<512xf32>
    %swap3A_81 = arith.constant 0 : index
    %swap3A_82 = arith.constant 0 : index
    %swap3A_83 = arith.constant 9 : index
    %swap3A_84 = arith.constant 0 : index
    %swap3A_85 = vector.load %arg3[%swap3A_81, %swap3A_82, %swap3A_83, %swap3A_84] : memref<1x3x64x512xf32, #tpu.memory_space<vmem>>, vector<1x1x1x512xf32>
    %swap3A_86 = vector.shape_cast %swap3A_85 : vector<1x1x1x512xf32> to vector<512xf32>
    %swap3A_87 = vector.shape_cast %get3A_80 : vector<512xf32> to vector<1x1x1x512xf32>
    tpu.vector_store %arg3[%swap3A_81, %swap3A_82, %swap3A_83, %swap3A_84], %swap3A_87 {strides = array<i32>} : memref<1x3x64x512xf32, #tpu.memory_space<vmem>>, vector<1x1x1x512xf32>,
    %get3A_88 = arith.constant 15360 : index
    %get3A_89 = vector.load %arg2[%get3A_88] : memref<98304xf32, #tpu.memory_space<vmem>>, vector<512xf32>
    %swap3A_90 = arith.constant 0 : index
    %swap3A_91 = arith.constant 0 : index
    %swap3A_92 = arith.constant 10 : index
    %swap3A_93 = arith.constant 0 : index
    %swap3A_94 = vector.load %arg3[%swap3A_90, %swap3A_91, %swap3A_92, %swap3A_93] : memref<1x3x64x512xf32, #tpu.memory_space<vmem>>, vector<1x1x1x512xf32>
    %swap3A_95 = vector.shape_cast %swap3A_94 : vector<1x1x1x512xf32> to vector<512xf32>
    %swap3A_96 = vector.shape_cast %get3A_89 : vector<512xf32> to vector<1x1x1x512xf32>
    tpu.vector_store %arg3[%swap3A_90, %swap3A_91, %swap3A_92, %swap3A_93], %swap3A_96 {strides = array<i32>} : memref<1x3x64x512xf32, #tpu.memory_space<vmem>>, vector<1x1x1x512xf32>,
    %get3A_97 = arith.constant 15872 : index
    %get3A_98 = vector.load %arg2[%get3A_97] : memref<98304xf32, #tpu.memory_space<vmem>>, vector<512xf32>
    %swap3A_99 = arith.constant 0 : index
    %swap3A_100 = arith.constant 0 : index
    %swap3A_101 = arith.constant 11 : index
    %swap3A_102 = arith.constant 0 : index
    %swap3A_103 = vector.load %arg3[%swap3A_99, %swap3A_100, %swap3A_101, %swap3A_102] : memref<1x3x64x512xf32, #tpu.memory_space<vmem>>, vector<1x1x1x512xf32>
    %swap3A_104 = vector.shape_cast %swap3A_103 : vector<1x1x1x512xf32> to vector<512xf32>
    %swap3A_105 = vector.shape_cast %get3A_98 : vector<512xf32> to vector<1x1x1x512xf32>
    tpu.vector_store %arg3[%swap3A_99, %swap3A_100, %swap3A_101, %swap3A_102], %swap3A_105 {strides = array<i32>} : memref<1x3x64x512xf32, #tpu.memory_space<vmem>>, vector<1x1x1x512xf32>,
    %get3A_106 = arith.constant 18432 : index
    %get3A_107 = vector.load %arg2[%get3A_106] : memref<98304xf32, #tpu.memory_space<vmem>>, vector<512xf32>
    %swap3A_108 = arith.constant 0 : index
    %swap3A_109 = arith.constant 0 : index
    %swap3A_110 = arith.constant 12 : index
    %swap3A_111 = arith.constant 0 : index
    %swap3A_112 = vector.load %arg3[%swap3A_108, %swap3A_109, %swap3A_110, %swap3A_111] : memref<1x3x64x512xf32, #tpu.memory_space<vmem>>, vector<1x1x1x512xf32>
    %swap3A_113 = vector.shape_cast %swap3A_112 : vector<1x1x1x512xf32> to vector<512xf32>
    %swap3A_114 = vector.shape_cast %get3A_107 : vector<512xf32> to vector<1x1x1x512xf32>
    tpu.vector_store %arg3[%swap3A_108, %swap3A_109, %swap3A_110, %swap3A_111], %swap3A_114 {strides = array<i32>} : memref<1x3x64x512xf32, #tpu.memory_space<vmem>>, vector<1x1x1x512xf32>,
    %get3A_115 = arith.constant 18944 : index
    %get3A_116 = vector.load %arg2[%get3A_115] : memref<98304xf32, #tpu.memory_space<vmem>>, vector<512xf32>
    %swap3A_117 = arith.constant 0 : index
    %swap3A_118 = arith.constant 0 : index
    %swap3A_119 = arith.constant 13 : index
    %swap3A_120 = arith.constant 0 : index
    %swap3A_121 = vector.load %arg3[%swap3A_117, %swap3A_118, %swap3A_119, %swap3A_120] : memref<1x3x64x512xf32, #tpu.memory_space<vmem>>, vector<1x1x1x512xf32>
    %swap3A_122 = vector.shape_cast %swap3A_121 : vector<1x1x1x512xf32> to vector<512xf32>
    %swap3A_123 = vector.shape_cast %get3A_116 : vector<512xf32> to vector<1x1x1x512xf32>
    tpu.vector_store %arg3[%swap3A_117, %swap3A_118, %swap3A_119, %swap3A_120], %swap3A_123 {strides = array<i32>} : memref<1x3x64x512xf32, #tpu.memory_space<vmem>>, vector<1x1x1x512xf32>,
    %get3A_124 = arith.constant 21504 : index
    %get3A_125 = vector.load %arg2[%get3A_124] : memref<98304xf32, #tpu.memory_space<vmem>>, vector<512xf32>
    %swap3A_126 = arith.constant 0 : index
    %swap3A_127 = arith.constant 0 : index
    %swap3A_128 = arith.constant 14 : index
    %swap3A_129 = arith.constant 0 : index
    %swap3A_130 = vector.load %arg3[%swap3A_126, %swap3A_127, %swap3A_128, %swap3A_129] : memref<1x3x64x512xf32, #tpu.memory_space<vmem>>, vector<1x1x1x512xf32>
    %swap3A_131 = vector.shape_cast %swap3A_130 : vector<1x1x1x512xf32> to vector<512xf32>
    %swap3A_132 = vector.shape_cast %get3A_125 : vector<512xf32> to vector<1x1x1x512xf32>
    tpu.vector_store %arg3[%swap3A_126, %swap3A_127, %swap3A_128, %swap3A_129], %swap3A_132 {strides = array<i32>} : memref<1x3x64x512xf32, #tpu.memory_space<vmem>>, vector<1x1x1x512xf32>,
    %get3A_133 = arith.constant 22016 : index
    %get3A_134 = vector.load %arg2[%get3A_133] : memref<98304xf32, #tpu.memory_space<vmem>>, vector<512xf32>
    %swap3A_135 = arith.constant 0 : index
    %swap3A_136 = arith.constant 0 : index
    %swap3A_137 = arith.constant 15 : index
    %swap3A_138 = arith.constant 0 : index
    %swap3A_139 = vector.load %arg3[%swap3A_135, %swap3A_136, %swap3A_137, %swap3A_138] : memref<1x3x64x512xf32, #tpu.memory_space<vmem>>, vector<1x1x1x512xf32>
    %swap3A_140 = vector.shape_cast %swap3A_139 : vector<1x1x1x512xf32> to vector<512xf32>
    %swap3A_141 = vector.shape_cast %get3A_134 : vector<512xf32> to vector<1x1x1x512xf32>
    tpu.vector_store %arg3[%swap3A_135, %swap3A_136, %swap3A_137, %swap3A_138], %swap3A_141 {strides = array<i32>} : memref<1x3x64x512xf32, #tpu.memory_space<vmem>>, vector<1x1x1x512xf32>,
    %get3A_142 = arith.constant 24576 : index
    %get3A_143 = vector.load %arg2[%get3A_142] : memref<98304xf32, #tpu.memory_space<vmem>>, vector<512xf32>
    %swap3A_144 = arith.constant 0 : index
    %swap3A_145 = arith.constant 0 : index
    %swap3A_146 = arith.constant 16 : index
    %swap3A_147 = arith.constant 0 : index
    %swap3A_148 = vector.load %arg3[%swap3A_144, %swap3A_145, %swap3A_146, %swap3A_147] : memref<1x3x64x512xf32, #tpu.memory_space<vmem>>, vector<1x1x1x512xf32>
    %swap3A_149 = vector.shape_cast %swap3A_148 : vector<1x1x1x512xf32> to vector<512xf32>
    %swap3A_150 = vector.shape_cast %get3A_143 : vector<512xf32> to vector<1x1x1x512xf32>
    tpu.vector_store %arg3[%swap3A_144, %swap3A_145, %swap3A_146, %swap3A_147], %swap3A_150 {strides = array<i32>} : memref<1x3x64x512xf32, #tpu.memory_space<vmem>>, vector<1x1x1x512xf32>,
    %get3A_151 = arith.constant 25088 : index
    %get3A_152 = vector.load %arg2[%get3A_151] : memref<98304xf32, #tpu.memory_space<vmem>>, vector<512xf32>
    %swap3A_153 = arith.constant 0 : index
    %swap3A_154 = arith.constant 0 : index
    %swap3A_155 = arith.constant 17 : index
    %swap3A_156 = arith.constant 0 : index
    %swap3A_157 = vector.load %arg3[%swap3A_153, %swap3A_154, %swap3A_155, %swap3A_156] : memref<1x3x64x512xf32, #tpu.memory_space<vmem>>, vector<1x1x1x512xf32>
    %swap3A_158 = vector.shape_cast %swap3A_157 : vector<1x1x1x512xf32> to vector<512xf32>
    %swap3A_159 = vector.shape_cast %get3A_152 : vector<512xf32> to vector<1x1x1x512xf32>
    tpu.vector_store %arg3[%swap3A_153, %swap3A_154, %swap3A_155, %swap3A_156], %swap3A_159 {strides = array<i32>} : memref<1x3x64x512xf32, #tpu.memory_space<vmem>>, vector<1x1x1x512xf32>,
    %get3A_160 = arith.constant 27648 : index
    %get3A_161 = vector.load %arg2[%get3A_160] : memref<98304xf32, #tpu.memory_space<vmem>>, vector<512xf32>
    %swap3A_162 = arith.constant 0 : index
    %swap3A_163 = arith.constant 0 : index
    %swap3A_164 = arith.constant 18 : index
    %swap3A_165 = arith.constant 0 : index
    %swap3A_166 = vector.load %arg3[%swap3A_162, %swap3A_163, %swap3A_164, %swap3A_165] : memref<1x3x64x512xf32, #tpu.memory_space<vmem>>, vector<1x1x1x512xf32>
    %swap3A_167 = vector.shape_cast %swap3A_166 : vector<1x1x1x512xf32> to vector<512xf32>
    %swap3A_168 = vector.shape_cast %get3A_161 : vector<512xf32> to vector<1x1x1x512xf32>
    tpu.vector_store %arg3[%swap3A_162, %swap3A_163, %swap3A_164, %swap3A_165], %swap3A_168 {strides = array<i32>} : memref<1x3x64x512xf32, #tpu.memory_space<vmem>>, vector<1x1x1x512xf32>,
    %get3A_169 = arith.constant 28160 : index
    %get3A_170 = vector.load %arg2[%get3A_169] : memref<98304xf32, #tpu.memory_space<vmem>>, vector<512xf32>
    %swap3A_171 = arith.constant 0 : index
    %swap3A_172 = arith.constant 0 : index
    %swap3A_173 = arith.constant 19 : index
    %swap3A_174 = arith.constant 0 : index
    %swap3A_175 = vector.load %arg3[%swap3A_171, %swap3A_172, %swap3A_173, %swap3A_174] : memref<1x3x64x512xf32, #tpu.memory_space<vmem>>, vector<1x1x1x512xf32>
    %swap3A_176 = vector.shape_cast %swap3A_175 : vector<1x1x1x512xf32> to vector<512xf32>
    %swap3A_177 = vector.shape_cast %get3A_170 : vector<512xf32> to vector<1x1x1x512xf32>
    tpu.vector_store %arg3[%swap3A_171, %swap3A_172, %swap3A_173, %swap3A_174], %swap3A_177 {strides = array<i32>} : memref<1x3x64x512xf32, #tpu.memory_space<vmem>>, vector<1x1x1x512xf32>,
    %get3A_178 = arith.constant 30720 : index
    %get3A_179 = vector.load %arg2[%get3A_178] : memref<98304xf32, #tpu.memory_space<vmem>>, vector<512xf32>
    %swap3A_180 = arith.constant 0 : index
    %swap3A_181 = arith.constant 0 : index
    %swap3A_182 = arith.constant 20 : index
    %swap3A_183 = arith.constant 0 : index
    %swap3A_184 = vector.load %arg3[%swap3A_180, %swap3A_181, %swap3A_182, %swap3A_183] : memref<1x3x64x512xf32, #tpu.memory_space<vmem>>, vector<1x1x1x512xf32>
    %swap3A_185 = vector.shape_cast %swap3A_184 : vector<1x1x1x512xf32> to vector<512xf32>
    %swap3A_186 = vector.shape_cast %get3A_179 : vector<512xf32> to vector<1x1x1x512xf32>
    tpu.vector_store %arg3[%swap3A_180, %swap3A_181, %swap3A_182, %swap3A_183], %swap3A_186 {strides = array<i32>} : memref<1x3x64x512xf32, #tpu.memory_space<vmem>>, vector<1x1x1x512xf32>,
    %get3A_187 = arith.constant 31232 : index
    %get3A_188 = vector.load %arg2[%get3A_187] : memref<98304xf32, #tpu.memory_space<vmem>>, vector<512xf32>
    %swap3A_189 = arith.constant 0 : index
    %swap3A_190 = arith.constant 0 : index
    %swap3A_191 = arith.constant 21 : index
    %swap3A_192 = arith.constant 0 : index
    %swap3A_193 = vector.load %arg3[%swap3A_189, %swap3A_190, %swap3A_191, %swap3A_192] : memref<1x3x64x512xf32, #tpu.memory_space<vmem>>, vector<1x1x1x512xf32>
    %swap3A_194 = vector.shape_cast %swap3A_193 : vector<1x1x1x512xf32> to vector<512xf32>
    %swap3A_195 = vector.shape_cast %get3A_188 : vector<512xf32> to vector<1x1x1x512xf32>
    tpu.vector_store %arg3[%swap3A_189, %swap3A_190, %swap3A_191, %swap3A_192], %swap3A_195 {strides = array<i32>} : memref<1x3x64x512xf32, #tpu.memory_space<vmem>>, vector<1x1x1x512xf32>,
    %get3A_196 = arith.constant 33792 : index
    %get3A_197 = vector.load %arg2[%get3A_196] : memref<98304xf32, #tpu.memory_space<vmem>>, vector<512xf32>
    %swap3A_198 = arith.constant 0 : index
    %swap3A_199 = arith.constant 0 : index
    %swap3A_200 = arith.constant 22 : index
    %swap3A_201 = arith.constant 0 : index
    %swap3A_202 = vector.load %arg3[%swap3A_198, %swap3A_199, %swap3A_200, %swap3A_201] : memref<1x3x64x512xf32, #tpu.memory_space<vmem>>, vector<1x1x1x512xf32>
    %swap3A_203 = vector.shape_cast %swap3A_202 : vector<1x1x1x512xf32> to vector<512xf32>
    %swap3A_204 = vector.shape_cast %get3A_197 : vector<512xf32> to vector<1x1x1x512xf32>
    tpu.vector_store %arg3[%swap3A_198, %swap3A_199, %swap3A_200, %swap3A_201], %swap3A_204 {strides = array<i32>} : memref<1x3x64x512xf32, #tpu.memory_space<vmem>>, vector<1x1x1x512xf32>,
    %get3A_205 = arith.constant 34304 : index
    %get3A_206 = vector.load %arg2[%get3A_205] : memref<98304xf32, #tpu.memory_space<vmem>>, vector<512xf32>
    %swap3A_207 = arith.constant 0 : index
    %swap3A_208 = arith.constant 0 : index
    %swap3A_209 = arith.constant 23 : index
    %swap3A_210 = arith.constant 0 : index
    %swap3A_211 = vector.load %arg3[%swap3A_207, %swap3A_208, %swap3A_209, %swap3A_210] : memref<1x3x64x512xf32, #tpu.memory_space<vmem>>, vector<1x1x1x512xf32>
    %swap3A_212 = vector.shape_cast %swap3A_211 : vector<1x1x1x512xf32> to vector<512xf32>
    %swap3A_213 = vector.shape_cast %get3A_206 : vector<512xf32> to vector<1x1x1x512xf32>
    tpu.vector_store %arg3[%swap3A_207, %swap3A_208, %swap3A_209, %swap3A_210], %swap3A_213 {strides = array<i32>} : memref<1x3x64x512xf32, #tpu.memory_space<vmem>>, vector<1x1x1x512xf32>,
    %get3A_214 = arith.constant 36864 : index
    %get3A_215 = vector.load %arg2[%get3A_214] : memref<98304xf32, #tpu.memory_space<vmem>>, vector<512xf32>
    %swap3A_216 = arith.constant 0 : index
    %swap3A_217 = arith.constant 0 : index
    %swap3A_218 = arith.constant 24 : index
    %swap3A_219 = arith.constant 0 : index
    %swap3A_220 = vector.load %arg3[%swap3A_216, %swap3A_217, %swap3A_218, %swap3A_219] : memref<1x3x64x512xf32, #tpu.memory_space<vmem>>, vector<1x1x1x512xf32>
    %swap3A_221 = vector.shape_cast %swap3A_220 : vector<1x1x1x512xf32> to vector<512xf32>
    %swap3A_222 = vector.shape_cast %get3A_215 : vector<512xf32> to vector<1x1x1x512xf32>
    tpu.vector_store %arg3[%swap3A_216, %swap3A_217, %swap3A_218, %swap3A_219], %swap3A_222 {strides = array<i32>} : memref<1x3x64x512xf32, #tpu.memory_space<vmem>>, vector<1x1x1x512xf32>,
    %get3A_223 = arith.constant 37376 : index
    %get3A_224 = vector.load %arg2[%get3A_223] : memref<98304xf32, #tpu.memory_space<vmem>>, vector<512xf32>
    %swap3A_225 = arith.constant 0 : index
    %swap3A_226 = arith.constant 0 : index
    %swap3A_227 = arith.constant 25 : index
    %swap3A_228 = arith.constant 0 : index
    %swap3A_229 = vector.load %arg3[%swap3A_225, %swap3A_226, %swap3A_227, %swap3A_228] : memref<1x3x64x512xf32, #tpu.memory_space<vmem>>, vector<1x1x1x512xf32>
    %swap3A_230 = vector.shape_cast %swap3A_229 : vector<1x1x1x512xf32> to vector<512xf32>
    %swap3A_231 = vector.shape_cast %get3A_224 : vector<512xf32> to vector<1x1x1x512xf32>
    tpu.vector_store %arg3[%swap3A_225, %swap3A_226, %swap3A_227, %swap3A_228], %swap3A_231 {strides = array<i32>} : memref<1x3x64x512xf32, #tpu.memory_space<vmem>>, vector<1x1x1x512xf32>,
    %get3A_232 = arith.constant 39936 : index
    %get3A_233 = vector.load %arg2[%get3A_232] : memref<98304xf32, #tpu.memory_space<vmem>>, vector<512xf32>
    %swap3A_234 = arith.constant 0 : index
    %swap3A_235 = arith.constant 0 : index
    %swap3A_236 = arith.constant 26 : index
    %swap3A_237 = arith.constant 0 : index
    %swap3A_238 = vector.load %arg3[%swap3A_234, %swap3A_235, %swap3A_236, %swap3A_237] : memref<1x3x64x512xf32, #tpu.memory_space<vmem>>, vector<1x1x1x512xf32>
    %swap3A_239 = vector.shape_cast %swap3A_238 : vector<1x1x1x512xf32> to vector<512xf32>
    %swap3A_240 = vector.shape_cast %get3A_233 : vector<512xf32> to vector<1x1x1x512xf32>
    tpu.vector_store %arg3[%swap3A_234, %swap3A_235, %swap3A_236, %swap3A_237], %swap3A_240 {strides = array<i32>} : memref<1x3x64x512xf32, #tpu.memory_space<vmem>>, vector<1x1x1x512xf32>,
    %get3A_241 = arith.constant 40448 : index
    %get3A_242 = vector.load %arg2[%get3A_241] : memref<98304xf32, #tpu.memory_space<vmem>>, vector<512xf32>
    %swap3A_243 = arith.constant 0 : index
    %swap3A_244 = arith.constant 0 : index
    %swap3A_245 = arith.constant 27 : index
    %swap3A_246 = arith.constant 0 : index
    %swap3A_247 = vector.load %arg3[%swap3A_243, %swap3A_244, %swap3A_245, %swap3A_246] : memref<1x3x64x512xf32, #tpu.memory_space<vmem>>, vector<1x1x1x512xf32>
    %swap3A_248 = vector.shape_cast %swap3A_247 : vector<1x1x1x512xf32> to vector<512xf32>
    %swap3A_249 = vector.shape_cast %get3A_242 : vector<512xf32> to vector<1x1x1x512xf32>
    tpu.vector_store %arg3[%swap3A_243, %swap3A_244, %swap3A_245, %swap3A_246], %swap3A_249 {strides = array<i32>} : memref<1x3x64x512xf32, #tpu.memory_space<vmem>>, vector<1x1x1x512xf32>,
    %get3A_250 = arith.constant 43008 : index
    %get3A_251 = vector.load %arg2[%get3A_250] : memref<98304xf32, #tpu.memory_space<vmem>>, vector<512xf32>
    %swap3A_252 = arith.constant 0 : index
    %swap3A_253 = arith.constant 0 : index
    %swap3A_254 = arith.constant 28 : index
    %swap3A_255 = arith.constant 0 : index
    %swap3A_256 = vector.load %arg3[%swap3A_252, %swap3A_253, %swap3A_254, %swap3A_255] : memref<1x3x64x512xf32, #tpu.memory_space<vmem>>, vector<1x1x1x512xf32>
    %swap3A_257 = vector.shape_cast %swap3A_256 : vector<1x1x1x512xf32> to vector<512xf32>
    %swap3A_258 = vector.shape_cast %get3A_251 : vector<512xf32> to vector<1x1x1x512xf32>
    tpu.vector_store %arg3[%swap3A_252, %swap3A_253, %swap3A_254, %swap3A_255], %swap3A_258 {strides = array<i32>} : memref<1x3x64x512xf32, #tpu.memory_space<vmem>>, vector<1x1x1x512xf32>,
    %get3A_259 = arith.constant 43520 : index
    %get3A_260 = vector.load %arg2[%get3A_259] : memref<98304xf32, #tpu.memory_space<vmem>>, vector<512xf32>
    %swap3A_261 = arith.constant 0 : index
    %swap3A_262 = arith.constant 0 : index
    %swap3A_263 = arith.constant 29 : index
    %swap3A_264 = arith.constant 0 : index
    %swap3A_265 = vector.load %arg3[%swap3A_261, %swap3A_262, %swap3A_263, %swap3A_264] : memref<1x3x64x512xf32, #tpu.memory_space<vmem>>, vector<1x1x1x512xf32>
    %swap3A_266 = vector.shape_cast %swap3A_265 : vector<1x1x1x512xf32> to vector<512xf32>
    %swap3A_267 = vector.shape_cast %get3A_260 : vector<512xf32> to vector<1x1x1x512xf32>
    tpu.vector_store %arg3[%swap3A_261, %swap3A_262, %swap3A_263, %swap3A_264], %swap3A_267 {strides = array<i32>} : memref<1x3x64x512xf32, #tpu.memory_space<vmem>>, vector<1x1x1x512xf32>,
    %get3A_268 = arith.constant 46080 : index
    %get3A_269 = vector.load %arg2[%get3A_268] : memref<98304xf32, #tpu.memory_space<vmem>>, vector<512xf32>
    %swap3A_270 = arith.constant 0 : index
    %swap3A_271 = arith.constant 0 : index
    %swap3A_272 = arith.constant 30 : index
    %swap3A_273 = arith.constant 0 : index
    %swap3A_274 = vector.load %arg3[%swap3A_270, %swap3A_271, %swap3A_272, %swap3A_273] : memref<1x3x64x512xf32, #tpu.memory_space<vmem>>, vector<1x1x1x512xf32>
    %swap3A_275 = vector.shape_cast %swap3A_274 : vector<1x1x1x512xf32> to vector<512xf32>
    %swap3A_276 = vector.shape_cast %get3A_269 : vector<512xf32> to vector<1x1x1x512xf32>
    tpu.vector_store %arg3[%swap3A_270, %swap3A_271, %swap3A_272, %swap3A_273], %swap3A_276 {strides = array<i32>} : memref<1x3x64x512xf32, #tpu.memory_space<vmem>>, vector<1x1x1x512xf32>,
    %get3A_277 = arith.constant 46592 : index
    %get3A_278 = vector.load %arg2[%get3A_277] : memref<98304xf32, #tpu.memory_space<vmem>>, vector<512xf32>
    %swap3A_279 = arith.constant 0 : index
    %swap3A_280 = arith.constant 0 : index
    %swap3A_281 = arith.constant 31 : index
    %swap3A_282 = arith.constant 0 : index
    %swap3A_283 = vector.load %arg3[%swap3A_279, %swap3A_280, %swap3A_281, %swap3A_282] : memref<1x3x64x512xf32, #tpu.memory_space<vmem>>, vector<1x1x1x512xf32>
    %swap3A_284 = vector.shape_cast %swap3A_283 : vector<1x1x1x512xf32> to vector<512xf32>
    %swap3A_285 = vector.shape_cast %get3A_278 : vector<512xf32> to vector<1x1x1x512xf32>
    tpu.vector_store %arg3[%swap3A_279, %swap3A_280, %swap3A_281, %swap3A_282], %swap3A_285 {strides = array<i32>} : memref<1x3x64x512xf32, #tpu.memory_space<vmem>>, vector<1x1x1x512xf32>,
    %get3A_286 = arith.constant 49152 : index
    %get3A_287 = vector.load %arg2[%get3A_286] : memref<98304xf32, #tpu.memory_space<vmem>>, vector<512xf32>
    %swap3A_288 = arith.constant 0 : index
    %swap3A_289 = arith.constant 0 : index
    %swap3A_290 = arith.constant 32 : index
    %swap3A_291 = arith.constant 0 : index
    %swap3A_292 = vector.load %arg3[%swap3A_288, %swap3A_289, %swap3A_290, %swap3A_291] : memref<1x3x64x512xf32, #tpu.memory_space<vmem>>, vector<1x1x1x512xf32>
    %swap3A_293 = vector.shape_cast %swap3A_292 : vector<1x1x1x512xf32> to vector<512xf32>
    %swap3A_294 = vector.shape_cast %get3A_287 : vector<512xf32> to vector<1x1x1x512xf32>
    tpu.vector_store %arg3[%swap3A_288, %swap3A_289, %swap3A_290, %swap3A_291], %swap3A_294 {strides = array<i32>} : memref<1x3x64x512xf32, #tpu.memory_space<vmem>>, vector<1x1x1x512xf32>,
    %get3A_295 = arith.constant 49664 : index
    %get3A_296 = vector.load %arg2[%get3A_295] : memref<98304xf32, #tpu.memory_space<vmem>>, vector<512xf32>
    %swap3A_297 = arith.constant 0 : index
    %swap3A_298 = arith.constant 0 : index
    %swap3A_299 = arith.constant 33 : index
    %swap3A_300 = arith.constant 0 : index
    %swap3A_301 = vector.load %arg3[%swap3A_297, %swap3A_298, %swap3A_299, %swap3A_300] : memref<1x3x64x512xf32, #tpu.memory_space<vmem>>, vector<1x1x1x512xf32>
    %swap3A_302 = vector.shape_cast %swap3A_301 : vector<1x1x1x512xf32> to vector<512xf32>
    %swap3A_303 = vector.shape_cast %get3A_296 : vector<512xf32> to vector<1x1x1x512xf32>
    tpu.vector_store %arg3[%swap3A_297, %swap3A_298, %swap3A_299, %swap3A_300], %swap3A_303 {strides = array<i32>} : memref<1x3x64x512xf32, #tpu.memory_space<vmem>>, vector<1x1x1x512xf32>,
    %get3A_304 = arith.constant 52224 : index
    %get3A_305 = vector.load %arg2[%get3A_304] : memref<98304xf32, #tpu.memory_space<vmem>>, vector<512xf32>
    %swap3A_306 = arith.constant 0 : index
    %swap3A_307 = arith.constant 0 : index
    %swap3A_308 = arith.constant 34 : index
    %swap3A_309 = arith.constant 0 : index
    %swap3A_310 = vector.load %arg3[%swap3A_306, %swap3A_307, %swap3A_308, %swap3A_309] : memref<1x3x64x512xf32, #tpu.memory_space<vmem>>, vector<1x1x1x512xf32>
    %swap3A_311 = vector.shape_cast %swap3A_310 : vector<1x1x1x512xf32> to vector<512xf32>
    %swap3A_312 = vector.shape_cast %get3A_305 : vector<512xf32> to vector<1x1x1x512xf32>
    tpu.vector_store %arg3[%swap3A_306, %swap3A_307, %swap3A_308, %swap3A_309], %swap3A_312 {strides = array<i32>} : memref<1x3x64x512xf32, #tpu.memory_space<vmem>>, vector<1x1x1x512xf32>,
    %get3A_313 = arith.constant 52736 : index
    %get3A_314 = vector.load %arg2[%get3A_313] : memref<98304xf32, #tpu.memory_space<vmem>>, vector<512xf32>
    %swap3A_315 = arith.constant 0 : index
    %swap3A_316 = arith.constant 0 : index
    %swap3A_317 = arith.constant 35 : index
    %swap3A_318 = arith.constant 0 : index
    %swap3A_319 = vector.load %arg3[%swap3A_315, %swap3A_316, %swap3A_317, %swap3A_318] : memref<1x3x64x512xf32, #tpu.memory_space<vmem>>, vector<1x1x1x512xf32>
    %swap3A_320 = vector.shape_cast %swap3A_319 : vector<1x1x1x512xf32> to vector<512xf32>
    %swap3A_321 = vector.shape_cast %get3A_314 : vector<512xf32> to vector<1x1x1x512xf32>
    tpu.vector_store %arg3[%swap3A_315, %swap3A_316, %swap3A_317, %swap3A_318], %swap3A_321 {strides = array<i32>} : memref<1x3x64x512xf32, #tpu.memory_space<vmem>>, vector<1x1x1x512xf32>,
    %get3A_322 = arith.constant 55296 : index
    %get3A_323 = vector.load %arg2[%get3A_322] : memref<98304xf32, #tpu.memory_space<vmem>>, vector<512xf32>
    %swap3A_324 = arith.constant 0 : index
    %swap3A_325 = arith.constant 0 : index
    %swap3A_326 = arith.constant 36 : index
    %swap3A_327 = arith.constant 0 : index
    %swap3A_328 = vector.load %arg3[%swap3A_324, %swap3A_325, %swap3A_326, %swap3A_327] : memref<1x3x64x512xf32, #tpu.memory_space<vmem>>, vector<1x1x1x512xf32>
    %swap3A_329 = vector.shape_cast %swap3A_328 : vector<1x1x1x512xf32> to vector<512xf32>
    %swap3A_330 = vector.shape_cast %get3A_323 : vector<512xf32> to vector<1x1x1x512xf32>
    tpu.vector_store %arg3[%swap3A_324, %swap3A_325, %swap3A_326, %swap3A_327], %swap3A_330 {strides = array<i32>} : memref<1x3x64x512xf32, #tpu.memory_space<vmem>>, vector<1x1x1x512xf32>,
    %get3A_331 = arith.constant 55808 : index
    %get3A_332 = vector.load %arg2[%get3A_331] : memref<98304xf32, #tpu.memory_space<vmem>>, vector<512xf32>
    %swap3A_333 = arith.constant 0 : index
    %swap3A_334 = arith.constant 0 : index
    %swap3A_335 = arith.constant 37 : index
    %swap3A_336 = arith.constant 0 : index
    %swap3A_337 = vector.load %arg3[%swap3A_333, %swap3A_334, %swap3A_335, %swap3A_336] : memref<1x3x64x512xf32, #tpu.memory_space<vmem>>, vector<1x1x1x512xf32>
    %swap3A_338 = vector.shape_cast %swap3A_337 : vector<1x1x1x512xf32> to vector<512xf32>
    %swap3A_339 = vector.shape_cast %get3A_332 : vector<512xf32> to vector<1x1x1x512xf32>
    tpu.vector_store %arg3[%swap3A_333, %swap3A_334, %swap3A_335, %swap3A_336], %swap3A_339 {strides = array<i32>} : memref<1x3x64x512xf32, #tpu.memory_space<vmem>>, vector<1x1x1x512xf32>,
    %get3A_340 = arith.constant 58368 : index
    %get3A_341 = vector.load %arg2[%get3A_340] : memref<98304xf32, #tpu.memory_space<vmem>>, vector<512xf32>
    %swap3A_342 = arith.constant 0 : index
    %swap3A_343 = arith.constant 0 : index
    %swap3A_344 = arith.constant 38 : index
    %swap3A_345 = arith.constant 0 : index
    %swap3A_346 = vector.load %arg3[%swap3A_342, %swap3A_343, %swap3A_344, %swap3A_345] : memref<1x3x64x512xf32, #tpu.memory_space<vmem>>, vector<1x1x1x512xf32>
    %swap3A_347 = vector.shape_cast %swap3A_346 : vector<1x1x1x512xf32> to vector<512xf32>
    %swap3A_348 = vector.shape_cast %get3A_341 : vector<512xf32> to vector<1x1x1x512xf32>
    tpu.vector_store %arg3[%swap3A_342, %swap3A_343, %swap3A_344, %swap3A_345], %swap3A_348 {strides = array<i32>} : memref<1x3x64x512xf32, #tpu.memory_space<vmem>>, vector<1x1x1x512xf32>,
    %get3A_349 = arith.constant 58880 : index
    %get3A_350 = vector.load %arg2[%get3A_349] : memref<98304xf32, #tpu.memory_space<vmem>>, vector<512xf32>
    %swap3A_351 = arith.constant 0 : index
    %swap3A_352 = arith.constant 0 : index
    %swap3A_353 = arith.constant 39 : index
    %swap3A_354 = arith.constant 0 : index
    %swap3A_355 = vector.load %arg3[%swap3A_351, %swap3A_352, %swap3A_353, %swap3A_354] : memref<1x3x64x512xf32, #tpu.memory_space<vmem>>, vector<1x1x1x512xf32>
    %swap3A_356 = vector.shape_cast %swap3A_355 : vector<1x1x1x512xf32> to vector<512xf32>
    %swap3A_357 = vector.shape_cast %get3A_350 : vector<512xf32> to vector<1x1x1x512xf32>
    tpu.vector_store %arg3[%swap3A_351, %swap3A_352, %swap3A_353, %swap3A_354], %swap3A_357 {strides = array<i32>} : memref<1x3x64x512xf32, #tpu.memory_space<vmem>>, vector<1x1x1x512xf32>,
    %get3A_358 = arith.constant 61440 : index
    %get3A_359 = vector.load %arg2[%get3A_358] : memref<98304xf32, #tpu.memory_space<vmem>>, vector<512xf32>
    %swap3A_360 = arith.constant 0 : index
    %swap3A_361 = arith.constant 0 : index
    %swap3A_362 = arith.constant 40 : index
    %swap3A_363 = arith.constant 0 : index
    %swap3A_364 = vector.load %arg3[%swap3A_360, %swap3A_361, %swap3A_362, %swap3A_363] : memref<1x3x64x512xf32, #tpu.memory_space<vmem>>, vector<1x1x1x512xf32>
    %swap3A_365 = vector.shape_cast %swap3A_364 : vector<1x1x1x512xf32> to vector<512xf32>
    %swap3A_366 = vector.shape_cast %get3A_359 : vector<512xf32> to vector<1x1x1x512xf32>
    tpu.vector_store %arg3[%swap3A_360, %swap3A_361, %swap3A_362, %swap3A_363], %swap3A_366 {strides = array<i32>} : memref<1x3x64x512xf32, #tpu.memory_space<vmem>>, vector<1x1x1x512xf32>,
    %get3A_367 = arith.constant 61952 : index
    %get3A_368 = vector.load %arg2[%get3A_367] : memref<98304xf32, #tpu.memory_space<vmem>>, vector<512xf32>
    %swap3A_369 = arith.constant 0 : index
    %swap3A_370 = arith.constant 0 : index
    %swap3A_371 = arith.constant 41 : index
    %swap3A_372 = arith.constant 0 : index
    %swap3A_373 = vector.load %arg3[%swap3A_369, %swap3A_370, %swap3A_371, %swap3A_372] : memref<1x3x64x512xf32, #tpu.memory_space<vmem>>, vector<1x1x1x512xf32>
    %swap3A_374 = vector.shape_cast %swap3A_373 : vector<1x1x1x512xf32> to vector<512xf32>
    %swap3A_375 = vector.shape_cast %get3A_368 : vector<512xf32> to vector<1x1x1x512xf32>
    tpu.vector_store %arg3[%swap3A_369, %swap3A_370, %swap3A_371, %swap3A_372], %swap3A_375 {strides = array<i32>} : memref<1x3x64x512xf32, #tpu.memory_space<vmem>>, vector<1x1x1x512xf32>,
    %get3A_376 = arith.constant 64512 : index
    %get3A_377 = vector.load %arg2[%get3A_376] : memref<98304xf32, #tpu.memory_space<vmem>>, vector<512xf32>
    %swap3A_378 = arith.constant 0 : index
    %swap3A_379 = arith.constant 0 : index
    %swap3A_380 = arith.constant 42 : index
    %swap3A_381 = arith.constant 0 : index
    %swap3A_382 = vector.load %arg3[%swap3A_378, %swap3A_379, %swap3A_380, %swap3A_381] : memref<1x3x64x512xf32, #tpu.memory_space<vmem>>, vector<1x1x1x512xf32>
    %swap3A_383 = vector.shape_cast %swap3A_382 : vector<1x1x1x512xf32> to vector<512xf32>
    %swap3A_384 = vector.shape_cast %get3A_377 : vector<512xf32> to vector<1x1x1x512xf32>
    tpu.vector_store %arg3[%swap3A_378, %swap3A_379, %swap3A_380, %swap3A_381], %swap3A_384 {strides = array<i32>} : memref<1x3x64x512xf32, #tpu.memory_space<vmem>>, vector<1x1x1x512xf32>,
    %get3A_385 = arith.constant 65024 : index
    %get3A_386 = vector.load %arg2[%get3A_385] : memref<98304xf32, #tpu.memory_space<vmem>>, vector<512xf32>
    %swap3A_387 = arith.constant 0 : index
    %swap3A_388 = arith.constant 0 : index
    %swap3A_389 = arith.constant 43 : index
    %swap3A_390 = arith.constant 0 : index
    %swap3A_391 = vector.load %arg3[%swap3A_387, %swap3A_388, %swap3A_389, %swap3A_390] : memref<1x3x64x512xf32, #tpu.memory_space<vmem>>, vector<1x1x1x512xf32>
    %swap3A_392 = vector.shape_cast %swap3A_391 : vector<1x1x1x512xf32> to vector<512xf32>
    %swap3A_393 = vector.shape_cast %get3A_386 : vector<512xf32> to vector<1x1x1x512xf32>
    tpu.vector_store %arg3[%swap3A_387, %swap3A_388, %swap3A_389, %swap3A_390], %swap3A_393 {strides = array<i32>} : memref<1x3x64x512xf32, #tpu.memory_space<vmem>>, vector<1x1x1x512xf32>,
    %get3A_394 = arith.constant 67584 : index
    %get3A_395 = vector.load %arg2[%get3A_394] : memref<98304xf32, #tpu.memory_space<vmem>>, vector<512xf32>
    %swap3A_396 = arith.constant 0 : index
    %swap3A_397 = arith.constant 0 : index
    %swap3A_398 = arith.constant 44 : index
    %swap3A_399 = arith.constant 0 : index
    %swap3A_400 = vector.load %arg3[%swap3A_396, %swap3A_397, %swap3A_398, %swap3A_399] : memref<1x3x64x512xf32, #tpu.memory_space<vmem>>, vector<1x1x1x512xf32>
    %swap3A_401 = vector.shape_cast %swap3A_400 : vector<1x1x1x512xf32> to vector<512xf32>
    %swap3A_402 = vector.shape_cast %get3A_395 : vector<512xf32> to vector<1x1x1x512xf32>
    tpu.vector_store %arg3[%swap3A_396, %swap3A_397, %swap3A_398, %swap3A_399], %swap3A_402 {strides = array<i32>} : memref<1x3x64x512xf32, #tpu.memory_space<vmem>>, vector<1x1x1x512xf32>,
    %get3A_403 = arith.constant 68096 : index
    %get3A_404 = vector.load %arg2[%get3A_403] : memref<98304xf32, #tpu.memory_space<vmem>>, vector<512xf32>
    %swap3A_405 = arith.constant 0 : index
    %swap3A_406 = arith.constant 0 : index
    %swap3A_407 = arith.constant 45 : index
    %swap3A_408 = arith.constant 0 : index
    %swap3A_409 = vector.load %arg3[%swap3A_405, %swap3A_406, %swap3A_407, %swap3A_408] : memref<1x3x64x512xf32, #tpu.memory_space<vmem>>, vector<1x1x1x512xf32>
    %swap3A_410 = vector.shape_cast %swap3A_409 : vector<1x1x1x512xf32> to vector<512xf32>
    %swap3A_411 = vector.shape_cast %get3A_404 : vector<512xf32> to vector<1x1x1x512xf32>
    tpu.vector_store %arg3[%swap3A_405, %swap3A_406, %swap3A_407, %swap3A_408], %swap3A_411 {strides = array<i32>} : memref<1x3x64x512xf32, #tpu.memory_space<vmem>>, vector<1x1x1x512xf32>,
    %get3A_412 = arith.constant 70656 : index
    %get3A_413 = vector.load %arg2[%get3A_412] : memref<98304xf32, #tpu.memory_space<vmem>>, vector<512xf32>
    %swap3A_414 = arith.constant 0 : index
    %swap3A_415 = arith.constant 0 : index
    %swap3A_416 = arith.constant 46 : index
    %swap3A_417 = arith.constant 0 : index
    %swap3A_418 = vector.load %arg3[%swap3A_414, %swap3A_415, %swap3A_416, %swap3A_417] : memref<1x3x64x512xf32, #tpu.memory_space<vmem>>, vector<1x1x1x512xf32>
    %swap3A_419 = vector.shape_cast %swap3A_418 : vector<1x1x1x512xf32> to vector<512xf32>
    %swap3A_420 = vector.shape_cast %get3A_413 : vector<512xf32> to vector<1x1x1x512xf32>
    tpu.vector_store %arg3[%swap3A_414, %swap3A_415, %swap3A_416, %swap3A_417], %swap3A_420 {strides = array<i32>} : memref<1x3x64x512xf32, #tpu.memory_space<vmem>>, vector<1x1x1x512xf32>,
    %get3A_421 = arith.constant 71168 : index
    %get3A_422 = vector.load %arg2[%get3A_421] : memref<98304xf32, #tpu.memory_space<vmem>>, vector<512xf32>
    %swap3A_423 = arith.constant 0 : index
    %swap3A_424 = arith.constant 0 : index
    %swap3A_425 = arith.constant 47 : index
    %swap3A_426 = arith.constant 0 : index
    %swap3A_427 = vector.load %arg3[%swap3A_423, %swap3A_424, %swap3A_425, %swap3A_426] : memref<1x3x64x512xf32, #tpu.memory_space<vmem>>, vector<1x1x1x512xf32>
    %swap3A_428 = vector.shape_cast %swap3A_427 : vector<1x1x1x512xf32> to vector<512xf32>
    %swap3A_429 = vector.shape_cast %get3A_422 : vector<512xf32> to vector<1x1x1x512xf32>
    tpu.vector_store %arg3[%swap3A_423, %swap3A_424, %swap3A_425, %swap3A_426], %swap3A_429 {strides = array<i32>} : memref<1x3x64x512xf32, #tpu.memory_space<vmem>>, vector<1x1x1x512xf32>,
    %get3A_430 = arith.constant 73728 : index
    %get3A_431 = vector.load %arg2[%get3A_430] : memref<98304xf32, #tpu.memory_space<vmem>>, vector<512xf32>
    %swap3A_432 = arith.constant 0 : index
    %swap3A_433 = arith.constant 0 : index
    %swap3A_434 = arith.constant 48 : index
    %swap3A_435 = arith.constant 0 : index
    %swap3A_436 = vector.load %arg3[%swap3A_432, %swap3A_433, %swap3A_434, %swap3A_435] : memref<1x3x64x512xf32, #tpu.memory_space<vmem>>, vector<1x1x1x512xf32>
    %swap3A_437 = vector.shape_cast %swap3A_436 : vector<1x1x1x512xf32> to vector<512xf32>
    %swap3A_438 = vector.shape_cast %get3A_431 : vector<512xf32> to vector<1x1x1x512xf32>
    tpu.vector_store %arg3[%swap3A_432, %swap3A_433, %swap3A_434, %swap3A_435], %swap3A_438 {strides = array<i32>} : memref<1x3x64x512xf32, #tpu.memory_space<vmem>>, vector<1x1x1x512xf32>,
    %get3A_439 = arith.constant 74240 : index
    %get3A_440 = vector.load %arg2[%get3A_439] : memref<98304xf32, #tpu.memory_space<vmem>>, vector<512xf32>
    %swap3A_441 = arith.constant 0 : index
    %swap3A_442 = arith.constant 0 : index
    %swap3A_443 = arith.constant 49 : index
    %swap3A_444 = arith.constant 0 : index
    %swap3A_445 = vector.load %arg3[%swap3A_441, %swap3A_442, %swap3A_443, %swap3A_444] : memref<1x3x64x512xf32, #tpu.memory_space<vmem>>, vector<1x1x1x512xf32>
    %swap3A_446 = vector.shape_cast %swap3A_445 : vector<1x1x1x512xf32> to vector<512xf32>
    %swap3A_447 = vector.shape_cast %get3A_440 : vector<512xf32> to vector<1x1x1x512xf32>
    tpu.vector_store %arg3[%swap3A_441, %swap3A_442, %swap3A_443, %swap3A_444], %swap3A_447 {strides = array<i32>} : memref<1x3x64x512xf32, #tpu.memory_space<vmem>>, vector<1x1x1x512xf32>,
    %get3A_448 = arith.constant 76800 : index
    %get3A_449 = vector.load %arg2[%get3A_448] : memref<98304xf32, #tpu.memory_space<vmem>>, vector<512xf32>
    %swap3A_450 = arith.constant 0 : index
    %swap3A_451 = arith.constant 0 : index
    %swap3A_452 = arith.constant 50 : index
    %swap3A_453 = arith.constant 0 : index
    %swap3A_454 = vector.load %arg3[%swap3A_450, %swap3A_451, %swap3A_452, %swap3A_453] : memref<1x3x64x512xf32, #tpu.memory_space<vmem>>, vector<1x1x1x512xf32>
    %swap3A_455 = vector.shape_cast %swap3A_454 : vector<1x1x1x512xf32> to vector<512xf32>
    %swap3A_456 = vector.shape_cast %get3A_449 : vector<512xf32> to vector<1x1x1x512xf32>
    tpu.vector_store %arg3[%swap3A_450, %swap3A_451, %swap3A_452, %swap3A_453], %swap3A_456 {strides = array<i32>} : memref<1x3x64x512xf32, #tpu.memory_space<vmem>>, vector<1x1x1x512xf32>,
    %get3A_457 = arith.constant 77312 : index
    %get3A_458 = vector.load %arg2[%get3A_457] : memref<98304xf32, #tpu.memory_space<vmem>>, vector<512xf32>
    %swap3A_459 = arith.constant 0 : index
    %swap3A_460 = arith.constant 0 : index
    %swap3A_461 = arith.constant 51 : index
    %swap3A_462 = arith.constant 0 : index
    %swap3A_463 = vector.load %arg3[%swap3A_459, %swap3A_460, %swap3A_461, %swap3A_462] : memref<1x3x64x512xf32, #tpu.memory_space<vmem>>, vector<1x1x1x512xf32>
    %swap3A_464 = vector.shape_cast %swap3A_463 : vector<1x1x1x512xf32> to vector<512xf32>
    %swap3A_465 = vector.shape_cast %get3A_458 : vector<512xf32> to vector<1x1x1x512xf32>
    tpu.vector_store %arg3[%swap3A_459, %swap3A_460, %swap3A_461, %swap3A_462], %swap3A_465 {strides = array<i32>} : memref<1x3x64x512xf32, #tpu.memory_space<vmem>>, vector<1x1x1x512xf32>,
    %get3A_466 = arith.constant 79872 : index
    %get3A_467 = vector.load %arg2[%get3A_466] : memref<98304xf32, #tpu.memory_space<vmem>>, vector<512xf32>
    %swap3A_468 = arith.constant 0 : index
    %swap3A_469 = arith.constant 0 : index
    %swap3A_470 = arith.constant 52 : index
    %swap3A_471 = arith.constant 0 : index
    %swap3A_472 = vector.load %arg3[%swap3A_468, %swap3A_469, %swap3A_470, %swap3A_471] : memref<1x3x64x512xf32, #tpu.memory_space<vmem>>, vector<1x1x1x512xf32>
    %swap3A_473 = vector.shape_cast %swap3A_472 : vector<1x1x1x512xf32> to vector<512xf32>
    %swap3A_474 = vector.shape_cast %get3A_467 : vector<512xf32> to vector<1x1x1x512xf32>
    tpu.vector_store %arg3[%swap3A_468, %swap3A_469, %swap3A_470, %swap3A_471], %swap3A_474 {strides = array<i32>} : memref<1x3x64x512xf32, #tpu.memory_space<vmem>>, vector<1x1x1x512xf32>,
    %get3A_475 = arith.constant 80384 : index
    %get3A_476 = vector.load %arg2[%get3A_475] : memref<98304xf32, #tpu.memory_space<vmem>>, vector<512xf32>
    %swap3A_477 = arith.constant 0 : index
    %swap3A_478 = arith.constant 0 : index
    %swap3A_479 = arith.constant 53 : index
    %swap3A_480 = arith.constant 0 : index
    %swap3A_481 = vector.load %arg3[%swap3A_477, %swap3A_478, %swap3A_479, %swap3A_480] : memref<1x3x64x512xf32, #tpu.memory_space<vmem>>, vector<1x1x1x512xf32>
    %swap3A_482 = vector.shape_cast %swap3A_481 : vector<1x1x1x512xf32> to vector<512xf32>
    %swap3A_483 = vector.shape_cast %get3A_476 : vector<512xf32> to vector<1x1x1x512xf32>
    tpu.vector_store %arg3[%swap3A_477, %swap3A_478, %swap3A_479, %swap3A_480], %swap3A_483 {strides = array<i32>} : memref<1x3x64x512xf32, #tpu.memory_space<vmem>>, vector<1x1x1x512xf32>,
    %get3A_484 = arith.constant 82944 : index
    %get3A_485 = vector.load %arg2[%get3A_484] : memref<98304xf32, #tpu.memory_space<vmem>>, vector<512xf32>
    %swap3A_486 = arith.constant 0 : index
    %swap3A_487 = arith.constant 0 : index
    %swap3A_488 = arith.constant 54 : index
    %swap3A_489 = arith.constant 0 : index
    %swap3A_490 = vector.load %arg3[%swap3A_486, %swap3A_487, %swap3A_488, %swap3A_489] : memref<1x3x64x512xf32, #tpu.memory_space<vmem>>, vector<1x1x1x512xf32>
    %swap3A_491 = vector.shape_cast %swap3A_490 : vector<1x1x1x512xf32> to vector<512xf32>
    %swap3A_492 = vector.shape_cast %get3A_485 : vector<512xf32> to vector<1x1x1x512xf32>
    tpu.vector_store %arg3[%swap3A_486, %swap3A_487, %swap3A_488, %swap3A_489], %swap3A_492 {strides = array<i32>} : memref<1x3x64x512xf32, #tpu.memory_space<vmem>>, vector<1x1x1x512xf32>,
    %get3A_493 = arith.constant 83456 : index
    %get3A_494 = vector.load %arg2[%get3A_493] : memref<98304xf32, #tpu.memory_space<vmem>>, vector<512xf32>
    %swap3A_495 = arith.constant 0 : index
    %swap3A_496 = arith.constant 0 : index
    %swap3A_497 = arith.constant 55 : index
    %swap3A_498 = arith.constant 0 : index
    %swap3A_499 = vector.load %arg3[%swap3A_495, %swap3A_496, %swap3A_497, %swap3A_498] : memref<1x3x64x512xf32, #tpu.memory_space<vmem>>, vector<1x1x1x512xf32>
    %swap3A_500 = vector.shape_cast %swap3A_499 : vector<1x1x1x512xf32> to vector<512xf32>
    %swap3A_501 = vector.shape_cast %get3A_494 : vector<512xf32> to vector<1x1x1x512xf32>
    tpu.vector_store %arg3[%swap3A_495, %swap3A_496, %swap3A_497, %swap3A_498], %swap3A_501 {strides = array<i32>} : memref<1x3x64x512xf32, #tpu.memory_space<vmem>>, vector<1x1x1x512xf32>,
    %get3A_502 = arith.constant 86016 : index
    %get3A_503 = vector.load %arg2[%get3A_502] : memref<98304xf32, #tpu.memory_space<vmem>>, vector<512xf32>
    %swap3A_504 = arith.constant 0 : index
    %swap3A_505 = arith.constant 0 : index
    %swap3A_506 = arith.constant 56 : index
    %swap3A_507 = arith.constant 0 : index
    %swap3A_508 = vector.load %arg3[%swap3A_504, %swap3A_505, %swap3A_506, %swap3A_507] : memref<1x3x64x512xf32, #tpu.memory_space<vmem>>, vector<1x1x1x512xf32>
    %swap3A_509 = vector.shape_cast %swap3A_508 : vector<1x1x1x512xf32> to vector<512xf32>
    %swap3A_510 = vector.shape_cast %get3A_503 : vector<512xf32> to vector<1x1x1x512xf32>
    tpu.vector_store %arg3[%swap3A_504, %swap3A_505, %swap3A_506, %swap3A_507], %swap3A_510 {strides = array<i32>} : memref<1x3x64x512xf32, #tpu.memory_space<vmem>>, vector<1x1x1x512xf32>,
    %get3A_511 = arith.constant 86528 : index
    %get3A_512 = vector.load %arg2[%get3A_511] : memref<98304xf32, #tpu.memory_space<vmem>>, vector<512xf32>
    %swap3A_513 = arith.constant 0 : index
    %swap3A_514 = arith.constant 0 : index
    %swap3A_515 = arith.constant 57 : index
    %swap3A_516 = arith.constant 0 : index
    %swap3A_517 = vector.load %arg3[%swap3A_513, %swap3A_514, %swap3A_515, %swap3A_516] : memref<1x3x64x512xf32, #tpu.memory_space<vmem>>, vector<1x1x1x512xf32>
    %swap3A_518 = vector.shape_cast %swap3A_517 : vector<1x1x1x512xf32> to vector<512xf32>
    %swap3A_519 = vector.shape_cast %get3A_512 : vector<512xf32> to vector<1x1x1x512xf32>
    tpu.vector_store %arg3[%swap3A_513, %swap3A_514, %swap3A_515, %swap3A_516], %swap3A_519 {strides = array<i32>} : memref<1x3x64x512xf32, #tpu.memory_space<vmem>>, vector<1x1x1x512xf32>,
    %get3A_520 = arith.constant 89088 : index
    %get3A_521 = vector.load %arg2[%get3A_520] : memref<98304xf32, #tpu.memory_space<vmem>>, vector<512xf32>
    %swap3A_522 = arith.constant 0 : index
    %swap3A_523 = arith.constant 0 : index
    %swap3A_524 = arith.constant 58 : index
    %swap3A_525 = arith.constant 0 : index
    %swap3A_526 = vector.load %arg3[%swap3A_522, %swap3A_523, %swap3A_524, %swap3A_525] : memref<1x3x64x512xf32, #tpu.memory_space<vmem>>, vector<1x1x1x512xf32>
    %swap3A_527 = vector.shape_cast %swap3A_526 : vector<1x1x1x512xf32> to vector<512xf32>
    %swap3A_528 = vector.shape_cast %get3A_521 : vector<512xf32> to vector<1x1x1x512xf32>
    tpu.vector_store %arg3[%swap3A_522, %swap3A_523, %swap3A_524, %swap3A_525], %swap3A_528 {strides = array<i32>} : memref<1x3x64x512xf32, #tpu.memory_space<vmem>>, vector<1x1x1x512xf32>,
    %get3A_529 = arith.constant 89600 : index
    %get3A_530 = vector.load %arg2[%get3A_529] : memref<98304xf32, #tpu.memory_space<vmem>>, vector<512xf32>
    %swap3A_531 = arith.constant 0 : index
    %swap3A_532 = arith.constant 0 : index
    %swap3A_533 = arith.constant 59 : index
    %swap3A_534 = arith.constant 0 : index
    %swap3A_535 = vector.load %arg3[%swap3A_531, %swap3A_532, %swap3A_533, %swap3A_534] : memref<1x3x64x512xf32, #tpu.memory_space<vmem>>, vector<1x1x1x512xf32>
    %swap3A_536 = vector.shape_cast %swap3A_535 : vector<1x1x1x512xf32> to vector<512xf32>
    %swap3A_537 = vector.shape_cast %get3A_530 : vector<512xf32> to vector<1x1x1x512xf32>
    tpu.vector_store %arg3[%swap3A_531, %swap3A_532, %swap3A_533, %swap3A_534], %swap3A_537 {strides = array<i32>} : memref<1x3x64x512xf32, #tpu.memory_space<vmem>>, vector<1x1x1x512xf32>,
    %get3A_538 = arith.constant 92160 : index
    %get3A_539 = vector.load %arg2[%get3A_538] : memref<98304xf32, #tpu.memory_space<vmem>>, vector<512xf32>
    %swap3A_540 = arith.constant 0 : index
    %swap3A_541 = arith.constant 0 : index
    %swap3A_542 = arith.constant 60 : index
    %swap3A_543 = arith.constant 0 : index
    %swap3A_544 = vector.load %arg3[%swap3A_540, %swap3A_541, %swap3A_542, %swap3A_543] : memref<1x3x64x512xf32, #tpu.memory_space<vmem>>, vector<1x1x1x512xf32>
    %swap3A_545 = vector.shape_cast %swap3A_544 : vector<1x1x1x512xf32> to vector<512xf32>
    %swap3A_546 = vector.shape_cast %get3A_539 : vector<512xf32> to vector<1x1x1x512xf32>
    tpu.vector_store %arg3[%swap3A_540, %swap3A_541, %swap3A_542, %swap3A_543], %swap3A_546 {strides = array<i32>} : memref<1x3x64x512xf32, #tpu.memory_space<vmem>>, vector<1x1x1x512xf32>,
    %get3A_547 = arith.constant 92672 : index
    %get3A_548 = vector.load %arg2[%get3A_547] : memref<98304xf32, #tpu.memory_space<vmem>>, vector<512xf32>
    %swap3A_549 = arith.constant 0 : index
    %swap3A_550 = arith.constant 0 : index
    %swap3A_551 = arith.constant 61 : index
    %swap3A_552 = arith.constant 0 : index
    %swap3A_553 = vector.load %arg3[%swap3A_549, %swap3A_550, %swap3A_551, %swap3A_552] : memref<1x3x64x512xf32, #tpu.memory_space<vmem>>, vector<1x1x1x512xf32>
    %swap3A_554 = vector.shape_cast %swap3A_553 : vector<1x1x1x512xf32> to vector<512xf32>
    %swap3A_555 = vector.shape_cast %get3A_548 : vector<512xf32> to vector<1x1x1x512xf32>
    tpu.vector_store %arg3[%swap3A_549, %swap3A_550, %swap3A_551, %swap3A_552], %swap3A_555 {strides = array<i32>} : memref<1x3x64x512xf32, #tpu.memory_space<vmem>>, vector<1x1x1x512xf32>,
    %get3A_556 = arith.constant 95232 : index
    %get3A_557 = vector.load %arg2[%get3A_556] : memref<98304xf32, #tpu.memory_space<vmem>>, vector<512xf32>
    %swap3A_558 = arith.constant 0 : index
    %swap3A_559 = arith.constant 0 : index
    %swap3A_560 = arith.constant 62 : index
    %swap3A_561 = arith.constant 0 : index
    %swap3A_562 = vector.load %arg3[%swap3A_558, %swap3A_559, %swap3A_560, %swap3A_561] : memref<1x3x64x512xf32, #tpu.memory_space<vmem>>, vector<1x1x1x512xf32>
    %swap3A_563 = vector.shape_cast %swap3A_562 : vector<1x1x1x512xf32> to vector<512xf32>
    %swap3A_564 = vector.shape_cast %get3A_557 : vector<512xf32> to vector<1x1x1x512xf32>
    tpu.vector_store %arg3[%swap3A_558, %swap3A_559, %swap3A_560, %swap3A_561], %swap3A_564 {strides = array<i32>} : memref<1x3x64x512xf32, #tpu.memory_space<vmem>>, vector<1x1x1x512xf32>,
    %get3A_565 = arith.constant 95744 : index
    %get3A_566 = vector.load %arg2[%get3A_565] : memref<98304xf32, #tpu.memory_space<vmem>>, vector<512xf32>
    %swap3A_567 = arith.constant 0 : index
    %swap3A_568 = arith.constant 0 : index
    %swap3A_569 = arith.constant 63 : index
    %swap3A_570 = arith.constant 0 : index
    %swap3A_571 = vector.load %arg3[%swap3A_567, %swap3A_568, %swap3A_569, %swap3A_570] : memref<1x3x64x512xf32, #tpu.memory_space<vmem>>, vector<1x1x1x512xf32>
    %swap3A_572 = vector.shape_cast %swap3A_571 : vector<1x1x1x512xf32> to vector<512xf32>
    %swap3A_573 = vector.shape_cast %get3A_566 : vector<512xf32> to vector<1x1x1x512xf32>
    tpu.vector_store %arg3[%swap3A_567, %swap3A_568, %swap3A_569, %swap3A_570], %swap3A_573 {strides = array<i32>} : memref<1x3x64x512xf32, #tpu.memory_space<vmem>>, vector<1x1x1x512xf32>,
    %get3A_574 = arith.constant 1024 : index
    %get3A_575 = vector.load %arg2[%get3A_574] : memref<98304xf32, #tpu.memory_space<vmem>>, vector<512xf32>
    %swap3A_576 = arith.constant 0 : index
    %swap3A_577 = arith.constant 1 : index
    %swap3A_578 = arith.constant 0 : index
    %swap3A_579 = arith.constant 0 : index
    %swap3A_580 = vector.load %arg3[%swap3A_576, %swap3A_577, %swap3A_578, %swap3A_579] : memref<1x3x64x512xf32, #tpu.memory_space<vmem>>, vector<1x1x1x512xf32>
    %swap3A_581 = vector.shape_cast %swap3A_580 : vector<1x1x1x512xf32> to vector<512xf32>
    %swap3A_582 = vector.shape_cast %get3A_575 : vector<512xf32> to vector<1x1x1x512xf32>
    tpu.vector_store %arg3[%swap3A_576, %swap3A_577, %swap3A_578, %swap3A_579], %swap3A_582 {strides = array<i32>} : memref<1x3x64x512xf32, #tpu.memory_space<vmem>>, vector<1x1x1x512xf32>,
    %get3A_583 = arith.constant 1536 : index
    %get3A_584 = vector.load %arg2[%get3A_583] : memref<98304xf32, #tpu.memory_space<vmem>>, vector<512xf32>
    %swap3A_585 = arith.constant 0 : index
    %swap3A_586 = arith.constant 1 : index
    %swap3A_587 = arith.constant 1 : index
    %swap3A_588 = arith.constant 0 : index
    %swap3A_589 = vector.load %arg3[%swap3A_585, %swap3A_586, %swap3A_587, %swap3A_588] : memref<1x3x64x512xf32, #tpu.memory_space<vmem>>, vector<1x1x1x512xf32>
    %swap3A_590 = vector.shape_cast %swap3A_589 : vector<1x1x1x512xf32> to vector<512xf32>
    %swap3A_591 = vector.shape_cast %get3A_584 : vector<512xf32> to vector<1x1x1x512xf32>
    tpu.vector_store %arg3[%swap3A_585, %swap3A_586, %swap3A_587, %swap3A_588], %swap3A_591 {strides = array<i32>} : memref<1x3x64x512xf32, #tpu.memory_space<vmem>>, vector<1x1x1x512xf32>,
    %get3A_592 = arith.constant 4096 : index
    %get3A_593 = vector.load %arg2[%get3A_592] : memref<98304xf32, #tpu.memory_space<vmem>>, vector<512xf32>
    %swap3A_594 = arith.constant 0 : index
    %swap3A_595 = arith.constant 1 : index
    %swap3A_596 = arith.constant 2 : index
    %swap3A_597 = arith.constant 0 : index
    %swap3A_598 = vector.load %arg3[%swap3A_594, %swap3A_595, %swap3A_596, %swap3A_597] : memref<1x3x64x512xf32, #tpu.memory_space<vmem>>, vector<1x1x1x512xf32>
    %swap3A_599 = vector.shape_cast %swap3A_598 : vector<1x1x1x512xf32> to vector<512xf32>
    %swap3A_600 = vector.shape_cast %get3A_593 : vector<512xf32> to vector<1x1x1x512xf32>
    tpu.vector_store %arg3[%swap3A_594, %swap3A_595, %swap3A_596, %swap3A_597], %swap3A_600 {strides = array<i32>} : memref<1x3x64x512xf32, #tpu.memory_space<vmem>>, vector<1x1x1x512xf32>,
    %get3A_601 = arith.constant 4608 : index
    %get3A_602 = vector.load %arg2[%get3A_601] : memref<98304xf32, #tpu.memory_space<vmem>>, vector<512xf32>
    %swap3A_603 = arith.constant 0 : index
    %swap3A_604 = arith.constant 1 : index
    %swap3A_605 = arith.constant 3 : index
    %swap3A_606 = arith.constant 0 : index
    %swap3A_607 = vector.load %arg3[%swap3A_603, %swap3A_604, %swap3A_605, %swap3A_606] : memref<1x3x64x512xf32, #tpu.memory_space<vmem>>, vector<1x1x1x512xf32>
    %swap3A_608 = vector.shape_cast %swap3A_607 : vector<1x1x1x512xf32> to vector<512xf32>
    %swap3A_609 = vector.shape_cast %get3A_602 : vector<512xf32> to vector<1x1x1x512xf32>
    tpu.vector_store %arg3[%swap3A_603, %swap3A_604, %swap3A_605, %swap3A_606], %swap3A_609 {strides = array<i32>} : memref<1x3x64x512xf32, #tpu.memory_space<vmem>>, vector<1x1x1x512xf32>,
    %get3A_610 = arith.constant 7168 : index
    %get3A_611 = vector.load %arg2[%get3A_610] : memref<98304xf32, #tpu.memory_space<vmem>>, vector<512xf32>
    %swap3A_612 = arith.constant 0 : index
    %swap3A_613 = arith.constant 1 : index
    %swap3A_614 = arith.constant 4 : index
    %swap3A_615 = arith.constant 0 : index
    %swap3A_616 = vector.load %arg3[%swap3A_612, %swap3A_613, %swap3A_614, %swap3A_615] : memref<1x3x64x512xf32, #tpu.memory_space<vmem>>, vector<1x1x1x512xf32>
    %swap3A_617 = vector.shape_cast %swap3A_616 : vector<1x1x1x512xf32> to vector<512xf32>
    %swap3A_618 = vector.shape_cast %get3A_611 : vector<512xf32> to vector<1x1x1x512xf32>
    tpu.vector_store %arg3[%swap3A_612, %swap3A_613, %swap3A_614, %swap3A_615], %swap3A_618 {strides = array<i32>} : memref<1x3x64x512xf32, #tpu.memory_space<vmem>>, vector<1x1x1x512xf32>,
    %get3A_619 = arith.constant 7680 : index
    %get3A_620 = vector.load %arg2[%get3A_619] : memref<98304xf32, #tpu.memory_space<vmem>>, vector<512xf32>
    %swap3A_621 = arith.constant 0 : index
    %swap3A_622 = arith.constant 1 : index
    %swap3A_623 = arith.constant 5 : index
    %swap3A_624 = arith.constant 0 : index
    %swap3A_625 = vector.load %arg3[%swap3A_621, %swap3A_622, %swap3A_623, %swap3A_624] : memref<1x3x64x512xf32, #tpu.memory_space<vmem>>, vector<1x1x1x512xf32>
    %swap3A_626 = vector.shape_cast %swap3A_625 : vector<1x1x1x512xf32> to vector<512xf32>
    %swap3A_627 = vector.shape_cast %get3A_620 : vector<512xf32> to vector<1x1x1x512xf32>
    tpu.vector_store %arg3[%swap3A_621, %swap3A_622, %swap3A_623, %swap3A_624], %swap3A_627 {strides = array<i32>} : memref<1x3x64x512xf32, #tpu.memory_space<vmem>>, vector<1x1x1x512xf32>,
    %get3A_628 = arith.constant 10240 : index
    %get3A_629 = vector.load %arg2[%get3A_628] : memref<98304xf32, #tpu.memory_space<vmem>>, vector<512xf32>
    %swap3A_630 = arith.constant 0 : index
    %swap3A_631 = arith.constant 1 : index
    %swap3A_632 = arith.constant 6 : index
    %swap3A_633 = arith.constant 0 : index
    %swap3A_634 = vector.load %arg3[%swap3A_630, %swap3A_631, %swap3A_632, %swap3A_633] : memref<1x3x64x512xf32, #tpu.memory_space<vmem>>, vector<1x1x1x512xf32>
    %swap3A_635 = vector.shape_cast %swap3A_634 : vector<1x1x1x512xf32> to vector<512xf32>
    %swap3A_636 = vector.shape_cast %get3A_629 : vector<512xf32> to vector<1x1x1x512xf32>
    tpu.vector_store %arg3[%swap3A_630, %swap3A_631, %swap3A_632, %swap3A_633], %swap3A_636 {strides = array<i32>} : memref<1x3x64x512xf32, #tpu.memory_space<vmem>>, vector<1x1x1x512xf32>,
    %get3A_637 = arith.constant 10752 : index
    %get3A_638 = vector.load %arg2[%get3A_637] : memref<98304xf32, #tpu.memory_space<vmem>>, vector<512xf32>
    %swap3A_639 = arith.constant 0 : index
    %swap3A_640 = arith.constant 1 : index
    %swap3A_641 = arith.constant 7 : index
    %swap3A_642 = arith.constant 0 : index
    %swap3A_643 = vector.load %arg3[%swap3A_639, %swap3A_640, %swap3A_641, %swap3A_642] : memref<1x3x64x512xf32, #tpu.memory_space<vmem>>, vector<1x1x1x512xf32>
    %swap3A_644 = vector.shape_cast %swap3A_643 : vector<1x1x1x512xf32> to vector<512xf32>
    %swap3A_645 = vector.shape_cast %get3A_638 : vector<512xf32> to vector<1x1x1x512xf32>
    tpu.vector_store %arg3[%swap3A_639, %swap3A_640, %swap3A_641, %swap3A_642], %swap3A_645 {strides = array<i32>} : memref<1x3x64x512xf32, #tpu.memory_space<vmem>>, vector<1x1x1x512xf32>,
    %get3A_646 = arith.constant 13312 : index
    %get3A_647 = vector.load %arg2[%get3A_646] : memref<98304xf32, #tpu.memory_space<vmem>>, vector<512xf32>
    %swap3A_648 = arith.constant 0 : index
    %swap3A_649 = arith.constant 1 : index
    %swap3A_650 = arith.constant 8 : index
    %swap3A_651 = arith.constant 0 : index
    %swap3A_652 = vector.load %arg3[%swap3A_648, %swap3A_649, %swap3A_650, %swap3A_651] : memref<1x3x64x512xf32, #tpu.memory_space<vmem>>, vector<1x1x1x512xf32>
    %swap3A_653 = vector.shape_cast %swap3A_652 : vector<1x1x1x512xf32> to vector<512xf32>
    %swap3A_654 = vector.shape_cast %get3A_647 : vector<512xf32> to vector<1x1x1x512xf32>
    tpu.vector_store %arg3[%swap3A_648, %swap3A_649, %swap3A_650, %swap3A_651], %swap3A_654 {strides = array<i32>} : memref<1x3x64x512xf32, #tpu.memory_space<vmem>>, vector<1x1x1x512xf32>,
    %get3A_655 = arith.constant 13824 : index
    %get3A_656 = vector.load %arg2[%get3A_655] : memref<98304xf32, #tpu.memory_space<vmem>>, vector<512xf32>
    %swap3A_657 = arith.constant 0 : index
    %swap3A_658 = arith.constant 1 : index
    %swap3A_659 = arith.constant 9 : index
    %swap3A_660 = arith.constant 0 : index
    %swap3A_661 = vector.load %arg3[%swap3A_657, %swap3A_658, %swap3A_659, %swap3A_660] : memref<1x3x64x512xf32, #tpu.memory_space<vmem>>, vector<1x1x1x512xf32>
    %swap3A_662 = vector.shape_cast %swap3A_661 : vector<1x1x1x512xf32> to vector<512xf32>
    %swap3A_663 = vector.shape_cast %get3A_656 : vector<512xf32> to vector<1x1x1x512xf32>
    tpu.vector_store %arg3[%swap3A_657, %swap3A_658, %swap3A_659, %swap3A_660], %swap3A_663 {strides = array<i32>} : memref<1x3x64x512xf32, #tpu.memory_space<vmem>>, vector<1x1x1x512xf32>,
    %get3A_664 = arith.constant 16384 : index
    %get3A_665 = vector.load %arg2[%get3A_664] : memref<98304xf32, #tpu.memory_space<vmem>>, vector<512xf32>
    %swap3A_666 = arith.constant 0 : index
    %swap3A_667 = arith.constant 1 : index
    %swap3A_668 = arith.constant 10 : index
    %swap3A_669 = arith.constant 0 : index
    %swap3A_670 = vector.load %arg3[%swap3A_666, %swap3A_667, %swap3A_668, %swap3A_669] : memref<1x3x64x512xf32, #tpu.memory_space<vmem>>, vector<1x1x1x512xf32>
    %swap3A_671 = vector.shape_cast %swap3A_670 : vector<1x1x1x512xf32> to vector<512xf32>
    %swap3A_672 = vector.shape_cast %get3A_665 : vector<512xf32> to vector<1x1x1x512xf32>
    tpu.vector_store %arg3[%swap3A_666, %swap3A_667, %swap3A_668, %swap3A_669], %swap3A_672 {strides = array<i32>} : memref<1x3x64x512xf32, #tpu.memory_space<vmem>>, vector<1x1x1x512xf32>,
    %get3A_673 = arith.constant 16896 : index
    %get3A_674 = vector.load %arg2[%get3A_673] : memref<98304xf32, #tpu.memory_space<vmem>>, vector<512xf32>
    %swap3A_675 = arith.constant 0 : index
    %swap3A_676 = arith.constant 1 : index
    %swap3A_677 = arith.constant 11 : index
    %swap3A_678 = arith.constant 0 : index
    %swap3A_679 = vector.load %arg3[%swap3A_675, %swap3A_676, %swap3A_677, %swap3A_678] : memref<1x3x64x512xf32, #tpu.memory_space<vmem>>, vector<1x1x1x512xf32>
    %swap3A_680 = vector.shape_cast %swap3A_679 : vector<1x1x1x512xf32> to vector<512xf32>
    %swap3A_681 = vector.shape_cast %get3A_674 : vector<512xf32> to vector<1x1x1x512xf32>
    tpu.vector_store %arg3[%swap3A_675, %swap3A_676, %swap3A_677, %swap3A_678], %swap3A_681 {strides = array<i32>} : memref<1x3x64x512xf32, #tpu.memory_space<vmem>>, vector<1x1x1x512xf32>,
    %get3A_682 = arith.constant 19456 : index
    %get3A_683 = vector.load %arg2[%get3A_682] : memref<98304xf32, #tpu.memory_space<vmem>>, vector<512xf32>
    %swap3A_684 = arith.constant 0 : index
    %swap3A_685 = arith.constant 1 : index
    %swap3A_686 = arith.constant 12 : index
    %swap3A_687 = arith.constant 0 : index
    %swap3A_688 = vector.load %arg3[%swap3A_684, %swap3A_685, %swap3A_686, %swap3A_687] : memref<1x3x64x512xf32, #tpu.memory_space<vmem>>, vector<1x1x1x512xf32>
    %swap3A_689 = vector.shape_cast %swap3A_688 : vector<1x1x1x512xf32> to vector<512xf32>
    %swap3A_690 = vector.shape_cast %get3A_683 : vector<512xf32> to vector<1x1x1x512xf32>
    tpu.vector_store %arg3[%swap3A_684, %swap3A_685, %swap3A_686, %swap3A_687], %swap3A_690 {strides = array<i32>} : memref<1x3x64x512xf32, #tpu.memory_space<vmem>>, vector<1x1x1x512xf32>,
    %get3A_691 = arith.constant 19968 : index
    %get3A_692 = vector.load %arg2[%get3A_691] : memref<98304xf32, #tpu.memory_space<vmem>>, vector<512xf32>
    %swap3A_693 = arith.constant 0 : index
    %swap3A_694 = arith.constant 1 : index
    %swap3A_695 = arith.constant 13 : index
    %swap3A_696 = arith.constant 0 : index
    %swap3A_697 = vector.load %arg3[%swap3A_693, %swap3A_694, %swap3A_695, %swap3A_696] : memref<1x3x64x512xf32, #tpu.memory_space<vmem>>, vector<1x1x1x512xf32>
    %swap3A_698 = vector.shape_cast %swap3A_697 : vector<1x1x1x512xf32> to vector<512xf32>
    %swap3A_699 = vector.shape_cast %get3A_692 : vector<512xf32> to vector<1x1x1x512xf32>
    tpu.vector_store %arg3[%swap3A_693, %swap3A_694, %swap3A_695, %swap3A_696], %swap3A_699 {strides = array<i32>} : memref<1x3x64x512xf32, #tpu.memory_space<vmem>>, vector<1x1x1x512xf32>,
    %get3A_700 = arith.constant 22528 : index
    %get3A_701 = vector.load %arg2[%get3A_700] : memref<98304xf32, #tpu.memory_space<vmem>>, vector<512xf32>
    %swap3A_702 = arith.constant 0 : index
    %swap3A_703 = arith.constant 1 : index
    %swap3A_704 = arith.constant 14 : index
    %swap3A_705 = arith.constant 0 : index
    %swap3A_706 = vector.load %arg3[%swap3A_702, %swap3A_703, %swap3A_704, %swap3A_705] : memref<1x3x64x512xf32, #tpu.memory_space<vmem>>, vector<1x1x1x512xf32>
    %swap3A_707 = vector.shape_cast %swap3A_706 : vector<1x1x1x512xf32> to vector<512xf32>
    %swap3A_708 = vector.shape_cast %get3A_701 : vector<512xf32> to vector<1x1x1x512xf32>
    tpu.vector_store %arg3[%swap3A_702, %swap3A_703, %swap3A_704, %swap3A_705], %swap3A_708 {strides = array<i32>} : memref<1x3x64x512xf32, #tpu.memory_space<vmem>>, vector<1x1x1x512xf32>,
    %get3A_709 = arith.constant 23040 : index
    %get3A_710 = vector.load %arg2[%get3A_709] : memref<98304xf32, #tpu.memory_space<vmem>>, vector<512xf32>
    %swap3A_711 = arith.constant 0 : index
    %swap3A_712 = arith.constant 1 : index
    %swap3A_713 = arith.constant 15 : index
    %swap3A_714 = arith.constant 0 : index
    %swap3A_715 = vector.load %arg3[%swap3A_711, %swap3A_712, %swap3A_713, %swap3A_714] : memref<1x3x64x512xf32, #tpu.memory_space<vmem>>, vector<1x1x1x512xf32>
    %swap3A_716 = vector.shape_cast %swap3A_715 : vector<1x1x1x512xf32> to vector<512xf32>
    %swap3A_717 = vector.shape_cast %get3A_710 : vector<512xf32> to vector<1x1x1x512xf32>
    tpu.vector_store %arg3[%swap3A_711, %swap3A_712, %swap3A_713, %swap3A_714], %swap3A_717 {strides = array<i32>} : memref<1x3x64x512xf32, #tpu.memory_space<vmem>>, vector<1x1x1x512xf32>,
    %get3A_718 = arith.constant 25600 : index
    %get3A_719 = vector.load %arg2[%get3A_718] : memref<98304xf32, #tpu.memory_space<vmem>>, vector<512xf32>
    %swap3A_720 = arith.constant 0 : index
    %swap3A_721 = arith.constant 1 : index
    %swap3A_722 = arith.constant 16 : index
    %swap3A_723 = arith.constant 0 : index
    %swap3A_724 = vector.load %arg3[%swap3A_720, %swap3A_721, %swap3A_722, %swap3A_723] : memref<1x3x64x512xf32, #tpu.memory_space<vmem>>, vector<1x1x1x512xf32>
    %swap3A_725 = vector.shape_cast %swap3A_724 : vector<1x1x1x512xf32> to vector<512xf32>
    %swap3A_726 = vector.shape_cast %get3A_719 : vector<512xf32> to vector<1x1x1x512xf32>
    tpu.vector_store %arg3[%swap3A_720, %swap3A_721, %swap3A_722, %swap3A_723], %swap3A_726 {strides = array<i32>} : memref<1x3x64x512xf32, #tpu.memory_space<vmem>>, vector<1x1x1x512xf32>,
    %get3A_727 = arith.constant 26112 : index
    %get3A_728 = vector.load %arg2[%get3A_727] : memref<98304xf32, #tpu.memory_space<vmem>>, vector<512xf32>
    %swap3A_729 = arith.constant 0 : index
    %swap3A_730 = arith.constant 1 : index
    %swap3A_731 = arith.constant 17 : index
    %swap3A_732 = arith.constant 0 : index
    %swap3A_733 = vector.load %arg3[%swap3A_729, %swap3A_730, %swap3A_731, %swap3A_732] : memref<1x3x64x512xf32, #tpu.memory_space<vmem>>, vector<1x1x1x512xf32>
    %swap3A_734 = vector.shape_cast %swap3A_733 : vector<1x1x1x512xf32> to vector<512xf32>
    %swap3A_735 = vector.shape_cast %get3A_728 : vector<512xf32> to vector<1x1x1x512xf32>
    tpu.vector_store %arg3[%swap3A_729, %swap3A_730, %swap3A_731, %swap3A_732], %swap3A_735 {strides = array<i32>} : memref<1x3x64x512xf32, #tpu.memory_space<vmem>>, vector<1x1x1x512xf32>,
    %get3A_736 = arith.constant 28672 : index
    %get3A_737 = vector.load %arg2[%get3A_736] : memref<98304xf32, #tpu.memory_space<vmem>>, vector<512xf32>
    %swap3A_738 = arith.constant 0 : index
    %swap3A_739 = arith.constant 1 : index
    %swap3A_740 = arith.constant 18 : index
    %swap3A_741 = arith.constant 0 : index
    %swap3A_742 = vector.load %arg3[%swap3A_738, %swap3A_739, %swap3A_740, %swap3A_741] : memref<1x3x64x512xf32, #tpu.memory_space<vmem>>, vector<1x1x1x512xf32>
    %swap3A_743 = vector.shape_cast %swap3A_742 : vector<1x1x1x512xf32> to vector<512xf32>
    %swap3A_744 = vector.shape_cast %get3A_737 : vector<512xf32> to vector<1x1x1x512xf32>
    tpu.vector_store %arg3[%swap3A_738, %swap3A_739, %swap3A_740, %swap3A_741], %swap3A_744 {strides = array<i32>} : memref<1x3x64x512xf32, #tpu.memory_space<vmem>>, vector<1x1x1x512xf32>,
    %get3A_745 = arith.constant 29184 : index
    %get3A_746 = vector.load %arg2[%get3A_745] : memref<98304xf32, #tpu.memory_space<vmem>>, vector<512xf32>
    %swap3A_747 = arith.constant 0 : index
    %swap3A_748 = arith.constant 1 : index
    %swap3A_749 = arith.constant 19 : index
    %swap3A_750 = arith.constant 0 : index
    %swap3A_751 = vector.load %arg3[%swap3A_747, %swap3A_748, %swap3A_749, %swap3A_750] : memref<1x3x64x512xf32, #tpu.memory_space<vmem>>, vector<1x1x1x512xf32>
    %swap3A_752 = vector.shape_cast %swap3A_751 : vector<1x1x1x512xf32> to vector<512xf32>
    %swap3A_753 = vector.shape_cast %get3A_746 : vector<512xf32> to vector<1x1x1x512xf32>
    tpu.vector_store %arg3[%swap3A_747, %swap3A_748, %swap3A_749, %swap3A_750], %swap3A_753 {strides = array<i32>} : memref<1x3x64x512xf32, #tpu.memory_space<vmem>>, vector<1x1x1x512xf32>,
    %get3A_754 = arith.constant 31744 : index
    %get3A_755 = vector.load %arg2[%get3A_754] : memref<98304xf32, #tpu.memory_space<vmem>>, vector<512xf32>
    %swap3A_756 = arith.constant 0 : index
    %swap3A_757 = arith.constant 1 : index
    %swap3A_758 = arith.constant 20 : index
    %swap3A_759 = arith.constant 0 : index
    %swap3A_760 = vector.load %arg3[%swap3A_756, %swap3A_757, %swap3A_758, %swap3A_759] : memref<1x3x64x512xf32, #tpu.memory_space<vmem>>, vector<1x1x1x512xf32>
    %swap3A_761 = vector.shape_cast %swap3A_760 : vector<1x1x1x512xf32> to vector<512xf32>
    %swap3A_762 = vector.shape_cast %get3A_755 : vector<512xf32> to vector<1x1x1x512xf32>
    tpu.vector_store %arg3[%swap3A_756, %swap3A_757, %swap3A_758, %swap3A_759], %swap3A_762 {strides = array<i32>} : memref<1x3x64x512xf32, #tpu.memory_space<vmem>>, vector<1x1x1x512xf32>,
    %get3A_763 = arith.constant 32256 : index
    %get3A_764 = vector.load %arg2[%get3A_763] : memref<98304xf32, #tpu.memory_space<vmem>>, vector<512xf32>
    %swap3A_765 = arith.constant 0 : index
    %swap3A_766 = arith.constant 1 : index
    %swap3A_767 = arith.constant 21 : index
    %swap3A_768 = arith.constant 0 : index
    %swap3A_769 = vector.load %arg3[%swap3A_765, %swap3A_766, %swap3A_767, %swap3A_768] : memref<1x3x64x512xf32, #tpu.memory_space<vmem>>, vector<1x1x1x512xf32>
    %swap3A_770 = vector.shape_cast %swap3A_769 : vector<1x1x1x512xf32> to vector<512xf32>
    %swap3A_771 = vector.shape_cast %get3A_764 : vector<512xf32> to vector<1x1x1x512xf32>
    tpu.vector_store %arg3[%swap3A_765, %swap3A_766, %swap3A_767, %swap3A_768], %swap3A_771 {strides = array<i32>} : memref<1x3x64x512xf32, #tpu.memory_space<vmem>>, vector<1x1x1x512xf32>,
    %get3A_772 = arith.constant 34816 : index
    %get3A_773 = vector.load %arg2[%get3A_772] : memref<98304xf32, #tpu.memory_space<vmem>>, vector<512xf32>
    %swap3A_774 = arith.constant 0 : index
    %swap3A_775 = arith.constant 1 : index
    %swap3A_776 = arith.constant 22 : index
    %swap3A_777 = arith.constant 0 : index
    %swap3A_778 = vector.load %arg3[%swap3A_774, %swap3A_775, %swap3A_776, %swap3A_777] : memref<1x3x64x512xf32, #tpu.memory_space<vmem>>, vector<1x1x1x512xf32>
    %swap3A_779 = vector.shape_cast %swap3A_778 : vector<1x1x1x512xf32> to vector<512xf32>
    %swap3A_780 = vector.shape_cast %get3A_773 : vector<512xf32> to vector<1x1x1x512xf32>
    tpu.vector_store %arg3[%swap3A_774, %swap3A_775, %swap3A_776, %swap3A_777], %swap3A_780 {strides = array<i32>} : memref<1x3x64x512xf32, #tpu.memory_space<vmem>>, vector<1x1x1x512xf32>,
    %get3A_781 = arith.constant 35328 : index
    %get3A_782 = vector.load %arg2[%get3A_781] : memref<98304xf32, #tpu.memory_space<vmem>>, vector<512xf32>
    %swap3A_783 = arith.constant 0 : index
    %swap3A_784 = arith.constant 1 : index
    %swap3A_785 = arith.constant 23 : index
    %swap3A_786 = arith.constant 0 : index
    %swap3A_787 = vector.load %arg3[%swap3A_783, %swap3A_784, %swap3A_785, %swap3A_786] : memref<1x3x64x512xf32, #tpu.memory_space<vmem>>, vector<1x1x1x512xf32>
    %swap3A_788 = vector.shape_cast %swap3A_787 : vector<1x1x1x512xf32> to vector<512xf32>
    %swap3A_789 = vector.shape_cast %get3A_782 : vector<512xf32> to vector<1x1x1x512xf32>
    tpu.vector_store %arg3[%swap3A_783, %swap3A_784, %swap3A_785, %swap3A_786], %swap3A_789 {strides = array<i32>} : memref<1x3x64x512xf32, #tpu.memory_space<vmem>>, vector<1x1x1x512xf32>,
    %get3A_790 = arith.constant 37888 : index
    %get3A_791 = vector.load %arg2[%get3A_790] : memref<98304xf32, #tpu.memory_space<vmem>>, vector<512xf32>
    %swap3A_792 = arith.constant 0 : index
    %swap3A_793 = arith.constant 1 : index
    %swap3A_794 = arith.constant 24 : index
    %swap3A_795 = arith.constant 0 : index
    %swap3A_796 = vector.load %arg3[%swap3A_792, %swap3A_793, %swap3A_794, %swap3A_795] : memref<1x3x64x512xf32, #tpu.memory_space<vmem>>, vector<1x1x1x512xf32>
    %swap3A_797 = vector.shape_cast %swap3A_796 : vector<1x1x1x512xf32> to vector<512xf32>
    %swap3A_798 = vector.shape_cast %get3A_791 : vector<512xf32> to vector<1x1x1x512xf32>
    tpu.vector_store %arg3[%swap3A_792, %swap3A_793, %swap3A_794, %swap3A_795], %swap3A_798 {strides = array<i32>} : memref<1x3x64x512xf32, #tpu.memory_space<vmem>>, vector<1x1x1x512xf32>,
    %get3A_799 = arith.constant 38400 : index
    %get3A_800 = vector.load %arg2[%get3A_799] : memref<98304xf32, #tpu.memory_space<vmem>>, vector<512xf32>
    %swap3A_801 = arith.constant 0 : index
    %swap3A_802 = arith.constant 1 : index
    %swap3A_803 = arith.constant 25 : index
    %swap3A_804 = arith.constant 0 : index
    %swap3A_805 = vector.load %arg3[%swap3A_801, %swap3A_802, %swap3A_803, %swap3A_804] : memref<1x3x64x512xf32, #tpu.memory_space<vmem>>, vector<1x1x1x512xf32>
    %swap3A_806 = vector.shape_cast %swap3A_805 : vector<1x1x1x512xf32> to vector<512xf32>
    %swap3A_807 = vector.shape_cast %get3A_800 : vector<512xf32> to vector<1x1x1x512xf32>
    tpu.vector_store %arg3[%swap3A_801, %swap3A_802, %swap3A_803, %swap3A_804], %swap3A_807 {strides = array<i32>} : memref<1x3x64x512xf32, #tpu.memory_space<vmem>>, vector<1x1x1x512xf32>,
    %get3A_808 = arith.constant 40960 : index
    %get3A_809 = vector.load %arg2[%get3A_808] : memref<98304xf32, #tpu.memory_space<vmem>>, vector<512xf32>
    %swap3A_810 = arith.constant 0 : index
    %swap3A_811 = arith.constant 1 : index
    %swap3A_812 = arith.constant 26 : index
    %swap3A_813 = arith.constant 0 : index
    %swap3A_814 = vector.load %arg3[%swap3A_810, %swap3A_811, %swap3A_812, %swap3A_813] : memref<1x3x64x512xf32, #tpu.memory_space<vmem>>, vector<1x1x1x512xf32>
    %swap3A_815 = vector.shape_cast %swap3A_814 : vector<1x1x1x512xf32> to vector<512xf32>
    %swap3A_816 = vector.shape_cast %get3A_809 : vector<512xf32> to vector<1x1x1x512xf32>
    tpu.vector_store %arg3[%swap3A_810, %swap3A_811, %swap3A_812, %swap3A_813], %swap3A_816 {strides = array<i32>} : memref<1x3x64x512xf32, #tpu.memory_space<vmem>>, vector<1x1x1x512xf32>,
    %get3A_817 = arith.constant 41472 : index
    %get3A_818 = vector.load %arg2[%get3A_817] : memref<98304xf32, #tpu.memory_space<vmem>>, vector<512xf32>
    %swap3A_819 = arith.constant 0 : index
    %swap3A_820 = arith.constant 1 : index
    %swap3A_821 = arith.constant 27 : index
    %swap3A_822 = arith.constant 0 : index
    %swap3A_823 = vector.load %arg3[%swap3A_819, %swap3A_820, %swap3A_821, %swap3A_822] : memref<1x3x64x512xf32, #tpu.memory_space<vmem>>, vector<1x1x1x512xf32>
    %swap3A_824 = vector.shape_cast %swap3A_823 : vector<1x1x1x512xf32> to vector<512xf32>
    %swap3A_825 = vector.shape_cast %get3A_818 : vector<512xf32> to vector<1x1x1x512xf32>
    tpu.vector_store %arg3[%swap3A_819, %swap3A_820, %swap3A_821, %swap3A_822], %swap3A_825 {strides = array<i32>} : memref<1x3x64x512xf32, #tpu.memory_space<vmem>>, vector<1x1x1x512xf32>,
    %get3A_826 = arith.constant 44032 : index
    %get3A_827 = vector.load %arg2[%get3A_826] : memref<98304xf32, #tpu.memory_space<vmem>>, vector<512xf32>
    %swap3A_828 = arith.constant 0 : index
    %swap3A_829 = arith.constant 1 : index
    %swap3A_830 = arith.constant 28 : index
    %swap3A_831 = arith.constant 0 : index
    %swap3A_832 = vector.load %arg3[%swap3A_828, %swap3A_829, %swap3A_830, %swap3A_831] : memref<1x3x64x512xf32, #tpu.memory_space<vmem>>, vector<1x1x1x512xf32>
    %swap3A_833 = vector.shape_cast %swap3A_832 : vector<1x1x1x512xf32> to vector<512xf32>
    %swap3A_834 = vector.shape_cast %get3A_827 : vector<512xf32> to vector<1x1x1x512xf32>
    tpu.vector_store %arg3[%swap3A_828, %swap3A_829, %swap3A_830, %swap3A_831], %swap3A_834 {strides = array<i32>} : memref<1x3x64x512xf32, #tpu.memory_space<vmem>>, vector<1x1x1x512xf32>,
    %get3A_835 = arith.constant 44544 : index
    %get3A_836 = vector.load %arg2[%get3A_835] : memref<98304xf32, #tpu.memory_space<vmem>>, vector<512xf32>
    %swap3A_837 = arith.constant 0 : index
    %swap3A_838 = arith.constant 1 : index
    %swap3A_839 = arith.constant 29 : index
    %swap3A_840 = arith.constant 0 : index
    %swap3A_841 = vector.load %arg3[%swap3A_837, %swap3A_838, %swap3A_839, %swap3A_840] : memref<1x3x64x512xf32, #tpu.memory_space<vmem>>, vector<1x1x1x512xf32>
    %swap3A_842 = vector.shape_cast %swap3A_841 : vector<1x1x1x512xf32> to vector<512xf32>
    %swap3A_843 = vector.shape_cast %get3A_836 : vector<512xf32> to vector<1x1x1x512xf32>
    tpu.vector_store %arg3[%swap3A_837, %swap3A_838, %swap3A_839, %swap3A_840], %swap3A_843 {strides = array<i32>} : memref<1x3x64x512xf32, #tpu.memory_space<vmem>>, vector<1x1x1x512xf32>,
    %get3A_844 = arith.constant 47104 : index
    %get3A_845 = vector.load %arg2[%get3A_844] : memref<98304xf32, #tpu.memory_space<vmem>>, vector<512xf32>
    %swap3A_846 = arith.constant 0 : index
    %swap3A_847 = arith.constant 1 : index
    %swap3A_848 = arith.constant 30 : index
    %swap3A_849 = arith.constant 0 : index
    %swap3A_850 = vector.load %arg3[%swap3A_846, %swap3A_847, %swap3A_848, %swap3A_849] : memref<1x3x64x512xf32, #tpu.memory_space<vmem>>, vector<1x1x1x512xf32>
    %swap3A_851 = vector.shape_cast %swap3A_850 : vector<1x1x1x512xf32> to vector<512xf32>
    %swap3A_852 = vector.shape_cast %get3A_845 : vector<512xf32> to vector<1x1x1x512xf32>
    tpu.vector_store %arg3[%swap3A_846, %swap3A_847, %swap3A_848, %swap3A_849], %swap3A_852 {strides = array<i32>} : memref<1x3x64x512xf32, #tpu.memory_space<vmem>>, vector<1x1x1x512xf32>,
    %get3A_853 = arith.constant 47616 : index
    %get3A_854 = vector.load %arg2[%get3A_853] : memref<98304xf32, #tpu.memory_space<vmem>>, vector<512xf32>
    %swap3A_855 = arith.constant 0 : index
    %swap3A_856 = arith.constant 1 : index
    %swap3A_857 = arith.constant 31 : index
    %swap3A_858 = arith.constant 0 : index
    %swap3A_859 = vector.load %arg3[%swap3A_855, %swap3A_856, %swap3A_857, %swap3A_858] : memref<1x3x64x512xf32, #tpu.memory_space<vmem>>, vector<1x1x1x512xf32>
    %swap3A_860 = vector.shape_cast %swap3A_859 : vector<1x1x1x512xf32> to vector<512xf32>
    %swap3A_861 = vector.shape_cast %get3A_854 : vector<512xf32> to vector<1x1x1x512xf32>
    tpu.vector_store %arg3[%swap3A_855, %swap3A_856, %swap3A_857, %swap3A_858], %swap3A_861 {strides = array<i32>} : memref<1x3x64x512xf32, #tpu.memory_space<vmem>>, vector<1x1x1x512xf32>,
    %get3A_862 = arith.constant 50176 : index
    %get3A_863 = vector.load %arg2[%get3A_862] : memref<98304xf32, #tpu.memory_space<vmem>>, vector<512xf32>
    %swap3A_864 = arith.constant 0 : index
    %swap3A_865 = arith.constant 1 : index
    %swap3A_866 = arith.constant 32 : index
    %swap3A_867 = arith.constant 0 : index
    %swap3A_868 = vector.load %arg3[%swap3A_864, %swap3A_865, %swap3A_866, %swap3A_867] : memref<1x3x64x512xf32, #tpu.memory_space<vmem>>, vector<1x1x1x512xf32>
    %swap3A_869 = vector.shape_cast %swap3A_868 : vector<1x1x1x512xf32> to vector<512xf32>
    %swap3A_870 = vector.shape_cast %get3A_863 : vector<512xf32> to vector<1x1x1x512xf32>
    tpu.vector_store %arg3[%swap3A_864, %swap3A_865, %swap3A_866, %swap3A_867], %swap3A_870 {strides = array<i32>} : memref<1x3x64x512xf32, #tpu.memory_space<vmem>>, vector<1x1x1x512xf32>,
    %get3A_871 = arith.constant 50688 : index
    %get3A_872 = vector.load %arg2[%get3A_871] : memref<98304xf32, #tpu.memory_space<vmem>>, vector<512xf32>
    %swap3A_873 = arith.constant 0 : index
    %swap3A_874 = arith.constant 1 : index
    %swap3A_875 = arith.constant 33 : index
    %swap3A_876 = arith.constant 0 : index
    %swap3A_877 = vector.load %arg3[%swap3A_873, %swap3A_874, %swap3A_875, %swap3A_876] : memref<1x3x64x512xf32, #tpu.memory_space<vmem>>, vector<1x1x1x512xf32>
    %swap3A_878 = vector.shape_cast %swap3A_877 : vector<1x1x1x512xf32> to vector<512xf32>
    %swap3A_879 = vector.shape_cast %get3A_872 : vector<512xf32> to vector<1x1x1x512xf32>
    tpu.vector_store %arg3[%swap3A_873, %swap3A_874, %swap3A_875, %swap3A_876], %swap3A_879 {strides = array<i32>} : memref<1x3x64x512xf32, #tpu.memory_space<vmem>>, vector<1x1x1x512xf32>,
    %get3A_880 = arith.constant 53248 : index
    %get3A_881 = vector.load %arg2[%get3A_880] : memref<98304xf32, #tpu.memory_space<vmem>>, vector<512xf32>
    %swap3A_882 = arith.constant 0 : index
    %swap3A_883 = arith.constant 1 : index
    %swap3A_884 = arith.constant 34 : index
    %swap3A_885 = arith.constant 0 : index
    %swap3A_886 = vector.load %arg3[%swap3A_882, %swap3A_883, %swap3A_884, %swap3A_885] : memref<1x3x64x512xf32, #tpu.memory_space<vmem>>, vector<1x1x1x512xf32>
    %swap3A_887 = vector.shape_cast %swap3A_886 : vector<1x1x1x512xf32> to vector<512xf32>
    %swap3A_888 = vector.shape_cast %get3A_881 : vector<512xf32> to vector<1x1x1x512xf32>
    tpu.vector_store %arg3[%swap3A_882, %swap3A_883, %swap3A_884, %swap3A_885], %swap3A_888 {strides = array<i32>} : memref<1x3x64x512xf32, #tpu.memory_space<vmem>>, vector<1x1x1x512xf32>,
    %get3A_889 = arith.constant 53760 : index
    %get3A_890 = vector.load %arg2[%get3A_889] : memref<98304xf32, #tpu.memory_space<vmem>>, vector<512xf32>
    %swap3A_891 = arith.constant 0 : index
    %swap3A_892 = arith.constant 1 : index
    %swap3A_893 = arith.constant 35 : index
    %swap3A_894 = arith.constant 0 : index
    %swap3A_895 = vector.load %arg3[%swap3A_891, %swap3A_892, %swap3A_893, %swap3A_894] : memref<1x3x64x512xf32, #tpu.memory_space<vmem>>, vector<1x1x1x512xf32>
    %swap3A_896 = vector.shape_cast %swap3A_895 : vector<1x1x1x512xf32> to vector<512xf32>
    %swap3A_897 = vector.shape_cast %get3A_890 : vector<512xf32> to vector<1x1x1x512xf32>
    tpu.vector_store %arg3[%swap3A_891, %swap3A_892, %swap3A_893, %swap3A_894], %swap3A_897 {strides = array<i32>} : memref<1x3x64x512xf32, #tpu.memory_space<vmem>>, vector<1x1x1x512xf32>,
    %get3A_898 = arith.constant 56320 : index
    %get3A_899 = vector.load %arg2[%get3A_898] : memref<98304xf32, #tpu.memory_space<vmem>>, vector<512xf32>
    %swap3A_900 = arith.constant 0 : index
    %swap3A_901 = arith.constant 1 : index
    %swap3A_902 = arith.constant 36 : index
    %swap3A_903 = arith.constant 0 : index
    %swap3A_904 = vector.load %arg3[%swap3A_900, %swap3A_901, %swap3A_902, %swap3A_903] : memref<1x3x64x512xf32, #tpu.memory_space<vmem>>, vector<1x1x1x512xf32>
    %swap3A_905 = vector.shape_cast %swap3A_904 : vector<1x1x1x512xf32> to vector<512xf32>
    %swap3A_906 = vector.shape_cast %get3A_899 : vector<512xf32> to vector<1x1x1x512xf32>
    tpu.vector_store %arg3[%swap3A_900, %swap3A_901, %swap3A_902, %swap3A_903], %swap3A_906 {strides = array<i32>} : memref<1x3x64x512xf32, #tpu.memory_space<vmem>>, vector<1x1x1x512xf32>,
    %get3A_907 = arith.constant 56832 : index
    %get3A_908 = vector.load %arg2[%get3A_907] : memref<98304xf32, #tpu.memory_space<vmem>>, vector<512xf32>
    %swap3A_909 = arith.constant 0 : index
    %swap3A_910 = arith.constant 1 : index
    %swap3A_911 = arith.constant 37 : index
    %swap3A_912 = arith.constant 0 : index
    %swap3A_913 = vector.load %arg3[%swap3A_909, %swap3A_910, %swap3A_911, %swap3A_912] : memref<1x3x64x512xf32, #tpu.memory_space<vmem>>, vector<1x1x1x512xf32>
    %swap3A_914 = vector.shape_cast %swap3A_913 : vector<1x1x1x512xf32> to vector<512xf32>
    %swap3A_915 = vector.shape_cast %get3A_908 : vector<512xf32> to vector<1x1x1x512xf32>
    tpu.vector_store %arg3[%swap3A_909, %swap3A_910, %swap3A_911, %swap3A_912], %swap3A_915 {strides = array<i32>} : memref<1x3x64x512xf32, #tpu.memory_space<vmem>>, vector<1x1x1x512xf32>,
    %get3A_916 = arith.constant 59392 : index
    %get3A_917 = vector.load %arg2[%get3A_916] : memref<98304xf32, #tpu.memory_space<vmem>>, vector<512xf32>
    %swap3A_918 = arith.constant 0 : index
    %swap3A_919 = arith.constant 1 : index
    %swap3A_920 = arith.constant 38 : index
    %swap3A_921 = arith.constant 0 : index
    %swap3A_922 = vector.load %arg3[%swap3A_918, %swap3A_919, %swap3A_920, %swap3A_921] : memref<1x3x64x512xf32, #tpu.memory_space<vmem>>, vector<1x1x1x512xf32>
    %swap3A_923 = vector.shape_cast %swap3A_922 : vector<1x1x1x512xf32> to vector<512xf32>
    %swap3A_924 = vector.shape_cast %get3A_917 : vector<512xf32> to vector<1x1x1x512xf32>
    tpu.vector_store %arg3[%swap3A_918, %swap3A_919, %swap3A_920, %swap3A_921], %swap3A_924 {strides = array<i32>} : memref<1x3x64x512xf32, #tpu.memory_space<vmem>>, vector<1x1x1x512xf32>,
    %get3A_925 = arith.constant 59904 : index
    %get3A_926 = vector.load %arg2[%get3A_925] : memref<98304xf32, #tpu.memory_space<vmem>>, vector<512xf32>
    %swap3A_927 = arith.constant 0 : index
    %swap3A_928 = arith.constant 1 : index
    %swap3A_929 = arith.constant 39 : index
    %swap3A_930 = arith.constant 0 : index
    %swap3A_931 = vector.load %arg3[%swap3A_927, %swap3A_928, %swap3A_929, %swap3A_930] : memref<1x3x64x512xf32, #tpu.memory_space<vmem>>, vector<1x1x1x512xf32>
    %swap3A_932 = vector.shape_cast %swap3A_931 : vector<1x1x1x512xf32> to vector<512xf32>
    %swap3A_933 = vector.shape_cast %get3A_926 : vector<512xf32> to vector<1x1x1x512xf32>
    tpu.vector_store %arg3[%swap3A_927, %swap3A_928, %swap3A_929, %swap3A_930], %swap3A_933 {strides = array<i32>} : memref<1x3x64x512xf32, #tpu.memory_space<vmem>>, vector<1x1x1x512xf32>,
    %get3A_934 = arith.constant 62464 : index
    %get3A_935 = vector.load %arg2[%get3A_934] : memref<98304xf32, #tpu.memory_space<vmem>>, vector<512xf32>
    %swap3A_936 = arith.constant 0 : index
    %swap3A_937 = arith.constant 1 : index
    %swap3A_938 = arith.constant 40 : index
    %swap3A_939 = arith.constant 0 : index
    %swap3A_940 = vector.load %arg3[%swap3A_936, %swap3A_937, %swap3A_938, %swap3A_939] : memref<1x3x64x512xf32, #tpu.memory_space<vmem>>, vector<1x1x1x512xf32>
    %swap3A_941 = vector.shape_cast %swap3A_940 : vector<1x1x1x512xf32> to vector<512xf32>
    %swap3A_942 = vector.shape_cast %get3A_935 : vector<512xf32> to vector<1x1x1x512xf32>
    tpu.vector_store %arg3[%swap3A_936, %swap3A_937, %swap3A_938, %swap3A_939], %swap3A_942 {strides = array<i32>} : memref<1x3x64x512xf32, #tpu.memory_space<vmem>>, vector<1x1x1x512xf32>,
    %get3A_943 = arith.constant 62976 : index
    %get3A_944 = vector.load %arg2[%get3A_943] : memref<98304xf32, #tpu.memory_space<vmem>>, vector<512xf32>
    %swap3A_945 = arith.constant 0 : index
    %swap3A_946 = arith.constant 1 : index
    %swap3A_947 = arith.constant 41 : index
    %swap3A_948 = arith.constant 0 : index
    %swap3A_949 = vector.load %arg3[%swap3A_945, %swap3A_946, %swap3A_947, %swap3A_948] : memref<1x3x64x512xf32, #tpu.memory_space<vmem>>, vector<1x1x1x512xf32>
    %swap3A_950 = vector.shape_cast %swap3A_949 : vector<1x1x1x512xf32> to vector<512xf32>
    %swap3A_951 = vector.shape_cast %get3A_944 : vector<512xf32> to vector<1x1x1x512xf32>
    tpu.vector_store %arg3[%swap3A_945, %swap3A_946, %swap3A_947, %swap3A_948], %swap3A_951 {strides = array<i32>} : memref<1x3x64x512xf32, #tpu.memory_space<vmem>>, vector<1x1x1x512xf32>,
    %get3A_952 = arith.constant 65536 : index
    %get3A_953 = vector.load %arg2[%get3A_952] : memref<98304xf32, #tpu.memory_space<vmem>>, vector<512xf32>
    %swap3A_954 = arith.constant 0 : index
    %swap3A_955 = arith.constant 1 : index
    %swap3A_956 = arith.constant 42 : index
    %swap3A_957 = arith.constant 0 : index
    %swap3A_958 = vector.load %arg3[%swap3A_954, %swap3A_955, %swap3A_956, %swap3A_957] : memref<1x3x64x512xf32, #tpu.memory_space<vmem>>, vector<1x1x1x512xf32>
    %swap3A_959 = vector.shape_cast %swap3A_958 : vector<1x1x1x512xf32> to vector<512xf32>
    %swap3A_960 = vector.shape_cast %get3A_953 : vector<512xf32> to vector<1x1x1x512xf32>
    tpu.vector_store %arg3[%swap3A_954, %swap3A_955, %swap3A_956, %swap3A_957], %swap3A_960 {strides = array<i32>} : memref<1x3x64x512xf32, #tpu.memory_space<vmem>>, vector<1x1x1x512xf32>,
    %get3A_961 = arith.constant 66048 : index
    %get3A_962 = vector.load %arg2[%get3A_961] : memref<98304xf32, #tpu.memory_space<vmem>>, vector<512xf32>
    %swap3A_963 = arith.constant 0 : index
    %swap3A_964 = arith.constant 1 : index
    %swap3A_965 = arith.constant 43 : index
    %swap3A_966 = arith.constant 0 : index
    %swap3A_967 = vector.load %arg3[%swap3A_963, %swap3A_964, %swap3A_965, %swap3A_966] : memref<1x3x64x512xf32, #tpu.memory_space<vmem>>, vector<1x1x1x512xf32>
    %swap3A_968 = vector.shape_cast %swap3A_967 : vector<1x1x1x512xf32> to vector<512xf32>
    %swap3A_969 = vector.shape_cast %get3A_962 : vector<512xf32> to vector<1x1x1x512xf32>
    tpu.vector_store %arg3[%swap3A_963, %swap3A_964, %swap3A_965, %swap3A_966], %swap3A_969 {strides = array<i32>} : memref<1x3x64x512xf32, #tpu.memory_space<vmem>>, vector<1x1x1x512xf32>,
    %get3A_970 = arith.constant 68608 : index
    %get3A_971 = vector.load %arg2[%get3A_970] : memref<98304xf32, #tpu.memory_space<vmem>>, vector<512xf32>
    %swap3A_972 = arith.constant 0 : index
    %swap3A_973 = arith.constant 1 : index
    %swap3A_974 = arith.constant 44 : index
    %swap3A_975 = arith.constant 0 : index
    %swap3A_976 = vector.load %arg3[%swap3A_972, %swap3A_973, %swap3A_974, %swap3A_975] : memref<1x3x64x512xf32, #tpu.memory_space<vmem>>, vector<1x1x1x512xf32>
    %swap3A_977 = vector.shape_cast %swap3A_976 : vector<1x1x1x512xf32> to vector<512xf32>
    %swap3A_978 = vector.shape_cast %get3A_971 : vector<512xf32> to vector<1x1x1x512xf32>
    tpu.vector_store %arg3[%swap3A_972, %swap3A_973, %swap3A_974, %swap3A_975], %swap3A_978 {strides = array<i32>} : memref<1x3x64x512xf32, #tpu.memory_space<vmem>>, vector<1x1x1x512xf32>,
    %get3A_979 = arith.constant 69120 : index
    %get3A_980 = vector.load %arg2[%get3A_979] : memref<98304xf32, #tpu.memory_space<vmem>>, vector<512xf32>
    %swap3A_981 = arith.constant 0 : index
    %swap3A_982 = arith.constant 1 : index
    %swap3A_983 = arith.constant 45 : index
    %swap3A_984 = arith.constant 0 : index
    %swap3A_985 = vector.load %arg3[%swap3A_981, %swap3A_982, %swap3A_983, %swap3A_984] : memref<1x3x64x512xf32, #tpu.memory_space<vmem>>, vector<1x1x1x512xf32>
    %swap3A_986 = vector.shape_cast %swap3A_985 : vector<1x1x1x512xf32> to vector<512xf32>
    %swap3A_987 = vector.shape_cast %get3A_980 : vector<512xf32> to vector<1x1x1x512xf32>
    tpu.vector_store %arg3[%swap3A_981, %swap3A_982, %swap3A_983, %swap3A_984], %swap3A_987 {strides = array<i32>} : memref<1x3x64x512xf32, #tpu.memory_space<vmem>>, vector<1x1x1x512xf32>,
    %get3A_988 = arith.constant 71680 : index
    %get3A_989 = vector.load %arg2[%get3A_988] : memref<98304xf32, #tpu.memory_space<vmem>>, vector<512xf32>
    %swap3A_990 = arith.constant 0 : index
    %swap3A_991 = arith.constant 1 : index
    %swap3A_992 = arith.constant 46 : index
    %swap3A_993 = arith.constant 0 : index
    %swap3A_994 = vector.load %arg3[%swap3A_990, %swap3A_991, %swap3A_992, %swap3A_993] : memref<1x3x64x512xf32, #tpu.memory_space<vmem>>, vector<1x1x1x512xf32>
    %swap3A_995 = vector.shape_cast %swap3A_994 : vector<1x1x1x512xf32> to vector<512xf32>
    %swap3A_996 = vector.shape_cast %get3A_989 : vector<512xf32> to vector<1x1x1x512xf32>
    tpu.vector_store %arg3[%swap3A_990, %swap3A_991, %swap3A_992, %swap3A_993], %swap3A_996 {strides = array<i32>} : memref<1x3x64x512xf32, #tpu.memory_space<vmem>>, vector<1x1x1x512xf32>,
    %get3A_997 = arith.constant 72192 : index
    %get3A_998 = vector.load %arg2[%get3A_997] : memref<98304xf32, #tpu.memory_space<vmem>>, vector<512xf32>
    %swap3A_999 = arith.constant 0 : index
    %swap3A_1000 = arith.constant 1 : index
    %swap3A_1001 = arith.constant 47 : index
    %swap3A_1002 = arith.constant 0 : index
    %swap3A_1003 = vector.load %arg3[%swap3A_999, %swap3A_1000, %swap3A_1001, %swap3A_1002] : memref<1x3x64x512xf32, #tpu.memory_space<vmem>>, vector<1x1x1x512xf32>
    %swap3A_1004 = vector.shape_cast %swap3A_1003 : vector<1x1x1x512xf32> to vector<512xf32>
    %swap3A_1005 = vector.shape_cast %get3A_998 : vector<512xf32> to vector<1x1x1x512xf32>
    tpu.vector_store %arg3[%swap3A_999, %swap3A_1000, %swap3A_1001, %swap3A_1002], %swap3A_1005 {strides = array<i32>} : memref<1x3x64x512xf32, #tpu.memory_space<vmem>>, vector<1x1x1x512xf32>,
    %get3A_1006 = arith.constant 74752 : index
    %get3A_1007 = vector.load %arg2[%get3A_1006] : memref<98304xf32, #tpu.memory_space<vmem>>, vector<512xf32>
    %swap3A_1008 = arith.constant 0 : index
    %swap3A_1009 = arith.constant 1 : index
    %swap3A_1010 = arith.constant 48 : index
    %swap3A_1011 = arith.constant 0 : index
    %swap3A_1012 = vector.load %arg3[%swap3A_1008, %swap3A_1009, %swap3A_1010, %swap3A_1011] : memref<1x3x64x512xf32, #tpu.memory_space<vmem>>, vector<1x1x1x512xf32>
    %swap3A_1013 = vector.shape_cast %swap3A_1012 : vector<1x1x1x512xf32> to vector<512xf32>
    %swap3A_1014 = vector.shape_cast %get3A_1007 : vector<512xf32> to vector<1x1x1x512xf32>
    tpu.vector_store %arg3[%swap3A_1008, %swap3A_1009, %swap3A_1010, %swap3A_1011], %swap3A_1014 {strides = array<i32>} : memref<1x3x64x512xf32, #tpu.memory_space<vmem>>, vector<1x1x1x512xf32>,
    %get3A_1015 = arith.constant 75264 : index
    %get3A_1016 = vector.load %arg2[%get3A_1015] : memref<98304xf32, #tpu.memory_space<vmem>>, vector<512xf32>
    %swap3A_1017 = arith.constant 0 : index
    %swap3A_1018 = arith.constant 1 : index
    %swap3A_1019 = arith.constant 49 : index
    %swap3A_1020 = arith.constant 0 : index
    %swap3A_1021 = vector.load %arg3[%swap3A_1017, %swap3A_1018, %swap3A_1019, %swap3A_1020] : memref<1x3x64x512xf32, #tpu.memory_space<vmem>>, vector<1x1x1x512xf32>
    %swap3A_1022 = vector.shape_cast %swap3A_1021 : vector<1x1x1x512xf32> to vector<512xf32>
    %swap3A_1023 = vector.shape_cast %get3A_1016 : vector<512xf32> to vector<1x1x1x512xf32>
    tpu.vector_store %arg3[%swap3A_1017, %swap3A_1018, %swap3A_1019, %swap3A_1020], %swap3A_1023 {strides = array<i32>} : memref<1x3x64x512xf32, #tpu.memory_space<vmem>>, vector<1x1x1x512xf32>,
    %get3A_1024 = arith.constant 77824 : index
    %get3A_1025 = vector.load %arg2[%get3A_1024] : memref<98304xf32, #tpu.memory_space<vmem>>, vector<512xf32>
    %swap3A_1026 = arith.constant 0 : index
    %swap3A_1027 = arith.constant 1 : index
    %swap3A_1028 = arith.constant 50 : index
    %swap3A_1029 = arith.constant 0 : index
    %swap3A_1030 = vector.load %arg3[%swap3A_1026, %swap3A_1027, %swap3A_1028, %swap3A_1029] : memref<1x3x64x512xf32, #tpu.memory_space<vmem>>, vector<1x1x1x512xf32>
    %swap3A_1031 = vector.shape_cast %swap3A_1030 : vector<1x1x1x512xf32> to vector<512xf32>
    %swap3A_1032 = vector.shape_cast %get3A_1025 : vector<512xf32> to vector<1x1x1x512xf32>
    tpu.vector_store %arg3[%swap3A_1026, %swap3A_1027, %swap3A_1028, %swap3A_1029], %swap3A_1032 {strides = array<i32>} : memref<1x3x64x512xf32, #tpu.memory_space<vmem>>, vector<1x1x1x512xf32>,
    %get3A_1033 = arith.constant 78336 : index
    %get3A_1034 = vector.load %arg2[%get3A_1033] : memref<98304xf32, #tpu.memory_space<vmem>>, vector<512xf32>
    %swap3A_1035 = arith.constant 0 : index
    %swap3A_1036 = arith.constant 1 : index
    %swap3A_1037 = arith.constant 51 : index
    %swap3A_1038 = arith.constant 0 : index
    %swap3A_1039 = vector.load %arg3[%swap3A_1035, %swap3A_1036, %swap3A_1037, %swap3A_1038] : memref<1x3x64x512xf32, #tpu.memory_space<vmem>>, vector<1x1x1x512xf32>
    %swap3A_1040 = vector.shape_cast %swap3A_1039 : vector<1x1x1x512xf32> to vector<512xf32>
    %swap3A_1041 = vector.shape_cast %get3A_1034 : vector<512xf32> to vector<1x1x1x512xf32>
    tpu.vector_store %arg3[%swap3A_1035, %swap3A_1036, %swap3A_1037, %swap3A_1038], %swap3A_1041 {strides = array<i32>} : memref<1x3x64x512xf32, #tpu.memory_space<vmem>>, vector<1x1x1x512xf32>,
    %get3A_1042 = arith.constant 80896 : index
    %get3A_1043 = vector.load %arg2[%get3A_1042] : memref<98304xf32, #tpu.memory_space<vmem>>, vector<512xf32>
    %swap3A_1044 = arith.constant 0 : index
    %swap3A_1045 = arith.constant 1 : index
    %swap3A_1046 = arith.constant 52 : index
    %swap3A_1047 = arith.constant 0 : index
    %swap3A_1048 = vector.load %arg3[%swap3A_1044, %swap3A_1045, %swap3A_1046, %swap3A_1047] : memref<1x3x64x512xf32, #tpu.memory_space<vmem>>, vector<1x1x1x512xf32>
    %swap3A_1049 = vector.shape_cast %swap3A_1048 : vector<1x1x1x512xf32> to vector<512xf32>
    %swap3A_1050 = vector.shape_cast %get3A_1043 : vector<512xf32> to vector<1x1x1x512xf32>
    tpu.vector_store %arg3[%swap3A_1044, %swap3A_1045, %swap3A_1046, %swap3A_1047], %swap3A_1050 {strides = array<i32>} : memref<1x3x64x512xf32, #tpu.memory_space<vmem>>, vector<1x1x1x512xf32>,
    %get3A_1051 = arith.constant 81408 : index
    %get3A_1052 = vector.load %arg2[%get3A_1051] : memref<98304xf32, #tpu.memory_space<vmem>>, vector<512xf32>
    %swap3A_1053 = arith.constant 0 : index
    %swap3A_1054 = arith.constant 1 : index
    %swap3A_1055 = arith.constant 53 : index
    %swap3A_1056 = arith.constant 0 : index
    %swap3A_1057 = vector.load %arg3[%swap3A_1053, %swap3A_1054, %swap3A_1055, %swap3A_1056] : memref<1x3x64x512xf32, #tpu.memory_space<vmem>>, vector<1x1x1x512xf32>
    %swap3A_1058 = vector.shape_cast %swap3A_1057 : vector<1x1x1x512xf32> to vector<512xf32>
    %swap3A_1059 = vector.shape_cast %get3A_1052 : vector<512xf32> to vector<1x1x1x512xf32>
    tpu.vector_store %arg3[%swap3A_1053, %swap3A_1054, %swap3A_1055, %swap3A_1056], %swap3A_1059 {strides = array<i32>} : memref<1x3x64x512xf32, #tpu.memory_space<vmem>>, vector<1x1x1x512xf32>,
    %get3A_1060 = arith.constant 83968 : index
    %get3A_1061 = vector.load %arg2[%get3A_1060] : memref<98304xf32, #tpu.memory_space<vmem>>, vector<512xf32>
    %swap3A_1062 = arith.constant 0 : index
    %swap3A_1063 = arith.constant 1 : index
    %swap3A_1064 = arith.constant 54 : index
    %swap3A_1065 = arith.constant 0 : index
    %swap3A_1066 = vector.load %arg3[%swap3A_1062, %swap3A_1063, %swap3A_1064, %swap3A_1065] : memref<1x3x64x512xf32, #tpu.memory_space<vmem>>, vector<1x1x1x512xf32>
    %swap3A_1067 = vector.shape_cast %swap3A_1066 : vector<1x1x1x512xf32> to vector<512xf32>
    %swap3A_1068 = vector.shape_cast %get3A_1061 : vector<512xf32> to vector<1x1x1x512xf32>
    tpu.vector_store %arg3[%swap3A_1062, %swap3A_1063, %swap3A_1064, %swap3A_1065], %swap3A_1068 {strides = array<i32>} : memref<1x3x64x512xf32, #tpu.memory_space<vmem>>, vector<1x1x1x512xf32>,
    %get3A_1069 = arith.constant 84480 : index
    %get3A_1070 = vector.load %arg2[%get3A_1069] : memref<98304xf32, #tpu.memory_space<vmem>>, vector<512xf32>
    %swap3A_1071 = arith.constant 0 : index
    %swap3A_1072 = arith.constant 1 : index
    %swap3A_1073 = arith.constant 55 : index
    %swap3A_1074 = arith.constant 0 : index
    %swap3A_1075 = vector.load %arg3[%swap3A_1071, %swap3A_1072, %swap3A_1073, %swap3A_1074] : memref<1x3x64x512xf32, #tpu.memory_space<vmem>>, vector<1x1x1x512xf32>
    %swap3A_1076 = vector.shape_cast %swap3A_1075 : vector<1x1x1x512xf32> to vector<512xf32>
    %swap3A_1077 = vector.shape_cast %get3A_1070 : vector<512xf32> to vector<1x1x1x512xf32>
    tpu.vector_store %arg3[%swap3A_1071, %swap3A_1072, %swap3A_1073, %swap3A_1074], %swap3A_1077 {strides = array<i32>} : memref<1x3x64x512xf32, #tpu.memory_space<vmem>>, vector<1x1x1x512xf32>,
    %get3A_1078 = arith.constant 87040 : index
    %get3A_1079 = vector.load %arg2[%get3A_1078] : memref<98304xf32, #tpu.memory_space<vmem>>, vector<512xf32>
    %swap3A_1080 = arith.constant 0 : index
    %swap3A_1081 = arith.constant 1 : index
    %swap3A_1082 = arith.constant 56 : index
    %swap3A_1083 = arith.constant 0 : index
    %swap3A_1084 = vector.load %arg3[%swap3A_1080, %swap3A_1081, %swap3A_1082, %swap3A_1083] : memref<1x3x64x512xf32, #tpu.memory_space<vmem>>, vector<1x1x1x512xf32>
    %swap3A_1085 = vector.shape_cast %swap3A_1084 : vector<1x1x1x512xf32> to vector<512xf32>
    %swap3A_1086 = vector.shape_cast %get3A_1079 : vector<512xf32> to vector<1x1x1x512xf32>
    tpu.vector_store %arg3[%swap3A_1080, %swap3A_1081, %swap3A_1082, %swap3A_1083], %swap3A_1086 {strides = array<i32>} : memref<1x3x64x512xf32, #tpu.memory_space<vmem>>, vector<1x1x1x512xf32>,
    %get3A_1087 = arith.constant 87552 : index
    %get3A_1088 = vector.load %arg2[%get3A_1087] : memref<98304xf32, #tpu.memory_space<vmem>>, vector<512xf32>
    %swap3A_1089 = arith.constant 0 : index
    %swap3A_1090 = arith.constant 1 : index
    %swap3A_1091 = arith.constant 57 : index
    %swap3A_1092 = arith.constant 0 : index
    %swap3A_1093 = vector.load %arg3[%swap3A_1089, %swap3A_1090, %swap3A_1091, %swap3A_1092] : memref<1x3x64x512xf32, #tpu.memory_space<vmem>>, vector<1x1x1x512xf32>
    %swap3A_1094 = vector.shape_cast %swap3A_1093 : vector<1x1x1x512xf32> to vector<512xf32>
    %swap3A_1095 = vector.shape_cast %get3A_1088 : vector<512xf32> to vector<1x1x1x512xf32>
    tpu.vector_store %arg3[%swap3A_1089, %swap3A_1090, %swap3A_1091, %swap3A_1092], %swap3A_1095 {strides = array<i32>} : memref<1x3x64x512xf32, #tpu.memory_space<vmem>>, vector<1x1x1x512xf32>,
    %get3A_1096 = arith.constant 90112 : index
    %get3A_1097 = vector.load %arg2[%get3A_1096] : memref<98304xf32, #tpu.memory_space<vmem>>, vector<512xf32>
    %swap3A_1098 = arith.constant 0 : index
    %swap3A_1099 = arith.constant 1 : index
    %swap3A_1100 = arith.constant 58 : index
    %swap3A_1101 = arith.constant 0 : index
    %swap3A_1102 = vector.load %arg3[%swap3A_1098, %swap3A_1099, %swap3A_1100, %swap3A_1101] : memref<1x3x64x512xf32, #tpu.memory_space<vmem>>, vector<1x1x1x512xf32>
    %swap3A_1103 = vector.shape_cast %swap3A_1102 : vector<1x1x1x512xf32> to vector<512xf32>
    %swap3A_1104 = vector.shape_cast %get3A_1097 : vector<512xf32> to vector<1x1x1x512xf32>
    tpu.vector_store %arg3[%swap3A_1098, %swap3A_1099, %swap3A_1100, %swap3A_1101], %swap3A_1104 {strides = array<i32>} : memref<1x3x64x512xf32, #tpu.memory_space<vmem>>, vector<1x1x1x512xf32>,
    %get3A_1105 = arith.constant 90624 : index
    %get3A_1106 = vector.load %arg2[%get3A_1105] : memref<98304xf32, #tpu.memory_space<vmem>>, vector<512xf32>
    %swap3A_1107 = arith.constant 0 : index
    %swap3A_1108 = arith.constant 1 : index
    %swap3A_1109 = arith.constant 59 : index
    %swap3A_1110 = arith.constant 0 : index
    %swap3A_1111 = vector.load %arg3[%swap3A_1107, %swap3A_1108, %swap3A_1109, %swap3A_1110] : memref<1x3x64x512xf32, #tpu.memory_space<vmem>>, vector<1x1x1x512xf32>
    %swap3A_1112 = vector.shape_cast %swap3A_1111 : vector<1x1x1x512xf32> to vector<512xf32>
    %swap3A_1113 = vector.shape_cast %get3A_1106 : vector<512xf32> to vector<1x1x1x512xf32>
    tpu.vector_store %arg3[%swap3A_1107, %swap3A_1108, %swap3A_1109, %swap3A_1110], %swap3A_1113 {strides = array<i32>} : memref<1x3x64x512xf32, #tpu.memory_space<vmem>>, vector<1x1x1x512xf32>,
    %get3A_1114 = arith.constant 93184 : index
    %get3A_1115 = vector.load %arg2[%get3A_1114] : memref<98304xf32, #tpu.memory_space<vmem>>, vector<512xf32>
    %swap3A_1116 = arith.constant 0 : index
    %swap3A_1117 = arith.constant 1 : index
    %swap3A_1118 = arith.constant 60 : index
    %swap3A_1119 = arith.constant 0 : index
    %swap3A_1120 = vector.load %arg3[%swap3A_1116, %swap3A_1117, %swap3A_1118, %swap3A_1119] : memref<1x3x64x512xf32, #tpu.memory_space<vmem>>, vector<1x1x1x512xf32>
    %swap3A_1121 = vector.shape_cast %swap3A_1120 : vector<1x1x1x512xf32> to vector<512xf32>
    %swap3A_1122 = vector.shape_cast %get3A_1115 : vector<512xf32> to vector<1x1x1x512xf32>
    tpu.vector_store %arg3[%swap3A_1116, %swap3A_1117, %swap3A_1118, %swap3A_1119], %swap3A_1122 {strides = array<i32>} : memref<1x3x64x512xf32, #tpu.memory_space<vmem>>, vector<1x1x1x512xf32>,
    %get3A_1123 = arith.constant 93696 : index
    %get3A_1124 = vector.load %arg2[%get3A_1123] : memref<98304xf32, #tpu.memory_space<vmem>>, vector<512xf32>
    %swap3A_1125 = arith.constant 0 : index
    %swap3A_1126 = arith.constant 1 : index
    %swap3A_1127 = arith.constant 61 : index
    %swap3A_1128 = arith.constant 0 : index
    %swap3A_1129 = vector.load %arg3[%swap3A_1125, %swap3A_1126, %swap3A_1127, %swap3A_1128] : memref<1x3x64x512xf32, #tpu.memory_space<vmem>>, vector<1x1x1x512xf32>
    %swap3A_1130 = vector.shape_cast %swap3A_1129 : vector<1x1x1x512xf32> to vector<512xf32>
    %swap3A_1131 = vector.shape_cast %get3A_1124 : vector<512xf32> to vector<1x1x1x512xf32>
    tpu.vector_store %arg3[%swap3A_1125, %swap3A_1126, %swap3A_1127, %swap3A_1128], %swap3A_1131 {strides = array<i32>} : memref<1x3x64x512xf32, #tpu.memory_space<vmem>>, vector<1x1x1x512xf32>,
    %get3A_1132 = arith.constant 96256 : index
    %get3A_1133 = vector.load %arg2[%get3A_1132] : memref<98304xf32, #tpu.memory_space<vmem>>, vector<512xf32>
    %swap3A_1134 = arith.constant 0 : index
    %swap3A_1135 = arith.constant 1 : index
    %swap3A_1136 = arith.constant 62 : index
    %swap3A_1137 = arith.constant 0 : index
    %swap3A_1138 = vector.load %arg3[%swap3A_1134, %swap3A_1135, %swap3A_1136, %swap3A_1137] : memref<1x3x64x512xf32, #tpu.memory_space<vmem>>, vector<1x1x1x512xf32>
    %swap3A_1139 = vector.shape_cast %swap3A_1138 : vector<1x1x1x512xf32> to vector<512xf32>
    %swap3A_1140 = vector.shape_cast %get3A_1133 : vector<512xf32> to vector<1x1x1x512xf32>
    tpu.vector_store %arg3[%swap3A_1134, %swap3A_1135, %swap3A_1136, %swap3A_1137], %swap3A_1140 {strides = array<i32>} : memref<1x3x64x512xf32, #tpu.memory_space<vmem>>, vector<1x1x1x512xf32>,
    %get3A_1141 = arith.constant 96768 : index
    %get3A_1142 = vector.load %arg2[%get3A_1141] : memref<98304xf32, #tpu.memory_space<vmem>>, vector<512xf32>
    %swap3A_1143 = arith.constant 0 : index
    %swap3A_1144 = arith.constant 1 : index
    %swap3A_1145 = arith.constant 63 : index
    %swap3A_1146 = arith.constant 0 : index
    %swap3A_1147 = vector.load %arg3[%swap3A_1143, %swap3A_1144, %swap3A_1145, %swap3A_1146] : memref<1x3x64x512xf32, #tpu.memory_space<vmem>>, vector<1x1x1x512xf32>
    %swap3A_1148 = vector.shape_cast %swap3A_1147 : vector<1x1x1x512xf32> to vector<512xf32>
    %swap3A_1149 = vector.shape_cast %get3A_1142 : vector<512xf32> to vector<1x1x1x512xf32>
    tpu.vector_store %arg3[%swap3A_1143, %swap3A_1144, %swap3A_1145, %swap3A_1146], %swap3A_1149 {strides = array<i32>} : memref<1x3x64x512xf32, #tpu.memory_space<vmem>>, vector<1x1x1x512xf32>,
    %get3A_1150 = arith.constant 2048 : index
    %get3A_1151 = vector.load %arg2[%get3A_1150] : memref<98304xf32, #tpu.memory_space<vmem>>, vector<512xf32>
    %swap3A_1152 = arith.constant 0 : index
    %swap3A_1153 = arith.constant 2 : index
    %swap3A_1154 = arith.constant 0 : index
    %swap3A_1155 = arith.constant 0 : index
    %swap3A_1156 = vector.load %arg3[%swap3A_1152, %swap3A_1153, %swap3A_1154, %swap3A_1155] : memref<1x3x64x512xf32, #tpu.memory_space<vmem>>, vector<1x1x1x512xf32>
    %swap3A_1157 = vector.shape_cast %swap3A_1156 : vector<1x1x1x512xf32> to vector<512xf32>
    %swap3A_1158 = vector.shape_cast %get3A_1151 : vector<512xf32> to vector<1x1x1x512xf32>
    tpu.vector_store %arg3[%swap3A_1152, %swap3A_1153, %swap3A_1154, %swap3A_1155], %swap3A_1158 {strides = array<i32>} : memref<1x3x64x512xf32, #tpu.memory_space<vmem>>, vector<1x1x1x512xf32>,
    %get3A_1159 = arith.constant 2560 : index
    %get3A_1160 = vector.load %arg2[%get3A_1159] : memref<98304xf32, #tpu.memory_space<vmem>>, vector<512xf32>
    %swap3A_1161 = arith.constant 0 : index
    %swap3A_1162 = arith.constant 2 : index
    %swap3A_1163 = arith.constant 1 : index
    %swap3A_1164 = arith.constant 0 : index
    %swap3A_1165 = vector.load %arg3[%swap3A_1161, %swap3A_1162, %swap3A_1163, %swap3A_1164] : memref<1x3x64x512xf32, #tpu.memory_space<vmem>>, vector<1x1x1x512xf32>
    %swap3A_1166 = vector.shape_cast %swap3A_1165 : vector<1x1x1x512xf32> to vector<512xf32>
    %swap3A_1167 = vector.shape_cast %get3A_1160 : vector<512xf32> to vector<1x1x1x512xf32>
    tpu.vector_store %arg3[%swap3A_1161, %swap3A_1162, %swap3A_1163, %swap3A_1164], %swap3A_1167 {strides = array<i32>} : memref<1x3x64x512xf32, #tpu.memory_space<vmem>>, vector<1x1x1x512xf32>,
    %get3A_1168 = arith.constant 5120 : index
    %get3A_1169 = vector.load %arg2[%get3A_1168] : memref<98304xf32, #tpu.memory_space<vmem>>, vector<512xf32>
    %swap3A_1170 = arith.constant 0 : index
    %swap3A_1171 = arith.constant 2 : index
    %swap3A_1172 = arith.constant 2 : index
    %swap3A_1173 = arith.constant 0 : index
    %swap3A_1174 = vector.load %arg3[%swap3A_1170, %swap3A_1171, %swap3A_1172, %swap3A_1173] : memref<1x3x64x512xf32, #tpu.memory_space<vmem>>, vector<1x1x1x512xf32>
    %swap3A_1175 = vector.shape_cast %swap3A_1174 : vector<1x1x1x512xf32> to vector<512xf32>
    %swap3A_1176 = vector.shape_cast %get3A_1169 : vector<512xf32> to vector<1x1x1x512xf32>
    tpu.vector_store %arg3[%swap3A_1170, %swap3A_1171, %swap3A_1172, %swap3A_1173], %swap3A_1176 {strides = array<i32>} : memref<1x3x64x512xf32, #tpu.memory_space<vmem>>, vector<1x1x1x512xf32>,
    %get3A_1177 = arith.constant 5632 : index
    %get3A_1178 = vector.load %arg2[%get3A_1177] : memref<98304xf32, #tpu.memory_space<vmem>>, vector<512xf32>
    %swap3A_1179 = arith.constant 0 : index
    %swap3A_1180 = arith.constant 2 : index
    %swap3A_1181 = arith.constant 3 : index
    %swap3A_1182 = arith.constant 0 : index
    %swap3A_1183 = vector.load %arg3[%swap3A_1179, %swap3A_1180, %swap3A_1181, %swap3A_1182] : memref<1x3x64x512xf32, #tpu.memory_space<vmem>>, vector<1x1x1x512xf32>
    %swap3A_1184 = vector.shape_cast %swap3A_1183 : vector<1x1x1x512xf32> to vector<512xf32>
    %swap3A_1185 = vector.shape_cast %get3A_1178 : vector<512xf32> to vector<1x1x1x512xf32>
    tpu.vector_store %arg3[%swap3A_1179, %swap3A_1180, %swap3A_1181, %swap3A_1182], %swap3A_1185 {strides = array<i32>} : memref<1x3x64x512xf32, #tpu.memory_space<vmem>>, vector<1x1x1x512xf32>,
    %get3A_1186 = arith.constant 8192 : index
    %get3A_1187 = vector.load %arg2[%get3A_1186] : memref<98304xf32, #tpu.memory_space<vmem>>, vector<512xf32>
    %swap3A_1188 = arith.constant 0 : index
    %swap3A_1189 = arith.constant 2 : index
    %swap3A_1190 = arith.constant 4 : index
    %swap3A_1191 = arith.constant 0 : index
    %swap3A_1192 = vector.load %arg3[%swap3A_1188, %swap3A_1189, %swap3A_1190, %swap3A_1191] : memref<1x3x64x512xf32, #tpu.memory_space<vmem>>, vector<1x1x1x512xf32>
    %swap3A_1193 = vector.shape_cast %swap3A_1192 : vector<1x1x1x512xf32> to vector<512xf32>
    %swap3A_1194 = vector.shape_cast %get3A_1187 : vector<512xf32> to vector<1x1x1x512xf32>
    tpu.vector_store %arg3[%swap3A_1188, %swap3A_1189, %swap3A_1190, %swap3A_1191], %swap3A_1194 {strides = array<i32>} : memref<1x3x64x512xf32, #tpu.memory_space<vmem>>, vector<1x1x1x512xf32>,
    %get3A_1195 = arith.constant 8704 : index
    %get3A_1196 = vector.load %arg2[%get3A_1195] : memref<98304xf32, #tpu.memory_space<vmem>>, vector<512xf32>
    %swap3A_1197 = arith.constant 0 : index
    %swap3A_1198 = arith.constant 2 : index
    %swap3A_1199 = arith.constant 5 : index
    %swap3A_1200 = arith.constant 0 : index
    %swap3A_1201 = vector.load %arg3[%swap3A_1197, %swap3A_1198, %swap3A_1199, %swap3A_1200] : memref<1x3x64x512xf32, #tpu.memory_space<vmem>>, vector<1x1x1x512xf32>
    %swap3A_1202 = vector.shape_cast %swap3A_1201 : vector<1x1x1x512xf32> to vector<512xf32>
    %swap3A_1203 = vector.shape_cast %get3A_1196 : vector<512xf32> to vector<1x1x1x512xf32>
    tpu.vector_store %arg3[%swap3A_1197, %swap3A_1198, %swap3A_1199, %swap3A_1200], %swap3A_1203 {strides = array<i32>} : memref<1x3x64x512xf32, #tpu.memory_space<vmem>>, vector<1x1x1x512xf32>,
    %get3A_1204 = arith.constant 11264 : index
    %get3A_1205 = vector.load %arg2[%get3A_1204] : memref<98304xf32, #tpu.memory_space<vmem>>, vector<512xf32>
    %swap3A_1206 = arith.constant 0 : index
    %swap3A_1207 = arith.constant 2 : index
    %swap3A_1208 = arith.constant 6 : index
    %swap3A_1209 = arith.constant 0 : index
    %swap3A_1210 = vector.load %arg3[%swap3A_1206, %swap3A_1207, %swap3A_1208, %swap3A_1209] : memref<1x3x64x512xf32, #tpu.memory_space<vmem>>, vector<1x1x1x512xf32>
    %swap3A_1211 = vector.shape_cast %swap3A_1210 : vector<1x1x1x512xf32> to vector<512xf32>
    %swap3A_1212 = vector.shape_cast %get3A_1205 : vector<512xf32> to vector<1x1x1x512xf32>
    tpu.vector_store %arg3[%swap3A_1206, %swap3A_1207, %swap3A_1208, %swap3A_1209], %swap3A_1212 {strides = array<i32>} : memref<1x3x64x512xf32, #tpu.memory_space<vmem>>, vector<1x1x1x512xf32>,
    %get3A_1213 = arith.constant 11776 : index
    %get3A_1214 = vector.load %arg2[%get3A_1213] : memref<98304xf32, #tpu.memory_space<vmem>>, vector<512xf32>
    %swap3A_1215 = arith.constant 0 : index
    %swap3A_1216 = arith.constant 2 : index
    %swap3A_1217 = arith.constant 7 : index
    %swap3A_1218 = arith.constant 0 : index
    %swap3A_1219 = vector.load %arg3[%swap3A_1215, %swap3A_1216, %swap3A_1217, %swap3A_1218] : memref<1x3x64x512xf32, #tpu.memory_space<vmem>>, vector<1x1x1x512xf32>
    %swap3A_1220 = vector.shape_cast %swap3A_1219 : vector<1x1x1x512xf32> to vector<512xf32>
    %swap3A_1221 = vector.shape_cast %get3A_1214 : vector<512xf32> to vector<1x1x1x512xf32>
    tpu.vector_store %arg3[%swap3A_1215, %swap3A_1216, %swap3A_1217, %swap3A_1218], %swap3A_1221 {strides = array<i32>} : memref<1x3x64x512xf32, #tpu.memory_space<vmem>>, vector<1x1x1x512xf32>,
    %get3A_1222 = arith.constant 14336 : index
    %get3A_1223 = vector.load %arg2[%get3A_1222] : memref<98304xf32, #tpu.memory_space<vmem>>, vector<512xf32>
    %swap3A_1224 = arith.constant 0 : index
    %swap3A_1225 = arith.constant 2 : index
    %swap3A_1226 = arith.constant 8 : index
    %swap3A_1227 = arith.constant 0 : index
    %swap3A_1228 = vector.load %arg3[%swap3A_1224, %swap3A_1225, %swap3A_1226, %swap3A_1227] : memref<1x3x64x512xf32, #tpu.memory_space<vmem>>, vector<1x1x1x512xf32>
    %swap3A_1229 = vector.shape_cast %swap3A_1228 : vector<1x1x1x512xf32> to vector<512xf32>
    %swap3A_1230 = vector.shape_cast %get3A_1223 : vector<512xf32> to vector<1x1x1x512xf32>
    tpu.vector_store %arg3[%swap3A_1224, %swap3A_1225, %swap3A_1226, %swap3A_1227], %swap3A_1230 {strides = array<i32>} : memref<1x3x64x512xf32, #tpu.memory_space<vmem>>, vector<1x1x1x512xf32>,
    %get3A_1231 = arith.constant 14848 : index
    %get3A_1232 = vector.load %arg2[%get3A_1231] : memref<98304xf32, #tpu.memory_space<vmem>>, vector<512xf32>
    %swap3A_1233 = arith.constant 0 : index
    %swap3A_1234 = arith.constant 2 : index
    %swap3A_1235 = arith.constant 9 : index
    %swap3A_1236 = arith.constant 0 : index
    %swap3A_1237 = vector.load %arg3[%swap3A_1233, %swap3A_1234, %swap3A_1235, %swap3A_1236] : memref<1x3x64x512xf32, #tpu.memory_space<vmem>>, vector<1x1x1x512xf32>
    %swap3A_1238 = vector.shape_cast %swap3A_1237 : vector<1x1x1x512xf32> to vector<512xf32>
    %swap3A_1239 = vector.shape_cast %get3A_1232 : vector<512xf32> to vector<1x1x1x512xf32>
    tpu.vector_store %arg3[%swap3A_1233, %swap3A_1234, %swap3A_1235, %swap3A_1236], %swap3A_1239 {strides = array<i32>} : memref<1x3x64x512xf32, #tpu.memory_space<vmem>>, vector<1x1x1x512xf32>,
    %get3A_1240 = arith.constant 17408 : index
    %get3A_1241 = vector.load %arg2[%get3A_1240] : memref<98304xf32, #tpu.memory_space<vmem>>, vector<512xf32>
    %swap3A_1242 = arith.constant 0 : index
    %swap3A_1243 = arith.constant 2 : index
    %swap3A_1244 = arith.constant 10 : index
    %swap3A_1245 = arith.constant 0 : index
    %swap3A_1246 = vector.load %arg3[%swap3A_1242, %swap3A_1243, %swap3A_1244, %swap3A_1245] : memref<1x3x64x512xf32, #tpu.memory_space<vmem>>, vector<1x1x1x512xf32>
    %swap3A_1247 = vector.shape_cast %swap3A_1246 : vector<1x1x1x512xf32> to vector<512xf32>
    %swap3A_1248 = vector.shape_cast %get3A_1241 : vector<512xf32> to vector<1x1x1x512xf32>
    tpu.vector_store %arg3[%swap3A_1242, %swap3A_1243, %swap3A_1244, %swap3A_1245], %swap3A_1248 {strides = array<i32>} : memref<1x3x64x512xf32, #tpu.memory_space<vmem>>, vector<1x1x1x512xf32>,
    %get3A_1249 = arith.constant 17920 : index
    %get3A_1250 = vector.load %arg2[%get3A_1249] : memref<98304xf32, #tpu.memory_space<vmem>>, vector<512xf32>
    %swap3A_1251 = arith.constant 0 : index
    %swap3A_1252 = arith.constant 2 : index
    %swap3A_1253 = arith.constant 11 : index
    %swap3A_1254 = arith.constant 0 : index
    %swap3A_1255 = vector.load %arg3[%swap3A_1251, %swap3A_1252, %swap3A_1253, %swap3A_1254] : memref<1x3x64x512xf32, #tpu.memory_space<vmem>>, vector<1x1x1x512xf32>
    %swap3A_1256 = vector.shape_cast %swap3A_1255 : vector<1x1x1x512xf32> to vector<512xf32>
    %swap3A_1257 = vector.shape_cast %get3A_1250 : vector<512xf32> to vector<1x1x1x512xf32>
    tpu.vector_store %arg3[%swap3A_1251, %swap3A_1252, %swap3A_1253, %swap3A_1254], %swap3A_1257 {strides = array<i32>} : memref<1x3x64x512xf32, #tpu.memory_space<vmem>>, vector<1x1x1x512xf32>,
    %get3A_1258 = arith.constant 20480 : index
    %get3A_1259 = vector.load %arg2[%get3A_1258] : memref<98304xf32, #tpu.memory_space<vmem>>, vector<512xf32>
    %swap3A_1260 = arith.constant 0 : index
    %swap3A_1261 = arith.constant 2 : index
    %swap3A_1262 = arith.constant 12 : index
    %swap3A_1263 = arith.constant 0 : index
    %swap3A_1264 = vector.load %arg3[%swap3A_1260, %swap3A_1261, %swap3A_1262, %swap3A_1263] : memref<1x3x64x512xf32, #tpu.memory_space<vmem>>, vector<1x1x1x512xf32>
    %swap3A_1265 = vector.shape_cast %swap3A_1264 : vector<1x1x1x512xf32> to vector<512xf32>
    %swap3A_1266 = vector.shape_cast %get3A_1259 : vector<512xf32> to vector<1x1x1x512xf32>
    tpu.vector_store %arg3[%swap3A_1260, %swap3A_1261, %swap3A_1262, %swap3A_1263], %swap3A_1266 {strides = array<i32>} : memref<1x3x64x512xf32, #tpu.memory_space<vmem>>, vector<1x1x1x512xf32>,
    %get3A_1267 = arith.constant 20992 : index
    %get3A_1268 = vector.load %arg2[%get3A_1267] : memref<98304xf32, #tpu.memory_space<vmem>>, vector<512xf32>
    %swap3A_1269 = arith.constant 0 : index
    %swap3A_1270 = arith.constant 2 : index
    %swap3A_1271 = arith.constant 13 : index
    %swap3A_1272 = arith.constant 0 : index
    %swap3A_1273 = vector.load %arg3[%swap3A_1269, %swap3A_1270, %swap3A_1271, %swap3A_1272] : memref<1x3x64x512xf32, #tpu.memory_space<vmem>>, vector<1x1x1x512xf32>
    %swap3A_1274 = vector.shape_cast %swap3A_1273 : vector<1x1x1x512xf32> to vector<512xf32>
    %swap3A_1275 = vector.shape_cast %get3A_1268 : vector<512xf32> to vector<1x1x1x512xf32>
    tpu.vector_store %arg3[%swap3A_1269, %swap3A_1270, %swap3A_1271, %swap3A_1272], %swap3A_1275 {strides = array<i32>} : memref<1x3x64x512xf32, #tpu.memory_space<vmem>>, vector<1x1x1x512xf32>,
    %get3A_1276 = arith.constant 23552 : index
    %get3A_1277 = vector.load %arg2[%get3A_1276] : memref<98304xf32, #tpu.memory_space<vmem>>, vector<512xf32>
    %swap3A_1278 = arith.constant 0 : index
    %swap3A_1279 = arith.constant 2 : index
    %swap3A_1280 = arith.constant 14 : index
    %swap3A_1281 = arith.constant 0 : index
    %swap3A_1282 = vector.load %arg3[%swap3A_1278, %swap3A_1279, %swap3A_1280, %swap3A_1281] : memref<1x3x64x512xf32, #tpu.memory_space<vmem>>, vector<1x1x1x512xf32>
    %swap3A_1283 = vector.shape_cast %swap3A_1282 : vector<1x1x1x512xf32> to vector<512xf32>
    %swap3A_1284 = vector.shape_cast %get3A_1277 : vector<512xf32> to vector<1x1x1x512xf32>
    tpu.vector_store %arg3[%swap3A_1278, %swap3A_1279, %swap3A_1280, %swap3A_1281], %swap3A_1284 {strides = array<i32>} : memref<1x3x64x512xf32, #tpu.memory_space<vmem>>, vector<1x1x1x512xf32>,
    %get3A_1285 = arith.constant 24064 : index
    %get3A_1286 = vector.load %arg2[%get3A_1285] : memref<98304xf32, #tpu.memory_space<vmem>>, vector<512xf32>
    %swap3A_1287 = arith.constant 0 : index
    %swap3A_1288 = arith.constant 2 : index
    %swap3A_1289 = arith.constant 15 : index
    %swap3A_1290 = arith.constant 0 : index
    %swap3A_1291 = vector.load %arg3[%swap3A_1287, %swap3A_1288, %swap3A_1289, %swap3A_1290] : memref<1x3x64x512xf32, #tpu.memory_space<vmem>>, vector<1x1x1x512xf32>
    %swap3A_1292 = vector.shape_cast %swap3A_1291 : vector<1x1x1x512xf32> to vector<512xf32>
    %swap3A_1293 = vector.shape_cast %get3A_1286 : vector<512xf32> to vector<1x1x1x512xf32>
    tpu.vector_store %arg3[%swap3A_1287, %swap3A_1288, %swap3A_1289, %swap3A_1290], %swap3A_1293 {strides = array<i32>} : memref<1x3x64x512xf32, #tpu.memory_space<vmem>>, vector<1x1x1x512xf32>,
    %get3A_1294 = arith.constant 26624 : index
    %get3A_1295 = vector.load %arg2[%get3A_1294] : memref<98304xf32, #tpu.memory_space<vmem>>, vector<512xf32>
    %swap3A_1296 = arith.constant 0 : index
    %swap3A_1297 = arith.constant 2 : index
    %swap3A_1298 = arith.constant 16 : index
    %swap3A_1299 = arith.constant 0 : index
    %swap3A_1300 = vector.load %arg3[%swap3A_1296, %swap3A_1297, %swap3A_1298, %swap3A_1299] : memref<1x3x64x512xf32, #tpu.memory_space<vmem>>, vector<1x1x1x512xf32>
    %swap3A_1301 = vector.shape_cast %swap3A_1300 : vector<1x1x1x512xf32> to vector<512xf32>
    %swap3A_1302 = vector.shape_cast %get3A_1295 : vector<512xf32> to vector<1x1x1x512xf32>
    tpu.vector_store %arg3[%swap3A_1296, %swap3A_1297, %swap3A_1298, %swap3A_1299], %swap3A_1302 {strides = array<i32>} : memref<1x3x64x512xf32, #tpu.memory_space<vmem>>, vector<1x1x1x512xf32>,
    %get3A_1303 = arith.constant 27136 : index
    %get3A_1304 = vector.load %arg2[%get3A_1303] : memref<98304xf32, #tpu.memory_space<vmem>>, vector<512xf32>
    %swap3A_1305 = arith.constant 0 : index
    %swap3A_1306 = arith.constant 2 : index
    %swap3A_1307 = arith.constant 17 : index
    %swap3A_1308 = arith.constant 0 : index
    %swap3A_1309 = vector.load %arg3[%swap3A_1305, %swap3A_1306, %swap3A_1307, %swap3A_1308] : memref<1x3x64x512xf32, #tpu.memory_space<vmem>>, vector<1x1x1x512xf32>
    %swap3A_1310 = vector.shape_cast %swap3A_1309 : vector<1x1x1x512xf32> to vector<512xf32>
    %swap3A_1311 = vector.shape_cast %get3A_1304 : vector<512xf32> to vector<1x1x1x512xf32>
    tpu.vector_store %arg3[%swap3A_1305, %swap3A_1306, %swap3A_1307, %swap3A_1308], %swap3A_1311 {strides = array<i32>} : memref<1x3x64x512xf32, #tpu.memory_space<vmem>>, vector<1x1x1x512xf32>,
    %get3A_1312 = arith.constant 29696 : index
    %get3A_1313 = vector.load %arg2[%get3A_1312] : memref<98304xf32, #tpu.memory_space<vmem>>, vector<512xf32>
    %swap3A_1314 = arith.constant 0 : index
    %swap3A_1315 = arith.constant 2 : index
    %swap3A_1316 = arith.constant 18 : index
    %swap3A_1317 = arith.constant 0 : index
    %swap3A_1318 = vector.load %arg3[%swap3A_1314, %swap3A_1315, %swap3A_1316, %swap3A_1317] : memref<1x3x64x512xf32, #tpu.memory_space<vmem>>, vector<1x1x1x512xf32>
    %swap3A_1319 = vector.shape_cast %swap3A_1318 : vector<1x1x1x512xf32> to vector<512xf32>
    %swap3A_1320 = vector.shape_cast %get3A_1313 : vector<512xf32> to vector<1x1x1x512xf32>
    tpu.vector_store %arg3[%swap3A_1314, %swap3A_1315, %swap3A_1316, %swap3A_1317], %swap3A_1320 {strides = array<i32>} : memref<1x3x64x512xf32, #tpu.memory_space<vmem>>, vector<1x1x1x512xf32>,
    %get3A_1321 = arith.constant 30208 : index
    %get3A_1322 = vector.load %arg2[%get3A_1321] : memref<98304xf32, #tpu.memory_space<vmem>>, vector<512xf32>
    %swap3A_1323 = arith.constant 0 : index
    %swap3A_1324 = arith.constant 2 : index
    %swap3A_1325 = arith.constant 19 : index
    %swap3A_1326 = arith.constant 0 : index
    %swap3A_1327 = vector.load %arg3[%swap3A_1323, %swap3A_1324, %swap3A_1325, %swap3A_1326] : memref<1x3x64x512xf32, #tpu.memory_space<vmem>>, vector<1x1x1x512xf32>
    %swap3A_1328 = vector.shape_cast %swap3A_1327 : vector<1x1x1x512xf32> to vector<512xf32>
    %swap3A_1329 = vector.shape_cast %get3A_1322 : vector<512xf32> to vector<1x1x1x512xf32>
    tpu.vector_store %arg3[%swap3A_1323, %swap3A_1324, %swap3A_1325, %swap3A_1326], %swap3A_1329 {strides = array<i32>} : memref<1x3x64x512xf32, #tpu.memory_space<vmem>>, vector<1x1x1x512xf32>,
    %get3A_1330 = arith.constant 32768 : index
    %get3A_1331 = vector.load %arg2[%get3A_1330] : memref<98304xf32, #tpu.memory_space<vmem>>, vector<512xf32>
    %swap3A_1332 = arith.constant 0 : index
    %swap3A_1333 = arith.constant 2 : index
    %swap3A_1334 = arith.constant 20 : index
    %swap3A_1335 = arith.constant 0 : index
    %swap3A_1336 = vector.load %arg3[%swap3A_1332, %swap3A_1333, %swap3A_1334, %swap3A_1335] : memref<1x3x64x512xf32, #tpu.memory_space<vmem>>, vector<1x1x1x512xf32>
    %swap3A_1337 = vector.shape_cast %swap3A_1336 : vector<1x1x1x512xf32> to vector<512xf32>
    %swap3A_1338 = vector.shape_cast %get3A_1331 : vector<512xf32> to vector<1x1x1x512xf32>
    tpu.vector_store %arg3[%swap3A_1332, %swap3A_1333, %swap3A_1334, %swap3A_1335], %swap3A_1338 {strides = array<i32>} : memref<1x3x64x512xf32, #tpu.memory_space<vmem>>, vector<1x1x1x512xf32>,
    %get3A_1339 = arith.constant 33280 : index
    %get3A_1340 = vector.load %arg2[%get3A_1339] : memref<98304xf32, #tpu.memory_space<vmem>>, vector<512xf32>
    %swap3A_1341 = arith.constant 0 : index
    %swap3A_1342 = arith.constant 2 : index
    %swap3A_1343 = arith.constant 21 : index
    %swap3A_1344 = arith.constant 0 : index
    %swap3A_1345 = vector.load %arg3[%swap3A_1341, %swap3A_1342, %swap3A_1343, %swap3A_1344] : memref<1x3x64x512xf32, #tpu.memory_space<vmem>>, vector<1x1x1x512xf32>
    %swap3A_1346 = vector.shape_cast %swap3A_1345 : vector<1x1x1x512xf32> to vector<512xf32>
    %swap3A_1347 = vector.shape_cast %get3A_1340 : vector<512xf32> to vector<1x1x1x512xf32>
    tpu.vector_store %arg3[%swap3A_1341, %swap3A_1342, %swap3A_1343, %swap3A_1344], %swap3A_1347 {strides = array<i32>} : memref<1x3x64x512xf32, #tpu.memory_space<vmem>>, vector<1x1x1x512xf32>,
    %get3A_1348 = arith.constant 35840 : index
    %get3A_1349 = vector.load %arg2[%get3A_1348] : memref<98304xf32, #tpu.memory_space<vmem>>, vector<512xf32>
    %swap3A_1350 = arith.constant 0 : index
    %swap3A_1351 = arith.constant 2 : index
    %swap3A_1352 = arith.constant 22 : index
    %swap3A_1353 = arith.constant 0 : index
    %swap3A_1354 = vector.load %arg3[%swap3A_1350, %swap3A_1351, %swap3A_1352, %swap3A_1353] : memref<1x3x64x512xf32, #tpu.memory_space<vmem>>, vector<1x1x1x512xf32>
    %swap3A_1355 = vector.shape_cast %swap3A_1354 : vector<1x1x1x512xf32> to vector<512xf32>
    %swap3A_1356 = vector.shape_cast %get3A_1349 : vector<512xf32> to vector<1x1x1x512xf32>
    tpu.vector_store %arg3[%swap3A_1350, %swap3A_1351, %swap3A_1352, %swap3A_1353], %swap3A_1356 {strides = array<i32>} : memref<1x3x64x512xf32, #tpu.memory_space<vmem>>, vector<1x1x1x512xf32>,
    %get3A_1357 = arith.constant 36352 : index
    %get3A_1358 = vector.load %arg2[%get3A_1357] : memref<98304xf32, #tpu.memory_space<vmem>>, vector<512xf32>
    %swap3A_1359 = arith.constant 0 : index
    %swap3A_1360 = arith.constant 2 : index
    %swap3A_1361 = arith.constant 23 : index
    %swap3A_1362 = arith.constant 0 : index
    %swap3A_1363 = vector.load %arg3[%swap3A_1359, %swap3A_1360, %swap3A_1361, %swap3A_1362] : memref<1x3x64x512xf32, #tpu.memory_space<vmem>>, vector<1x1x1x512xf32>
    %swap3A_1364 = vector.shape_cast %swap3A_1363 : vector<1x1x1x512xf32> to vector<512xf32>
    %swap3A_1365 = vector.shape_cast %get3A_1358 : vector<512xf32> to vector<1x1x1x512xf32>
    tpu.vector_store %arg3[%swap3A_1359, %swap3A_1360, %swap3A_1361, %swap3A_1362], %swap3A_1365 {strides = array<i32>} : memref<1x3x64x512xf32, #tpu.memory_space<vmem>>, vector<1x1x1x512xf32>,
    %get3A_1366 = arith.constant 38912 : index
    %get3A_1367 = vector.load %arg2[%get3A_1366] : memref<98304xf32, #tpu.memory_space<vmem>>, vector<512xf32>
    %swap3A_1368 = arith.constant 0 : index
    %swap3A_1369 = arith.constant 2 : index
    %swap3A_1370 = arith.constant 24 : index
    %swap3A_1371 = arith.constant 0 : index
    %swap3A_1372 = vector.load %arg3[%swap3A_1368, %swap3A_1369, %swap3A_1370, %swap3A_1371] : memref<1x3x64x512xf32, #tpu.memory_space<vmem>>, vector<1x1x1x512xf32>
    %swap3A_1373 = vector.shape_cast %swap3A_1372 : vector<1x1x1x512xf32> to vector<512xf32>
    %swap3A_1374 = vector.shape_cast %get3A_1367 : vector<512xf32> to vector<1x1x1x512xf32>
    tpu.vector_store %arg3[%swap3A_1368, %swap3A_1369, %swap3A_1370, %swap3A_1371], %swap3A_1374 {strides = array<i32>} : memref<1x3x64x512xf32, #tpu.memory_space<vmem>>, vector<1x1x1x512xf32>,
    %get3A_1375 = arith.constant 39424 : index
    %get3A_1376 = vector.load %arg2[%get3A_1375] : memref<98304xf32, #tpu.memory_space<vmem>>, vector<512xf32>
    %swap3A_1377 = arith.constant 0 : index
    %swap3A_1378 = arith.constant 2 : index
    %swap3A_1379 = arith.constant 25 : index
    %swap3A_1380 = arith.constant 0 : index
    %swap3A_1381 = vector.load %arg3[%swap3A_1377, %swap3A_1378, %swap3A_1379, %swap3A_1380] : memref<1x3x64x512xf32, #tpu.memory_space<vmem>>, vector<1x1x1x512xf32>
    %swap3A_1382 = vector.shape_cast %swap3A_1381 : vector<1x1x1x512xf32> to vector<512xf32>
    %swap3A_1383 = vector.shape_cast %get3A_1376 : vector<512xf32> to vector<1x1x1x512xf32>
    tpu.vector_store %arg3[%swap3A_1377, %swap3A_1378, %swap3A_1379, %swap3A_1380], %swap3A_1383 {strides = array<i32>} : memref<1x3x64x512xf32, #tpu.memory_space<vmem>>, vector<1x1x1x512xf32>,
    %get3A_1384 = arith.constant 41984 : index
    %get3A_1385 = vector.load %arg2[%get3A_1384] : memref<98304xf32, #tpu.memory_space<vmem>>, vector<512xf32>
    %swap3A_1386 = arith.constant 0 : index
    %swap3A_1387 = arith.constant 2 : index
    %swap3A_1388 = arith.constant 26 : index
    %swap3A_1389 = arith.constant 0 : index
    %swap3A_1390 = vector.load %arg3[%swap3A_1386, %swap3A_1387, %swap3A_1388, %swap3A_1389] : memref<1x3x64x512xf32, #tpu.memory_space<vmem>>, vector<1x1x1x512xf32>
    %swap3A_1391 = vector.shape_cast %swap3A_1390 : vector<1x1x1x512xf32> to vector<512xf32>
    %swap3A_1392 = vector.shape_cast %get3A_1385 : vector<512xf32> to vector<1x1x1x512xf32>
    tpu.vector_store %arg3[%swap3A_1386, %swap3A_1387, %swap3A_1388, %swap3A_1389], %swap3A_1392 {strides = array<i32>} : memref<1x3x64x512xf32, #tpu.memory_space<vmem>>, vector<1x1x1x512xf32>,
    %get3A_1393 = arith.constant 42496 : index
    %get3A_1394 = vector.load %arg2[%get3A_1393] : memref<98304xf32, #tpu.memory_space<vmem>>, vector<512xf32>
    %swap3A_1395 = arith.constant 0 : index
    %swap3A_1396 = arith.constant 2 : index
    %swap3A_1397 = arith.constant 27 : index
    %swap3A_1398 = arith.constant 0 : index
    %swap3A_1399 = vector.load %arg3[%swap3A_1395, %swap3A_1396, %swap3A_1397, %swap3A_1398] : memref<1x3x64x512xf32, #tpu.memory_space<vmem>>, vector<1x1x1x512xf32>
    %swap3A_1400 = vector.shape_cast %swap3A_1399 : vector<1x1x1x512xf32> to vector<512xf32>
    %swap3A_1401 = vector.shape_cast %get3A_1394 : vector<512xf32> to vector<1x1x1x512xf32>
    tpu.vector_store %arg3[%swap3A_1395, %swap3A_1396, %swap3A_1397, %swap3A_1398], %swap3A_1401 {strides = array<i32>} : memref<1x3x64x512xf32, #tpu.memory_space<vmem>>, vector<1x1x1x512xf32>,
    %get3A_1402 = arith.constant 45056 : index
    %get3A_1403 = vector.load %arg2[%get3A_1402] : memref<98304xf32, #tpu.memory_space<vmem>>, vector<512xf32>
    %swap3A_1404 = arith.constant 0 : index
    %swap3A_1405 = arith.constant 2 : index
    %swap3A_1406 = arith.constant 28 : index
    %swap3A_1407 = arith.constant 0 : index
    %swap3A_1408 = vector.load %arg3[%swap3A_1404, %swap3A_1405, %swap3A_1406, %swap3A_1407] : memref<1x3x64x512xf32, #tpu.memory_space<vmem>>, vector<1x1x1x512xf32>
    %swap3A_1409 = vector.shape_cast %swap3A_1408 : vector<1x1x1x512xf32> to vector<512xf32>
    %swap3A_1410 = vector.shape_cast %get3A_1403 : vector<512xf32> to vector<1x1x1x512xf32>
    tpu.vector_store %arg3[%swap3A_1404, %swap3A_1405, %swap3A_1406, %swap3A_1407], %swap3A_1410 {strides = array<i32>} : memref<1x3x64x512xf32, #tpu.memory_space<vmem>>, vector<1x1x1x512xf32>,
    %get3A_1411 = arith.constant 45568 : index
    %get3A_1412 = vector.load %arg2[%get3A_1411] : memref<98304xf32, #tpu.memory_space<vmem>>, vector<512xf32>
    %swap3A_1413 = arith.constant 0 : index
    %swap3A_1414 = arith.constant 2 : index
    %swap3A_1415 = arith.constant 29 : index
    %swap3A_1416 = arith.constant 0 : index
    %swap3A_1417 = vector.load %arg3[%swap3A_1413, %swap3A_1414, %swap3A_1415, %swap3A_1416] : memref<1x3x64x512xf32, #tpu.memory_space<vmem>>, vector<1x1x1x512xf32>
    %swap3A_1418 = vector.shape_cast %swap3A_1417 : vector<1x1x1x512xf32> to vector<512xf32>
    %swap3A_1419 = vector.shape_cast %get3A_1412 : vector<512xf32> to vector<1x1x1x512xf32>
    tpu.vector_store %arg3[%swap3A_1413, %swap3A_1414, %swap3A_1415, %swap3A_1416], %swap3A_1419 {strides = array<i32>} : memref<1x3x64x512xf32, #tpu.memory_space<vmem>>, vector<1x1x1x512xf32>,
    %get3A_1420 = arith.constant 48128 : index
    %get3A_1421 = vector.load %arg2[%get3A_1420] : memref<98304xf32, #tpu.memory_space<vmem>>, vector<512xf32>
    %swap3A_1422 = arith.constant 0 : index
    %swap3A_1423 = arith.constant 2 : index
    %swap3A_1424 = arith.constant 30 : index
    %swap3A_1425 = arith.constant 0 : index
    %swap3A_1426 = vector.load %arg3[%swap3A_1422, %swap3A_1423, %swap3A_1424, %swap3A_1425] : memref<1x3x64x512xf32, #tpu.memory_space<vmem>>, vector<1x1x1x512xf32>
    %swap3A_1427 = vector.shape_cast %swap3A_1426 : vector<1x1x1x512xf32> to vector<512xf32>
    %swap3A_1428 = vector.shape_cast %get3A_1421 : vector<512xf32> to vector<1x1x1x512xf32>
    tpu.vector_store %arg3[%swap3A_1422, %swap3A_1423, %swap3A_1424, %swap3A_1425], %swap3A_1428 {strides = array<i32>} : memref<1x3x64x512xf32, #tpu.memory_space<vmem>>, vector<1x1x1x512xf32>,
    %get3A_1429 = arith.constant 48640 : index
    %get3A_1430 = vector.load %arg2[%get3A_1429] : memref<98304xf32, #tpu.memory_space<vmem>>, vector<512xf32>
    %swap3A_1431 = arith.constant 0 : index
    %swap3A_1432 = arith.constant 2 : index
    %swap3A_1433 = arith.constant 31 : index
    %swap3A_1434 = arith.constant 0 : index
    %swap3A_1435 = vector.load %arg3[%swap3A_1431, %swap3A_1432, %swap3A_1433, %swap3A_1434] : memref<1x3x64x512xf32, #tpu.memory_space<vmem>>, vector<1x1x1x512xf32>
    %swap3A_1436 = vector.shape_cast %swap3A_1435 : vector<1x1x1x512xf32> to vector<512xf32>
    %swap3A_1437 = vector.shape_cast %get3A_1430 : vector<512xf32> to vector<1x1x1x512xf32>
    tpu.vector_store %arg3[%swap3A_1431, %swap3A_1432, %swap3A_1433, %swap3A_1434], %swap3A_1437 {strides = array<i32>} : memref<1x3x64x512xf32, #tpu.memory_space<vmem>>, vector<1x1x1x512xf32>,
    %get3A_1438 = arith.constant 51200 : index
    %get3A_1439 = vector.load %arg2[%get3A_1438] : memref<98304xf32, #tpu.memory_space<vmem>>, vector<512xf32>
    %swap3A_1440 = arith.constant 0 : index
    %swap3A_1441 = arith.constant 2 : index
    %swap3A_1442 = arith.constant 32 : index
    %swap3A_1443 = arith.constant 0 : index
    %swap3A_1444 = vector.load %arg3[%swap3A_1440, %swap3A_1441, %swap3A_1442, %swap3A_1443] : memref<1x3x64x512xf32, #tpu.memory_space<vmem>>, vector<1x1x1x512xf32>
    %swap3A_1445 = vector.shape_cast %swap3A_1444 : vector<1x1x1x512xf32> to vector<512xf32>
    %swap3A_1446 = vector.shape_cast %get3A_1439 : vector<512xf32> to vector<1x1x1x512xf32>
    tpu.vector_store %arg3[%swap3A_1440, %swap3A_1441, %swap3A_1442, %swap3A_1443], %swap3A_1446 {strides = array<i32>} : memref<1x3x64x512xf32, #tpu.memory_space<vmem>>, vector<1x1x1x512xf32>,
    %get3A_1447 = arith.constant 51712 : index
    %get3A_1448 = vector.load %arg2[%get3A_1447] : memref<98304xf32, #tpu.memory_space<vmem>>, vector<512xf32>
    %swap3A_1449 = arith.constant 0 : index
    %swap3A_1450 = arith.constant 2 : index
    %swap3A_1451 = arith.constant 33 : index
    %swap3A_1452 = arith.constant 0 : index
    %swap3A_1453 = vector.load %arg3[%swap3A_1449, %swap3A_1450, %swap3A_1451, %swap3A_1452] : memref<1x3x64x512xf32, #tpu.memory_space<vmem>>, vector<1x1x1x512xf32>
    %swap3A_1454 = vector.shape_cast %swap3A_1453 : vector<1x1x1x512xf32> to vector<512xf32>
    %swap3A_1455 = vector.shape_cast %get3A_1448 : vector<512xf32> to vector<1x1x1x512xf32>
    tpu.vector_store %arg3[%swap3A_1449, %swap3A_1450, %swap3A_1451, %swap3A_1452], %swap3A_1455 {strides = array<i32>} : memref<1x3x64x512xf32, #tpu.memory_space<vmem>>, vector<1x1x1x512xf32>,
    %get3A_1456 = arith.constant 54272 : index
    %get3A_1457 = vector.load %arg2[%get3A_1456] : memref<98304xf32, #tpu.memory_space<vmem>>, vector<512xf32>
    %swap3A_1458 = arith.constant 0 : index
    %swap3A_1459 = arith.constant 2 : index
    %swap3A_1460 = arith.constant 34 : index
    %swap3A_1461 = arith.constant 0 : index
    %swap3A_1462 = vector.load %arg3[%swap3A_1458, %swap3A_1459, %swap3A_1460, %swap3A_1461] : memref<1x3x64x512xf32, #tpu.memory_space<vmem>>, vector<1x1x1x512xf32>
    %swap3A_1463 = vector.shape_cast %swap3A_1462 : vector<1x1x1x512xf32> to vector<512xf32>
    %swap3A_1464 = vector.shape_cast %get3A_1457 : vector<512xf32> to vector<1x1x1x512xf32>
    tpu.vector_store %arg3[%swap3A_1458, %swap3A_1459, %swap3A_1460, %swap3A_1461], %swap3A_1464 {strides = array<i32>} : memref<1x3x64x512xf32, #tpu.memory_space<vmem>>, vector<1x1x1x512xf32>,
    %get3A_1465 = arith.constant 54784 : index
    %get3A_1466 = vector.load %arg2[%get3A_1465] : memref<98304xf32, #tpu.memory_space<vmem>>, vector<512xf32>
    %swap3A_1467 = arith.constant 0 : index
    %swap3A_1468 = arith.constant 2 : index
    %swap3A_1469 = arith.constant 35 : index
    %swap3A_1470 = arith.constant 0 : index
    %swap3A_1471 = vector.load %arg3[%swap3A_1467, %swap3A_1468, %swap3A_1469, %swap3A_1470] : memref<1x3x64x512xf32, #tpu.memory_space<vmem>>, vector<1x1x1x512xf32>
    %swap3A_1472 = vector.shape_cast %swap3A_1471 : vector<1x1x1x512xf32> to vector<512xf32>
    %swap3A_1473 = vector.shape_cast %get3A_1466 : vector<512xf32> to vector<1x1x1x512xf32>
    tpu.vector_store %arg3[%swap3A_1467, %swap3A_1468, %swap3A_1469, %swap3A_1470], %swap3A_1473 {strides = array<i32>} : memref<1x3x64x512xf32, #tpu.memory_space<vmem>>, vector<1x1x1x512xf32>,
    %get3A_1474 = arith.constant 57344 : index
    %get3A_1475 = vector.load %arg2[%get3A_1474] : memref<98304xf32, #tpu.memory_space<vmem>>, vector<512xf32>
    %swap3A_1476 = arith.constant 0 : index
    %swap3A_1477 = arith.constant 2 : index
    %swap3A_1478 = arith.constant 36 : index
    %swap3A_1479 = arith.constant 0 : index
    %swap3A_1480 = vector.load %arg3[%swap3A_1476, %swap3A_1477, %swap3A_1478, %swap3A_1479] : memref<1x3x64x512xf32, #tpu.memory_space<vmem>>, vector<1x1x1x512xf32>
    %swap3A_1481 = vector.shape_cast %swap3A_1480 : vector<1x1x1x512xf32> to vector<512xf32>
    %swap3A_1482 = vector.shape_cast %get3A_1475 : vector<512xf32> to vector<1x1x1x512xf32>
    tpu.vector_store %arg3[%swap3A_1476, %swap3A_1477, %swap3A_1478, %swap3A_1479], %swap3A_1482 {strides = array<i32>} : memref<1x3x64x512xf32, #tpu.memory_space<vmem>>, vector<1x1x1x512xf32>,
    %get3A_1483 = arith.constant 57856 : index
    %get3A_1484 = vector.load %arg2[%get3A_1483] : memref<98304xf32, #tpu.memory_space<vmem>>, vector<512xf32>
    %swap3A_1485 = arith.constant 0 : index
    %swap3A_1486 = arith.constant 2 : index
    %swap3A_1487 = arith.constant 37 : index
    %swap3A_1488 = arith.constant 0 : index
    %swap3A_1489 = vector.load %arg3[%swap3A_1485, %swap3A_1486, %swap3A_1487, %swap3A_1488] : memref<1x3x64x512xf32, #tpu.memory_space<vmem>>, vector<1x1x1x512xf32>
    %swap3A_1490 = vector.shape_cast %swap3A_1489 : vector<1x1x1x512xf32> to vector<512xf32>
    %swap3A_1491 = vector.shape_cast %get3A_1484 : vector<512xf32> to vector<1x1x1x512xf32>
    tpu.vector_store %arg3[%swap3A_1485, %swap3A_1486, %swap3A_1487, %swap3A_1488], %swap3A_1491 {strides = array<i32>} : memref<1x3x64x512xf32, #tpu.memory_space<vmem>>, vector<1x1x1x512xf32>,
    %get3A_1492 = arith.constant 60416 : index
    %get3A_1493 = vector.load %arg2[%get3A_1492] : memref<98304xf32, #tpu.memory_space<vmem>>, vector<512xf32>
    %swap3A_1494 = arith.constant 0 : index
    %swap3A_1495 = arith.constant 2 : index
    %swap3A_1496 = arith.constant 38 : index
    %swap3A_1497 = arith.constant 0 : index
    %swap3A_1498 = vector.load %arg3[%swap3A_1494, %swap3A_1495, %swap3A_1496, %swap3A_1497] : memref<1x3x64x512xf32, #tpu.memory_space<vmem>>, vector<1x1x1x512xf32>
    %swap3A_1499 = vector.shape_cast %swap3A_1498 : vector<1x1x1x512xf32> to vector<512xf32>
    %swap3A_1500 = vector.shape_cast %get3A_1493 : vector<512xf32> to vector<1x1x1x512xf32>
    tpu.vector_store %arg3[%swap3A_1494, %swap3A_1495, %swap3A_1496, %swap3A_1497], %swap3A_1500 {strides = array<i32>} : memref<1x3x64x512xf32, #tpu.memory_space<vmem>>, vector<1x1x1x512xf32>,
    %get3A_1501 = arith.constant 60928 : index
    %get3A_1502 = vector.load %arg2[%get3A_1501] : memref<98304xf32, #tpu.memory_space<vmem>>, vector<512xf32>
    %swap3A_1503 = arith.constant 0 : index
    %swap3A_1504 = arith.constant 2 : index
    %swap3A_1505 = arith.constant 39 : index
    %swap3A_1506 = arith.constant 0 : index
    %swap3A_1507 = vector.load %arg3[%swap3A_1503, %swap3A_1504, %swap3A_1505, %swap3A_1506] : memref<1x3x64x512xf32, #tpu.memory_space<vmem>>, vector<1x1x1x512xf32>
    %swap3A_1508 = vector.shape_cast %swap3A_1507 : vector<1x1x1x512xf32> to vector<512xf32>
    %swap3A_1509 = vector.shape_cast %get3A_1502 : vector<512xf32> to vector<1x1x1x512xf32>
    tpu.vector_store %arg3[%swap3A_1503, %swap3A_1504, %swap3A_1505, %swap3A_1506], %swap3A_1509 {strides = array<i32>} : memref<1x3x64x512xf32, #tpu.memory_space<vmem>>, vector<1x1x1x512xf32>,
    %get3A_1510 = arith.constant 63488 : index
    %get3A_1511 = vector.load %arg2[%get3A_1510] : memref<98304xf32, #tpu.memory_space<vmem>>, vector<512xf32>
    %swap3A_1512 = arith.constant 0 : index
    %swap3A_1513 = arith.constant 2 : index
    %swap3A_1514 = arith.constant 40 : index
    %swap3A_1515 = arith.constant 0 : index
    %swap3A_1516 = vector.load %arg3[%swap3A_1512, %swap3A_1513, %swap3A_1514, %swap3A_1515] : memref<1x3x64x512xf32, #tpu.memory_space<vmem>>, vector<1x1x1x512xf32>
    %swap3A_1517 = vector.shape_cast %swap3A_1516 : vector<1x1x1x512xf32> to vector<512xf32>
    %swap3A_1518 = vector.shape_cast %get3A_1511 : vector<512xf32> to vector<1x1x1x512xf32>
    tpu.vector_store %arg3[%swap3A_1512, %swap3A_1513, %swap3A_1514, %swap3A_1515], %swap3A_1518 {strides = array<i32>} : memref<1x3x64x512xf32, #tpu.memory_space<vmem>>, vector<1x1x1x512xf32>,
    %get3A_1519 = arith.constant 64000 : index
    %get3A_1520 = vector.load %arg2[%get3A_1519] : memref<98304xf32, #tpu.memory_space<vmem>>, vector<512xf32>
    %swap3A_1521 = arith.constant 0 : index
    %swap3A_1522 = arith.constant 2 : index
    %swap3A_1523 = arith.constant 41 : index
    %swap3A_1524 = arith.constant 0 : index
    %swap3A_1525 = vector.load %arg3[%swap3A_1521, %swap3A_1522, %swap3A_1523, %swap3A_1524] : memref<1x3x64x512xf32, #tpu.memory_space<vmem>>, vector<1x1x1x512xf32>
    %swap3A_1526 = vector.shape_cast %swap3A_1525 : vector<1x1x1x512xf32> to vector<512xf32>
    %swap3A_1527 = vector.shape_cast %get3A_1520 : vector<512xf32> to vector<1x1x1x512xf32>
    tpu.vector_store %arg3[%swap3A_1521, %swap3A_1522, %swap3A_1523, %swap3A_1524], %swap3A_1527 {strides = array<i32>} : memref<1x3x64x512xf32, #tpu.memory_space<vmem>>, vector<1x1x1x512xf32>,
    %get3A_1528 = arith.constant 66560 : index
    %get3A_1529 = vector.load %arg2[%get3A_1528] : memref<98304xf32, #tpu.memory_space<vmem>>, vector<512xf32>
    %swap3A_1530 = arith.constant 0 : index
    %swap3A_1531 = arith.constant 2 : index
    %swap3A_1532 = arith.constant 42 : index
    %swap3A_1533 = arith.constant 0 : index
    %swap3A_1534 = vector.load %arg3[%swap3A_1530, %swap3A_1531, %swap3A_1532, %swap3A_1533] : memref<1x3x64x512xf32, #tpu.memory_space<vmem>>, vector<1x1x1x512xf32>
    %swap3A_1535 = vector.shape_cast %swap3A_1534 : vector<1x1x1x512xf32> to vector<512xf32>
    %swap3A_1536 = vector.shape_cast %get3A_1529 : vector<512xf32> to vector<1x1x1x512xf32>
    tpu.vector_store %arg3[%swap3A_1530, %swap3A_1531, %swap3A_1532, %swap3A_1533], %swap3A_1536 {strides = array<i32>} : memref<1x3x64x512xf32, #tpu.memory_space<vmem>>, vector<1x1x1x512xf32>,
    %get3A_1537 = arith.constant 67072 : index
    %get3A_1538 = vector.load %arg2[%get3A_1537] : memref<98304xf32, #tpu.memory_space<vmem>>, vector<512xf32>
    %swap3A_1539 = arith.constant 0 : index
    %swap3A_1540 = arith.constant 2 : index
    %swap3A_1541 = arith.constant 43 : index
    %swap3A_1542 = arith.constant 0 : index
    %swap3A_1543 = vector.load %arg3[%swap3A_1539, %swap3A_1540, %swap3A_1541, %swap3A_1542] : memref<1x3x64x512xf32, #tpu.memory_space<vmem>>, vector<1x1x1x512xf32>
    %swap3A_1544 = vector.shape_cast %swap3A_1543 : vector<1x1x1x512xf32> to vector<512xf32>
    %swap3A_1545 = vector.shape_cast %get3A_1538 : vector<512xf32> to vector<1x1x1x512xf32>
    tpu.vector_store %arg3[%swap3A_1539, %swap3A_1540, %swap3A_1541, %swap3A_1542], %swap3A_1545 {strides = array<i32>} : memref<1x3x64x512xf32, #tpu.memory_space<vmem>>, vector<1x1x1x512xf32>,
    %get3A_1546 = arith.constant 69632 : index
    %get3A_1547 = vector.load %arg2[%get3A_1546] : memref<98304xf32, #tpu.memory_space<vmem>>, vector<512xf32>
    %swap3A_1548 = arith.constant 0 : index
    %swap3A_1549 = arith.constant 2 : index
    %swap3A_1550 = arith.constant 44 : index
    %swap3A_1551 = arith.constant 0 : index
    %swap3A_1552 = vector.load %arg3[%swap3A_1548, %swap3A_1549, %swap3A_1550, %swap3A_1551] : memref<1x3x64x512xf32, #tpu.memory_space<vmem>>, vector<1x1x1x512xf32>
    %swap3A_1553 = vector.shape_cast %swap3A_1552 : vector<1x1x1x512xf32> to vector<512xf32>
    %swap3A_1554 = vector.shape_cast %get3A_1547 : vector<512xf32> to vector<1x1x1x512xf32>
    tpu.vector_store %arg3[%swap3A_1548, %swap3A_1549, %swap3A_1550, %swap3A_1551], %swap3A_1554 {strides = array<i32>} : memref<1x3x64x512xf32, #tpu.memory_space<vmem>>, vector<1x1x1x512xf32>,
    %get3A_1555 = arith.constant 70144 : index
    %get3A_1556 = vector.load %arg2[%get3A_1555] : memref<98304xf32, #tpu.memory_space<vmem>>, vector<512xf32>
    %swap3A_1557 = arith.constant 0 : index
    %swap3A_1558 = arith.constant 2 : index
    %swap3A_1559 = arith.constant 45 : index
    %swap3A_1560 = arith.constant 0 : index
    %swap3A_1561 = vector.load %arg3[%swap3A_1557, %swap3A_1558, %swap3A_1559, %swap3A_1560] : memref<1x3x64x512xf32, #tpu.memory_space<vmem>>, vector<1x1x1x512xf32>
    %swap3A_1562 = vector.shape_cast %swap3A_1561 : vector<1x1x1x512xf32> to vector<512xf32>
    %swap3A_1563 = vector.shape_cast %get3A_1556 : vector<512xf32> to vector<1x1x1x512xf32>
    tpu.vector_store %arg3[%swap3A_1557, %swap3A_1558, %swap3A_1559, %swap3A_1560], %swap3A_1563 {strides = array<i32>} : memref<1x3x64x512xf32, #tpu.memory_space<vmem>>, vector<1x1x1x512xf32>,
    %get3A_1564 = arith.constant 72704 : index
    %get3A_1565 = vector.load %arg2[%get3A_1564] : memref<98304xf32, #tpu.memory_space<vmem>>, vector<512xf32>
    %swap3A_1566 = arith.constant 0 : index
    %swap3A_1567 = arith.constant 2 : index
    %swap3A_1568 = arith.constant 46 : index
    %swap3A_1569 = arith.constant 0 : index
    %swap3A_1570 = vector.load %arg3[%swap3A_1566, %swap3A_1567, %swap3A_1568, %swap3A_1569] : memref<1x3x64x512xf32, #tpu.memory_space<vmem>>, vector<1x1x1x512xf32>
    %swap3A_1571 = vector.shape_cast %swap3A_1570 : vector<1x1x1x512xf32> to vector<512xf32>
    %swap3A_1572 = vector.shape_cast %get3A_1565 : vector<512xf32> to vector<1x1x1x512xf32>
    tpu.vector_store %arg3[%swap3A_1566, %swap3A_1567, %swap3A_1568, %swap3A_1569], %swap3A_1572 {strides = array<i32>} : memref<1x3x64x512xf32, #tpu.memory_space<vmem>>, vector<1x1x1x512xf32>,
    %get3A_1573 = arith.constant 73216 : index
    %get3A_1574 = vector.load %arg2[%get3A_1573] : memref<98304xf32, #tpu.memory_space<vmem>>, vector<512xf32>
    %swap3A_1575 = arith.constant 0 : index
    %swap3A_1576 = arith.constant 2 : index
    %swap3A_1577 = arith.constant 47 : index
    %swap3A_1578 = arith.constant 0 : index
    %swap3A_1579 = vector.load %arg3[%swap3A_1575, %swap3A_1576, %swap3A_1577, %swap3A_1578] : memref<1x3x64x512xf32, #tpu.memory_space<vmem>>, vector<1x1x1x512xf32>
    %swap3A_1580 = vector.shape_cast %swap3A_1579 : vector<1x1x1x512xf32> to vector<512xf32>
    %swap3A_1581 = vector.shape_cast %get3A_1574 : vector<512xf32> to vector<1x1x1x512xf32>
    tpu.vector_store %arg3[%swap3A_1575, %swap3A_1576, %swap3A_1577, %swap3A_1578], %swap3A_1581 {strides = array<i32>} : memref<1x3x64x512xf32, #tpu.memory_space<vmem>>, vector<1x1x1x512xf32>,
    %get3A_1582 = arith.constant 75776 : index
    %get3A_1583 = vector.load %arg2[%get3A_1582] : memref<98304xf32, #tpu.memory_space<vmem>>, vector<512xf32>
    %swap3A_1584 = arith.constant 0 : index
    %swap3A_1585 = arith.constant 2 : index
    %swap3A_1586 = arith.constant 48 : index
    %swap3A_1587 = arith.constant 0 : index
    %swap3A_1588 = vector.load %arg3[%swap3A_1584, %swap3A_1585, %swap3A_1586, %swap3A_1587] : memref<1x3x64x512xf32, #tpu.memory_space<vmem>>, vector<1x1x1x512xf32>
    %swap3A_1589 = vector.shape_cast %swap3A_1588 : vector<1x1x1x512xf32> to vector<512xf32>
    %swap3A_1590 = vector.shape_cast %get3A_1583 : vector<512xf32> to vector<1x1x1x512xf32>
    tpu.vector_store %arg3[%swap3A_1584, %swap3A_1585, %swap3A_1586, %swap3A_1587], %swap3A_1590 {strides = array<i32>} : memref<1x3x64x512xf32, #tpu.memory_space<vmem>>, vector<1x1x1x512xf32>,
    %get3A_1591 = arith.constant 76288 : index
    %get3A_1592 = vector.load %arg2[%get3A_1591] : memref<98304xf32, #tpu.memory_space<vmem>>, vector<512xf32>
    %swap3A_1593 = arith.constant 0 : index
    %swap3A_1594 = arith.constant 2 : index
    %swap3A_1595 = arith.constant 49 : index
    %swap3A_1596 = arith.constant 0 : index
    %swap3A_1597 = vector.load %arg3[%swap3A_1593, %swap3A_1594, %swap3A_1595, %swap3A_1596] : memref<1x3x64x512xf32, #tpu.memory_space<vmem>>, vector<1x1x1x512xf32>
    %swap3A_1598 = vector.shape_cast %swap3A_1597 : vector<1x1x1x512xf32> to vector<512xf32>
    %swap3A_1599 = vector.shape_cast %get3A_1592 : vector<512xf32> to vector<1x1x1x512xf32>
    tpu.vector_store %arg3[%swap3A_1593, %swap3A_1594, %swap3A_1595, %swap3A_1596], %swap3A_1599 {strides = array<i32>} : memref<1x3x64x512xf32, #tpu.memory_space<vmem>>, vector<1x1x1x512xf32>,
    %get3A_1600 = arith.constant 78848 : index
    %get3A_1601 = vector.load %arg2[%get3A_1600] : memref<98304xf32, #tpu.memory_space<vmem>>, vector<512xf32>
    %swap3A_1602 = arith.constant 0 : index
    %swap3A_1603 = arith.constant 2 : index
    %swap3A_1604 = arith.constant 50 : index
    %swap3A_1605 = arith.constant 0 : index
    %swap3A_1606 = vector.load %arg3[%swap3A_1602, %swap3A_1603, %swap3A_1604, %swap3A_1605] : memref<1x3x64x512xf32, #tpu.memory_space<vmem>>, vector<1x1x1x512xf32>
    %swap3A_1607 = vector.shape_cast %swap3A_1606 : vector<1x1x1x512xf32> to vector<512xf32>
    %swap3A_1608 = vector.shape_cast %get3A_1601 : vector<512xf32> to vector<1x1x1x512xf32>
    tpu.vector_store %arg3[%swap3A_1602, %swap3A_1603, %swap3A_1604, %swap3A_1605], %swap3A_1608 {strides = array<i32>} : memref<1x3x64x512xf32, #tpu.memory_space<vmem>>, vector<1x1x1x512xf32>,
    %get3A_1609 = arith.constant 79360 : index
    %get3A_1610 = vector.load %arg2[%get3A_1609] : memref<98304xf32, #tpu.memory_space<vmem>>, vector<512xf32>
    %swap3A_1611 = arith.constant 0 : index
    %swap3A_1612 = arith.constant 2 : index
    %swap3A_1613 = arith.constant 51 : index
    %swap3A_1614 = arith.constant 0 : index
    %swap3A_1615 = vector.load %arg3[%swap3A_1611, %swap3A_1612, %swap3A_1613, %swap3A_1614] : memref<1x3x64x512xf32, #tpu.memory_space<vmem>>, vector<1x1x1x512xf32>
    %swap3A_1616 = vector.shape_cast %swap3A_1615 : vector<1x1x1x512xf32> to vector<512xf32>
    %swap3A_1617 = vector.shape_cast %get3A_1610 : vector<512xf32> to vector<1x1x1x512xf32>
    tpu.vector_store %arg3[%swap3A_1611, %swap3A_1612, %swap3A_1613, %swap3A_1614], %swap3A_1617 {strides = array<i32>} : memref<1x3x64x512xf32, #tpu.memory_space<vmem>>, vector<1x1x1x512xf32>,
    %get3A_1618 = arith.constant 81920 : index
    %get3A_1619 = vector.load %arg2[%get3A_1618] : memref<98304xf32, #tpu.memory_space<vmem>>, vector<512xf32>
    %swap3A_1620 = arith.constant 0 : index
    %swap3A_1621 = arith.constant 2 : index
    %swap3A_1622 = arith.constant 52 : index
    %swap3A_1623 = arith.constant 0 : index
    %swap3A_1624 = vector.load %arg3[%swap3A_1620, %swap3A_1621, %swap3A_1622, %swap3A_1623] : memref<1x3x64x512xf32, #tpu.memory_space<vmem>>, vector<1x1x1x512xf32>
    %swap3A_1625 = vector.shape_cast %swap3A_1624 : vector<1x1x1x512xf32> to vector<512xf32>
    %swap3A_1626 = vector.shape_cast %get3A_1619 : vector<512xf32> to vector<1x1x1x512xf32>
    tpu.vector_store %arg3[%swap3A_1620, %swap3A_1621, %swap3A_1622, %swap3A_1623], %swap3A_1626 {strides = array<i32>} : memref<1x3x64x512xf32, #tpu.memory_space<vmem>>, vector<1x1x1x512xf32>,
    %get3A_1627 = arith.constant 82432 : index
    %get3A_1628 = vector.load %arg2[%get3A_1627] : memref<98304xf32, #tpu.memory_space<vmem>>, vector<512xf32>
    %swap3A_1629 = arith.constant 0 : index
    %swap3A_1630 = arith.constant 2 : index
    %swap3A_1631 = arith.constant 53 : index
    %swap3A_1632 = arith.constant 0 : index
    %swap3A_1633 = vector.load %arg3[%swap3A_1629, %swap3A_1630, %swap3A_1631, %swap3A_1632] : memref<1x3x64x512xf32, #tpu.memory_space<vmem>>, vector<1x1x1x512xf32>
    %swap3A_1634 = vector.shape_cast %swap3A_1633 : vector<1x1x1x512xf32> to vector<512xf32>
    %swap3A_1635 = vector.shape_cast %get3A_1628 : vector<512xf32> to vector<1x1x1x512xf32>
    tpu.vector_store %arg3[%swap3A_1629, %swap3A_1630, %swap3A_1631, %swap3A_1632], %swap3A_1635 {strides = array<i32>} : memref<1x3x64x512xf32, #tpu.memory_space<vmem>>, vector<1x1x1x512xf32>,
    %get3A_1636 = arith.constant 84992 : index
    %get3A_1637 = vector.load %arg2[%get3A_1636] : memref<98304xf32, #tpu.memory_space<vmem>>, vector<512xf32>
    %swap3A_1638 = arith.constant 0 : index
    %swap3A_1639 = arith.constant 2 : index
    %swap3A_1640 = arith.constant 54 : index
    %swap3A_1641 = arith.constant 0 : index
    %swap3A_1642 = vector.load %arg3[%swap3A_1638, %swap3A_1639, %swap3A_1640, %swap3A_1641] : memref<1x3x64x512xf32, #tpu.memory_space<vmem>>, vector<1x1x1x512xf32>
    %swap3A_1643 = vector.shape_cast %swap3A_1642 : vector<1x1x1x512xf32> to vector<512xf32>
    %swap3A_1644 = vector.shape_cast %get3A_1637 : vector<512xf32> to vector<1x1x1x512xf32>
    tpu.vector_store %arg3[%swap3A_1638, %swap3A_1639, %swap3A_1640, %swap3A_1641], %swap3A_1644 {strides = array<i32>} : memref<1x3x64x512xf32, #tpu.memory_space<vmem>>, vector<1x1x1x512xf32>,
    %get3A_1645 = arith.constant 85504 : index
    %get3A_1646 = vector.load %arg2[%get3A_1645] : memref<98304xf32, #tpu.memory_space<vmem>>, vector<512xf32>
    %swap3A_1647 = arith.constant 0 : index
    %swap3A_1648 = arith.constant 2 : index
    %swap3A_1649 = arith.constant 55 : index
    %swap3A_1650 = arith.constant 0 : index
    %swap3A_1651 = vector.load %arg3[%swap3A_1647, %swap3A_1648, %swap3A_1649, %swap3A_1650] : memref<1x3x64x512xf32, #tpu.memory_space<vmem>>, vector<1x1x1x512xf32>
    %swap3A_1652 = vector.shape_cast %swap3A_1651 : vector<1x1x1x512xf32> to vector<512xf32>
    %swap3A_1653 = vector.shape_cast %get3A_1646 : vector<512xf32> to vector<1x1x1x512xf32>
    tpu.vector_store %arg3[%swap3A_1647, %swap3A_1648, %swap3A_1649, %swap3A_1650], %swap3A_1653 {strides = array<i32>} : memref<1x3x64x512xf32, #tpu.memory_space<vmem>>, vector<1x1x1x512xf32>,
    %get3A_1654 = arith.constant 88064 : index
    %get3A_1655 = vector.load %arg2[%get3A_1654] : memref<98304xf32, #tpu.memory_space<vmem>>, vector<512xf32>
    %swap3A_1656 = arith.constant 0 : index
    %swap3A_1657 = arith.constant 2 : index
    %swap3A_1658 = arith.constant 56 : index
    %swap3A_1659 = arith.constant 0 : index
    %swap3A_1660 = vector.load %arg3[%swap3A_1656, %swap3A_1657, %swap3A_1658, %swap3A_1659] : memref<1x3x64x512xf32, #tpu.memory_space<vmem>>, vector<1x1x1x512xf32>
    %swap3A_1661 = vector.shape_cast %swap3A_1660 : vector<1x1x1x512xf32> to vector<512xf32>
    %swap3A_1662 = vector.shape_cast %get3A_1655 : vector<512xf32> to vector<1x1x1x512xf32>
    tpu.vector_store %arg3[%swap3A_1656, %swap3A_1657, %swap3A_1658, %swap3A_1659], %swap3A_1662 {strides = array<i32>} : memref<1x3x64x512xf32, #tpu.memory_space<vmem>>, vector<1x1x1x512xf32>,
    %get3A_1663 = arith.constant 88576 : index
    %get3A_1664 = vector.load %arg2[%get3A_1663] : memref<98304xf32, #tpu.memory_space<vmem>>, vector<512xf32>
    %swap3A_1665 = arith.constant 0 : index
    %swap3A_1666 = arith.constant 2 : index
    %swap3A_1667 = arith.constant 57 : index
    %swap3A_1668 = arith.constant 0 : index
    %swap3A_1669 = vector.load %arg3[%swap3A_1665, %swap3A_1666, %swap3A_1667, %swap3A_1668] : memref<1x3x64x512xf32, #tpu.memory_space<vmem>>, vector<1x1x1x512xf32>
    %swap3A_1670 = vector.shape_cast %swap3A_1669 : vector<1x1x1x512xf32> to vector<512xf32>
    %swap3A_1671 = vector.shape_cast %get3A_1664 : vector<512xf32> to vector<1x1x1x512xf32>
    tpu.vector_store %arg3[%swap3A_1665, %swap3A_1666, %swap3A_1667, %swap3A_1668], %swap3A_1671 {strides = array<i32>} : memref<1x3x64x512xf32, #tpu.memory_space<vmem>>, vector<1x1x1x512xf32>,
    %get3A_1672 = arith.constant 91136 : index
    %get3A_1673 = vector.load %arg2[%get3A_1672] : memref<98304xf32, #tpu.memory_space<vmem>>, vector<512xf32>
    %swap3A_1674 = arith.constant 0 : index
    %swap3A_1675 = arith.constant 2 : index
    %swap3A_1676 = arith.constant 58 : index
    %swap3A_1677 = arith.constant 0 : index
    %swap3A_1678 = vector.load %arg3[%swap3A_1674, %swap3A_1675, %swap3A_1676, %swap3A_1677] : memref<1x3x64x512xf32, #tpu.memory_space<vmem>>, vector<1x1x1x512xf32>
    %swap3A_1679 = vector.shape_cast %swap3A_1678 : vector<1x1x1x512xf32> to vector<512xf32>
    %swap3A_1680 = vector.shape_cast %get3A_1673 : vector<512xf32> to vector<1x1x1x512xf32>
    tpu.vector_store %arg3[%swap3A_1674, %swap3A_1675, %swap3A_1676, %swap3A_1677], %swap3A_1680 {strides = array<i32>} : memref<1x3x64x512xf32, #tpu.memory_space<vmem>>, vector<1x1x1x512xf32>,
    %get3A_1681 = arith.constant 91648 : index
    %get3A_1682 = vector.load %arg2[%get3A_1681] : memref<98304xf32, #tpu.memory_space<vmem>>, vector<512xf32>
    %swap3A_1683 = arith.constant 0 : index
    %swap3A_1684 = arith.constant 2 : index
    %swap3A_1685 = arith.constant 59 : index
    %swap3A_1686 = arith.constant 0 : index
    %swap3A_1687 = vector.load %arg3[%swap3A_1683, %swap3A_1684, %swap3A_1685, %swap3A_1686] : memref<1x3x64x512xf32, #tpu.memory_space<vmem>>, vector<1x1x1x512xf32>
    %swap3A_1688 = vector.shape_cast %swap3A_1687 : vector<1x1x1x512xf32> to vector<512xf32>
    %swap3A_1689 = vector.shape_cast %get3A_1682 : vector<512xf32> to vector<1x1x1x512xf32>
    tpu.vector_store %arg3[%swap3A_1683, %swap3A_1684, %swap3A_1685, %swap3A_1686], %swap3A_1689 {strides = array<i32>} : memref<1x3x64x512xf32, #tpu.memory_space<vmem>>, vector<1x1x1x512xf32>,
    %get3A_1690 = arith.constant 94208 : index
    %get3A_1691 = vector.load %arg2[%get3A_1690] : memref<98304xf32, #tpu.memory_space<vmem>>, vector<512xf32>
    %swap3A_1692 = arith.constant 0 : index
    %swap3A_1693 = arith.constant 2 : index
    %swap3A_1694 = arith.constant 60 : index
    %swap3A_1695 = arith.constant 0 : index
    %swap3A_1696 = vector.load %arg3[%swap3A_1692, %swap3A_1693, %swap3A_1694, %swap3A_1695] : memref<1x3x64x512xf32, #tpu.memory_space<vmem>>, vector<1x1x1x512xf32>
    %swap3A_1697 = vector.shape_cast %swap3A_1696 : vector<1x1x1x512xf32> to vector<512xf32>
    %swap3A_1698 = vector.shape_cast %get3A_1691 : vector<512xf32> to vector<1x1x1x512xf32>
    tpu.vector_store %arg3[%swap3A_1692, %swap3A_1693, %swap3A_1694, %swap3A_1695], %swap3A_1698 {strides = array<i32>} : memref<1x3x64x512xf32, #tpu.memory_space<vmem>>, vector<1x1x1x512xf32>,
    %get3A_1699 = arith.constant 94720 : index
    %get3A_1700 = vector.load %arg2[%get3A_1699] : memref<98304xf32, #tpu.memory_space<vmem>>, vector<512xf32>
    %swap3A_1701 = arith.constant 0 : index
    %swap3A_1702 = arith.constant 2 : index
    %swap3A_1703 = arith.constant 61 : index
    %swap3A_1704 = arith.constant 0 : index
    %swap3A_1705 = vector.load %arg3[%swap3A_1701, %swap3A_1702, %swap3A_1703, %swap3A_1704] : memref<1x3x64x512xf32, #tpu.memory_space<vmem>>, vector<1x1x1x512xf32>
    %swap3A_1706 = vector.shape_cast %swap3A_1705 : vector<1x1x1x512xf32> to vector<512xf32>
    %swap3A_1707 = vector.shape_cast %get3A_1700 : vector<512xf32> to vector<1x1x1x512xf32>
    tpu.vector_store %arg3[%swap3A_1701, %swap3A_1702, %swap3A_1703, %swap3A_1704], %swap3A_1707 {strides = array<i32>} : memref<1x3x64x512xf32, #tpu.memory_space<vmem>>, vector<1x1x1x512xf32>,
    %get3A_1708 = arith.constant 97280 : index
    %get3A_1709 = vector.load %arg2[%get3A_1708] : memref<98304xf32, #tpu.memory_space<vmem>>, vector<512xf32>
    %swap3A_1710 = arith.constant 0 : index
    %swap3A_1711 = arith.constant 2 : index
    %swap3A_1712 = arith.constant 62 : index
    %swap3A_1713 = arith.constant 0 : index
    %swap3A_1714 = vector.load %arg3[%swap3A_1710, %swap3A_1711, %swap3A_1712, %swap3A_1713] : memref<1x3x64x512xf32, #tpu.memory_space<vmem>>, vector<1x1x1x512xf32>
    %swap3A_1715 = vector.shape_cast %swap3A_1714 : vector<1x1x1x512xf32> to vector<512xf32>
    %swap3A_1716 = vector.shape_cast %get3A_1709 : vector<512xf32> to vector<1x1x1x512xf32>
    tpu.vector_store %arg3[%swap3A_1710, %swap3A_1711, %swap3A_1712, %swap3A_1713], %swap3A_1716 {strides = array<i32>} : memref<1x3x64x512xf32, #tpu.memory_space<vmem>>, vector<1x1x1x512xf32>,
    %get3A_1717 = arith.constant 97792 : index
    %get3A_1718 = vector.load %arg2[%get3A_1717] : memref<98304xf32, #tpu.memory_space<vmem>>, vector<512xf32>
    %swap3A_1719 = arith.constant 0 : index
    %swap3A_1720 = arith.constant 2 : index
    %swap3A_1721 = arith.constant 63 : index
    %swap3A_1722 = arith.constant 0 : index
    %swap3A_1723 = vector.load %arg3[%swap3A_1719, %swap3A_1720, %swap3A_1721, %swap3A_1722] : memref<1x3x64x512xf32, #tpu.memory_space<vmem>>, vector<1x1x1x512xf32>
    %swap3A_1724 = vector.shape_cast %swap3A_1723 : vector<1x1x1x512xf32> to vector<512xf32>
    %swap3A_1725 = vector.shape_cast %get3A_1718 : vector<512xf32> to vector<1x1x1x512xf32>
    tpu.vector_store %arg3[%swap3A_1719, %swap3A_1720, %swap3A_1721, %swap3A_1722], %swap3A_1725 {strides = array<i32>} : memref<1x3x64x512xf32, #tpu.memory_space<vmem>>, vector<1x1x1x512xf32>,
    return
  }
  func.func @transform_0(%arg0: i32, %arg1: i32) -> i32 {
    %mul3A = arith.constant 8 : i32
    %mul3A_0 = arith.muli %arg0, %mul3A : i32
    %add3A = arith.addi %mul3A_0, %arg1 : i32
    %c0_i32 = arith.constant 0 : i32
    return %add3A : i32
  }
  func.func @transform_1(%arg0: i32, %arg1: i32) -> (i32, i32, i32, i32) {
    %c0_i32 = arith.constant 0 : i32
    %c0_i32_0 = arith.constant 0 : i32
    %c0_i32_1 = arith.constant 0 : i32
    return %arg0, %c0_i32, %arg1, %c0_i32_0 : i32, i32, i32, i32
  }
}

</mosaic_0001>

<sc_bundles>
// kernel: kernel.5.cloned.1.call-start
scs
__scs_entry_jumppad:
0x0: {  	(pc) =	sbr.rel $0x88, $3  }
0x1: {  	(tag) =	ssettag $0x0;
	lr =	simm.s32 $0x1  }
0x2: {  	[smem:$0x3F89] =	sst lr;
	_ =	strace $0xD0000000  }
0x3: {  	_ = 	snop  }
0x4: {  	_ = 	snop  }
0x5: {  	_ = 	snop  }
0x6: {  	_ = 	snop  }
0x7: {  	_ = 	snop  }
__scs_overlays_trampoline_lowered:
0x8: {  	[smem:$0x3F98] =	sst s0  }
0x9: {  	[smem:$0x3F99] =	sst s1  }
0xa: {  	[smem:$0x3F9A] =	sst s2  }
0xb: {  	[smem:$0x3F9B] =	sst s3  }
0xc: {  	[smem:$0x3F9C] =	sst s4  }
0xd: {  	[smem:$0x3F9D] =	sst s5  }
0xe: {  	[smem:$0x3F9E] =	sst s6  }
0xf: {  	[smem:$0x3F9F] =	sst s7  }
0x10: {  	[smem:$0x3FA0] =	sst s8  }
0x11: {  	[smem:$0x3FA1] =	sst s9;
	s0 =	simm.s32 @!p0 $0x0  }
0x12: {  	s1 =	sld [smem:$0x3F87];
	s0 =	simm.s32 @p0 $0x1  }
0x13: {  	[smem:$0x3FA2] =	sst s0;
	s0 =	simm.s32 @!p1 $0x0  }
0x14: {  	s2 =	sld [smem:$0x3F86];
	s0 =	simm.s32 @p1 $0x1  }
0x15: {  	[smem:$0x3FA3] =	sst s0;
	s0 =	simm.s32 @!p2 $0x0  }
0x16: {  	s3 =	sld [smem:$0x3FDB];
	s0 =	simm.s32 @p2 $0x1  }
0x17: {  	s4 =	simm.s32 $0x1BF5;
	[smem:$0x3FA5] =	sst s0  }
0x18: {  	s0 =	sld [smem:$0x3F88];
	_ =	swait.ge [sflag:s4], $0x0  }
0x19: {  	s7 =	sld [smem:$0x3F89]  }
0x1a: {  	s8 =	sadd.s32 $0xFFFFE003, lr  }
0x1b: {  	s9 =	sadd.s32 $0xFFFFFEF7, lr;
	s5 =	simm.s32 $0xFFFFFFFF;
	p2 =	slt.u32 s8, $0xFFFFF086  }
0x1c: {  	p1 =	slt.u32 s9, $0xF7A;
	s5 =	simm.s32 @!p2 $0x0  }
0x1d: {  	s5 =	simm.s32 @p1 $0x1;
	p0 =	seq.s32 s7, s2  }
0x1e: {  	s7 =	smul.u32 @!p0 $0xF7A, s2;
	p2 =	seq.s32 @!p0 s5, $0x0  }
0x1f: {  	s9 =	smul.u32 $0xF7A, s1;
	s8 =	simm.s32 @!p0 $0x1BF5;
	p2 =	por !p2, p0  }
0x20: {  	[sflag:s8] =	ssyncset.s32 @!p0 $0xFFFFF086;
	s6 =	sadd.s32 @!p0 s3, s7;
	s7 =	simm.s32 @!p0 $0x108  }
0x21: {  	s3 =	sadd.s32 s3, s9;
	s6 =	sadd.s32 @!p0 $0x88, s6;
	s7 =	simm.s32 @p2 $0x1082  }
0x22: {  	[simem:s7], [sflag:s8] =	dma.local @!p0 [hbm:s6], $0xF7A  }
0x23: {  	s9 =	sor.u32 $0xD0000000, s2;
	s6 =	simm.s32 $0x108;
	_ =	swait.ge @!p0 [sflag:s8], $0x0  }
0x24: {  	s3 =	sadd.s32 $0x88, s3;
	s6 =	simm.s32 @!p1 $0x1082;
	[sflag:s4] =	ssyncset.s32 $0xFFFFF086  }
0x25: {  	[simem:s6], [sflag:s4] =	dma.local [hbm:s3], $0xF7A  }
0x26: {  	[smem:$0x3F89] =	sst s1;
	(tag) =	ssettag s2;
	_ =	strace s9  }
0x27: {  	s1 =	sld [smem:$0x3F99]  }
0x28: {  	s2 =	sld [smem:$0x3F9A]  }
0x29: {  	s4 =	sld [smem:$0x3F9C]  }
0x2a: {  	p0 =	seq.s32 s5, $0x0;
	s5 =	sld [smem:$0x3F9D]  }
0x2b: {  	s6 =	sld [smem:$0x3F9E]  }
0x2c: {  	s7 =	sld [smem:$0x3F9F]  }
0x2d: {  	s3 =	simm.s32 $0x108;
	s8 =	sld [smem:$0x3FA0]  }
0x2e: {  	s3 =	simm.s32 @!p0 $0x1082;
	s9 =	sld [smem:$0x3FA1]  }
0x2f: {  	lr =	sadd.s32 s0, s3;
	s0 =	sld [smem:$0x3F98]  }
0x30: {  	s3 =	sld [smem:$0x3F9B]  }
0x31: {  	[smem:$0x3FA4] =	sst s10  }
0x32: {  	s10 =	sld [smem:$0x3FA2];
	_ =	sdelay $0x3  }
0x33: {  	p0 =	seq.s32 s10, $0x1;
	s10 =	sld [smem:$0x3FA4];
	_ =	sdelay $0x3  }
0x34: {  	[smem:$0x3FA4] =	sst s10  }
0x35: {  	s10 =	sld [smem:$0x3FA3];
	_ =	sdelay $0x3  }
0x36: {  	p1 =	seq.s32 s10, $0x1;
	s10 =	sld [smem:$0x3FA4];
	_ =	sdelay $0x3  }
0x37: {  	[smem:$0x3FA4] =	sst s10  }
0x38: {  	s10 =	sld [smem:$0x3FA5]  }
0x39: {  	_ = 	snop;
	(pc) =	sbr.ind lr, $3  }
0x3a: {  	_ = 	snop  }
0x3b: {  	_ = 	snop  }
0x3c: {  	p2 =	seq.s32 s10, $0x1;
	s10 =	sld [smem:$0x3FA4]  }
0x3d: {  	_ =	shalt  }
0x3e: {  	_ =	shalt  }
0x3f: {  	_ =	shalt  }
0x40: {  	_ =	shalt  }
0x41: {  	_ =	shalt  }
0x42: {  	_ =	shalt  }
0x43: {  	_ =	shalt  }
0x44: {  	_ =	shalt  }
0x45: {  	_ =	shalt  }
0x46: {  	_ =	shalt  }
0x47: {  	_ =	shalt  }
0x48: {  	_ =	shalt  }
0x49: {  	_ =	shalt  }
0x4a: {  	_ =	shalt  }
0x4b: {  	_ =	shalt  }
0x4c: {  	_ =	shalt  }
0x4d: {  	_ =	shalt  }
0x4e: {  	_ =	shalt  }
0x4f: {  	_ =	shalt  }
0x50: {  	_ =	shalt  }
0x51: {  	_ =	shalt  }
0x52: {  	_ =	shalt  }
0x53: {  	_ =	shalt  }
0x54: {  	_ =	shalt  }
0x55: {  	_ =	shalt  }
0x56: {  	_ =	shalt  }
0x57: {  	_ =	shalt  }
0x58: {  	_ =	shalt  }
0x59: {  	_ =	shalt  }
0x5a: {  	_ =	shalt  }
0x5b: {  	_ =	shalt  }
0x5c: {  	_ =	shalt  }
0x5d: {  	_ =	shalt  }
0x5e: {  	_ =	shalt  }
0x5f: {  	_ =	shalt  }
0x60: {  	_ =	shalt  }
0x61: {  	_ =	shalt  }
0x62: {  	_ =	shalt  }
0x63: {  	_ =	shalt  }
0x64: {  	_ =	shalt  }
0x65: {  	_ =	shalt  }
0x66: {  	_ =	shalt  }
0x67: {  	_ =	shalt  }
0x68: {  	_ =	shalt  }
0x69: {  	_ =	shalt  }
0x6a: {  	_ =	shalt  }
0x6b: {  	_ =	shalt  }
0x6c: {  	_ =	shalt  }
0x6d: {  	_ =	shalt  }
0x6e: {  	_ =	shalt  }
0x6f: {  	_ =	shalt  }
0x70: {  	_ =	shalt  }
0x71: {  	_ =	shalt  }
0x72: {  	_ =	shalt  }
0x73: {  	_ =	shalt  }
0x74: {  	_ =	shalt  }
0x75: {  	_ =	shalt  }
0x76: {  	_ =	shalt  }
0x77: {  	_ =	shalt  }
0x78: {  	_ =	shalt  }
0x79: {  	_ =	shalt  }
0x7a: {  	_ =	shalt  }
0x7b: {  	_ =	shalt  }
0x7c: {  	_ =	shalt  }
0x7d: {  	_ =	shalt  }
0x7e: {  	_ =	shalt  }
0x7f: {  	_ =	shalt  }
0x80: {  	_ =	shalt  }
0x81: {  	_ =	shalt  }
0x82: {  	_ =	shalt  }
0x83: {  	_ =	shalt  }
0x84: {  	_ =	shalt  }
0x85: {  	_ =	shalt  }
0x86: {  	_ =	shalt  }
0x87: {  	_ =	shalt  }
.Lfunc_end0:
.L_simem_size_0:
called_computation_lowered:
.L_overlay_start_0:
0x88: {  	s2 =	sld [smem:$0x3FD9]  }
0x89: {  	s3 =	sld [smem:$0x3FFE];
	_ =	sdelay $0x1  }
0x8a: {  	s1 =	srdreg.scid  }
0x8b: {  	s0 =	sand.u32 $0x1, s1  }
0x8c: {  	s17 =	sshll.u32 s0, $0xA;
	s2 =	sadd.s32 s3, s2  }
0x8d: {  	s2 =	sadd.s32 s2, s17  }
0x8e: {  	[smem:$0x3FB0] =	sst s2  }
0x8f: {  	_ = 	snop  }
0x90: {  	s2 =	sld [smem:$0x3FD0];
	(tm) =	ssettm $0x1  }
0x91: {  	s18 =	sld [smem:$0x3FFB];
	_ =	sdelay $0x3  }
0x92: {  	_ =	strace s18  }
0x93: {  	s3 =	sld [smem:$0x3FFC];
	_ =	sdelay $0x3  }
0x94: {  	_ =	strace s3  }
0x95: {  	s3 =	sld [smem:$0x3FFD];
	_ =	sdelay $0x3  }
0x96: {  	_ =	strace s3  }
0x97: {  	_ =	strace $0x8FFFFFFF  }
0x98: {  	s19 =	sld [smem:$0x3FDB];
	_ =	sdelay $0x1  }
0x99: {  	s4 =	simm.s32 $_scs_section_size  }
0x9a: {  	s5 =	simm.s32 $_size__tile_overlayer_lowered;
	s6 =	simm.s32 $_tile_overlayer_lowered  }
0x9b: {  	s22 =	simm.s32 $0x1BFF;
	s21 =	sshll.u32 s6, $0x1;
	s3 =	sadd.s32 s4, s19  }
0x9c: {  	s7 =	simm.s32 $0x0;
	s20 =	sshll.u32 s5, $0x1;
	s5 =	sadd.s32 s21, s3  }
0x9d: {  	[timem:s7], [sflag:s22] =	dma.local [hbm:s5], s20  }
0x9e: {  	_ =	swait.ge [sflag:s22], s20  }
0x9f: {  	s4 =	ssub.s32 $0x0, s20;
	[sflag:s22] =	ssyncset.done $0x0  }
0xa0: {  	[sflag:s22] =	ssyncadd.s32 s4;
	_ =	sdelay $0x1  }
0xa1: {  	s23 =	simm.s32 $0x1B8B  }
0xa2: {  	_ =	swait.ge [sflag:s23], $0x1  }
0xa3: {  	[sflag:s23] =	ssyncset.done $0x0  }
0xa4: {  	s25 =	simm.s32 $0x1B8E;
	s24 =	sld [smem:$0x3FFE];
	[sflag:s23] =	ssyncadd.s32 $0xFFFFFFFF  }
0xa5: {  	s26 =	simm.s32 $execute0_lowered;
	[smem:$0x3FD2] =	sst s25  }
0xa6: {  	s5 =	sshll.u32 s26, $0x1;
	_ =	strace $0x80000046;
	[dreg:$0x1] =	wrdreg $0xFFFFFFFF  }
0xa7: {  	s28 =	simm.s32 $_size_execute0_lowered;
	s3 =	sadd.s32 s3, s5;
	[dreg:$0x0] =	wrdreg $0x0  }
0xa8: {  	s5 =	sshll.u32 s28, $0x1;
	[dreg:$0x2] =	wrdreg s3  }
0xa9: {  	[dreg:$0x3] =	wrdreg s5  }
0xaa: {  	[dreg:$0x4] =	wrdreg $0xC0  }
0xab: {  	_ =	task [dreg:s7], $0x5FFFF  }
0xac: {  	[dreg:$0x1] =	wrdreg $0xFFFFFFFF  }
0xad: {  	[dreg:$0x0] =	wrdreg $0x60  }
0xae: {  	[dreg:$0x2] =	wrdreg s2  }
0xaf: {  	[dreg:$0x3] =	wrdreg s24  }
0xb0: {  	[dreg:$0x4] =	wrdreg $0x9  }
0xb1: {  	_ =	task.clear_ibuf [dreg:s7], $0x5FFFF;
	_ =	strace $0x90000046  }
0xb2: {  	s29 =	simm.s32 $0x9;
	_ =	strace $0x80000048  }
0xb3: {  	_ =	swait.ge [sflag:s29], $0x1  }
0xb4: {  	[sflag:s29] =	ssyncadd.s32 $0xFFFFFFFF  }
0xb5: {  	_ =	strace $0x90000048  }
0xb6: {  	_ =	sfence  }
0xb7: {  	s30 =	sld [smem:$0x0];
	_ =	sdelay $0x2  }
0xb8: {  	s31 =	sshll.u32 s1, $0xD;
	s1 =	sshrl.u32 s1, $0x2  }
0xb9: {  	s3 =	sand.u32 $0x4000, s31;
	s1 =	sadd.s32 s1, s30  }
0xba: {  	s0 =	sor.u32 s3, s0;
	s1 =	sshll.u32 s1, $0x11  }
0xbb: {  	s0 =	sor.u32 s1, s0  }
0xbc: {  	s0 =	sadd.s32 $0x8F2B, s0  }
0xbd: {  	[sflag:s0] =	ssyncadd.remote.s32 $0x1  }
0xbe: {  	_ =	sfence.sel $0xFFFF  }
0xbf: {  	[dreg:$0x0] =	wrdreg $0xFFFFFFFF;
	(pc) =	sbr.abs _section_cstart, $3  }
0xc0: {  	[dreg:$0x1] =	wrdreg $0xFFFFFFFF  }
0xc1: {  	_ =	task.clear_ibuf [dreg:s7], $0x2FFFF;
	_ =	strace $0x9FFFFFFF  }
0xc2: {  	(tm) =	ssettm $0x7FFFFFFF  }
0xc3: {  	_ =	shalt  }
tec
execute0_lowered:
.L_overlay_start_1:
0x0: {  	(tag) =	ssettag $0x1  }
0x1: {  	s1 =	srdreg.scid;
	s2 =	rddreg [dreg:$0x0]  }
0x2: {  	s0 =	stileid.u32;
	s9 =	rddreg [dreg:$0x1];
	s4 =	simm.s32 $0x1  }
0x3: {  	s3 =	simm.s32 $0x0;
	s14 =	simm.s32 $0x5;
	s6 =	sand.u32 $0x1, s1  }
0x4: {  	s15 =	simm.s32 $0x1A580;
	s16 =	simm.s32 $0x1A600;
	s1 =	sor.u32 s6, s0  }
0x5: {  	s17 =	simm.s32 $0x1B200;
	p1 =	seq.s32 s6, $0x1;
	p0 =	seq.s32 s1, $0x0  }
0x6: {  	s18 =	simm.s32 $0x1BE00;
	s19 =	simm.s32 $0x2;
	p0 =	por !p0, !p1  }
0x7: {  	s20 =	simm.s32 $0x1CA00;
	s21 =	simm.s32 $0x3;
	p0 =	por !p0, !p0  }
0x8: {  	s22 =	simm.s32 $0x4;
	s23 =	simm.s32 $0x0;
	s4 =	simm.s32 @!p0 $0x0  }
0x9: {  	[smem:$0x7FF] =	sst s3;
	s10 =	sshll.u32 s6, $0x7;
	s7 =	ssub.s32 s0, s4  }
0xa: {  	s30 =	ssub.s32 $0x2, s6;
	s6 =	sadd.s32 $0x34E00, s9;
	s5 =	sshll.u32 s7, $0x8  }
0xb: {  	s12 =	sshrl.u32 s30, $0x1;
	s8 =	smul.u32 $0x1A528, s7;
	s5 =	sor.u32 s10, s5  }
0xc: {  	s1 =	rddreg [dreg:$0x2];
	s13 =	ssub.s32 s30, s12;
	s11 =	smul.u32 $0xC00, s5  }
.Ltmp0:
0xd: {  	_ =	strace $0x80000047;
	s13 =	smax.u32 s13, $0x1;
	(pc) =	sbr.rel .LBB2_1-.Ltmp0, $4  }
0xe: {  	v0 =	vimm.s32 $0x10;
	s4 =	simm.s32 $0x1;
	s31 =	sshll.u32 s7, $0x4;
	s8 =	sshrl.u32 s8, $0x3  }
0xf: {  	s10 =	sand.u32 $0x1FFFFFF0, s31;
	s8 =	sadd.s32 s8, s9;
	s11 =	sshrl.u32 s11, $0x3  }
0x10: {  	v2 =	vimm.s32 $0x31;
	s12 =	sor.u32 $0x3, s5;
	s7 =	sadd.s32 $0x200, s8;
	s8 =	sadd.s32 s2, s11  }
0x11: {  	v1 =	vimm.s32 $0x0;
	v3 =	vimm.s32 $0x52;
	s9 =	sadd.s32 s9, s10;
	s11 =	sor.u32 $0x2, s5;
	s10 =	sadd.s32 $0x180, s8  }
.LBB2_8:
0x12: {  	s23 =	sadd.s32 $0x1, s23  }
0x13: {  	_ =	swait.ge [sflag:s21], $0xC00;
	p0 =	sne.s32 s23, s13  }
.Ltmp1:
0x14: {  	[sflag:s21] =	ssyncset.done $0x0;
	(pc) =	sbr.rel @!p0 .LBB2_9-.Ltmp1, $4  }
0x15: {  	[sflag:s21] =	ssyncadd.s32 $0xFFFFF400  }
0x16: {  	_ =	swait.ge [sflag:s22], $0xC00  }
0x17: {  	[sflag:s22] =	ssyncset.done $0x0  }
0x18: {  	[sflag:s22] =	ssyncadd.s32 $0xFFFFF400  }
.LBB2_1:
0x19: {  	[tilespmem:s3], [sflag:$0x5] =	stream.linear.gather [hbm4b:s7+s3], $0x1A528, $0x38;
	[tilespmem:$0x1D600] =	vst v63  }
0x1a: {  	_ =	swait.ge [sflag:s14], $0x1A528  }
0x1b: {  	[sflag:s14] =	ssyncset.done $0x0  }
0x1c: {  	[sflag:s14] =	ssyncadd.s32 $0xFFFE5AD8  }
0x1d: {  	[tilespmem:s15], [sflag:$0x5] =	stream.linear.gather [hbm4b:s9+s3], $0x80, $0x38;
	[tilespmem:$0x1D600] =	vst v63  }
0x1e: {  	_ =	swait.ge [sflag:s14], $0x80  }
0x1f: {  	[sflag:s14] =	ssyncset.done $0x0  }
0x20: {  	[sflag:s14] =	ssyncadd.s32 $0xFFFFFF80  }
0x21: {  	[tilespmem:s16], [sflag:$0x1] =	stream.linear.gather [hbm4b:s8+s3], $0xC00, $0x38;
	[tilespmem:$0x1D600] =	vst v63  }
0x22: {  	s24 =	simm.s32 $0x0  }
0x23: {  	[tilespmem:s17], [sflag:$0x2] =	stream.linear.gather [hbm4b:s10+s3], $0xC00, $0x38;
	[tilespmem:$0x1D600] =	vst v63  }
.LBB2_2:
0x24: {  	_ =	swait.ge [sflag:s4], $0xC00  }
0x25: {  	p0 =	seq.s32 s24, $0x0;
	[sflag:s4] =	ssyncset.done $0x0  }
0x26: {  	s26 =	simm.s32 @!p0 $0x3;
	[sflag:s4] =	ssyncadd.s32 $0xFFFFF400  }
0x27: {  	_ =	swait.ge @!p0 [sflag:s26], $0xC00  }
0x28: {  	s25 =	sshll.u32 s24, $0x1;
	s28 =	simm.s32 $0x1AA10;
	[sflag:s26] =	ssyncset.done @!p0 $0x0  }
0x29: {  	s29 =	simm.s32 $0x1C210;
	[sflag:s26] =	ssyncadd.s32 @!p0 $0xFFFFF400;
	s26 =	simm.s32 $0xFFFFFFFE  }
.LBB2_3:
0x2a: {  	v4 =	vld [tilespmem:s28+$0xFFFFFBF0]  }
0x2b: {  	v5 =	vld.idx.msk [tilespmem:v0+s15+$0x0], $0xffff  }
0x2c: {  	v6 =	vld [tilespmem:s28+$0xFFFFFFF0]  }
0x2d: {  	v7 =	vld.idx.msk [tilespmem:v2+s15+$0x0], $0xffff  }
0x2e: {  	v8 =	vld [tilespmem:s28+$0x3F0]  }
0x2f: {  	v9 =	vld.idx.msk [tilespmem:v3+s15+$0x0], $0xffff;
	_ =	sdelay $0x1  }
0x30: {  	vm0 =	vle.f32 v5, v4  }
0x31: {  	vm12 =	vle.f32 v7, v6;
	v5 =	vsel vm0, $0x10, v1  }
0x32: {  	v10 =	vsel vm12, $0x10, v1;
	v56 =	vor.u32 $0x8, v5  }
0x33: {  	vm13 =	vle.f32 v9, v8;
	v11 =	vor.u32 $0x29, v10  }
0x34: {  	v9 =	vsel vm13, $0x10, v1  }
0x35: {  	v12 =	vor.u32 $0x4A, v9;
	_ =	sdelay $0x1  }
0x36: {  	v13 =	vld.idx.msk [tilespmem:v56+s15+$0x0], $0xffff  }
0x37: {  	v11 =	vld.idx.msk [tilespmem:v11+s15+$0x0], $0xffff;
	_ =	sdelay $0x1  }
0x38: {  	v12 =	vld.idx.msk [tilespmem:v12+s15+$0x0], $0xffff;
	_ =	sdelay $0x1  }
0x39: {  	vm14 =	vle.f32 v13, v4  }
0x3a: {  	v57 =	vor.u32 $0x8, v10;
	vm15 =	vle.f32 v11, v6;
	v5 =	vsel vm14, v56, v5  }
0x3b: {  	v7 =	vsel vm15, v57, v10;
	v58 =	vor.u32 $0x4, v5  }
0x3c: {  	v59 =	vor.u32 $0x8, v9;
	vm4 =	vle.f32 v12, v8;
	v10 =	vor.u32 $0x25, v7  }
0x3d: {  	v9 =	vsel vm4, v59, v9  }
0x3e: {  	v60 =	vor.u32 $0x46, v9;
	_ =	sdelay $0x1  }
0x3f: {  	v61 =	vld.idx.msk [tilespmem:v58+s15+$0x0], $0xffff  }
0x40: {  	v10 =	vld.idx.msk [tilespmem:v10+s15+$0x0], $0xffff;
	_ =	sdelay $0x1  }
0x41: {  	v12 =	vld.idx.msk [tilespmem:v60+s15+$0x0], $0xffff;
	_ =	sdelay $0x1  }
0x42: {  	vm5 =	vle.f32 v61, v4  }
0x43: {  	v62 =	vor.u32 $0x4, v7;
	vm6 =	vle.f32 v10, v6;
	v5 =	vsel vm5, v58, v5  }
0x44: {  	v7 =	vsel vm6, v62, v7;
	v63 =	vor.u32 $0x2, v5  }
0x45: {  	v16 =	vor.u32 $0x4, v9;
	vm7 =	vle.f32 v12, v8;
	v11 =	vor.u32 $0x23, v7  }
0x46: {  	v9 =	vsel vm7, v16, v9  }
0x47: {  	v17 =	vadd.s32 $0x44, v9;
	_ =	sdelay $0x1  }
0x48: {  	v18 =	vld.idx.msk [tilespmem:v63+s15+$0x0], $0xffff  }
0x49: {  	v11 =	vld.idx.msk [tilespmem:v11+s15+$0x0], $0xffff;
	_ =	sdelay $0x1  }
0x4a: {  	v12 =	vld.idx.msk [tilespmem:v17+s15+$0x0], $0xffff;
	_ =	sdelay $0x1  }
0x4b: {  	vm8 =	vle.f32 v18, v4  }
0x4c: {  	v19 =	vor.u32 $0x2, v7;
	vm9 =	vle.f32 v11, v6;
	v5 =	vsel vm8, v63, v5  }
0x4d: {  	v7 =	vsel vm9, v19, v7;
	v20 =	vadd.s32 $0x1, v5  }
0x4e: {  	v21 =	vor.u32 $0x2, v9;
	vm10 =	vle.f32 v12, v8;
	v10 =	vadd.s32 $0x22, v7  }
0x4f: {  	v9 =	vsel vm10, v21, v9  }
0x50: {  	v22 =	vadd.s32 $0x43, v9;
	_ =	sdelay $0x1  }
0x51: {  	v23 =	vld.idx.msk [tilespmem:v20+s15+$0x0], $0xffff  }
0x52: {  	v10 =	vld.idx.msk [tilespmem:v10+s15+$0x0], $0xffff;
	_ =	sdelay $0x1  }
0x53: {  	v12 =	vld.idx.msk [tilespmem:v22+s15+$0x0], $0xffff;
	_ =	sdelay $0x2  }
0x54: {  	vm11 =	vle.f32 v23, v4;
	vm1 =	vle.f32 v10, v6  }
0x55: {  	v5 =	vsel vm11, v20, v5;
	v10 =	vsel vm1, $0x1, v1  }
0x56: {  	vm12 =	vle.f32 v12, v8;
	v11 =	vadd.s32 $0x1, v5;
	v7 =	vadd.s32 v10, v7  }
0x57: {  	v12 =	vsel vm12, $0x1, v1;
	v10 =	vadd.s32 $0x21, v7  }
0x58: {  	v9 =	vadd.s32 v12, v9;
	v24 =	vadd.s32 $0x22, v7  }
0x59: {  	v12 =	vadd.s32 $0x42, v9  }
0x5a: {  	v15 =	vadd.s32 $0x43, v9;
	v14 =	vld.idx.msk [tilespmem:v5+s15+$0x0], $0xffff  }
0x5b: {  	v11 =	vld.idx.msk [tilespmem:v11+s15+$0x0], $0xffff  }
0x5c: {  	v10 =	vld.idx.msk [tilespmem:v10+s15+$0x0], $0xffff  }
0x5d: {  	v13 =	vld.idx.msk [tilespmem:v24+s15+$0x0], $0xffff  }
0x5e: {  	v12 =	vld.idx.msk [tilespmem:v12+s15+$0x0], $0xffff  }
0x5f: {  	v15 =	vld.idx.msk [tilespmem:v15+s15+$0x0], $0xffff;
	_ =	sdelay $0x2  }
0x60: {  	v11 =	vsub.f32 v11, v14  }
0x61: {  	v13 =	vsub.f32 v13, v10  }
0x62: {  	v15 =	vsub.f32 v15, v12;
	v11 =	vmax.f32 v11, $1.000000010e-10  }
0x63: {  	(erf) = vrcp.f32 v11;
	v25 =	vmax.f32 v13, $1.000000010e-10  }
0x64: {  	v26 =	vmax.f32 v15, $1.000000010e-10;
	(erf) = vrcp.f32 v25  }
0x65: {  	(erf) = vrcp.f32 v26;
	_ =	sdelay $0x4  }
0x66: {  	v7 =	vmul.u32 $0x21, v7  }
0x67: {  	v9 =	vmul.u32 $0x441, v9  }
0x68: {  	v5 =	vadd.s32 v5, v7;
	v27 =	vpop (erf)  }
0x69: {  	v5 =	vadd.s32 v9, v5;
	v6 =	vsub.f32 v6, v10;
	v8 =	vsub.f32 v8, v12;
	v28 =	vpop (erf)  }
0x6a: {  	v30 =	vadd.s32 $0x1, v5;
	v29 =	vpop (erf)  }
0x6b: {  	v4 =	vsub.f32 v4, v14;
	v6 =	vmul.f32 v28, v6;
	v7 =	vmul.f32 v29, v8  }
0x6c: {  	v9 =	vadd.s32 $0x21, v5  }
0x6d: {  	v4 =	vmul.f32 v27, v4;
	v6 =	vmax.f32 v6, $0.0e+00;
	v7 =	vmax.f32 v7, $0.0e+00  }
0x6e: {  	v34 =	vadd.s32 $0x22, v5;
	v6 =	vmin.f32 v6, $1.000000000e+00;
	v7 =	vmin.f32 v7, $1.000000000e+00  }
0x6f: {  	v33 =	vld.idx.msk [tilespmem:v5+s3+$0x0], $0xffff;
	v4 =	vmax.f32 v4, $0.0e+00;
	v31 =	vsub.f32 $1.000000000e+00, v6;
	v32 =	vsub.f32 $1.000000000e+00, v7  }
0x70: {  	v8 =	vld.idx.msk [tilespmem:v30+s3+$0x0], $0xffff;
	v4 =	vmin.f32 v4, $1.000000000e+00  }
0x71: {  	v16 =	vadd.s32 $0x441, v5;
	v35 =	vsub.f32 $1.000000000e+00, v4;
	v36 =	vmul.f32 v32, v31  }
0x72: {  	v9 =	vld.idx.msk [tilespmem:v9+s3+$0x0], $0xffff;
	v11 =	vmul.f32 v32, v6  }
0x73: {  	v18 =	vadd.s32 $0x442, v5;
	v17 =	vmul.f32 v36, v35;
	v15 =	vmul.f32 v36, v4  }
0x74: {  	v13 =	vld.idx.msk [tilespmem:v34+s3+$0x0], $0xffff;
	v19 =	vmul.f32 v11, v35  }
0x75: {  	v20 =	vadd.s32 $0x462, v5;
	v12 =	vmul.f32 v17, v33;
	v8 =	vmul.f32 v15, v8  }
0x76: {  	v37 =	vadd.s32 $0x463, v5;
	v16 =	vld.idx.msk [tilespmem:v16+s3+$0x0], $0xffff;
	v10 =	vmul.f32 v7, v31  }
0x77: {  	v11 =	vmul.f32 v11, v4;
	v9 =	vmul.f32 v19, v9;
	v8 =	vadd.f32 v8, v12  }
0x78: {  	v18 =	vld.idx.msk [tilespmem:v18+s3+$0x0], $0xffff  }
0x79: {  	v38 =	vmul.f32 v10, v35;
	v13 =	vmul.f32 v11, v13;
	v8 =	vadd.f32 v8, v9  }
0x7a: {  	v39 =	vld.idx.msk [tilespmem:v20+s3+$0x0], $0xffff;
	v6 =	vmul.f32 v7, v6  }
0x7b: {  	v10 =	vmul.f32 v10, v4;
	v40 =	vmul.f32 v38, v16;
	v8 =	vadd.f32 v8, v13  }
0x7c: {  	v12 =	vld.idx.msk [tilespmem:v37+s3+$0x0], $0xffff  }
0x7d: {  	v14 =	vmul.f32 v6, v35;
	v41 =	vmul.f32 v10, v18;
	v8 =	vadd.f32 v8, v40;
	_ =	sdelay $0x1  }
0x7e: {  	v4 =	vmul.f32 v6, v4;
	v7 =	vmul.f32 v14, v39;
	v42 =	vadd.f32 v8, v41;
	_ =	sdelay $0x1  }
0x7f: {  	v44 =	vadd.s32 $0x8C61, v5;
	v43 =	vmul.f32 v12, v4;
	v6 =	vadd.f32 v42, v7  }
0x80: {  	v45 =	vadd.s32 $0x8C62, v5  }
0x81: {  	v6 =	vadd.f32 v6, v43  }
0x82: {  	v46 =	vadd.s32 $0x8C82, v5  }
0x83: {  	[tilespmem:s29+$0xFFFFFBF0] =	vst v6  }
0x84: {  	v47 =	vadd.s32 $0x8C83, v5;
	v6 =	vld.idx.msk [tilespmem:v44+s3+$0x0], $0xffff  }
0x85: {  	v12 =	vld.idx.msk [tilespmem:v45+s3+$0x0], $0xffff  }
0x86: {  	v48 =	vadd.s32 $0x90A2, v5  }
0x87: {  	v7 =	vld.idx.msk [tilespmem:v46+s3+$0x0], $0xffff  }
0x88: {  	v49 =	vadd.s32 $0x90A3, v5  }
0x89: {  	v8 =	vld.idx.msk [tilespmem:v47+s3+$0x0], $0xffff  }
0x8a: {  	v50 =	vadd.s32 $0x90C3, v5;
	v6 =	vmul.f32 v6, v17;
	v12 =	vmul.f32 v12, v15  }
0x8b: {  	v13 =	vld.idx.msk [tilespmem:v48+s3+$0x0], $0xffff  }
0x8c: {  	v51 =	vadd.s32 $0x90C4, v5;
	v7 =	vmul.f32 v7, v19;
	v6 =	vadd.f32 v12, v6  }
0x8d: {  	v16 =	vld.idx.msk [tilespmem:v49+s3+$0x0], $0xffff  }
0x8e: {  	v52 =	vmul.f32 v8, v11;
	v6 =	vadd.f32 v7, v6  }
0x8f: {  	v53 =	vld.idx.msk [tilespmem:v50+s3+$0x0], $0xffff  }
0x90: {  	v54 =	vmul.f32 v13, v38;
	v6 =	vadd.f32 v52, v6  }
0x91: {  	v12 =	vld.idx.msk [tilespmem:v51+s3+$0x0], $0xffff  }
0x92: {  	v55 =	vmul.f32 v16, v10;
	v6 =	vadd.f32 v54, v6;
	_ =	sdelay $0x1  }
0x93: {  	v56 =	vmul.f32 v53, v14;
	v6 =	vadd.f32 v55, v6;
	_ =	sdelay $0x1  }
0x94: {  	v58 =	vadd.s32 $0x118C2, v5;
	v57 =	vmul.f32 v12, v4;
	v6 =	vadd.f32 v56, v6  }
0x95: {  	v59 =	vadd.s32 $0x118C3, v5  }
0x96: {  	v6 =	vadd.f32 v57, v6  }
0x97: {  	v60 =	vadd.s32 $0x118E3, v5  }
0x98: {  	[tilespmem:s29+$0xFFFFFFF0] =	vst v6  }
0x99: {  	v61 =	vadd.s32 $0x118E4, v5;
	v6 =	vld.idx.msk [tilespmem:v58+s3+$0x0], $0xffff  }
0x9a: {  	v12 =	vld.idx.msk [tilespmem:v59+s3+$0x0], $0xffff  }
0x9b: {  	v62 =	vadd.s32 $0x11D03, v5  }
0x9c: {  	v7 =	vld.idx.msk [tilespmem:v60+s3+$0x0], $0xffff  }
0x9d: {  	v63 =	vadd.s32 $0x11D04, v5  }
0x9e: {  	v8 =	vld.idx.msk [tilespmem:v61+s3+$0x0], $0xffff  }
0x9f: {  	v18 =	vadd.s32 $0x11D24, v5;
	v6 =	vmul.f32 v6, v17;
	v12 =	vmul.f32 v12, v15  }
0xa0: {  	v13 =	vld.idx.msk [tilespmem:v62+s3+$0x0], $0xffff  }
0xa1: {  	v5 =	vadd.s32 $0x11D25, v5;
	v7 =	vmul.f32 v7, v19;
	v6 =	vadd.f32 v12, v6  }
0xa2: {  	v20 =	vld.idx.msk [tilespmem:v63+s3+$0x0], $0xffff  }
0xa3: {  	v21 =	vmul.f32 v8, v11;
	v6 =	vadd.f32 v7, v6  }
0xa4: {  	v22 =	vld.idx.msk [tilespmem:v18+s3+$0x0], $0xffff  }
0xa5: {  	v23 =	vmul.f32 v13, v38;
	v6 =	vadd.f32 v21, v6  }
0xa6: {  	v5 =	vld.idx.msk [tilespmem:v5+s3+$0x0], $0xffff  }
0xa7: {  	v24 =	vmul.f32 v20, v10;
	v6 =	vadd.f32 v23, v6;
	_ =	sdelay $0x1  }
0xa8: {  	v25 =	vmul.f32 v22, v14;
	v6 =	vadd.f32 v24, v6;
	_ =	sdelay $0x1  }
0xa9: {  	v4 =	vmul.f32 v5, v4;
	v6 =	vadd.f32 v25, v6;
	_ =	sdelay $0x1  }
0xaa: {  	v4 =	vadd.f32 v4, v6;
	_ =	sdelay $0x1  }
0xab: {  	[tilespmem:s29+$0x3F0] =	vst v4  }
0xac: {  	v4 =	vld [tilespmem:s28+$0xFFFFFC00]  }
0xad: {  	v5 =	vld.idx.msk [tilespmem:v0+s15+$0x0], $0xffff  }
0xae: {  	v26 =	vld [tilespmem:s28+$0x0]  }
0xaf: {  	v27 =	vld.idx.msk [tilespmem:v2+s15+$0x0], $0xffff  }
0xb0: {  	v28 =	vld [tilespmem:s28+$0x400]  }
0xb1: {  	v29 =	vld.idx.msk [tilespmem:v3+s15+$0x0], $0xffff;
	_ =	sdelay $0x1  }
0xb2: {  	vm13 =	vle.f32 v5, v4  }
0xb3: {  	vm14 =	vle.f32 v27, v26;
	v5 =	vsel vm13, $0x10, v1  }
0xb4: {  	v31 =	vsel vm14, $0x10, v1;
	v30 =	vor.u32 $0x8, v5  }
0xb5: {  	vm15 =	vle.f32 v29, v28;
	v32 =	vor.u32 $0x29, v31  }
0xb6: {  	v9 =	vsel vm15, $0x10, v1  }
0xb7: {  	v33 =	vor.u32 $0x4A, v9;
	_ =	sdelay $0x1  }
0xb8: {  	v34 =	vld.idx.msk [tilespmem:v30+s15+$0x0], $0xffff  }
0xb9: {  	v11 =	vld.idx.msk [tilespmem:v32+s15+$0x0], $0xffff;
	_ =	sdelay $0x1  }
0xba: {  	v12 =	vld.idx.msk [tilespmem:v33+s15+$0x0], $0xffff;
	_ =	sdelay $0x1  }
0xbb: {  	vm4 =	vle.f32 v34, v4  }
0xbc: {  	v35 =	vor.u32 $0x8, v31;
	vm5 =	vle.f32 v11, v26;
	v5 =	vsel vm4, v30, v5  }
0xbd: {  	v7 =	vsel vm5, v35, v31;
	v36 =	vor.u32 $0x4, v5  }
0xbe: {  	v37 =	vor.u32 $0x8, v9;
	vm6 =	vle.f32 v12, v28;
	v10 =	vor.u32 $0x25, v7  }
0xbf: {  	v9 =	vsel vm6, v37, v9  }
0xc0: {  	v38 =	vor.u32 $0x46, v9;
	_ =	sdelay $0x1  }
0xc1: {  	v39 =	vld.idx.msk [tilespmem:v36+s15+$0x0], $0xffff  }
0xc2: {  	v10 =	vld.idx.msk [tilespmem:v10+s15+$0x0], $0xffff;
	_ =	sdelay $0x1  }
0xc3: {  	v12 =	vld.idx.msk [tilespmem:v38+s15+$0x0], $0xffff;
	_ =	sdelay $0x1  }
0xc4: {  	vm7 =	vle.f32 v39, v4  }
0xc5: {  	v40 =	vor.u32 $0x4, v7;
	vm8 =	vle.f32 v10, v26;
	v5 =	vsel vm7, v36, v5  }
0xc6: {  	v7 =	vsel vm8, v40, v7;
	v41 =	vor.u32 $0x2, v5  }
0xc7: {  	v42 =	vor.u32 $0x4, v9;
	vm9 =	vle.f32 v12, v28;
	v11 =	vor.u32 $0x23, v7  }
0xc8: {  	v9 =	vsel vm9, v42, v9  }
0xc9: {  	v43 =	vadd.s32 $0x44, v9;
	_ =	sdelay $0x1  }
0xca: {  	v44 =	vld.idx.msk [tilespmem:v41+s15+$0x0], $0xffff  }
0xcb: {  	v11 =	vld.idx.msk [tilespmem:v11+s15+$0x0], $0xffff;
	_ =	sdelay $0x1  }
0xcc: {  	v12 =	vld.idx.msk [tilespmem:v43+s15+$0x0], $0xffff;
	_ =	sdelay $0x1  }
0xcd: {  	vm10 =	vle.f32 v44, v4  }
0xce: {  	v45 =	vor.u32 $0x2, v7;
	vm11 =	vle.f32 v11, v26;
	v5 =	vsel vm10, v41, v5  }
0xcf: {  	v7 =	vsel vm11, v45, v7;
	v46 =	vadd.s32 $0x1, v5  }
0xd0: {  	v47 =	vor.u32 $0x2, v9;
	vm12 =	vle.f32 v12, v28;
	v10 =	vadd.s32 $0x22, v7  }
0xd1: {  	v9 =	vsel vm12, v47, v9  }
0xd2: {  	v48 =	vadd.s32 $0x43, v9;
	_ =	sdelay $0x1  }
0xd3: {  	v49 =	vld.idx.msk [tilespmem:v46+s15+$0x0], $0xffff  }
0xd4: {  	v10 =	vld.idx.msk [tilespmem:v10+s15+$0x0], $0xffff;
	_ =	sdelay $0x1  }
0xd5: {  	v12 =	vld.idx.msk [tilespmem:v48+s15+$0x0], $0xffff;
	_ =	sdelay $0x2  }
0xd6: {  	vm13 =	vle.f32 v49, v4;
	vm14 =	vle.f32 v10, v26  }
0xd7: {  	v5 =	vsel vm13, v46, v5;
	v10 =	vsel vm14, $0x1, v1  }
0xd8: {  	vm15 =	vle.f32 v12, v28;
	v11 =	vadd.s32 $0x1, v5;
	v7 =	vadd.s32 v10, v7  }
0xd9: {  	v12 =	vsel vm15, $0x1, v1;
	v10 =	vadd.s32 $0x21, v7  }
0xda: {  	v9 =	vadd.s32 v12, v9;
	v50 =	vadd.s32 $0x22, v7  }
0xdb: {  	v12 =	vadd.s32 $0x42, v9  }
0xdc: {  	v52 =	vadd.s32 $0x43, v9;
	v51 =	vld.idx.msk [tilespmem:v5+s15+$0x0], $0xffff  }
0xdd: {  	v11 =	vld.idx.msk [tilespmem:v11+s15+$0x0], $0xffff  }
0xde: {  	v10 =	vld.idx.msk [tilespmem:v10+s15+$0x0], $0xffff  }
0xdf: {  	v13 =	vld.idx.msk [tilespmem:v50+s15+$0x0], $0xffff  }
0xe0: {  	v12 =	vld.idx.msk [tilespmem:v12+s15+$0x0], $0xffff  }
0xe1: {  	v15 =	vld.idx.msk [tilespmem:v52+s15+$0x0], $0xffff;
	_ =	sdelay $0x2  }
0xe2: {  	v11 =	vsub.f32 v11, v51  }
0xe3: {  	v13 =	vsub.f32 v13, v10  }
0xe4: {  	v15 =	vsub.f32 v15, v12;
	v11 =	vmax.f32 v11, $1.000000010e-10  }
0xe5: {  	(erf) = vrcp.f32 v11;
	v53 =	vmax.f32 v13, $1.000000010e-10  }
0xe6: {  	v54 =	vmax.f32 v15, $1.000000010e-10;
	(erf) = vrcp.f32 v53  }
0xe7: {  	(erf) = vrcp.f32 v54;
	_ =	sdelay $0x4  }
0xe8: {  	v7 =	vmul.u32 $0x21, v7  }
0xe9: {  	v9 =	vmul.u32 $0x441, v9  }
0xea: {  	v5 =	vadd.s32 v5, v7;
	v55 =	vpop (erf)  }
0xeb: {  	v5 =	vadd.s32 v9, v5;
	v6 =	vsub.f32 v26, v10;
	v8 =	vsub.f32 v28, v12;
	v56 =	vpop (erf)  }
0xec: {  	v58 =	vadd.s32 $0x1, v5;
	v57 =	vpop (erf)  }
0xed: {  	v4 =	vsub.f32 v4, v51;
	v6 =	vmul.f32 v56, v6;
	v7 =	vmul.f32 v57, v8  }
0xee: {  	v9 =	vadd.s32 $0x21, v5  }
0xef: {  	v4 =	vmul.f32 v55, v4;
	v6 =	vmax.f32 v6, $0.0e+00;
	v7 =	vmax.f32 v7, $0.0e+00  }
0xf0: {  	v62 =	vadd.s32 $0x22, v5;
	v6 =	vmin.f32 v6, $1.000000000e+00;
	v7 =	vmin.f32 v7, $1.000000000e+00  }
0xf1: {  	v61 =	vld.idx.msk [tilespmem:v5+s3+$0x0], $0xffff;
	v4 =	vmax.f32 v4, $0.0e+00;
	v59 =	vsub.f32 $1.000000000e+00, v6;
	v60 =	vsub.f32 $1.000000000e+00, v7  }
0xf2: {  	v8 =	vld.idx.msk [tilespmem:v58+s3+$0x0], $0xffff;
	v4 =	vmin.f32 v4, $1.000000000e+00  }
0xf3: {  	v25 =	vadd.s32 $0x441, v5;
	v63 =	vsub.f32 $1.000000000e+00, v4;
	v24 =	vmul.f32 v60, v59  }
0xf4: {  	v9 =	vld.idx.msk [tilespmem:v9+s3+$0x0], $0xffff;
	v11 =	vmul.f32 v60, v6  }
0xf5: {  	v27 =	vadd.s32 $0x442, v5;
	v26 =	vmul.f32 v24, v63;
	v15 =	vmul.f32 v24, v4  }
0xf6: {  	v13 =	vld.idx.msk [tilespmem:v62+s3+$0x0], $0xffff;
	v28 =	vmul.f32 v11, v63  }
0xf7: {  	v29 =	vadd.s32 $0x462, v5;
	v12 =	vmul.f32 v26, v61;
	v8 =	vmul.f32 v15, v8  }
0xf8: {  	v30 =	vadd.s32 $0x463, v5;
	v16 =	vld.idx.msk [tilespmem:v25+s3+$0x0], $0xffff;
	v10 =	vmul.f32 v7, v59  }
0xf9: {  	v11 =	vmul.f32 v11, v4;
	v9 =	vmul.f32 v28, v9;
	v8 =	vadd.f32 v8, v12  }
0xfa: {  	v18 =	vld.idx.msk [tilespmem:v27+s3+$0x0], $0xffff  }
0xfb: {  	v31 =	vmul.f32 v10, v63;
	v13 =	vmul.f32 v11, v13;
	v8 =	vadd.f32 v8, v9  }
0xfc: {  	v32 =	vld.idx.msk [tilespmem:v29+s3+$0x0], $0xffff;
	v6 =	vmul.f32 v7, v6  }
0xfd: {  	v10 =	vmul.f32 v10, v4;
	v33 =	vmul.f32 v31, v16;
	v8 =	vadd.f32 v8, v13  }
0xfe: {  	v12 =	vld.idx.msk [tilespmem:v30+s3+$0x0], $0xffff  }
0xff: {  	v14 =	vmul.f32 v6, v63;
	v34 =	vmul.f32 v10, v18;
	v8 =	vadd.f32 v8, v33;
	_ =	sdelay $0x1  }
0x100: {  	v4 =	vmul.f32 v6, v4;
	v7 =	vmul.f32 v14, v32;
	v35 =	vadd.f32 v8, v34;
	_ =	sdelay $0x1  }
0x101: {  	v37 =	vadd.s32 $0x8C61, v5;
	v36 =	vmul.f32 v12, v4;
	v6 =	vadd.f32 v35, v7  }
0x102: {  	v38 =	vadd.s32 $0x8C62, v5  }
0x103: {  	v6 =	vadd.f32 v6, v36  }
0x104: {  	v39 =	vadd.s32 $0x8C82, v5  }
0x105: {  	[tilespmem:s29+$0xFFFFFC00] =	vst v6  }
0x106: {  	v40 =	vadd.s32 $0x8C83, v5;
	v6 =	vld.idx.msk [tilespmem:v37+s3+$0x0], $0xffff  }
0x107: {  	v12 =	vld.idx.msk [tilespmem:v38+s3+$0x0], $0xffff  }
0x108: {  	v41 =	vadd.s32 $0x90A2, v5  }
0x109: {  	v7 =	vld.idx.msk [tilespmem:v39+s3+$0x0], $0xffff  }
0x10a: {  	v42 =	vadd.s32 $0x90A3, v5  }
0x10b: {  	v8 =	vld.idx.msk [tilespmem:v40+s3+$0x0], $0xffff  }
0x10c: {  	v43 =	vadd.s32 $0x90C3, v5;
	v6 =	vmul.f32 v6, v26;
	v12 =	vmul.f32 v12, v15  }
0x10d: {  	v13 =	vld.idx.msk [tilespmem:v41+s3+$0x0], $0xffff  }
0x10e: {  	v44 =	vadd.s32 $0x90C4, v5;
	v7 =	vmul.f32 v7, v28;
	v6 =	vadd.f32 v12, v6  }
0x10f: {  	v16 =	vld.idx.msk [tilespmem:v42+s3+$0x0], $0xffff  }
0x110: {  	v45 =	vmul.f32 v8, v11;
	v6 =	vadd.f32 v7, v6  }
0x111: {  	v46 =	vld.idx.msk [tilespmem:v43+s3+$0x0], $0xffff  }
0x112: {  	v47 =	vmul.f32 v13, v31;
	v6 =	vadd.f32 v45, v6  }
0x113: {  	v12 =	vld.idx.msk [tilespmem:v44+s3+$0x0], $0xffff  }
0x114: {  	v48 =	vmul.f32 v16, v10;
	v6 =	vadd.f32 v47, v6;
	_ =	sdelay $0x1  }
0x115: {  	v49 =	vmul.f32 v46, v14;
	v6 =	vadd.f32 v48, v6;
	_ =	sdelay $0x1  }
0x116: {  	v51 =	vadd.s32 $0x118C2, v5;
	v50 =	vmul.f32 v12, v4;
	v6 =	vadd.f32 v49, v6  }
0x117: {  	v52 =	vadd.s32 $0x118C3, v5  }
0x118: {  	v6 =	vadd.f32 v50, v6  }
0x119: {  	v53 =	vadd.s32 $0x118E3, v5  }
0x11a: {  	[tilespmem:s29+$0x0] =	vst v6  }
0x11b: {  	v54 =	vadd.s32 $0x118E4, v5;
	v6 =	vld.idx.msk [tilespmem:v51+s3+$0x0], $0xffff  }
0x11c: {  	v12 =	vld.idx.msk [tilespmem:v52+s3+$0x0], $0xffff  }
0x11d: {  	v55 =	vadd.s32 $0x11D03, v5  }
0x11e: {  	v7 =	vld.idx.msk [tilespmem:v53+s3+$0x0], $0xffff  }
0x11f: {  	v56 =	vadd.s32 $0x11D04, v5  }
0x120: {  	v8 =	vld.idx.msk [tilespmem:v54+s3+$0x0], $0xffff  }
0x121: {  	v57 =	vadd.s32 $0x11D24, v5;
	v6 =	vmul.f32 v6, v26;
	v12 =	vmul.f32 v12, v15  }
0x122: {  	v13 =	vld.idx.msk [tilespmem:v55+s3+$0x0], $0xffff  }
0x123: {  	v5 =	vadd.s32 $0x11D25, v5;
	v7 =	vmul.f32 v7, v28;
	v6 =	vadd.f32 v12, v6  }
0x124: {  	v58 =	vld.idx.msk [tilespmem:v56+s3+$0x0], $0xffff  }
0x125: {  	v59 =	vmul.f32 v8, v11;
	v6 =	vadd.f32 v7, v6  }
0x126: {  	v60 =	vld.idx.msk [tilespmem:v57+s3+$0x0], $0xffff  }
0x127: {  	v61 =	vmul.f32 v13, v31;
	v6 =	vadd.f32 v59, v6  }
0x128: {  	v5 =	vld.idx.msk [tilespmem:v5+s3+$0x0], $0xffff  }
0x129: {  	v62 =	vmul.f32 v58, v10;
	v6 =	vadd.f32 v61, v6;
	_ =	sdelay $0x1  }
0x12a: {  	s26 =	sadd.s32 $0x2, s26;
	v63 =	vmul.f32 v60, v14;
	v6 =	vadd.f32 v62, v6  }
0x12b: {  	p1 =	slt.u32 s26, $0x3E  }
.Ltmp2:
0x12c: {  	v4 =	vmul.f32 v5, v4;
	v6 =	vadd.f32 v63, v6;
	(pc) =	sbr.rel @p1 .LBB2_3-.Ltmp2, $3  }
0x12d: {  	_ = 	snop  }
0x12e: {  	v4 =	vadd.f32 v4, v6;
	_ =	sdelay $0x1  }
0x12f: {  	s28 =	sadd.s32 $0x20, s28;
	[tilespmem:s29+$0x400] =	vst v4;
	s29 =	sadd.s32 $0x20, s29  }
0x130: {  	s26 =	sadd.s32 s5, s25  }
0x131: {  	s26 =	smul.u32 $0xC00, s26  }
0x132: {  	p1 =	seq.s32 s24, $0x3F  }
0x133: {  	s28 =	sadd.s32 @!p1 s25, s11;
	s26 =	sshrl.u32 s26, $0x3  }
0x134: {  	s28 =	smul.u32 @!p1 $0xC00, s28;
	s26 =	sadd.s32 s6, s26  }
0x135: {  	[hbm4b:s26+s3] =	stream.linear.scatter [tilespmem:s18], [sflag:$0x3], $0xC00, $0x38;
	[tilespmem:$0x1D600] =	vst v63  }
0x136: {  	s26 =	sshrl.u32 @!p1 s28, $0x3  }
0x137: {  	s29 =	simm.s32 @!p1 $0x1A600;
	s28 =	simm.s32 @!p1 $0x0;
	s26 =	sadd.s32 @!p1 s2, s26  }
0x138: {  	[tilespmem:s29], [sflag:$0x1] =	stream.linear.gather @!p1 [hbm4b:s26+s28], $0xC00, $0x38;
	[tilespmem:$0x1D600] =	vst v63  }
0x139: {  	_ =	swait.ge [sflag:s19], $0xC00  }
0x13a: {  	[sflag:s19] =	ssyncset.done $0x0  }
0x13b: {  	s28 =	simm.s32 @!p0 $0x4;
	[sflag:s19] =	ssyncadd.s32 $0xFFFFF400  }
0x13c: {  	_ =	swait.ge @!p0 [sflag:s28], $0xC00  }
0x13d: {  	s30 =	simm.s32 $0x1CE10;
	s26 =	sor.u32 $0x1, s25;
	[sflag:s28] =	ssyncset.done @!p0 $0x0  }
0x13e: {  	s29 =	simm.s32 $0x1B610;
	[sflag:s28] =	ssyncadd.s32 @!p0 $0xFFFFF400;
	s28 =	simm.s32 $0xFFFFFFFE  }
.LBB2_5:
0x13f: {  	v4 =	vld [tilespmem:s29+$0xFFFFFBF0]  }
0x140: {  	v5 =	vld.idx.msk [tilespmem:v0+s15+$0x0], $0xffff  }
0x141: {  	v6 =	vld [tilespmem:s29+$0xFFFFFFF0]  }
0x142: {  	v7 =	vld.idx.msk [tilespmem:v2+s15+$0x0], $0xffff  }
0x143: {  	v8 =	vld [tilespmem:s29+$0x3F0]  }
0x144: {  	v9 =	vld.idx.msk [tilespmem:v3+s15+$0x0], $0xffff;
	_ =	sdelay $0x1  }
0x145: {  	vm0 =	vle.f32 v5, v4  }
0x146: {  	vm12 =	vle.f32 v7, v6;
	v5 =	vsel vm0, $0x10, v1  }
0x147: {  	v10 =	vsel vm12, $0x10, v1;
	v56 =	vor.u32 $0x8, v5  }
0x148: {  	vm13 =	vle.f32 v9, v8;
	v11 =	vor.u32 $0x29, v10  }
0x149: {  	v9 =	vsel vm13, $0x10, v1  }
0x14a: {  	v12 =	vor.u32 $0x4A, v9;
	_ =	sdelay $0x1  }
0x14b: {  	v13 =	vld.idx.msk [tilespmem:v56+s15+$0x0], $0xffff  }
0x14c: {  	v11 =	vld.idx.msk [tilespmem:v11+s15+$0x0], $0xffff;
	_ =	sdelay $0x1  }
0x14d: {  	v12 =	vld.idx.msk [tilespmem:v12+s15+$0x0], $0xffff;
	_ =	sdelay $0x1  }
0x14e: {  	vm14 =	vle.f32 v13, v4  }
0x14f: {  	v57 =	vor.u32 $0x8, v10;
	vm15 =	vle.f32 v11, v6;
	v5 =	vsel vm14, v56, v5  }
0x150: {  	v7 =	vsel vm15, v57, v10;
	v58 =	vor.u32 $0x4, v5  }
0x151: {  	v59 =	vor.u32 $0x8, v9;
	vm4 =	vle.f32 v12, v8;
	v10 =	vor.u32 $0x25, v7  }
0x152: {  	v9 =	vsel vm4, v59, v9  }
0x153: {  	v60 =	vor.u32 $0x46, v9;
	_ =	sdelay $0x1  }
0x154: {  	v61 =	vld.idx.msk [tilespmem:v58+s15+$0x0], $0xffff  }
0x155: {  	v10 =	vld.idx.msk [tilespmem:v10+s15+$0x0], $0xffff;
	_ =	sdelay $0x1  }
0x156: {  	v12 =	vld.idx.msk [tilespmem:v60+s15+$0x0], $0xffff;
	_ =	sdelay $0x1  }
0x157: {  	vm5 =	vle.f32 v61, v4  }
0x158: {  	v62 =	vor.u32 $0x4, v7;
	vm6 =	vle.f32 v10, v6;
	v5 =	vsel vm5, v58, v5  }
0x159: {  	v7 =	vsel vm6, v62, v7;
	v63 =	vor.u32 $0x2, v5  }
0x15a: {  	v16 =	vor.u32 $0x4, v9;
	vm7 =	vle.f32 v12, v8;
	v11 =	vor.u32 $0x23, v7  }
0x15b: {  	v9 =	vsel vm7, v16, v9  }
0x15c: {  	v17 =	vadd.s32 $0x44, v9;
	_ =	sdelay $0x1  }
0x15d: {  	v18 =	vld.idx.msk [tilespmem:v63+s15+$0x0], $0xffff  }
0x15e: {  	v11 =	vld.idx.msk [tilespmem:v11+s15+$0x0], $0xffff;
	_ =	sdelay $0x1  }
0x15f: {  	v12 =	vld.idx.msk [tilespmem:v17+s15+$0x0], $0xffff;
	_ =	sdelay $0x1  }
0x160: {  	vm8 =	vle.f32 v18, v4  }
0x161: {  	v19 =	vor.u32 $0x2, v7;
	vm9 =	vle.f32 v11, v6;
	v5 =	vsel vm8, v63, v5  }
0x162: {  	v7 =	vsel vm9, v19, v7;
	v20 =	vadd.s32 $0x1, v5  }
0x163: {  	v21 =	vor.u32 $0x2, v9;
	vm10 =	vle.f32 v12, v8;
	v10 =	vadd.s32 $0x22, v7  }
0x164: {  	v9 =	vsel vm10, v21, v9  }
0x165: {  	v22 =	vadd.s32 $0x43, v9;
	_ =	sdelay $0x1  }
0x166: {  	v23 =	vld.idx.msk [tilespmem:v20+s15+$0x0], $0xffff  }
0x167: {  	v10 =	vld.idx.msk [tilespmem:v10+s15+$0x0], $0xffff;
	_ =	sdelay $0x1  }
0x168: {  	v12 =	vld.idx.msk [tilespmem:v22+s15+$0x0], $0xffff;
	_ =	sdelay $0x2  }
0x169: {  	vm11 =	vle.f32 v23, v4;
	vm1 =	vle.f32 v10, v6  }
0x16a: {  	v5 =	vsel vm11, v20, v5;
	v10 =	vsel vm1, $0x1, v1  }
0x16b: {  	vm12 =	vle.f32 v12, v8;
	v11 =	vadd.s32 $0x1, v5;
	v7 =	vadd.s32 v10, v7  }
0x16c: {  	v12 =	vsel vm12, $0x1, v1;
	v10 =	vadd.s32 $0x21, v7  }
0x16d: {  	v9 =	vadd.s32 v12, v9;
	v24 =	vadd.s32 $0x22, v7  }
0x16e: {  	v12 =	vadd.s32 $0x42, v9  }
0x16f: {  	v15 =	vadd.s32 $0x43, v9;
	v14 =	vld.idx.msk [tilespmem:v5+s15+$0x0], $0xffff  }
0x170: {  	v11 =	vld.idx.msk [tilespmem:v11+s15+$0x0], $0xffff  }
0x171: {  	v10 =	vld.idx.msk [tilespmem:v10+s15+$0x0], $0xffff  }
0x172: {  	v13 =	vld.idx.msk [tilespmem:v24+s15+$0x0], $0xffff  }
0x173: {  	v12 =	vld.idx.msk [tilespmem:v12+s15+$0x0], $0xffff  }
0x174: {  	v15 =	vld.idx.msk [tilespmem:v15+s15+$0x0], $0xffff;
	_ =	sdelay $0x2  }
0x175: {  	v11 =	vsub.f32 v11, v14  }
0x176: {  	v13 =	vsub.f32 v13, v10  }
0x177: {  	v15 =	vsub.f32 v15, v12;
	v11 =	vmax.f32 v11, $1.000000010e-10  }
0x178: {  	(erf) = vrcp.f32 v11;
	v25 =	vmax.f32 v13, $1.000000010e-10  }
0x179: {  	v26 =	vmax.f32 v15, $1.000000010e-10;
	(erf) = vrcp.f32 v25  }
0x17a: {  	(erf) = vrcp.f32 v26;
	_ =	sdelay $0x4  }
0x17b: {  	v7 =	vmul.u32 $0x21, v7  }
0x17c: {  	v9 =	vmul.u32 $0x441, v9  }
0x17d: {  	v5 =	vadd.s32 v5, v7;
	v27 =	vpop (erf)  }
0x17e: {  	v5 =	vadd.s32 v9, v5;
	v6 =	vsub.f32 v6, v10;
	v8 =	vsub.f32 v8, v12;
	v28 =	vpop (erf)  }
0x17f: {  	v30 =	vadd.s32 $0x1, v5;
	v29 =	vpop (erf)  }
0x180: {  	v4 =	vsub.f32 v4, v14;
	v6 =	vmul.f32 v28, v6;
	v7 =	vmul.f32 v29, v8  }
0x181: {  	v9 =	vadd.s32 $0x21, v5  }
0x182: {  	v4 =	vmul.f32 v27, v4;
	v6 =	vmax.f32 v6, $0.0e+00;
	v7 =	vmax.f32 v7, $0.0e+00  }
0x183: {  	v34 =	vadd.s32 $0x22, v5;
	v6 =	vmin.f32 v6, $1.000000000e+00;
	v7 =	vmin.f32 v7, $1.000000000e+00  }
0x184: {  	v33 =	vld.idx.msk [tilespmem:v5+s3+$0x0], $0xffff;
	v4 =	vmax.f32 v4, $0.0e+00;
	v31 =	vsub.f32 $1.000000000e+00, v6;
	v32 =	vsub.f32 $1.000000000e+00, v7  }
0x185: {  	v8 =	vld.idx.msk [tilespmem:v30+s3+$0x0], $0xffff;
	v4 =	vmin.f32 v4, $1.000000000e+00  }
0x186: {  	v16 =	vadd.s32 $0x441, v5;
	v35 =	vsub.f32 $1.000000000e+00, v4;
	v36 =	vmul.f32 v32, v31  }
0x187: {  	v9 =	vld.idx.msk [tilespmem:v9+s3+$0x0], $0xffff;
	v11 =	vmul.f32 v32, v6  }
0x188: {  	v18 =	vadd.s32 $0x442, v5;
	v17 =	vmul.f32 v36, v35;
	v15 =	vmul.f32 v36, v4  }
0x189: {  	v13 =	vld.idx.msk [tilespmem:v34+s3+$0x0], $0xffff;
	v19 =	vmul.f32 v11, v35  }
0x18a: {  	v20 =	vadd.s32 $0x462, v5;
	v12 =	vmul.f32 v17, v33;
	v8 =	vmul.f32 v15, v8  }
0x18b: {  	v37 =	vadd.s32 $0x463, v5;
	v16 =	vld.idx.msk [tilespmem:v16+s3+$0x0], $0xffff;
	v10 =	vmul.f32 v7, v31  }
0x18c: {  	v11 =	vmul.f32 v11, v4;
	v9 =	vmul.f32 v19, v9;
	v8 =	vadd.f32 v8, v12  }
0x18d: {  	v18 =	vld.idx.msk [tilespmem:v18+s3+$0x0], $0xffff  }
0x18e: {  	v38 =	vmul.f32 v10, v35;
	v13 =	vmul.f32 v11, v13;
	v8 =	vadd.f32 v8, v9  }
0x18f: {  	v39 =	vld.idx.msk [tilespmem:v20+s3+$0x0], $0xffff;
	v6 =	vmul.f32 v7, v6  }
0x190: {  	v10 =	vmul.f32 v10, v4;
	v40 =	vmul.f32 v38, v16;
	v8 =	vadd.f32 v8, v13  }
0x191: {  	v12 =	vld.idx.msk [tilespmem:v37+s3+$0x0], $0xffff  }
0x192: {  	v14 =	vmul.f32 v6, v35;
	v41 =	vmul.f32 v10, v18;
	v8 =	vadd.f32 v8, v40;
	_ =	sdelay $0x1  }
0x193: {  	v4 =	vmul.f32 v6, v4;
	v7 =	vmul.f32 v14, v39;
	v42 =	vadd.f32 v8, v41;
	_ =	sdelay $0x1  }
0x194: {  	v44 =	vadd.s32 $0x8C61, v5;
	v43 =	vmul.f32 v12, v4;
	v6 =	vadd.f32 v42, v7  }
0x195: {  	v45 =	vadd.s32 $0x8C62, v5  }
0x196: {  	v6 =	vadd.f32 v6, v43  }
0x197: {  	v46 =	vadd.s32 $0x8C82, v5  }
0x198: {  	[tilespmem:s30+$0xFFFFFBF0] =	vst v6  }
0x199: {  	v47 =	vadd.s32 $0x8C83, v5;
	v6 =	vld.idx.msk [tilespmem:v44+s3+$0x0], $0xffff  }
0x19a: {  	v12 =	vld.idx.msk [tilespmem:v45+s3+$0x0], $0xffff  }
0x19b: {  	v48 =	vadd.s32 $0x90A2, v5  }
0x19c: {  	v7 =	vld.idx.msk [tilespmem:v46+s3+$0x0], $0xffff  }
0x19d: {  	v49 =	vadd.s32 $0x90A3, v5  }
0x19e: {  	v8 =	vld.idx.msk [tilespmem:v47+s3+$0x0], $0xffff  }
0x19f: {  	v50 =	vadd.s32 $0x90C3, v5;
	v6 =	vmul.f32 v6, v17;
	v12 =	vmul.f32 v12, v15  }
0x1a0: {  	v13 =	vld.idx.msk [tilespmem:v48+s3+$0x0], $0xffff  }
0x1a1: {  	v51 =	vadd.s32 $0x90C4, v5;
	v7 =	vmul.f32 v7, v19;
	v6 =	vadd.f32 v12, v6  }
0x1a2: {  	v16 =	vld.idx.msk [tilespmem:v49+s3+$0x0], $0xffff  }
0x1a3: {  	v52 =	vmul.f32 v8, v11;
	v6 =	vadd.f32 v7, v6  }
0x1a4: {  	v53 =	vld.idx.msk [tilespmem:v50+s3+$0x0], $0xffff  }
0x1a5: {  	v54 =	vmul.f32 v13, v38;
	v6 =	vadd.f32 v52, v6  }
0x1a6: {  	v12 =	vld.idx.msk [tilespmem:v51+s3+$0x0], $0xffff  }
0x1a7: {  	v55 =	vmul.f32 v16, v10;
	v6 =	vadd.f32 v54, v6;
	_ =	sdelay $0x1  }
0x1a8: {  	v56 =	vmul.f32 v53, v14;
	v6 =	vadd.f32 v55, v6;
	_ =	sdelay $0x1  }
0x1a9: {  	v58 =	vadd.s32 $0x118C2, v5;
	v57 =	vmul.f32 v12, v4;
	v6 =	vadd.f32 v56, v6  }
0x1aa: {  	v59 =	vadd.s32 $0x118C3, v5  }
0x1ab: {  	v6 =	vadd.f32 v57, v6  }
0x1ac: {  	v60 =	vadd.s32 $0x118E3, v5  }
0x1ad: {  	[tilespmem:s30+$0xFFFFFFF0] =	vst v6  }
0x1ae: {  	v61 =	vadd.s32 $0x118E4, v5;
	v6 =	vld.idx.msk [tilespmem:v58+s3+$0x0], $0xffff  }
0x1af: {  	v12 =	vld.idx.msk [tilespmem:v59+s3+$0x0], $0xffff  }
0x1b0: {  	v62 =	vadd.s32 $0x11D03, v5  }
0x1b1: {  	v7 =	vld.idx.msk [tilespmem:v60+s3+$0x0], $0xffff  }
0x1b2: {  	v63 =	vadd.s32 $0x11D04, v5  }
0x1b3: {  	v8 =	vld.idx.msk [tilespmem:v61+s3+$0x0], $0xffff  }
0x1b4: {  	v18 =	vadd.s32 $0x11D24, v5;
	v6 =	vmul.f32 v6, v17;
	v12 =	vmul.f32 v12, v15  }
0x1b5: {  	v13 =	vld.idx.msk [tilespmem:v62+s3+$0x0], $0xffff  }
0x1b6: {  	v5 =	vadd.s32 $0x11D25, v5;
	v7 =	vmul.f32 v7, v19;
	v6 =	vadd.f32 v12, v6  }
0x1b7: {  	v20 =	vld.idx.msk [tilespmem:v63+s3+$0x0], $0xffff  }
0x1b8: {  	v21 =	vmul.f32 v8, v11;
	v6 =	vadd.f32 v7, v6  }
0x1b9: {  	v22 =	vld.idx.msk [tilespmem:v18+s3+$0x0], $0xffff  }
0x1ba: {  	v23 =	vmul.f32 v13, v38;
	v6 =	vadd.f32 v21, v6  }
0x1bb: {  	v5 =	vld.idx.msk [tilespmem:v5+s3+$0x0], $0xffff  }
0x1bc: {  	v24 =	vmul.f32 v20, v10;
	v6 =	vadd.f32 v23, v6;
	_ =	sdelay $0x1  }
0x1bd: {  	v25 =	vmul.f32 v22, v14;
	v6 =	vadd.f32 v24, v6;
	_ =	sdelay $0x1  }
0x1be: {  	v4 =	vmul.f32 v5, v4;
	v6 =	vadd.f32 v25, v6;
	_ =	sdelay $0x1  }
0x1bf: {  	v4 =	vadd.f32 v4, v6;
	_ =	sdelay $0x1  }
0x1c0: {  	[tilespmem:s30+$0x3F0] =	vst v4  }
0x1c1: {  	v4 =	vld [tilespmem:s29+$0xFFFFFC00]  }
0x1c2: {  	v5 =	vld.idx.msk [tilespmem:v0+s15+$0x0], $0xffff  }
0x1c3: {  	v26 =	vld [tilespmem:s29+$0x0]  }
0x1c4: {  	v27 =	vld.idx.msk [tilespmem:v2+s15+$0x0], $0xffff  }
0x1c5: {  	v28 =	vld [tilespmem:s29+$0x400]  }
0x1c6: {  	v29 =	vld.idx.msk [tilespmem:v3+s15+$0x0], $0xffff;
	_ =	sdelay $0x1  }
0x1c7: {  	vm13 =	vle.f32 v5, v4  }
0x1c8: {  	vm14 =	vle.f32 v27, v26;
	v5 =	vsel vm13, $0x10, v1  }
0x1c9: {  	v31 =	vsel vm14, $0x10, v1;
	v30 =	vor.u32 $0x8, v5  }
0x1ca: {  	vm15 =	vle.f32 v29, v28;
	v32 =	vor.u32 $0x29, v31  }
0x1cb: {  	v9 =	vsel vm15, $0x10, v1  }
0x1cc: {  	v33 =	vor.u32 $0x4A, v9;
	_ =	sdelay $0x1  }
0x1cd: {  	v34 =	vld.idx.msk [tilespmem:v30+s15+$0x0], $0xffff  }
0x1ce: {  	v11 =	vld.idx.msk [tilespmem:v32+s15+$0x0], $0xffff;
	_ =	sdelay $0x1  }
0x1cf: {  	v12 =	vld.idx.msk [tilespmem:v33+s15+$0x0], $0xffff;
	_ =	sdelay $0x1  }
0x1d0: {  	vm4 =	vle.f32 v34, v4  }
0x1d1: {  	v35 =	vor.u32 $0x8, v31;
	vm5 =	vle.f32 v11, v26;
	v5 =	vsel vm4, v30, v5  }
0x1d2: {  	v7 =	vsel vm5, v35, v31;
	v36 =	vor.u32 $0x4, v5  }
0x1d3: {  	v37 =	vor.u32 $0x8, v9;
	vm6 =	vle.f32 v12, v28;
	v10 =	vor.u32 $0x25, v7  }
0x1d4: {  	v9 =	vsel vm6, v37, v9  }
0x1d5: {  	v38 =	vor.u32 $0x46, v9;
	_ =	sdelay $0x1  }
0x1d6: {  	v39 =	vld.idx.msk [tilespmem:v36+s15+$0x0], $0xffff  }
0x1d7: {  	v10 =	vld.idx.msk [tilespmem:v10+s15+$0x0], $0xffff;
	_ =	sdelay $0x1  }
0x1d8: {  	v12 =	vld.idx.msk [tilespmem:v38+s15+$0x0], $0xffff;
	_ =	sdelay $0x1  }
0x1d9: {  	vm7 =	vle.f32 v39, v4  }
0x1da: {  	v40 =	vor.u32 $0x4, v7;
	vm8 =	vle.f32 v10, v26;
	v5 =	vsel vm7, v36, v5  }
0x1db: {  	v7 =	vsel vm8, v40, v7;
	v41 =	vor.u32 $0x2, v5  }
0x1dc: {  	v42 =	vor.u32 $0x4, v9;
	vm9 =	vle.f32 v12, v28;
	v11 =	vor.u32 $0x23, v7  }
0x1dd: {  	v9 =	vsel vm9, v42, v9  }
0x1de: {  	v43 =	vadd.s32 $0x44, v9;
	_ =	sdelay $0x1  }
0x1df: {  	v44 =	vld.idx.msk [tilespmem:v41+s15+$0x0], $0xffff  }
0x1e0: {  	v11 =	vld.idx.msk [tilespmem:v11+s15+$0x0], $0xffff;
	_ =	sdelay $0x1  }
0x1e1: {  	v12 =	vld.idx.msk [tilespmem:v43+s15+$0x0], $0xffff;
	_ =	sdelay $0x1  }
0x1e2: {  	vm10 =	vle.f32 v44, v4  }
0x1e3: {  	v45 =	vor.u32 $0x2, v7;
	vm11 =	vle.f32 v11, v26;
	v5 =	vsel vm10, v41, v5  }
0x1e4: {  	v7 =	vsel vm11, v45, v7;
	v46 =	vadd.s32 $0x1, v5  }
0x1e5: {  	v47 =	vor.u32 $0x2, v9;
	vm12 =	vle.f32 v12, v28;
	v10 =	vadd.s32 $0x22, v7  }
0x1e6: {  	v9 =	vsel vm12, v47, v9  }
0x1e7: {  	v48 =	vadd.s32 $0x43, v9;
	_ =	sdelay $0x1  }
0x1e8: {  	v49 =	vld.idx.msk [tilespmem:v46+s15+$0x0], $0xffff  }
0x1e9: {  	v10 =	vld.idx.msk [tilespmem:v10+s15+$0x0], $0xffff;
	_ =	sdelay $0x1  }
0x1ea: {  	v12 =	vld.idx.msk [tilespmem:v48+s15+$0x0], $0xffff;
	_ =	sdelay $0x2  }
0x1eb: {  	vm13 =	vle.f32 v49, v4;
	vm14 =	vle.f32 v10, v26  }
0x1ec: {  	v5 =	vsel vm13, v46, v5;
	v10 =	vsel vm14, $0x1, v1  }
0x1ed: {  	vm15 =	vle.f32 v12, v28;
	v11 =	vadd.s32 $0x1, v5;
	v7 =	vadd.s32 v10, v7  }
0x1ee: {  	v12 =	vsel vm15, $0x1, v1;
	v10 =	vadd.s32 $0x21, v7  }
0x1ef: {  	v9 =	vadd.s32 v12, v9;
	v50 =	vadd.s32 $0x22, v7  }
0x1f0: {  	v12 =	vadd.s32 $0x42, v9  }
0x1f1: {  	v52 =	vadd.s32 $0x43, v9;
	v51 =	vld.idx.msk [tilespmem:v5+s15+$0x0], $0xffff  }
0x1f2: {  	v11 =	vld.idx.msk [tilespmem:v11+s15+$0x0], $0xffff  }
0x1f3: {  	v10 =	vld.idx.msk [tilespmem:v10+s15+$0x0], $0xffff  }
0x1f4: {  	v13 =	vld.idx.msk [tilespmem:v50+s15+$0x0], $0xffff  }
0x1f5: {  	v12 =	vld.idx.msk [tilespmem:v12+s15+$0x0], $0xffff  }
0x1f6: {  	v15 =	vld.idx.msk [tilespmem:v52+s15+$0x0], $0xffff;
	_ =	sdelay $0x2  }
0x1f7: {  	v11 =	vsub.f32 v11, v51  }
0x1f8: {  	v13 =	vsub.f32 v13, v10  }
0x1f9: {  	v15 =	vsub.f32 v15, v12;
	v11 =	vmax.f32 v11, $1.000000010e-10  }
0x1fa: {  	(erf) = vrcp.f32 v11;
	v53 =	vmax.f32 v13, $1.000000010e-10  }
0x1fb: {  	v54 =	vmax.f32 v15, $1.000000010e-10;
	(erf) = vrcp.f32 v53  }
0x1fc: {  	(erf) = vrcp.f32 v54;
	_ =	sdelay $0x4  }
0x1fd: {  	v7 =	vmul.u32 $0x21, v7  }
0x1fe: {  	v9 =	vmul.u32 $0x441, v9  }
0x1ff: {  	v5 =	vadd.s32 v5, v7;
	v55 =	vpop (erf)  }
0x200: {  	v5 =	vadd.s32 v9, v5;
	v6 =	vsub.f32 v26, v10;
	v8 =	vsub.f32 v28, v12;
	v56 =	vpop (erf)  }
0x201: {  	v58 =	vadd.s32 $0x1, v5;
	v57 =	vpop (erf)  }
0x202: {  	v4 =	vsub.f32 v4, v51;
	v6 =	vmul.f32 v56, v6;
	v7 =	vmul.f32 v57, v8  }
0x203: {  	v9 =	vadd.s32 $0x21, v5  }
0x204: {  	v4 =	vmul.f32 v55, v4;
	v6 =	vmax.f32 v6, $0.0e+00;
	v7 =	vmax.f32 v7, $0.0e+00  }
0x205: {  	v62 =	vadd.s32 $0x22, v5;
	v6 =	vmin.f32 v6, $1.000000000e+00;
	v7 =	vmin.f32 v7, $1.000000000e+00  }
0x206: {  	v61 =	vld.idx.msk [tilespmem:v5+s3+$0x0], $0xffff;
	v4 =	vmax.f32 v4, $0.0e+00;
	v59 =	vsub.f32 $1.000000000e+00, v6;
	v60 =	vsub.f32 $1.000000000e+00, v7  }
0x207: {  	v8 =	vld.idx.msk [tilespmem:v58+s3+$0x0], $0xffff;
	v4 =	vmin.f32 v4, $1.000000000e+00  }
0x208: {  	v25 =	vadd.s32 $0x441, v5;
	v63 =	vsub.f32 $1.000000000e+00, v4;
	v24 =	vmul.f32 v60, v59  }
0x209: {  	v9 =	vld.idx.msk [tilespmem:v9+s3+$0x0], $0xffff;
	v11 =	vmul.f32 v60, v6  }
0x20a: {  	v27 =	vadd.s32 $0x442, v5;
	v26 =	vmul.f32 v24, v63;
	v15 =	vmul.f32 v24, v4  }
0x20b: {  	v13 =	vld.idx.msk [tilespmem:v62+s3+$0x0], $0xffff;
	v28 =	vmul.f32 v11, v63  }
0x20c: {  	v29 =	vadd.s32 $0x462, v5;
	v12 =	vmul.f32 v26, v61;
	v8 =	vmul.f32 v15, v8  }
0x20d: {  	v30 =	vadd.s32 $0x463, v5;
	v16 =	vld.idx.msk [tilespmem:v25+s3+$0x0], $0xffff;
	v10 =	vmul.f32 v7, v59  }
0x20e: {  	v11 =	vmul.f32 v11, v4;
	v9 =	vmul.f32 v28, v9;
	v8 =	vadd.f32 v8, v12  }
0x20f: {  	v18 =	vld.idx.msk [tilespmem:v27+s3+$0x0], $0xffff  }
0x210: {  	v31 =	vmul.f32 v10, v63;
	v13 =	vmul.f32 v11, v13;
	v8 =	vadd.f32 v8, v9  }
0x211: {  	v32 =	vld.idx.msk [tilespmem:v29+s3+$0x0], $0xffff;
	v6 =	vmul.f32 v7, v6  }
0x212: {  	v10 =	vmul.f32 v10, v4;
	v33 =	vmul.f32 v31, v16;
	v8 =	vadd.f32 v8, v13  }
0x213: {  	v12 =	vld.idx.msk [tilespmem:v30+s3+$0x0], $0xffff  }
0x214: {  	v14 =	vmul.f32 v6, v63;
	v34 =	vmul.f32 v10, v18;
	v8 =	vadd.f32 v8, v33;
	_ =	sdelay $0x1  }
0x215: {  	v4 =	vmul.f32 v6, v4;
	v7 =	vmul.f32 v14, v32;
	v35 =	vadd.f32 v8, v34;
	_ =	sdelay $0x1  }
0x216: {  	v37 =	vadd.s32 $0x8C61, v5;
	v36 =	vmul.f32 v12, v4;
	v6 =	vadd.f32 v35, v7  }
0x217: {  	v38 =	vadd.s32 $0x8C62, v5  }
0x218: {  	v6 =	vadd.f32 v6, v36  }
0x219: {  	v39 =	vadd.s32 $0x8C82, v5  }
0x21a: {  	[tilespmem:s30+$0xFFFFFC00] =	vst v6  }
0x21b: {  	v40 =	vadd.s32 $0x8C83, v5;
	v6 =	vld.idx.msk [tilespmem:v37+s3+$0x0], $0xffff  }
0x21c: {  	v12 =	vld.idx.msk [tilespmem:v38+s3+$0x0], $0xffff  }
0x21d: {  	v41 =	vadd.s32 $0x90A2, v5  }
0x21e: {  	v7 =	vld.idx.msk [tilespmem:v39+s3+$0x0], $0xffff  }
0x21f: {  	v42 =	vadd.s32 $0x90A3, v5  }
0x220: {  	v8 =	vld.idx.msk [tilespmem:v40+s3+$0x0], $0xffff  }
0x221: {  	v43 =	vadd.s32 $0x90C3, v5;
	v6 =	vmul.f32 v6, v26;
	v12 =	vmul.f32 v12, v15  }
0x222: {  	v13 =	vld.idx.msk [tilespmem:v41+s3+$0x0], $0xffff  }
0x223: {  	v44 =	vadd.s32 $0x90C4, v5;
	v7 =	vmul.f32 v7, v28;
	v6 =	vadd.f32 v12, v6  }
0x224: {  	v16 =	vld.idx.msk [tilespmem:v42+s3+$0x0], $0xffff  }
0x225: {  	v45 =	vmul.f32 v8, v11;
	v6 =	vadd.f32 v7, v6  }
0x226: {  	v46 =	vld.idx.msk [tilespmem:v43+s3+$0x0], $0xffff  }
0x227: {  	v47 =	vmul.f32 v13, v31;
	v6 =	vadd.f32 v45, v6  }
0x228: {  	v12 =	vld.idx.msk [tilespmem:v44+s3+$0x0], $0xffff  }
0x229: {  	v48 =	vmul.f32 v16, v10;
	v6 =	vadd.f32 v47, v6;
	_ =	sdelay $0x1  }
0x22a: {  	v49 =	vmul.f32 v46, v14;
	v6 =	vadd.f32 v48, v6;
	_ =	sdelay $0x1  }
0x22b: {  	v51 =	vadd.s32 $0x118C2, v5;
	v50 =	vmul.f32 v12, v4;
	v6 =	vadd.f32 v49, v6  }
0x22c: {  	v52 =	vadd.s32 $0x118C3, v5  }
0x22d: {  	v6 =	vadd.f32 v50, v6  }
0x22e: {  	v53 =	vadd.s32 $0x118E3, v5  }
0x22f: {  	[tilespmem:s30+$0x0] =	vst v6  }
0x230: {  	v54 =	vadd.s32 $0x118E4, v5;
	v6 =	vld.idx.msk [tilespmem:v51+s3+$0x0], $0xffff  }
0x231: {  	v12 =	vld.idx.msk [tilespmem:v52+s3+$0x0], $0xffff  }
0x232: {  	v55 =	vadd.s32 $0x11D03, v5  }
0x233: {  	v7 =	vld.idx.msk [tilespmem:v53+s3+$0x0], $0xffff  }
0x234: {  	v56 =	vadd.s32 $0x11D04, v5  }
0x235: {  	v8 =	vld.idx.msk [tilespmem:v54+s3+$0x0], $0xffff  }
0x236: {  	v57 =	vadd.s32 $0x11D24, v5;
	v6 =	vmul.f32 v6, v26;
	v12 =	vmul.f32 v12, v15  }
0x237: {  	v13 =	vld.idx.msk [tilespmem:v55+s3+$0x0], $0xffff  }
0x238: {  	v5 =	vadd.s32 $0x11D25, v5;
	v7 =	vmul.f32 v7, v28;
	v6 =	vadd.f32 v12, v6  }
0x239: {  	v58 =	vld.idx.msk [tilespmem:v56+s3+$0x0], $0xffff  }
0x23a: {  	v59 =	vmul.f32 v8, v11;
	v6 =	vadd.f32 v7, v6  }
0x23b: {  	v60 =	vld.idx.msk [tilespmem:v57+s3+$0x0], $0xffff  }
0x23c: {  	v61 =	vmul.f32 v13, v31;
	v6 =	vadd.f32 v59, v6  }
0x23d: {  	v5 =	vld.idx.msk [tilespmem:v5+s3+$0x0], $0xffff  }
0x23e: {  	v62 =	vmul.f32 v58, v10;
	v6 =	vadd.f32 v61, v6;
	_ =	sdelay $0x1  }
0x23f: {  	s28 =	sadd.s32 $0x2, s28;
	v63 =	vmul.f32 v60, v14;
	v6 =	vadd.f32 v62, v6  }
0x240: {  	p0 =	slt.u32 s28, $0x3E  }
.Ltmp3:
0x241: {  	v4 =	vmul.f32 v5, v4;
	v6 =	vadd.f32 v63, v6;
	(pc) =	sbr.rel @p0 .LBB2_5-.Ltmp3, $3  }
0x242: {  	_ = 	snop  }
0x243: {  	v4 =	vadd.f32 v4, v6;
	_ =	sdelay $0x1  }
0x244: {  	s29 =	sadd.s32 $0x20, s29;
	[tilespmem:s30+$0x400] =	vst v4;
	s30 =	sadd.s32 $0x20, s30  }
0x245: {  	s26 =	sadd.s32 s5, s26  }
0x246: {  	s26 =	smul.u32 $0xC00, s26  }
.Ltmp4:
0x247: {  	_ = 	snop;
	(pc) =	sbr.rel @p1 .LBB2_8-.Ltmp4, $4  }
0x248: {  	_ = 	snop  }
0x249: {  	s26 =	sshrl.u32 s26, $0x3  }
0x24a: {  	s26 =	sadd.s32 s6, s26  }
0x24b: {  	[hbm4b:s26+s3] =	stream.linear.scatter [tilespmem:s20], [sflag:$0x4], $0xC00, $0x38;
	[tilespmem:$0x1D600] =	vst v63  }
0x24c: {  	s25 =	sadd.s32 s25, s12  }
0x24d: {  	s25 =	smul.u32 $0xC00, s25  }
.Ltmp5:
0x24e: {  	_ = 	snop;
	(pc) =	sbr.rel .LBB2_2-.Ltmp5, $4  }
0x24f: {  	_ = 	snop  }
0x250: {  	s25 =	sshrl.u32 s25, $0x3  }
0x251: {  	s24 =	sadd.s32 $0x1, s24;
	s25 =	sadd.s32 s2, s25  }
0x252: {  	[tilespmem:s17], [sflag:$0x2] =	stream.linear.gather [hbm4b:s25+s3], $0xC00, $0x38;
	[tilespmem:$0x1D600] =	vst v63  }
.LBB2_9:
0x253: {  	_ =	sfence.sel $0x180000  }
0x254: {  	[bflag:$0x0] =	sbarrier.arrive $0xFFFF  }
0x255: {  	p0 =	sne.s32 s0, $0x0;
	_ =	strace $0x90000047  }
0x256: {  	s0 =	sadd.s32 @!p0 $0x100000, s1;
	[bflag:$0x2] =	sbarrier.arrive $0xFFFF  }
0x257: {  	[sflag:s0] =	ssyncadd.tile.s32 @!p0 $0x1;
	_ =	shalt  }
.Lfunc_end2:
_tile_overlayer_lowered:
.L_overlay_start_2:
0x258: {  	(tag) =	ssettag $0x2  }
0x259: {  	s0 =	rddreg [dreg:$0x0];
	s2 =	stileid.u32  }
0x25a: {  	s1 =	rddreg [dreg:$0x1];
	p0 =	sne.s32 s2, $0x0  }
0x25b: {  	s3 =	rddreg [dreg:$0x2];
	[bflag:$0x3] =	sbarrier.arrive $0xFFFF;
	s2 =	simm.s32 @!p0 $0x1C05  }
0x25c: {  	[timem:s3], [sflag:s2] =	dma.local @!p0 [hbm:s0], s1  }
0x25d: {  	s0 =	simm.s32 @!p0 $0x5  }
0x25e: {  	_ =	swait.ge @!p0 [sflag:s0], s1  }
0x25f: {  	s1 =	ssub.s32 @!p0 $0x0, s1;
	[sflag:s0] =	ssyncset.done @!p0 $0x0  }
0x260: {  	[sflag:s0] =	ssyncadd.s32 @!p0 s1  }
0x261: {  	[bflag:$0x3] =	sbarrier.arrive $0xFFFF  }
0x262: {  	_ =	shalt  }

</sc_bundles>
